<compile_context>
chip_gen: v7x
topology: tpu7x:2x2x1
jax: 0.10.2.dev20260603
libtpu: 0.0.44.dev20260713+nightly
codegen_flags: <defaults>
</compile_context>

<pallas_src>
import functools

import jax
import jax.numpy as jnp
import numpy as np
from jax import lax
from jax.experimental import pallas as pl
from jax.experimental.pallas import tpu as pltpu
from jax.experimental.pallas import tpu_sc as plsc

B = 4
H = W = 384
HW = H * W
K = 512
NWORK = 32
ROWS_PW = (B * H) // NWORK
PIX_PW = ROWS_PW * W
QUART = HW // 4
CAP = 512
S = 4 * CAP

_f32 = jnp.float32
_i32 = jnp.int32

@functools.cache
def _mesh():
    return plsc.VectorSubcoreMesh(core_axis_name="c", subcore_axis_name="s")


def _worker_id():
    return lax.axis_index("s") * 2 + lax.axis_index("c")


def _coord_body(xs_ref, ys_ref, i00r, i01r, i10r, i11r,
                w00r, w01r, w10r, w11r):
    xs = jnp.clip(xs_ref[0], -4.0, 388.0)
    ys = jnp.clip(ys_ref[0], -4.0, 388.0)
    x0 = jnp.floor(xs)
    y0 = jnp.floor(ys)
    fx = xs - x0
    fy = ys - y0
    vx0 = (x0 >= 0.0) & (x0 <= 383.0)
    vx1 = (x0 + 1.0 >= 0.0) & (x0 + 1.0 <= 383.0)
    vy0 = (y0 >= 0.0) & (y0 <= 383.0)
    vy1 = (y0 + 1.0 >= 0.0) & (y0 + 1.0 <= 383.0)
    off = pl.program_id(0) * HW
    xi0 = jnp.clip(x0.astype(_i32), 0, 383)
    xi1 = jnp.clip(x0.astype(_i32) + 1, 0, 383)
    rb0 = jnp.clip(y0.astype(_i32), 0, 383) * W + off
    rb1 = jnp.clip(y0.astype(_i32) + 1, 0, 383) * W + off
    i00r[0] = rb0 + xi0
    i01r[0] = rb0 + xi1
    i10r[0] = rb1 + xi0
    i11r[0] = rb1 + xi1
    w00r[0] = jnp.where(vx0 & vy0, (1.0 - fx) * (1.0 - fy), 0.0)
    w01r[0] = jnp.where(vx1 & vy0, fx * (1.0 - fy), 0.0)
    w10r[0] = jnp.where(vx0 & vy1, (1.0 - fx) * fy, 0.0)
    w11r[0] = jnp.where(vx1 & vy1, fx * fy, 0.0)


def _coord_call(xs, ys):
    blk = pl.BlockSpec((1, H, W), lambda b: (b, 0, 0))
    return pl.pallas_call(
        _coord_body,
        grid=(B,),
        in_specs=[blk, blk],
        out_specs=[blk] * 8,
        out_shape=[jax.ShapeDtypeStruct((B, H, W), _i32)] * 4
        + [jax.ShapeDtypeStruct((B, H, W), _f32)] * 4,
    )(xs, ys)


_WIN = 4608


def _warp_body(img_hbm, i00f, i01f, i10f, i11f, w00f, w01f, w10f, w11f,
               out_hbm, ib0, ib1, ib2, ib3, wb0, wb1, wb2, wb3,
               gb0, gb1, gb2, gb3, obuf, sem):
    w = _worker_id()
    ibufs = (ib0, ib1, ib2, ib3)
    wbufs = (wb0, wb1, wb2, wb3)
    gbufs = (gb0, gb1, gb2, gb3)
    for wnd in range(PIX_PW // _WIN):
        base = w * PIX_PW + wnd * _WIN
        for k, src in enumerate((i00f, i01f, i10f, i11f)):
            pltpu.sync_copy(src.at[pl.ds(base, _WIN)], ibufs[k])
        cps = [pltpu.async_copy(img_hbm.at[ibufs[k]], gbufs[k], sem)
               for k in range(4)]
        for k, src in enumerate((w00f, w01f, w10f, w11f)):
            pltpu.sync_copy(src.at[pl.ds(base, _WIN)], wbufs[k])
        for cp in cps:
            cp.wait()

        def combine(j, carry):
            sl = pl.ds(pl.multiple_of(j * 16, 16), 16)
            obuf[sl] = (gb0[sl] * wb0[sl] + gb1[sl] * wb1[sl]
                        + gb2[sl] * wb2[sl] + gb3[sl] * wb3[sl])
            return carry

        lax.fori_loop(0, _WIN // 16, combine, jnp.int32(0))
        pltpu.sync_copy(obuf, out_hbm.at[pl.ds(base, _WIN)])


def _warp_call(img2, idxw):
    return pl.kernel(
        _warp_body,
        out_type=jax.ShapeDtypeStruct((B * HW,), _f32),
        mesh=_mesh(),
        compiler_params=pltpu.CompilerParams(needs_layout_passes=False),
        scratch_types=(
            [pltpu.VMEM((_WIN,), _i32) for _ in range(4)]
            + [pltpu.VMEM((_WIN,), _f32) for _ in range(8)]
            + [pltpu.VMEM((_WIN,), _f32), pltpu.SemaphoreType.DMA]
        ),
    )(img2, *idxw)


def _pool5(x):
    z = jnp.zeros((H, 2), _f32)
    p = jnp.concatenate([z, x, z], axis=1)
    m = p[:, 0:W]
    for k in range(1, 5):
        m = jnp.maximum(m, p[:, k:k + W])
    z2 = jnp.zeros((2, W), _f32)
    p2 = jnp.concatenate([z2, m, z2], axis=0)
    m2 = p2[0:H, :]
    for k in range(1, 5):
        m2 = jnp.maximum(m2, p2[k:k + H, :])
    return m2


def _nms_body(s1_ref, w2_ref, nms1_ref, nms2_ref, tau_ref):
    ri = lax.broadcasted_iota(_i32, (H, W), 0)
    ci = lax.broadcasted_iota(_i32, (H, W), 1)
    bm = (ri >= 8) & (ri < H - 8) & (ci >= 8) & (ci < W - 8)
    for m, (in_ref, out_ref) in enumerate(((s1_ref, nms1_ref),
                                           (w2_ref, nms2_ref))):
        x = jnp.where(bm, in_ref[0], 0.0)
        pooled = _pool5(x)
        nms = jnp.where((x == pooled) & (x > 0.0), x, 0.0)
        out_ref[0] = nms
        bits = lax.bitcast_convert_type(nms, _i32)

        def bs_body(_, carry):
            lo, hi = carry
            mid = lo + (hi - lo + 1) // 2
            cnt = jnp.sum((bits >= mid).astype(_i32))
            go = cnt >= K
            return jnp.where(go, mid, lo), jnp.where(go, hi, mid - 1)

        lo, _hi = lax.fori_loop(0, 31, bs_body,
                                (jnp.int32(0), jnp.int32(2**30)))
        tau = lax.bitcast_convert_type(lo, _f32)
        tau_ref[0, m, :] = jnp.zeros((128,), _f32) + tau


def _nms_call(s1, w2):
    return pl.pallas_call(
        _nms_body,
        grid=(B,),
        in_specs=[pl.BlockSpec((1, H, W), lambda b: (b, 0, 0)),
                  pl.BlockSpec((1, H, W), lambda b: (b, 0, 0))],
        out_specs=[pl.BlockSpec((1, H, W), lambda b: (b, 0, 0)),
                   pl.BlockSpec((1, H, W), lambda b: (b, 0, 0)),
                   pl.BlockSpec((1, 2, 128), lambda b: (b, 0, 0))],
        out_shape=[jax.ShapeDtypeStruct((B, H, W), _f32),
                   jax.ShapeDtypeStruct((B, H, W), _f32),
                   jax.ShapeDtypeStruct((B, 2, 128), _f32)],
    )(s1, w2)


def _compact_body(nms_hbm, tau_hbm, cv_hbm, ci_hbm, sbuf, vbuf, ibuf, tbuf):
    w = _worker_id()
    row = w // 4
    q = w % 4
    pltpu.sync_copy(tau_hbm.at[row], tbuf)
    tau = tbuf[:]
    pltpu.sync_copy(nms_hbm.at[row, pl.ds(q * QUART, QUART)], sbuf)
    padv = jnp.zeros((16,), _f32) - 1.0
    padi = jnp.zeros((16,), _i32)
    for t in range(CAP // 16):
        vbuf[pl.ds(t * 16, 16)] = padv
        ibuf[pl.ds(t * 16, 16)] = padi
    qbase = q * QUART

    def chunk(i, cursor):
        off = pl.multiple_of(i * 16, 16)
        v = sbuf[pl.ds(off, 16)]
        m = v >= tau
        cnt = jnp.sum(m.astype(_i32))

        @pl.when(cnt > 0)
        def _():
            pos = plsc.cumsum(m.astype(_i32)) - 1 + cursor
            msk = m & (pos < CAP)
            posc = jnp.clip(pos, 0, CAP - 1)
            plsc.store_scatter(vbuf, [posc], v, mask=msk)
            iv = lax.iota(_i32, 16) + (qbase + i * 16)
            plsc.store_scatter(ibuf, [posc], iv, mask=msk)

        return cursor + cnt

    lax.fori_loop(0, QUART // 16, chunk, jnp.int32(0))
    pltpu.sync_copy(vbuf, cv_hbm.at[w])
    pltpu.sync_copy(ibuf, ci_hbm.at[w])


def _compact_call(nms_flat, tau16):
    return pl.kernel(
        _compact_body,
        out_type=(jax.ShapeDtypeStruct((NWORK, CAP), _f32),
                  jax.ShapeDtypeStruct((NWORK, CAP), _i32)),
        mesh=_mesh(),
        compiler_params=pltpu.CompilerParams(needs_layout_passes=False),
        scratch_types=[pltpu.VMEM((QUART,), _f32), pltpu.VMEM((CAP,), _f32),
                       pltpu.VMEM((CAP,), _i32), pltpu.VMEM((16,), _f32)],
    )(nms_flat, tau16)


def _rank_body(cv_ref, ci_ref, cvt_ref, cit_ref, tau_ref, kp_ref, sv_ref):
    CH = 256
    for m in range(2):
        v = cv_ref[m, 0, 0, :]
        ix = ci_ref[m, 0, 0, :]
        tau = tau_ref[0, m, 0]
        n_gt = jnp.sum((v > tau).astype(_f32))
        need = jnp.float32(K) - n_gt
        vj = v[None, :]
        ij = ix[None, :]

        tseq_row = jnp.zeros((1, S), _f32)
        for c in range(S // CH):
            vjc = cvt_ref[m, 0, c * CH:(c + 1) * CH, :]
            ijc = cit_ref[m, 0, c * CH:(c + 1) * CH, :]
            contrib = (vjc == tau) & (ijc < ij)
            tseq_row = tseq_row + jnp.sum(contrib.astype(_f32), axis=0,
                                          keepdims=True)
        sel = (v > tau) | ((v == tau) & (tseq_row[0] < need))
        sval = jnp.where(sel, v, 0.0)
        sv_ref[m, 0, 0, :] = sval if m == 0 else -sval

        if m == 0:
            kiota = lax.broadcasted_iota(_i32, (CH, K), 1)
            accy = jnp.zeros((K,), _f32)
            accx = jnp.zeros((K,), _f32)
            for c in range(S // CH):
                vi = cvt_ref[m, 0, c * CH:(c + 1) * CH, :]
                ii = cit_ref[m, 0, c * CH:(c + 1) * CH, :]
                gt = (vj > vi) | ((vj == vi) & (ij < ii))
                rank_c = jnp.sum(gt.astype(_f32), axis=1,
                                 keepdims=True).astype(_i32)
                tseq_c = jnp.sum(((vj == tau) & (ij < ii)).astype(_f32),
                                 axis=1, keepdims=True)
                sel_c = (vi > tau) | ((vi == tau) & (tseq_c < need))
                t7 = ii >> 7
                yq = (t7 * 21846) >> 16
                xq = (t7 - 3 * yq) * 128 + (ii & 127)
                oh = jnp.where((rank_c == kiota) & sel_c, 1.0, 0.0)
                accy = accy + jnp.sum(oh * yq.astype(_f32), axis=0)
                accx = accx + jnp.sum(oh * xq.astype(_f32), axis=0)
            kp_ref[0, 0, :] = accy.astype(_i32)
            kp_ref[0, 1, :] = accx.astype(_i32)


def _rank_call(cv, ci, cvt, cit, tau):
    return pl.pallas_call(
        _rank_body,
        grid=(B,),
        in_specs=[pl.BlockSpec((2, 1, 1, S), lambda b: (0, b, 0, 0)),
                  pl.BlockSpec((2, 1, 1, S), lambda b: (0, b, 0, 0)),
                  pl.BlockSpec((2, 1, S, 1), lambda b: (0, b, 0, 0)),
                  pl.BlockSpec((2, 1, S, 1), lambda b: (0, b, 0, 0)),
                  pl.BlockSpec((1, 2, 128), lambda b: (b, 0, 0))],
        out_specs=[pl.BlockSpec((1, 2, K), lambda b: (b, 0, 0)),
                   pl.BlockSpec((2, 1, 1, S), lambda b: (0, b, 0, 0))],
        out_shape=[jax.ShapeDtypeStruct((B, 2, K), _i32),
                   jax.ShapeDtypeStruct((2, B, 1, S), _f32)],
    )(cv, ci, cvt, cit, tau)


def _scatter_body(sv_hbm, si_hbm, zero_hbm, d_hbm, dbuf, v0b, v1b, i0b, i1b):
    w = _worker_id()
    b = w // 8
    base = (w % 8) * PIX_PW
    pltpu.sync_copy(zero_hbm, dbuf)
    pltpu.sync_copy(sv_hbm.at[b], v0b)
    pltpu.sync_copy(sv_hbm.at[4 + b], v1b)
    pltpu.sync_copy(si_hbm.at[b], i0b)
    pltpu.sync_copy(si_hbm.at[4 + b], i1b)

    def body(i, carry):
        off = pl.multiple_of(i * 16, 16)
        for vb, ib in ((v0b, i0b), (v1b, i1b)):
            val = vb[pl.ds(off, 16)]
            loc = ib[pl.ds(off, 16)] - base
            msk = (loc >= 0) & (loc < PIX_PW)
            locc = jnp.clip(loc, 0, PIX_PW - 1)
            plsc.addupdate_scatter(dbuf, [locc], val, mask=msk)
        return carry

    lax.fori_loop(0, S // 16, body, jnp.int32(0))
    pltpu.sync_copy(dbuf, d_hbm.at[pl.ds(w * PIX_PW, PIX_PW)])


def _scatter_call(sv8, si8, dzero):
    return pl.kernel(
        _scatter_body,
        out_type=jax.ShapeDtypeStruct((B * HW,), _f32),
        mesh=_mesh(),
        compiler_params=pltpu.CompilerParams(needs_layout_passes=False),
        scratch_types=[pltpu.VMEM((PIX_PW,), _f32), pltpu.VMEM((S,), _f32),
                       pltpu.VMEM((S,), _f32), pltpu.VMEM((S,), _i32),
                       pltpu.VMEM((S,), _i32)],
    )(sv8, si8, dzero)


_gax = np.arange(15, dtype=np.float32) - 7.0
_g1 = np.exp(-(_gax**2) / (2.0 * 0.5**2), dtype=np.float32)
_g1 = (_g1 / _g1.sum()).astype(np.float32)
_GW = [float(x) for x in _g1]


def _loss_body(d_ref, xs_ref, ys_ref, out_ref):
    x = d_ref[0]
    z = jnp.zeros((H, 7), _f32)
    p = jnp.concatenate([z, x, z], axis=1)
    a = _GW[0] * p[:, 0:W]
    for k in range(1, 15):
        a = a + _GW[k] * p[:, k:k + W]
    z2 = jnp.zeros((7, W), _f32)
    p2 = jnp.concatenate([z2, a, z2], axis=0)
    d2 = _GW[0] * p2[0:H, :]
    for k in range(1, 15):
        d2 = d2 + _GW[k] * p2[k:k + H, :]

    xs = xs_ref[0]
    ys = ys_ref[0]
    x0 = jnp.floor(xs)
    y0 = jnp.floor(ys)
    wx1 = xs - x0
    wy1 = ys - y0
    wx0 = 1.0 - wx1
    wy0 = 1.0 - wy1
    vx0 = (x0 >= 0.0) & (x0 <= 383.0)
    vx1 = (x0 + 1.0 >= 0.0) & (x0 + 1.0 <= 383.0)
    vy0 = (y0 >= 0.0) & (y0 <= 383.0)
    vy1 = (y0 + 1.0 >= 0.0) & (y0 + 1.0 <= 383.0)
    s = (jnp.where(vx0 & vy0, wx0 * wy0, 0.0)
         + jnp.where(vx1 & vy0, wx1 * wy0, 0.0)
         + jnp.where(vx0 & vy1, wx0 * wy1, 0.0)
         + jnp.where(vx1 & vy1, wx1 * wy1, 0.0))
    vis = jnp.where(s > 0.0, 1.0, 0.0)
    num = jnp.sum(d2 * d2 * vis)
    den = jnp.sum(vis)
    out_ref[0, 0, :] = jnp.zeros((128,), _f32) + num
    out_ref[0, 1, :] = jnp.zeros((128,), _f32) + den


def _loss_call(d, xs, ys):
    blk = pl.BlockSpec((1, H, W), lambda b: (b, 0, 0))
    return pl.pallas_call(
        _loss_body,
        grid=(B,),
        in_specs=[blk, blk, blk],
        out_specs=[pl.BlockSpec((1, 2, 128), lambda b: (b, 0, 0))],
        out_shape=[jax.ShapeDtypeStruct((B, 2, 128), _f32)],
    )(d, xs, ys)[0]


def kernel(score1, score2, homo12):
    s1 = score1.reshape(B, H, W)
    img2 = score2.reshape(B * HW)
    ysg, xsg = jnp.meshgrid(jnp.arange(H, dtype=_f32),
                            jnp.arange(W, dtype=_f32), indexing='ij')
    grid = jnp.stack([xsg.ravel(), ysg.ravel(),
                      jnp.ones(H * W, _f32)], axis=0)
    warped = jnp.einsum('bij,jn->bin', homo12, grid)
    xs = (warped[:, 0] / (warped[:, 2] + 1e-8)).reshape(B, H, W)
    ys = (warped[:, 1] / (warped[:, 2] + 1e-8)).reshape(B, H, W)

    idxw = [a.reshape(B * HW) for a in _coord_call(xs, ys)]
    w2 = _warp_call(img2, idxw).reshape(B, H, W)
    nms1, nms2, taublk = _nms_call(s1, w2)
    nms_flat = jnp.stack([nms1, nms2]).reshape(8, HW)
    tau16 = jnp.transpose(taublk, (1, 0, 2))[:, :, :16].reshape(8, 16)

    cv, ci = _compact_call(nms_flat, tau16)
    cv4 = cv.reshape(2, B, 1, S)
    ci4 = ci.reshape(2, B, 1, S)
    kp_t, sv = _rank_call(cv4, ci4, cv.reshape(2, B, S, 1),
                          ci.reshape(2, B, S, 1), taublk)

    d = _scatter_call(sv.reshape(8, S), ci.reshape(8, S),
                      jnp.zeros((PIX_PW,), _f32)).reshape(B, H, W)
    nd = _loss_call(d, xs, ys)
    loss = 100.0 * jnp.sum(nd[:, 0, 0]) / jnp.sum(nd[:, 1, 0])
    kp1 = jnp.transpose(kp_t, (0, 2, 1)).reshape(B, 1, K, 2)
    return (loss, kp1)

# --- scband reference (transcript-rebuilt; emitter-appended) ---
"""Pipeline reference for scband-mseloss-29446295781453 (READ-ONLY COPY).

The authoritative reference and input builder live on the scoring server;
editing this copy changes nothing except your own understanding.
"""

import jax, jax.numpy as jnp
import numpy as np

NMS_THRESH = 0.0
NMS_KSIZE = 5
TOP_K = 512
GAUSS_KSIZE = 15
GAUSS_SIGMA = 0.5
LOSS_LAMBDA = 100.0
BORDER = 8


def bilinear_sample(img, xs, ys):
    # img: B,C,H,W ; xs, ys: B,H,W float pixel coords; zeros outside
    B, C, H, W = img.shape
    x0 = jnp.floor(xs); y0 = jnp.floor(ys)
    x1 = x0 + 1.0; y1 = y0 + 1.0
    wx1 = xs - x0; wx0 = 1.0 - wx1
    wy1 = ys - y0; wy0 = 1.0 - wy1

    def gather(xi, yi):
        valid = (xi >= 0) & (xi <= W - 1) & (yi >= 0) & (yi <= H - 1)
        xc = jnp.clip(xi, 0, W - 1).astype(jnp.int32)
        yc = jnp.clip(yi, 0, H - 1).astype(jnp.int32)
        flat = img.reshape(B, C, H * W)
        idx = (yc * W + xc).reshape(B, 1, H * W)
        g = jnp.take_along_axis(flat, jnp.broadcast_to(idx, (B, C, H * W)), axis=2)
        g = g.reshape(B, C, H, W)
        return g * valid.astype(img.dtype)[:, None, :, :]

    v00 = gather(x0, y0); v01 = gather(x1, y0)
    v10 = gather(x0, y1); v11 = gather(x1, y1)
    w00 = (wx0 * wy0)[:, None]; w01 = (wx1 * wy0)[:, None]
    w10 = (wx0 * wy1)[:, None]; w11 = (wx1 * wy1)[:, None]
    return v00 * w00 + v01 * w01 + v10 * w10 + v11 * w11


def warp_image(ref, img, homo):
    # sample img at homo-transformed pixel coords of ref's grid
    B, C, H, W = ref.shape
    ys, xs = jnp.meshgrid(jnp.arange(H, dtype=jnp.float32), jnp.arange(W, dtype=jnp.float32), indexing='ij')
    grid = jnp.stack([xs.ravel(), ys.ravel(), jnp.ones(H * W, jnp.float32)], axis=0)  # 3, HW
    warped = jnp.einsum('bij,jn->bin', homo, grid)  # B,3,HW
    wx = (warped[:, 0] / (warped[:, 2] + 1e-8)).reshape(B, H, W)
    wy = (warped[:, 1] / (warped[:, 2] + 1e-8)).reshape(B, H, W)
    return bilinear_sample(img, wx, wy)


def filter_border(x, r=BORDER):
    B, C, H, W = x.shape
    m = jnp.zeros((H, W), x.dtype).at[r:H - r, r:W - r].set(1.0)
    return x * m


def max_pool_same(x, k):
    return jax.lax.reduce_window(x, -jnp.inf, jax.lax.max, (1, 1, k, k), (1, 1, 1, 1), 'SAME')


def select_keypoints(score, thresh, ksize, top_k):
    B, C, H, W = score.shape
    pooled = max_pool_same(score, ksize)
    mask = jnp.logical_and(score == pooled, score > thresh)
    nms_score = score * mask.astype(score.dtype)
    flat = nms_score.reshape(B, C, H * W)
    vals, idx = jax.lax.top_k(flat, top_k)
    b_idx = jnp.arange(B)[:, None, None]
    c_idx = jnp.arange(C)[None, :, None]
    topk_map = jnp.zeros_like(flat).at[b_idx, c_idx, idx].set(vals)
    topk_map = topk_map.reshape(B, C, H, W)
    kp = jnp.stack([idx // W, idx % W], axis=-1)  # B,C,K,2 (y,x)
    return topk_map, kp


def gaussian_filter(x, ksize, sigma):
    half = (ksize - 1) / 2.0
    ax = jnp.arange(ksize, dtype=jnp.float32) - half
    g1 = jnp.exp(-(ax ** 2) / (2.0 * sigma ** 2))
    g1 = g1 / g1.sum()
    kernel = jnp.outer(g1, g1)
    B, C, H, W = x.shape
    k = jnp.broadcast_to(kernel[None, None], (C, 1, ksize, ksize))
    return jax.lax.conv_general_dilated(x, k, (1, 1), 'SAME',
                                        dimension_numbers=('NCHW', 'OIHW', 'NCHW'),
                                        feature_group_count=C)


def setup_inputs(seed: int = 0) -> dict:
    key = jax.random.key(seed)
    k1, k2, k3 = jax.random.split(key, 3)
    score1 = jax.random.uniform(k1, (4, 1, 384, 384), dtype=jnp.float32)
    score2 = jax.random.uniform(k2, (4, 1, 384, 384), dtype=jnp.float32)
    noise = jax.random.normal(k3, (4, 3, 3), dtype=jnp.float32)
    scale = jnp.array([[0.01, 0.01, 5.0], [0.01, 0.01, 5.0], [1e-5, 1e-5, 0.0]], jnp.float32)
    homo12 = jnp.eye(3, dtype=jnp.float32)[None] + noise * scale  # near-identity homographies
    return {"score1": score1, "score2": score2, "homo12": homo12}


def reference(score1, score2, homo12):
    w_score2 = warp_image(score1, score2, homo12)
    s1 = filter_border(score1)
    w2 = filter_border(w_score2)
    w_vis_mask = (warp_image(score1, jnp.ones_like(score2), homo12) > 0).astype(score1.dtype)
    s1_map, kp1 = select_keypoints(s1, NMS_THRESH, NMS_KSIZE, TOP_K)
    s1_map = gaussian_filter(s1_map, GAUSS_KSIZE, GAUSS_SIGMA)
    gt_map, _ = select_keypoints(w2, NMS_THRESH, NMS_KSIZE, TOP_K)
    gt_map = gaussian_filter(gt_map, GAUSS_KSIZE, GAUSS_SIGMA)
    norm = w_vis_mask.sum()
    loss = ((s1_map - gt_map) ** 2 * w_vis_mask / norm).sum() * LOSS_LAMBDA
    return (loss, kp1)

if __name__ == "__main__":
    import jax
    _d = setup_inputs()
    print(jax.jit(kernel)(*tuple(_d.values())))

</pallas_src>

<mosaic_0001>
#map = affine_map<(d0, d1) -> (0, 0)>
module attributes {stable_mosaic.version = 14 : i64} {
  func.func @_compact_body(%arg0: i32, %arg1: i32, %arg2: memref<8x147456xf32, #tpu.memory_space<hbm>>, %arg3: memref<8x16xf32, #tpu.memory_space<hbm>>, %arg4: memref<32x512xf32, #tpu.memory_space<hbm>>, %arg5: memref<32x512xi32, #tpu.memory_space<hbm>>, %arg6: memref<36864xf32, #tpu.memory_space<vmem>>, %arg7: memref<512xf32, #tpu.memory_space<vmem>>, %arg8: memref<512xi32, #tpu.memory_space<vmem>>, %arg9: memref<16xf32, #tpu.memory_space<vmem>>) attributes {dimension_semantics = [#tpu.dimension_semantics<core_parallel>, #tpu.dimension_semantics<subcore_parallel>], iteration_bounds = array<i64: 2, 16>, scalar_prefetch = 0 : i64, scratch_operands = 4 : i64, tpu.core_type = #tpu.core_type<sc_vector_subcore>, window_params = [{transform_indices = #map}, {transform_indices = #map}, {transform_indices = #map}, {transform_indices = #map}]} {
    %mul3A = arith.constant 2 : i32
    %mul3A_0 = arith.muli %arg1, %mul3A : i32
    %add3A = arith.addi %mul3A_0, %arg0 : i32
    %jit3A = arith.constant 4 : i32
    %div3A = arith.divsi %add3A, %jit3A : i32
    %sign3A = arith.constant 0 : i32
    %sign3A_1 = arith.cmpi sgt, %add3A, %sign3A : i32
    %sign3A_2 = arith.extui %sign3A_1 : i1 to i32
    %sign3A_3 = arith.constant 0 : i32
    %sign3A_4 = arith.cmpi slt, %add3A, %sign3A_3 : i32
    %sign3A_5 = arith.extui %sign3A_4 : i1 to i32
    %sign3A_6 = arith.subi %sign3A_2, %sign3A_5 : i32
    %sign3A_7 = arith.constant 0 : i32
    %sign3A_8 = arith.cmpi sgt, %jit3A, %sign3A_7 : i32
    %sign3A_9 = arith.extui %sign3A_8 : i1 to i32
    %sign3A_10 = arith.constant 0 : i32
    %sign3A_11 = arith.cmpi slt, %jit3A, %sign3A_10 : i32
    %sign3A_12 = arith.extui %sign3A_11 : i1 to i32
    %sign3A_13 = arith.subi %sign3A_9, %sign3A_12 : i32
    %ne3A = arith.cmpi ne, %sign3A_6, %sign3A_13 : i32
    %rem3A = arith.remsi %add3A, %jit3A : i32
    %ne3A_14 = arith.constant 0 : i32
    %ne3A_15 = arith.cmpi ne, %rem3A, %ne3A_14 : i32
    %and3A = arith.andi %ne3A, %ne3A_15 : i1
    %sub3A = arith.constant 1 : i32
    %sub3A_16 = arith.subi %div3A, %sub3A : i32
    %select_n3A = arith.select %and3A, %sub3A_16, %div3A : i32
    %jit3A_17 = arith.constant 4 : i32
    %eq3A = arith.constant 0 : i32
    %eq3A_18 = arith.cmpi eq, %jit3A_17, %eq3A : i32
    %jit3A_19 = arith.constant 1 : i32
    %select_n3A_20 = arith.select %eq3A_18, %jit3A_19, %jit3A_17 : i32
    %rem3A_21 = arith.remsi %add3A, %select_n3A_20 : i32
    %ne3A_22 = arith.constant 0 : i32
    %ne3A_23 = arith.cmpi ne, %rem3A_21, %ne3A_22 : i32
    %lt3A = arith.constant 0 : i32
    %lt3A_24 = arith.cmpi slt, %rem3A_21, %lt3A : i32
    %lt3A_25 = arith.constant 0 : i32
    %lt3A_26 = arith.cmpi slt, %select_n3A_20, %lt3A_25 : i32
    %ne3A_27 = arith.xori %lt3A_24, %lt3A_26 : i1
    %and3A_28 = arith.andi %ne3A_27, %ne3A_23 : i1
    %add3A_29 = arith.addi %rem3A_21, %select_n3A_20 : i32
    %select_n3A_30 = arith.select %and3A_28, %add3A_29, %rem3A_21 : i32
    "tpu.region"() ({
      %run_scoped3A = tpu.sem_alloc : memref<!tpu.dma_semaphore, #tpu.memory_space<semaphore_mem>>
      %dma_start3A = arith.constant 0 : i32
      %dma_start3A_175 = tpu.memref_slice %arg3[%select_n3A, %dma_start3A] : memref<8x16xf32, #tpu.memory_space<hbm>> -> memref<1x16xf32, #tpu.memory_space<hbm>>
      %dma_start3A_176 = tpu.memref_squeeze %dma_start3A_175 : memref<1x16xf32, #tpu.memory_space<hbm>> -> memref<16xf32, #tpu.memory_space<hbm>>
      %dma_start3A_177 = arith.constant 0 : i32
      %dma_start3A_178 = tpu.memref_slice %arg3[%select_n3A, %dma_start3A_177] : memref<8x16xf32, #tpu.memory_space<hbm>> -> memref<1x16xf32, #tpu.memory_space<hbm>>
      %dma_start3A_179 = tpu.memref_squeeze %dma_start3A_178 : memref<1x16xf32, #tpu.memory_space<hbm>> -> memref<16xf32, #tpu.memory_space<hbm>>
      tpu.enqueue_dma source(%dma_start3A_179 : memref<16xf32, #tpu.memory_space<hbm>>) target(%arg9 : memref<16xf32, #tpu.memory_space<vmem>>) target_semaphore(%run_scoped3A : memref<!tpu.dma_semaphore, #tpu.memory_space<semaphore_mem>>)
      %dma_wait3A = arith.constant 0 : i32
      %dma_wait3A_180 = tpu.memref_slice %arg3[%select_n3A, %dma_wait3A] : memref<8x16xf32, #tpu.memory_space<hbm>> -> memref<1x16xf32, #tpu.memory_space<hbm>>
      %dma_wait3A_181 = tpu.memref_squeeze %dma_wait3A_180 : memref<1x16xf32, #tpu.memory_space<hbm>> -> memref<16xf32, #tpu.memory_space<hbm>>
      %dma_wait3A_182 = arith.constant 0 : i32
      %dma_wait3A_183 = tpu.memref_slice %arg3[%select_n3A, %dma_wait3A_182] : memref<8x16xf32, #tpu.memory_space<hbm>> -> memref<1x16xf32, #tpu.memory_space<hbm>>
      %dma_wait3A_184 = tpu.memref_squeeze %dma_wait3A_183 : memref<1x16xf32, #tpu.memory_space<hbm>> -> memref<16xf32, #tpu.memory_space<hbm>>
      tpu.wait_dma2 semaphore(%run_scoped3A : memref<!tpu.dma_semaphore, #tpu.memory_space<semaphore_mem>>) src(%dma_wait3A_184 : memref<16xf32, #tpu.memory_space<hbm>>) dst(%arg9 : memref<16xf32, #tpu.memory_space<vmem>>)
      tpu.yield
    }) : () -> ()
    %get3A = arith.constant 0 : index
    %get3A_31 = tpu.vector_load %arg9[%get3A] {strides = array<i32>} : memref<16xf32, #tpu.memory_space<vmem>>, vector<16xf32>,
    %mul3A_32 = arith.constant 36864 : i32
    %mul3A_33 = arith.muli %select_n3A_30, %mul3A_32 : i32
    "tpu.region"() ({
      %run_scoped3A = tpu.sem_alloc : memref<!tpu.dma_semaphore, #tpu.memory_space<semaphore_mem>>
      %dma_start3A = tpu.memref_slice %arg2[%select_n3A, %mul3A_33] : memref<8x147456xf32, #tpu.memory_space<hbm>> -> memref<1x36864xf32, #tpu.memory_space<hbm>>
      %dma_start3A_175 = tpu.memref_squeeze %dma_start3A : memref<1x36864xf32, #tpu.memory_space<hbm>> -> memref<36864xf32, #tpu.memory_space<hbm>>
      %dma_start3A_176 = tpu.memref_slice %arg2[%select_n3A, %mul3A_33] : memref<8x147456xf32, #tpu.memory_space<hbm>> -> memref<1x36864xf32, #tpu.memory_space<hbm>>
      %dma_start3A_177 = tpu.memref_squeeze %dma_start3A_176 : memref<1x36864xf32, #tpu.memory_space<hbm>> -> memref<36864xf32, #tpu.memory_space<hbm>>
      tpu.enqueue_dma source(%dma_start3A_177 : memref<36864xf32, #tpu.memory_space<hbm>>) target(%arg6 : memref<36864xf32, #tpu.memory_space<vmem>>) target_semaphore(%run_scoped3A : memref<!tpu.dma_semaphore, #tpu.memory_space<semaphore_mem>>)
      %dma_wait3A = tpu.memref_slice %arg2[%select_n3A, %mul3A_33] : memref<8x147456xf32, #tpu.memory_space<hbm>> -> memref<1x36864xf32, #tpu.memory_space<hbm>>
      %dma_wait3A_178 = tpu.memref_squeeze %dma_wait3A : memref<1x36864xf32, #tpu.memory_space<hbm>> -> memref<36864xf32, #tpu.memory_space<hbm>>
      %dma_wait3A_179 = tpu.memref_slice %arg2[%select_n3A, %mul3A_33] : memref<8x147456xf32, #tpu.memory_space<hbm>> -> memref<1x36864xf32, #tpu.memory_space<hbm>>
      %dma_wait3A_180 = tpu.memref_squeeze %dma_wait3A_179 : memref<1x36864xf32, #tpu.memory_space<hbm>> -> memref<36864xf32, #tpu.memory_space<hbm>>
      tpu.wait_dma2 semaphore(%run_scoped3A : memref<!tpu.dma_semaphore, #tpu.memory_space<semaphore_mem>>) src(%dma_wait3A_180 : memref<36864xf32, #tpu.memory_space<hbm>>) dst(%arg6 : memref<36864xf32, #tpu.memory_space<vmem>>)
      tpu.yield
    }) : () -> ()
    %broadcast_in_dim3A = arith.constant 0.000000e+00 : f32
    %broadcast_in_dim3A_34 = vector.broadcast %broadcast_in_dim3A : f32 to vector<16xf32>
    %sub3A_35 = arith.constant 1.000000e+00 : f32
    %sub3A_36 = vector.broadcast %sub3A_35 : f32 to vector<16xf32>
    %sub3A_37 = arith.subf %broadcast_in_dim3A_34, %sub3A_36 : vector<16xf32>
    %broadcast_in_dim3A_38 = arith.constant 0 : i32
    %broadcast_in_dim3A_39 = vector.broadcast %broadcast_in_dim3A_38 : i32 to vector<16xi32>
    %swap3A = arith.constant 0 : index
    %swap3A_40 = tpu.vector_load %arg7[%swap3A] {strides = array<i32>} : memref<512xf32, #tpu.memory_space<vmem>>, vector<16xf32>,
    tpu.vector_store %arg7[%swap3A], %sub3A_37 {strides = array<i32>} : memref<512xf32, #tpu.memory_space<vmem>>, vector<16xf32>,
    %swap3A_41 = arith.constant 0 : index
    %swap3A_42 = tpu.vector_load %arg8[%swap3A_41] {strides = array<i32>} : memref<512xi32, #tpu.memory_space<vmem>>, vector<16xi32>,
    tpu.vector_store %arg8[%swap3A_41], %broadcast_in_dim3A_39 {strides = array<i32>} : memref<512xi32, #tpu.memory_space<vmem>>, vector<16xi32>,
    %swap3A_43 = arith.constant 16 : index
    %swap3A_44 = tpu.vector_load %arg7[%swap3A_43] {strides = array<i32>} : memref<512xf32, #tpu.memory_space<vmem>>, vector<16xf32>,
    tpu.vector_store %arg7[%swap3A_43], %sub3A_37 {strides = array<i32>} : memref<512xf32, #tpu.memory_space<vmem>>, vector<16xf32>,
    %swap3A_45 = arith.constant 16 : index
    %swap3A_46 = tpu.vector_load %arg8[%swap3A_45] {strides = array<i32>} : memref<512xi32, #tpu.memory_space<vmem>>, vector<16xi32>,
    tpu.vector_store %arg8[%swap3A_45], %broadcast_in_dim3A_39 {strides = array<i32>} : memref<512xi32, #tpu.memory_space<vmem>>, vector<16xi32>,
    %swap3A_47 = arith.constant 32 : index
    %swap3A_48 = tpu.vector_load %arg7[%swap3A_47] {strides = array<i32>} : memref<512xf32, #tpu.memory_space<vmem>>, vector<16xf32>,
    tpu.vector_store %arg7[%swap3A_47], %sub3A_37 {strides = array<i32>} : memref<512xf32, #tpu.memory_space<vmem>>, vector<16xf32>,
    %swap3A_49 = arith.constant 32 : index
    %swap3A_50 = tpu.vector_load %arg8[%swap3A_49] {strides = array<i32>} : memref<512xi32, #tpu.memory_space<vmem>>, vector<16xi32>,
    tpu.vector_store %arg8[%swap3A_49], %broadcast_in_dim3A_39 {strides = array<i32>} : memref<512xi32, #tpu.memory_space<vmem>>, vector<16xi32>,
    %swap3A_51 = arith.constant 48 : index
    %swap3A_52 = tpu.vector_load %arg7[%swap3A_51] {strides = array<i32>} : memref<512xf32, #tpu.memory_space<vmem>>, vector<16xf32>,
    tpu.vector_store %arg7[%swap3A_51], %sub3A_37 {strides = array<i32>} : memref<512xf32, #tpu.memory_space<vmem>>, vector<16xf32>,
    %swap3A_53 = arith.constant 48 : index
    %swap3A_54 = tpu.vector_load %arg8[%swap3A_53] {strides = array<i32>} : memref<512xi32, #tpu.memory_space<vmem>>, vector<16xi32>,
    tpu.vector_store %arg8[%swap3A_53], %broadcast_in_dim3A_39 {strides = array<i32>} : memref<512xi32, #tpu.memory_space<vmem>>, vector<16xi32>,
    %swap3A_55 = arith.constant 64 : index
    %swap3A_56 = tpu.vector_load %arg7[%swap3A_55] {strides = array<i32>} : memref<512xf32, #tpu.memory_space<vmem>>, vector<16xf32>,
    tpu.vector_store %arg7[%swap3A_55], %sub3A_37 {strides = array<i32>} : memref<512xf32, #tpu.memory_space<vmem>>, vector<16xf32>,
    %swap3A_57 = arith.constant 64 : index
    %swap3A_58 = tpu.vector_load %arg8[%swap3A_57] {strides = array<i32>} : memref<512xi32, #tpu.memory_space<vmem>>, vector<16xi32>,
    tpu.vector_store %arg8[%swap3A_57], %broadcast_in_dim3A_39 {strides = array<i32>} : memref<512xi32, #tpu.memory_space<vmem>>, vector<16xi32>,
    %swap3A_59 = arith.constant 80 : index
    %swap3A_60 = tpu.vector_load %arg7[%swap3A_59] {strides = array<i32>} : memref<512xf32, #tpu.memory_space<vmem>>, vector<16xf32>,
    tpu.vector_store %arg7[%swap3A_59], %sub3A_37 {strides = array<i32>} : memref<512xf32, #tpu.memory_space<vmem>>, vector<16xf32>,
    %swap3A_61 = arith.constant 80 : index
    %swap3A_62 = tpu.vector_load %arg8[%swap3A_61] {strides = array<i32>} : memref<512xi32, #tpu.memory_space<vmem>>, vector<16xi32>,
    tpu.vector_store %arg8[%swap3A_61], %broadcast_in_dim3A_39 {strides = array<i32>} : memref<512xi32, #tpu.memory_space<vmem>>, vector<16xi32>,
    %swap3A_63 = arith.constant 96 : index
    %swap3A_64 = tpu.vector_load %arg7[%swap3A_63] {strides = array<i32>} : memref<512xf32, #tpu.memory_space<vmem>>, vector<16xf32>,
    tpu.vector_store %arg7[%swap3A_63], %sub3A_37 {strides = array<i32>} : memref<512xf32, #tpu.memory_space<vmem>>, vector<16xf32>,
    %swap3A_65 = arith.constant 96 : index
    %swap3A_66 = tpu.vector_load %arg8[%swap3A_65] {strides = array<i32>} : memref<512xi32, #tpu.memory_space<vmem>>, vector<16xi32>,
    tpu.vector_store %arg8[%swap3A_65], %broadcast_in_dim3A_39 {strides = array<i32>} : memref<512xi32, #tpu.memory_space<vmem>>, vector<16xi32>,
    %swap3A_67 = arith.constant 112 : index
    %swap3A_68 = tpu.vector_load %arg7[%swap3A_67] {strides = array<i32>} : memref<512xf32, #tpu.memory_space<vmem>>, vector<16xf32>,
    tpu.vector_store %arg7[%swap3A_67], %sub3A_37 {strides = array<i32>} : memref<512xf32, #tpu.memory_space<vmem>>, vector<16xf32>,
    %swap3A_69 = arith.constant 112 : index
    %swap3A_70 = tpu.vector_load %arg8[%swap3A_69] {strides = array<i32>} : memref<512xi32, #tpu.memory_space<vmem>>, vector<16xi32>,
    tpu.vector_store %arg8[%swap3A_69], %broadcast_in_dim3A_39 {strides = array<i32>} : memref<512xi32, #tpu.memory_space<vmem>>, vector<16xi32>,
    %swap3A_71 = arith.constant 128 : index
    %swap3A_72 = tpu.vector_load %arg7[%swap3A_71] {strides = array<i32>} : memref<512xf32, #tpu.memory_space<vmem>>, vector<16xf32>,
    tpu.vector_store %arg7[%swap3A_71], %sub3A_37 {strides = array<i32>} : memref<512xf32, #tpu.memory_space<vmem>>, vector<16xf32>,
    %swap3A_73 = arith.constant 128 : index
    %swap3A_74 = tpu.vector_load %arg8[%swap3A_73] {strides = array<i32>} : memref<512xi32, #tpu.memory_space<vmem>>, vector<16xi32>,
    tpu.vector_store %arg8[%swap3A_73], %broadcast_in_dim3A_39 {strides = array<i32>} : memref<512xi32, #tpu.memory_space<vmem>>, vector<16xi32>,
    %swap3A_75 = arith.constant 144 : index
    %swap3A_76 = tpu.vector_load %arg7[%swap3A_75] {strides = array<i32>} : memref<512xf32, #tpu.memory_space<vmem>>, vector<16xf32>,
    tpu.vector_store %arg7[%swap3A_75], %sub3A_37 {strides = array<i32>} : memref<512xf32, #tpu.memory_space<vmem>>, vector<16xf32>,
    %swap3A_77 = arith.constant 144 : index
    %swap3A_78 = tpu.vector_load %arg8[%swap3A_77] {strides = array<i32>} : memref<512xi32, #tpu.memory_space<vmem>>, vector<16xi32>,
    tpu.vector_store %arg8[%swap3A_77], %broadcast_in_dim3A_39 {strides = array<i32>} : memref<512xi32, #tpu.memory_space<vmem>>, vector<16xi32>,
    %swap3A_79 = arith.constant 160 : index
    %swap3A_80 = tpu.vector_load %arg7[%swap3A_79] {strides = array<i32>} : memref<512xf32, #tpu.memory_space<vmem>>, vector<16xf32>,
    tpu.vector_store %arg7[%swap3A_79], %sub3A_37 {strides = array<i32>} : memref<512xf32, #tpu.memory_space<vmem>>, vector<16xf32>,
    %swap3A_81 = arith.constant 160 : index
    %swap3A_82 = tpu.vector_load %arg8[%swap3A_81] {strides = array<i32>} : memref<512xi32, #tpu.memory_space<vmem>>, vector<16xi32>,
    tpu.vector_store %arg8[%swap3A_81], %broadcast_in_dim3A_39 {strides = array<i32>} : memref<512xi32, #tpu.memory_space<vmem>>, vector<16xi32>,
    %swap3A_83 = arith.constant 176 : index
    %swap3A_84 = tpu.vector_load %arg7[%swap3A_83] {strides = array<i32>} : memref<512xf32, #tpu.memory_space<vmem>>, vector<16xf32>,
    tpu.vector_store %arg7[%swap3A_83], %sub3A_37 {strides = array<i32>} : memref<512xf32, #tpu.memory_space<vmem>>, vector<16xf32>,
    %swap3A_85 = arith.constant 176 : index
    %swap3A_86 = tpu.vector_load %arg8[%swap3A_85] {strides = array<i32>} : memref<512xi32, #tpu.memory_space<vmem>>, vector<16xi32>,
    tpu.vector_store %arg8[%swap3A_85], %broadcast_in_dim3A_39 {strides = array<i32>} : memref<512xi32, #tpu.memory_space<vmem>>, vector<16xi32>,
    %swap3A_87 = arith.constant 192 : index
    %swap3A_88 = tpu.vector_load %arg7[%swap3A_87] {strides = array<i32>} : memref<512xf32, #tpu.memory_space<vmem>>, vector<16xf32>,
    tpu.vector_store %arg7[%swap3A_87], %sub3A_37 {strides = array<i32>} : memref<512xf32, #tpu.memory_space<vmem>>, vector<16xf32>,
    %swap3A_89 = arith.constant 192 : index
    %swap3A_90 = tpu.vector_load %arg8[%swap3A_89] {strides = array<i32>} : memref<512xi32, #tpu.memory_space<vmem>>, vector<16xi32>,
    tpu.vector_store %arg8[%swap3A_89], %broadcast_in_dim3A_39 {strides = array<i32>} : memref<512xi32, #tpu.memory_space<vmem>>, vector<16xi32>,
    %swap3A_91 = arith.constant 208 : index
    %swap3A_92 = tpu.vector_load %arg7[%swap3A_91] {strides = array<i32>} : memref<512xf32, #tpu.memory_space<vmem>>, vector<16xf32>,
    tpu.vector_store %arg7[%swap3A_91], %sub3A_37 {strides = array<i32>} : memref<512xf32, #tpu.memory_space<vmem>>, vector<16xf32>,
    %swap3A_93 = arith.constant 208 : index
    %swap3A_94 = tpu.vector_load %arg8[%swap3A_93] {strides = array<i32>} : memref<512xi32, #tpu.memory_space<vmem>>, vector<16xi32>,
    tpu.vector_store %arg8[%swap3A_93], %broadcast_in_dim3A_39 {strides = array<i32>} : memref<512xi32, #tpu.memory_space<vmem>>, vector<16xi32>,
    %swap3A_95 = arith.constant 224 : index
    %swap3A_96 = tpu.vector_load %arg7[%swap3A_95] {strides = array<i32>} : memref<512xf32, #tpu.memory_space<vmem>>, vector<16xf32>,
    tpu.vector_store %arg7[%swap3A_95], %sub3A_37 {strides = array<i32>} : memref<512xf32, #tpu.memory_space<vmem>>, vector<16xf32>,
    %swap3A_97 = arith.constant 224 : index
    %swap3A_98 = tpu.vector_load %arg8[%swap3A_97] {strides = array<i32>} : memref<512xi32, #tpu.memory_space<vmem>>, vector<16xi32>,
    tpu.vector_store %arg8[%swap3A_97], %broadcast_in_dim3A_39 {strides = array<i32>} : memref<512xi32, #tpu.memory_space<vmem>>, vector<16xi32>,
    %swap3A_99 = arith.constant 240 : index
    %swap3A_100 = tpu.vector_load %arg7[%swap3A_99] {strides = array<i32>} : memref<512xf32, #tpu.memory_space<vmem>>, vector<16xf32>,
    tpu.vector_store %arg7[%swap3A_99], %sub3A_37 {strides = array<i32>} : memref<512xf32, #tpu.memory_space<vmem>>, vector<16xf32>,
    %swap3A_101 = arith.constant 240 : index
    %swap3A_102 = tpu.vector_load %arg8[%swap3A_101] {strides = array<i32>} : memref<512xi32, #tpu.memory_space<vmem>>, vector<16xi32>,
    tpu.vector_store %arg8[%swap3A_101], %broadcast_in_dim3A_39 {strides = array<i32>} : memref<512xi32, #tpu.memory_space<vmem>>, vector<16xi32>,
    %swap3A_103 = arith.constant 256 : index
    %swap3A_104 = tpu.vector_load %arg7[%swap3A_103] {strides = array<i32>} : memref<512xf32, #tpu.memory_space<vmem>>, vector<16xf32>,
    tpu.vector_store %arg7[%swap3A_103], %sub3A_37 {strides = array<i32>} : memref<512xf32, #tpu.memory_space<vmem>>, vector<16xf32>,
    %swap3A_105 = arith.constant 256 : index
    %swap3A_106 = tpu.vector_load %arg8[%swap3A_105] {strides = array<i32>} : memref<512xi32, #tpu.memory_space<vmem>>, vector<16xi32>,
    tpu.vector_store %arg8[%swap3A_105], %broadcast_in_dim3A_39 {strides = array<i32>} : memref<512xi32, #tpu.memory_space<vmem>>, vector<16xi32>,
    %swap3A_107 = arith.constant 272 : index
    %swap3A_108 = tpu.vector_load %arg7[%swap3A_107] {strides = array<i32>} : memref<512xf32, #tpu.memory_space<vmem>>, vector<16xf32>,
    tpu.vector_store %arg7[%swap3A_107], %sub3A_37 {strides = array<i32>} : memref<512xf32, #tpu.memory_space<vmem>>, vector<16xf32>,
    %swap3A_109 = arith.constant 272 : index
    %swap3A_110 = tpu.vector_load %arg8[%swap3A_109] {strides = array<i32>} : memref<512xi32, #tpu.memory_space<vmem>>, vector<16xi32>,
    tpu.vector_store %arg8[%swap3A_109], %broadcast_in_dim3A_39 {strides = array<i32>} : memref<512xi32, #tpu.memory_space<vmem>>, vector<16xi32>,
    %swap3A_111 = arith.constant 288 : index
    %swap3A_112 = tpu.vector_load %arg7[%swap3A_111] {strides = array<i32>} : memref<512xf32, #tpu.memory_space<vmem>>, vector<16xf32>,
    tpu.vector_store %arg7[%swap3A_111], %sub3A_37 {strides = array<i32>} : memref<512xf32, #tpu.memory_space<vmem>>, vector<16xf32>,
    %swap3A_113 = arith.constant 288 : index
    %swap3A_114 = tpu.vector_load %arg8[%swap3A_113] {strides = array<i32>} : memref<512xi32, #tpu.memory_space<vmem>>, vector<16xi32>,
    tpu.vector_store %arg8[%swap3A_113], %broadcast_in_dim3A_39 {strides = array<i32>} : memref<512xi32, #tpu.memory_space<vmem>>, vector<16xi32>,
    %swap3A_115 = arith.constant 304 : index
    %swap3A_116 = tpu.vector_load %arg7[%swap3A_115] {strides = array<i32>} : memref<512xf32, #tpu.memory_space<vmem>>, vector<16xf32>,
    tpu.vector_store %arg7[%swap3A_115], %sub3A_37 {strides = array<i32>} : memref<512xf32, #tpu.memory_space<vmem>>, vector<16xf32>,
    %swap3A_117 = arith.constant 304 : index
    %swap3A_118 = tpu.vector_load %arg8[%swap3A_117] {strides = array<i32>} : memref<512xi32, #tpu.memory_space<vmem>>, vector<16xi32>,
    tpu.vector_store %arg8[%swap3A_117], %broadcast_in_dim3A_39 {strides = array<i32>} : memref<512xi32, #tpu.memory_space<vmem>>, vector<16xi32>,
    %swap3A_119 = arith.constant 320 : index
    %swap3A_120 = tpu.vector_load %arg7[%swap3A_119] {strides = array<i32>} : memref<512xf32, #tpu.memory_space<vmem>>, vector<16xf32>,
    tpu.vector_store %arg7[%swap3A_119], %sub3A_37 {strides = array<i32>} : memref<512xf32, #tpu.memory_space<vmem>>, vector<16xf32>,
    %swap3A_121 = arith.constant 320 : index
    %swap3A_122 = tpu.vector_load %arg8[%swap3A_121] {strides = array<i32>} : memref<512xi32, #tpu.memory_space<vmem>>, vector<16xi32>,
    tpu.vector_store %arg8[%swap3A_121], %broadcast_in_dim3A_39 {strides = array<i32>} : memref<512xi32, #tpu.memory_space<vmem>>, vector<16xi32>,
    %swap3A_123 = arith.constant 336 : index
    %swap3A_124 = tpu.vector_load %arg7[%swap3A_123] {strides = array<i32>} : memref<512xf32, #tpu.memory_space<vmem>>, vector<16xf32>,
    tpu.vector_store %arg7[%swap3A_123], %sub3A_37 {strides = array<i32>} : memref<512xf32, #tpu.memory_space<vmem>>, vector<16xf32>,
    %swap3A_125 = arith.constant 336 : index
    %swap3A_126 = tpu.vector_load %arg8[%swap3A_125] {strides = array<i32>} : memref<512xi32, #tpu.memory_space<vmem>>, vector<16xi32>,
    tpu.vector_store %arg8[%swap3A_125], %broadcast_in_dim3A_39 {strides = array<i32>} : memref<512xi32, #tpu.memory_space<vmem>>, vector<16xi32>,
    %swap3A_127 = arith.constant 352 : index
    %swap3A_128 = tpu.vector_load %arg7[%swap3A_127] {strides = array<i32>} : memref<512xf32, #tpu.memory_space<vmem>>, vector<16xf32>,
    tpu.vector_store %arg7[%swap3A_127], %sub3A_37 {strides = array<i32>} : memref<512xf32, #tpu.memory_space<vmem>>, vector<16xf32>,
    %swap3A_129 = arith.constant 352 : index
    %swap3A_130 = tpu.vector_load %arg8[%swap3A_129] {strides = array<i32>} : memref<512xi32, #tpu.memory_space<vmem>>, vector<16xi32>,
    tpu.vector_store %arg8[%swap3A_129], %broadcast_in_dim3A_39 {strides = array<i32>} : memref<512xi32, #tpu.memory_space<vmem>>, vector<16xi32>,
    %swap3A_131 = arith.constant 368 : index
    %swap3A_132 = tpu.vector_load %arg7[%swap3A_131] {strides = array<i32>} : memref<512xf32, #tpu.memory_space<vmem>>, vector<16xf32>,
    tpu.vector_store %arg7[%swap3A_131], %sub3A_37 {strides = array<i32>} : memref<512xf32, #tpu.memory_space<vmem>>, vector<16xf32>,
    %swap3A_133 = arith.constant 368 : index
    %swap3A_134 = tpu.vector_load %arg8[%swap3A_133] {strides = array<i32>} : memref<512xi32, #tpu.memory_space<vmem>>, vector<16xi32>,
    tpu.vector_store %arg8[%swap3A_133], %broadcast_in_dim3A_39 {strides = array<i32>} : memref<512xi32, #tpu.memory_space<vmem>>, vector<16xi32>,
    %swap3A_135 = arith.constant 384 : index
    %swap3A_136 = tpu.vector_load %arg7[%swap3A_135] {strides = array<i32>} : memref<512xf32, #tpu.memory_space<vmem>>, vector<16xf32>,
    tpu.vector_store %arg7[%swap3A_135], %sub3A_37 {strides = array<i32>} : memref<512xf32, #tpu.memory_space<vmem>>, vector<16xf32>,
    %swap3A_137 = arith.constant 384 : index
    %swap3A_138 = tpu.vector_load %arg8[%swap3A_137] {strides = array<i32>} : memref<512xi32, #tpu.memory_space<vmem>>, vector<16xi32>,
    tpu.vector_store %arg8[%swap3A_137], %broadcast_in_dim3A_39 {strides = array<i32>} : memref<512xi32, #tpu.memory_space<vmem>>, vector<16xi32>,
    %swap3A_139 = arith.constant 400 : index
    %swap3A_140 = tpu.vector_load %arg7[%swap3A_139] {strides = array<i32>} : memref<512xf32, #tpu.memory_space<vmem>>, vector<16xf32>,
    tpu.vector_store %arg7[%swap3A_139], %sub3A_37 {strides = array<i32>} : memref<512xf32, #tpu.memory_space<vmem>>, vector<16xf32>,
    %swap3A_141 = arith.constant 400 : index
    %swap3A_142 = tpu.vector_load %arg8[%swap3A_141] {strides = array<i32>} : memref<512xi32, #tpu.memory_space<vmem>>, vector<16xi32>,
    tpu.vector_store %arg8[%swap3A_141], %broadcast_in_dim3A_39 {strides = array<i32>} : memref<512xi32, #tpu.memory_space<vmem>>, vector<16xi32>,
    %swap3A_143 = arith.constant 416 : index
    %swap3A_144 = tpu.vector_load %arg7[%swap3A_143] {strides = array<i32>} : memref<512xf32, #tpu.memory_space<vmem>>, vector<16xf32>,
    tpu.vector_store %arg7[%swap3A_143], %sub3A_37 {strides = array<i32>} : memref<512xf32, #tpu.memory_space<vmem>>, vector<16xf32>,
    %swap3A_145 = arith.constant 416 : index
    %swap3A_146 = tpu.vector_load %arg8[%swap3A_145] {strides = array<i32>} : memref<512xi32, #tpu.memory_space<vmem>>, vector<16xi32>,
    tpu.vector_store %arg8[%swap3A_145], %broadcast_in_dim3A_39 {strides = array<i32>} : memref<512xi32, #tpu.memory_space<vmem>>, vector<16xi32>,
    %swap3A_147 = arith.constant 432 : index
    %swap3A_148 = tpu.vector_load %arg7[%swap3A_147] {strides = array<i32>} : memref<512xf32, #tpu.memory_space<vmem>>, vector<16xf32>,
    tpu.vector_store %arg7[%swap3A_147], %sub3A_37 {strides = array<i32>} : memref<512xf32, #tpu.memory_space<vmem>>, vector<16xf32>,
    %swap3A_149 = arith.constant 432 : index
    %swap3A_150 = tpu.vector_load %arg8[%swap3A_149] {strides = array<i32>} : memref<512xi32, #tpu.memory_space<vmem>>, vector<16xi32>,
    tpu.vector_store %arg8[%swap3A_149], %broadcast_in_dim3A_39 {strides = array<i32>} : memref<512xi32, #tpu.memory_space<vmem>>, vector<16xi32>,
    %swap3A_151 = arith.constant 448 : index
    %swap3A_152 = tpu.vector_load %arg7[%swap3A_151] {strides = array<i32>} : memref<512xf32, #tpu.memory_space<vmem>>, vector<16xf32>,
    tpu.vector_store %arg7[%swap3A_151], %sub3A_37 {strides = array<i32>} : memref<512xf32, #tpu.memory_space<vmem>>, vector<16xf32>,
    %swap3A_153 = arith.constant 448 : index
    %swap3A_154 = tpu.vector_load %arg8[%swap3A_153] {strides = array<i32>} : memref<512xi32, #tpu.memory_space<vmem>>, vector<16xi32>,
    tpu.vector_store %arg8[%swap3A_153], %broadcast_in_dim3A_39 {strides = array<i32>} : memref<512xi32, #tpu.memory_space<vmem>>, vector<16xi32>,
    %swap3A_155 = arith.constant 464 : index
    %swap3A_156 = tpu.vector_load %arg7[%swap3A_155] {strides = array<i32>} : memref<512xf32, #tpu.memory_space<vmem>>, vector<16xf32>,
    tpu.vector_store %arg7[%swap3A_155], %sub3A_37 {strides = array<i32>} : memref<512xf32, #tpu.memory_space<vmem>>, vector<16xf32>,
    %swap3A_157 = arith.constant 464 : index
    %swap3A_158 = tpu.vector_load %arg8[%swap3A_157] {strides = array<i32>} : memref<512xi32, #tpu.memory_space<vmem>>, vector<16xi32>,
    tpu.vector_store %arg8[%swap3A_157], %broadcast_in_dim3A_39 {strides = array<i32>} : memref<512xi32, #tpu.memory_space<vmem>>, vector<16xi32>,
    %swap3A_159 = arith.constant 480 : index
    %swap3A_160 = tpu.vector_load %arg7[%swap3A_159] {strides = array<i32>} : memref<512xf32, #tpu.memory_space<vmem>>, vector<16xf32>,
    tpu.vector_store %arg7[%swap3A_159], %sub3A_37 {strides = array<i32>} : memref<512xf32, #tpu.memory_space<vmem>>, vector<16xf32>,
    %swap3A_161 = arith.constant 480 : index
    %swap3A_162 = tpu.vector_load %arg8[%swap3A_161] {strides = array<i32>} : memref<512xi32, #tpu.memory_space<vmem>>, vector<16xi32>,
    tpu.vector_store %arg8[%swap3A_161], %broadcast_in_dim3A_39 {strides = array<i32>} : memref<512xi32, #tpu.memory_space<vmem>>, vector<16xi32>,
    %swap3A_163 = arith.constant 496 : index
    %swap3A_164 = tpu.vector_load %arg7[%swap3A_163] {strides = array<i32>} : memref<512xf32, #tpu.memory_space<vmem>>, vector<16xf32>,
    tpu.vector_store %arg7[%swap3A_163], %sub3A_37 {strides = array<i32>} : memref<512xf32, #tpu.memory_space<vmem>>, vector<16xf32>,
    %swap3A_165 = arith.constant 496 : index
    %swap3A_166 = tpu.vector_load %arg8[%swap3A_165] {strides = array<i32>} : memref<512xi32, #tpu.memory_space<vmem>>, vector<16xi32>,
    tpu.vector_store %arg8[%swap3A_165], %broadcast_in_dim3A_39 {strides = array<i32>} : memref<512xi32, #tpu.memory_space<vmem>>, vector<16xi32>,
    %mul3A_167 = arith.constant 36864 : i32
    %mul3A_168 = arith.muli %select_n3A_30, %mul3A_167 : i32
    %scan3A = arith.constant 0 : i32
    %scan3A_169 = arith.constant 0 : i32
    %scan3A_170 = arith.constant 2304 : i32
    %scan3A_171 = arith.addi %scan3A_169, %scan3A_170 : i32
    %scan3A_172 = arith.constant 1 : i32
    %scan3A_173 = scf.for %scan3A_175 = %scan3A_169 to %scan3A_171 step %scan3A_172 iter_args(%scan3A_176 = %scan3A) -> (i32)  : i32 {
      %mul3A_177 = arith.constant 16 : i32
      %mul3A_178 = arith.muli %scan3A_175, %mul3A_177 : i32
      %multiple_of3A = tpu.assume_multiple %mul3A_178, 16 : i32
      %get3A_179 = arith.index_cast %multiple_of3A : i32 to index
      %get3A_180 = tpu.vector_load %arg6[%get3A_179] {strides = array<i32>} : memref<36864xf32, #tpu.memory_space<vmem>>, vector<16xf32>,
      %ge3A = arith.cmpf oge, %get3A_180, %get3A_31 : vector<16xf32>
      %convert_element_type3A = arith.extui %ge3A : vector<16xi1> to vector<16xi32>
      %reduce_sum3A = arith.constant true
      %reduce_sum3A_181 = vector.broadcast %reduce_sum3A : i1 to vector<16xi1>
      %reduce_sum3A_182 = tpu.scan <sum>, %convert_element_type3A masked %reduce_sum3A_181 : vector<16xi32>, vector<16xi1> -> vector<16xi32>
      %reduce_sum3A_183 = vector.extract %reduce_sum3A_182[15] : i32 from vector<16xi32>
      %gt3A = arith.constant 0 : i32
      %gt3A_184 = arith.cmpi sgt, %reduce_sum3A_183, %gt3A : i32
      %convert_element_type3A_185 = arith.extui %gt3A_184 : i1 to i32
      %cond3A = arith.constant 0 : i32
      %cond3A_186 = arith.cmpi ne, %convert_element_type3A_185, %cond3A : i32
      scf.if %cond3A_186 {
        %convert_element_type3A_188 = arith.extui %ge3A : vector<16xi1> to vector<16xi32>
        %broadcast_in_dim3A_189 = arith.constant true
        %broadcast_in_dim3A_190 = vector.broadcast %broadcast_in_dim3A_189 : i1 to vector<16xi1>
        %masked_cumsum3A = tpu.scan <sum>, %convert_element_type3A_188 masked %broadcast_in_dim3A_190 : vector<16xi32>, vector<16xi1> -> vector<16xi32>
        %sub3A_191 = arith.constant 1 : i32
        %sub3A_192 = vector.broadcast %sub3A_191 : i32 to vector<16xi32>
        %sub3A_193 = arith.subi %masked_cumsum3A, %sub3A_192 : vector<16xi32>
        %add3A_194 = vector.broadcast %scan3A_176 : i32 to vector<16xi32>
        %add3A_195 = arith.addi %sub3A_193, %add3A_194 : vector<16xi32>
        %lt3A_196 = arith.constant 512 : i32
        %lt3A_197 = vector.broadcast %lt3A_196 : i32 to vector<16xi32>
        %lt3A_198 = arith.cmpi slt, %add3A_195, %lt3A_197 : vector<16xi32>
        %and3A_199 = arith.andi %ge3A, %lt3A_198 : vector<16xi1>
        %jit3A_200 = arith.constant 0 : i32
        %jit3A_201 = arith.constant 511 : i32
        %max3A = vector.broadcast %jit3A_200 : i32 to vector<16xi32>
        %max3A_202 = arith.maxsi %max3A, %add3A_195 : vector<16xi32>
        %min3A = vector.broadcast %jit3A_201 : i32 to vector<16xi32>
        %min3A_203 = arith.minsi %min3A, %max3A_202 : vector<16xi32>
        tpu.vector_store_idx %arg7[%min3A_203], %get3A_180 masked %and3A_199 : memref<512xf32, #tpu.memory_space<vmem>>[vector<16xi32>], vector<16xf32>, vector<16xi1>
        %iota3A = tpu.iota {dimensions = array<i32: 0>} : vector<16xi32>
        %mul3A_204 = arith.constant 16 : i32
        %mul3A_205 = arith.muli %scan3A_175, %mul3A_204 : i32
        %add3A_206 = arith.addi %mul3A_168, %mul3A_205 : i32
        %add3A_207 = vector.broadcast %add3A_206 : i32 to vector<16xi32>
        %add3A_208 = arith.addi %iota3A, %add3A_207 : vector<16xi32>
        tpu.vector_store_idx %arg8[%min3A_203], %add3A_208 masked %and3A_199 : memref<512xi32, #tpu.memory_space<vmem>>[vector<16xi32>], vector<16xi32>, vector<16xi1>
      } else {
      }
      %add3A_187 = arith.addi %scan3A_176, %reduce_sum3A_183 : i32
      scf.yield %add3A_187 : i32
    }
    %scan3A_174 = arith.constant 2304 : i32
    "tpu.region"() ({
      %run_scoped3A = tpu.sem_alloc : memref<!tpu.dma_semaphore, #tpu.memory_space<semaphore_mem>>
      %dma_start3A = arith.constant 0 : i32
      %dma_start3A_175 = tpu.memref_slice %arg4[%add3A, %dma_start3A] : memref<32x512xf32, #tpu.memory_space<hbm>> -> memref<1x512xf32, #tpu.memory_space<hbm>>
      %dma_start3A_176 = tpu.memref_squeeze %dma_start3A_175 : memref<1x512xf32, #tpu.memory_space<hbm>> -> memref<512xf32, #tpu.memory_space<hbm>>
      %dma_start3A_177 = arith.constant 0 : i32
      %dma_start3A_178 = tpu.memref_slice %arg4[%add3A, %dma_start3A_177] : memref<32x512xf32, #tpu.memory_space<hbm>> -> memref<1x512xf32, #tpu.memory_space<hbm>>
      %dma_start3A_179 = tpu.memref_squeeze %dma_start3A_178 : memref<1x512xf32, #tpu.memory_space<hbm>> -> memref<512xf32, #tpu.memory_space<hbm>>
      tpu.enqueue_dma source(%arg7 : memref<512xf32, #tpu.memory_space<vmem>>) target(%dma_start3A_179 : memref<512xf32, #tpu.memory_space<hbm>>) target_semaphore(%run_scoped3A : memref<!tpu.dma_semaphore, #tpu.memory_space<semaphore_mem>>)
      %dma_wait3A = arith.constant 0 : i32
      %dma_wait3A_180 = tpu.memref_slice %arg4[%add3A, %dma_wait3A] : memref<32x512xf32, #tpu.memory_space<hbm>> -> memref<1x512xf32, #tpu.memory_space<hbm>>
      %dma_wait3A_181 = tpu.memref_squeeze %dma_wait3A_180 : memref<1x512xf32, #tpu.memory_space<hbm>> -> memref<512xf32, #tpu.memory_space<hbm>>
      %dma_wait3A_182 = arith.constant 0 : i32
      %dma_wait3A_183 = tpu.memref_slice %arg4[%add3A, %dma_wait3A_182] : memref<32x512xf32, #tpu.memory_space<hbm>> -> memref<1x512xf32, #tpu.memory_space<hbm>>
      %dma_wait3A_184 = tpu.memref_squeeze %dma_wait3A_183 : memref<1x512xf32, #tpu.memory_space<hbm>> -> memref<512xf32, #tpu.memory_space<hbm>>
      tpu.wait_dma2 semaphore(%run_scoped3A : memref<!tpu.dma_semaphore, #tpu.memory_space<semaphore_mem>>) src(%arg7 : memref<512xf32, #tpu.memory_space<vmem>>) dst(%dma_wait3A_184 : memref<512xf32, #tpu.memory_space<hbm>>)
      tpu.yield
    }) : () -> ()
    "tpu.region"() ({
      %run_scoped3A = tpu.sem_alloc : memref<!tpu.dma_semaphore, #tpu.memory_space<semaphore_mem>>
      %dma_start3A = arith.constant 0 : i32
      %dma_start3A_175 = tpu.memref_slice %arg5[%add3A, %dma_start3A] : memref<32x512xi32, #tpu.memory_space<hbm>> -> memref<1x512xi32, #tpu.memory_space<hbm>>
      %dma_start3A_176 = tpu.memref_squeeze %dma_start3A_175 : memref<1x512xi32, #tpu.memory_space<hbm>> -> memref<512xi32, #tpu.memory_space<hbm>>
      %dma_start3A_177 = arith.constant 0 : i32
      %dma_start3A_178 = tpu.memref_slice %arg5[%add3A, %dma_start3A_177] : memref<32x512xi32, #tpu.memory_space<hbm>> -> memref<1x512xi32, #tpu.memory_space<hbm>>
      %dma_start3A_179 = tpu.memref_squeeze %dma_start3A_178 : memref<1x512xi32, #tpu.memory_space<hbm>> -> memref<512xi32, #tpu.memory_space<hbm>>
      tpu.enqueue_dma source(%arg8 : memref<512xi32, #tpu.memory_space<vmem>>) target(%dma_start3A_179 : memref<512xi32, #tpu.memory_space<hbm>>) target_semaphore(%run_scoped3A : memref<!tpu.dma_semaphore, #tpu.memory_space<semaphore_mem>>)
      %dma_wait3A = arith.constant 0 : i32
      %dma_wait3A_180 = tpu.memref_slice %arg5[%add3A, %dma_wait3A] : memref<32x512xi32, #tpu.memory_space<hbm>> -> memref<1x512xi32, #tpu.memory_space<hbm>>
      %dma_wait3A_181 = tpu.memref_squeeze %dma_wait3A_180 : memref<1x512xi32, #tpu.memory_space<hbm>> -> memref<512xi32, #tpu.memory_space<hbm>>
      %dma_wait3A_182 = arith.constant 0 : i32
      %dma_wait3A_183 = tpu.memref_slice %arg5[%add3A, %dma_wait3A_182] : memref<32x512xi32, #tpu.memory_space<hbm>> -> memref<1x512xi32, #tpu.memory_space<hbm>>
      %dma_wait3A_184 = tpu.memref_squeeze %dma_wait3A_183 : memref<1x512xi32, #tpu.memory_space<hbm>> -> memref<512xi32, #tpu.memory_space<hbm>>
      tpu.wait_dma2 semaphore(%run_scoped3A : memref<!tpu.dma_semaphore, #tpu.memory_space<semaphore_mem>>) src(%arg8 : memref<512xi32, #tpu.memory_space<vmem>>) dst(%dma_wait3A_184 : memref<512xi32, #tpu.memory_space<hbm>>)
      tpu.yield
    }) : () -> ()
    return
  }
}

#map = affine_map<(d0, d1) -> (0, 0)>
#map1 = affine_map<(d0, d1) -> (0)>
module attributes {stable_mosaic.version = 14 : i64} {
  func.func @_scatter_body(%arg0: i32, %arg1: i32, %arg2: memref<8x2048xf32, #tpu.memory_space<hbm>>, %arg3: memref<8x2048xi32, #tpu.memory_space<hbm>>, %arg4: memref<18432xf32, #tpu.memory_space<hbm>>, %arg5: memref<589824xf32, #tpu.memory_space<hbm>>, %arg6: memref<18432xf32, #tpu.memory_space<vmem>>, %arg7: memref<2048xf32, #tpu.memory_space<vmem>>, %arg8: memref<2048xf32, #tpu.memory_space<vmem>>, %arg9: memref<2048xi32, #tpu.memory_space<vmem>>, %arg10: memref<2048xi32, #tpu.memory_space<vmem>>) attributes {dimension_semantics = [#tpu.dimension_semantics<core_parallel>, #tpu.dimension_semantics<subcore_parallel>], iteration_bounds = array<i64: 2, 16>, scalar_prefetch = 0 : i64, scratch_operands = 5 : i64, tpu.core_type = #tpu.core_type<sc_vector_subcore>, window_params = [{transform_indices = #map}, {transform_indices = #map}, {transform_indices = #map1}, {transform_indices = #map1}]} {
    %mul3A = arith.constant 2 : i32
    %mul3A_0 = arith.muli %arg1, %mul3A : i32
    %add3A = arith.addi %mul3A_0, %arg0 : i32
    %jit3A = arith.constant 8 : i32
    %div3A = arith.divsi %add3A, %jit3A : i32
    %sign3A = arith.constant 0 : i32
    %sign3A_1 = arith.cmpi sgt, %add3A, %sign3A : i32
    %sign3A_2 = arith.extui %sign3A_1 : i1 to i32
    %sign3A_3 = arith.constant 0 : i32
    %sign3A_4 = arith.cmpi slt, %add3A, %sign3A_3 : i32
    %sign3A_5 = arith.extui %sign3A_4 : i1 to i32
    %sign3A_6 = arith.subi %sign3A_2, %sign3A_5 : i32
    %sign3A_7 = arith.constant 0 : i32
    %sign3A_8 = arith.cmpi sgt, %jit3A, %sign3A_7 : i32
    %sign3A_9 = arith.extui %sign3A_8 : i1 to i32
    %sign3A_10 = arith.constant 0 : i32
    %sign3A_11 = arith.cmpi slt, %jit3A, %sign3A_10 : i32
    %sign3A_12 = arith.extui %sign3A_11 : i1 to i32
    %sign3A_13 = arith.subi %sign3A_9, %sign3A_12 : i32
    %ne3A = arith.cmpi ne, %sign3A_6, %sign3A_13 : i32
    %rem3A = arith.remsi %add3A, %jit3A : i32
    %ne3A_14 = arith.constant 0 : i32
    %ne3A_15 = arith.cmpi ne, %rem3A, %ne3A_14 : i32
    %and3A = arith.andi %ne3A, %ne3A_15 : i1
    %sub3A = arith.constant 1 : i32
    %sub3A_16 = arith.subi %div3A, %sub3A : i32
    %select_n3A = arith.select %and3A, %sub3A_16, %div3A : i32
    %jit3A_17 = arith.constant 8 : i32
    %eq3A = arith.constant 0 : i32
    %eq3A_18 = arith.cmpi eq, %jit3A_17, %eq3A : i32
    %jit3A_19 = arith.constant 1 : i32
    %select_n3A_20 = arith.select %eq3A_18, %jit3A_19, %jit3A_17 : i32
    %rem3A_21 = arith.remsi %add3A, %select_n3A_20 : i32
    %ne3A_22 = arith.constant 0 : i32
    %ne3A_23 = arith.cmpi ne, %rem3A_21, %ne3A_22 : i32
    %lt3A = arith.constant 0 : i32
    %lt3A_24 = arith.cmpi slt, %rem3A_21, %lt3A : i32
    %lt3A_25 = arith.constant 0 : i32
    %lt3A_26 = arith.cmpi slt, %select_n3A_20, %lt3A_25 : i32
    %ne3A_27 = arith.xori %lt3A_24, %lt3A_26 : i1
    %and3A_28 = arith.andi %ne3A_27, %ne3A_23 : i1
    %add3A_29 = arith.addi %rem3A_21, %select_n3A_20 : i32
    %select_n3A_30 = arith.select %and3A_28, %add3A_29, %rem3A_21 : i32
    %mul3A_31 = arith.constant 18432 : i32
    %mul3A_32 = arith.muli %select_n3A_30, %mul3A_31 : i32
    "tpu.region"() ({
      %run_scoped3A = tpu.sem_alloc : memref<!tpu.dma_semaphore, #tpu.memory_space<semaphore_mem>>
      tpu.enqueue_dma source(%arg4 : memref<18432xf32, #tpu.memory_space<hbm>>) target(%arg6 : memref<18432xf32, #tpu.memory_space<vmem>>) target_semaphore(%run_scoped3A : memref<!tpu.dma_semaphore, #tpu.memory_space<semaphore_mem>>)
      tpu.wait_dma2 semaphore(%run_scoped3A : memref<!tpu.dma_semaphore, #tpu.memory_space<semaphore_mem>>) src(%arg4 : memref<18432xf32, #tpu.memory_space<hbm>>) dst(%arg6 : memref<18432xf32, #tpu.memory_space<vmem>>)
      tpu.yield
    }) : () -> ()
    "tpu.region"() ({
      %run_scoped3A = tpu.sem_alloc : memref<!tpu.dma_semaphore, #tpu.memory_space<semaphore_mem>>
      %dma_start3A = arith.constant 0 : i32
      %dma_start3A_44 = tpu.memref_slice %arg2[%select_n3A, %dma_start3A] : memref<8x2048xf32, #tpu.memory_space<hbm>> -> memref<1x2048xf32, #tpu.memory_space<hbm>>
      %dma_start3A_45 = tpu.memref_squeeze %dma_start3A_44 : memref<1x2048xf32, #tpu.memory_space<hbm>> -> memref<2048xf32, #tpu.memory_space<hbm>>
      %dma_start3A_46 = arith.constant 0 : i32
      %dma_start3A_47 = tpu.memref_slice %arg2[%select_n3A, %dma_start3A_46] : memref<8x2048xf32, #tpu.memory_space<hbm>> -> memref<1x2048xf32, #tpu.memory_space<hbm>>
      %dma_start3A_48 = tpu.memref_squeeze %dma_start3A_47 : memref<1x2048xf32, #tpu.memory_space<hbm>> -> memref<2048xf32, #tpu.memory_space<hbm>>
      tpu.enqueue_dma source(%dma_start3A_48 : memref<2048xf32, #tpu.memory_space<hbm>>) target(%arg7 : memref<2048xf32, #tpu.memory_space<vmem>>) target_semaphore(%run_scoped3A : memref<!tpu.dma_semaphore, #tpu.memory_space<semaphore_mem>>)
      %dma_wait3A = arith.constant 0 : i32
      %dma_wait3A_49 = tpu.memref_slice %arg2[%select_n3A, %dma_wait3A] : memref<8x2048xf32, #tpu.memory_space<hbm>> -> memref<1x2048xf32, #tpu.memory_space<hbm>>
      %dma_wait3A_50 = tpu.memref_squeeze %dma_wait3A_49 : memref<1x2048xf32, #tpu.memory_space<hbm>> -> memref<2048xf32, #tpu.memory_space<hbm>>
      %dma_wait3A_51 = arith.constant 0 : i32
      %dma_wait3A_52 = tpu.memref_slice %arg2[%select_n3A, %dma_wait3A_51] : memref<8x2048xf32, #tpu.memory_space<hbm>> -> memref<1x2048xf32, #tpu.memory_space<hbm>>
      %dma_wait3A_53 = tpu.memref_squeeze %dma_wait3A_52 : memref<1x2048xf32, #tpu.memory_space<hbm>> -> memref<2048xf32, #tpu.memory_space<hbm>>
      tpu.wait_dma2 semaphore(%run_scoped3A : memref<!tpu.dma_semaphore, #tpu.memory_space<semaphore_mem>>) src(%dma_wait3A_53 : memref<2048xf32, #tpu.memory_space<hbm>>) dst(%arg7 : memref<2048xf32, #tpu.memory_space<vmem>>)
      tpu.yield
    }) : () -> ()
    %add3A_33 = arith.constant 4 : i32
    %add3A_34 = arith.addi %add3A_33, %select_n3A : i32
    "tpu.region"() ({
      %run_scoped3A = tpu.sem_alloc : memref<!tpu.dma_semaphore, #tpu.memory_space<semaphore_mem>>
      %dma_start3A = arith.constant 0 : i32
      %dma_start3A_44 = tpu.memref_slice %arg2[%add3A_34, %dma_start3A] : memref<8x2048xf32, #tpu.memory_space<hbm>> -> memref<1x2048xf32, #tpu.memory_space<hbm>>
      %dma_start3A_45 = tpu.memref_squeeze %dma_start3A_44 : memref<1x2048xf32, #tpu.memory_space<hbm>> -> memref<2048xf32, #tpu.memory_space<hbm>>
      %dma_start3A_46 = arith.constant 0 : i32
      %dma_start3A_47 = tpu.memref_slice %arg2[%add3A_34, %dma_start3A_46] : memref<8x2048xf32, #tpu.memory_space<hbm>> -> memref<1x2048xf32, #tpu.memory_space<hbm>>
      %dma_start3A_48 = tpu.memref_squeeze %dma_start3A_47 : memref<1x2048xf32, #tpu.memory_space<hbm>> -> memref<2048xf32, #tpu.memory_space<hbm>>
      tpu.enqueue_dma source(%dma_start3A_48 : memref<2048xf32, #tpu.memory_space<hbm>>) target(%arg8 : memref<2048xf32, #tpu.memory_space<vmem>>) target_semaphore(%run_scoped3A : memref<!tpu.dma_semaphore, #tpu.memory_space<semaphore_mem>>)
      %dma_wait3A = arith.constant 0 : i32
      %dma_wait3A_49 = tpu.memref_slice %arg2[%add3A_34, %dma_wait3A] : memref<8x2048xf32, #tpu.memory_space<hbm>> -> memref<1x2048xf32, #tpu.memory_space<hbm>>
      %dma_wait3A_50 = tpu.memref_squeeze %dma_wait3A_49 : memref<1x2048xf32, #tpu.memory_space<hbm>> -> memref<2048xf32, #tpu.memory_space<hbm>>
      %dma_wait3A_51 = arith.constant 0 : i32
      %dma_wait3A_52 = tpu.memref_slice %arg2[%add3A_34, %dma_wait3A_51] : memref<8x2048xf32, #tpu.memory_space<hbm>> -> memref<1x2048xf32, #tpu.memory_space<hbm>>
      %dma_wait3A_53 = tpu.memref_squeeze %dma_wait3A_52 : memref<1x2048xf32, #tpu.memory_space<hbm>> -> memref<2048xf32, #tpu.memory_space<hbm>>
      tpu.wait_dma2 semaphore(%run_scoped3A : memref<!tpu.dma_semaphore, #tpu.memory_space<semaphore_mem>>) src(%dma_wait3A_53 : memref<2048xf32, #tpu.memory_space<hbm>>) dst(%arg8 : memref<2048xf32, #tpu.memory_space<vmem>>)
      tpu.yield
    }) : () -> ()
    "tpu.region"() ({
      %run_scoped3A = tpu.sem_alloc : memref<!tpu.dma_semaphore, #tpu.memory_space<semaphore_mem>>
      %dma_start3A = arith.constant 0 : i32
      %dma_start3A_44 = tpu.memref_slice %arg3[%select_n3A, %dma_start3A] : memref<8x2048xi32, #tpu.memory_space<hbm>> -> memref<1x2048xi32, #tpu.memory_space<hbm>>
      %dma_start3A_45 = tpu.memref_squeeze %dma_start3A_44 : memref<1x2048xi32, #tpu.memory_space<hbm>> -> memref<2048xi32, #tpu.memory_space<hbm>>
      %dma_start3A_46 = arith.constant 0 : i32
      %dma_start3A_47 = tpu.memref_slice %arg3[%select_n3A, %dma_start3A_46] : memref<8x2048xi32, #tpu.memory_space<hbm>> -> memref<1x2048xi32, #tpu.memory_space<hbm>>
      %dma_start3A_48 = tpu.memref_squeeze %dma_start3A_47 : memref<1x2048xi32, #tpu.memory_space<hbm>> -> memref<2048xi32, #tpu.memory_space<hbm>>
      tpu.enqueue_dma source(%dma_start3A_48 : memref<2048xi32, #tpu.memory_space<hbm>>) target(%arg9 : memref<2048xi32, #tpu.memory_space<vmem>>) target_semaphore(%run_scoped3A : memref<!tpu.dma_semaphore, #tpu.memory_space<semaphore_mem>>)
      %dma_wait3A = arith.constant 0 : i32
      %dma_wait3A_49 = tpu.memref_slice %arg3[%select_n3A, %dma_wait3A] : memref<8x2048xi32, #tpu.memory_space<hbm>> -> memref<1x2048xi32, #tpu.memory_space<hbm>>
      %dma_wait3A_50 = tpu.memref_squeeze %dma_wait3A_49 : memref<1x2048xi32, #tpu.memory_space<hbm>> -> memref<2048xi32, #tpu.memory_space<hbm>>
      %dma_wait3A_51 = arith.constant 0 : i32
      %dma_wait3A_52 = tpu.memref_slice %arg3[%select_n3A, %dma_wait3A_51] : memref<8x2048xi32, #tpu.memory_space<hbm>> -> memref<1x2048xi32, #tpu.memory_space<hbm>>
      %dma_wait3A_53 = tpu.memref_squeeze %dma_wait3A_52 : memref<1x2048xi32, #tpu.memory_space<hbm>> -> memref<2048xi32, #tpu.memory_space<hbm>>
      tpu.wait_dma2 semaphore(%run_scoped3A : memref<!tpu.dma_semaphore, #tpu.memory_space<semaphore_mem>>) src(%dma_wait3A_53 : memref<2048xi32, #tpu.memory_space<hbm>>) dst(%arg9 : memref<2048xi32, #tpu.memory_space<vmem>>)
      tpu.yield
    }) : () -> ()
    %add3A_35 = arith.constant 4 : i32
    %add3A_36 = arith.addi %add3A_35, %select_n3A : i32
    "tpu.region"() ({
      %run_scoped3A = tpu.sem_alloc : memref<!tpu.dma_semaphore, #tpu.memory_space<semaphore_mem>>
      %dma_start3A = arith.constant 0 : i32
      %dma_start3A_44 = tpu.memref_slice %arg3[%add3A_36, %dma_start3A] : memref<8x2048xi32, #tpu.memory_space<hbm>> -> memref<1x2048xi32, #tpu.memory_space<hbm>>
      %dma_start3A_45 = tpu.memref_squeeze %dma_start3A_44 : memref<1x2048xi32, #tpu.memory_space<hbm>> -> memref<2048xi32, #tpu.memory_space<hbm>>
      %dma_start3A_46 = arith.constant 0 : i32
      %dma_start3A_47 = tpu.memref_slice %arg3[%add3A_36, %dma_start3A_46] : memref<8x2048xi32, #tpu.memory_space<hbm>> -> memref<1x2048xi32, #tpu.memory_space<hbm>>
      %dma_start3A_48 = tpu.memref_squeeze %dma_start3A_47 : memref<1x2048xi32, #tpu.memory_space<hbm>> -> memref<2048xi32, #tpu.memory_space<hbm>>
      tpu.enqueue_dma source(%dma_start3A_48 : memref<2048xi32, #tpu.memory_space<hbm>>) target(%arg10 : memref<2048xi32, #tpu.memory_space<vmem>>) target_semaphore(%run_scoped3A : memref<!tpu.dma_semaphore, #tpu.memory_space<semaphore_mem>>)
      %dma_wait3A = arith.constant 0 : i32
      %dma_wait3A_49 = tpu.memref_slice %arg3[%add3A_36, %dma_wait3A] : memref<8x2048xi32, #tpu.memory_space<hbm>> -> memref<1x2048xi32, #tpu.memory_space<hbm>>
      %dma_wait3A_50 = tpu.memref_squeeze %dma_wait3A_49 : memref<1x2048xi32, #tpu.memory_space<hbm>> -> memref<2048xi32, #tpu.memory_space<hbm>>
      %dma_wait3A_51 = arith.constant 0 : i32
      %dma_wait3A_52 = tpu.memref_slice %arg3[%add3A_36, %dma_wait3A_51] : memref<8x2048xi32, #tpu.memory_space<hbm>> -> memref<1x2048xi32, #tpu.memory_space<hbm>>
      %dma_wait3A_53 = tpu.memref_squeeze %dma_wait3A_52 : memref<1x2048xi32, #tpu.memory_space<hbm>> -> memref<2048xi32, #tpu.memory_space<hbm>>
      tpu.wait_dma2 semaphore(%run_scoped3A : memref<!tpu.dma_semaphore, #tpu.memory_space<semaphore_mem>>) src(%dma_wait3A_53 : memref<2048xi32, #tpu.memory_space<hbm>>) dst(%arg10 : memref<2048xi32, #tpu.memory_space<vmem>>)
      tpu.yield
    }) : () -> ()
    %scan3A = arith.constant 0 : i32
    %scan3A_37 = arith.constant 0 : i32
    %scan3A_38 = arith.constant 128 : i32
    %scan3A_39 = arith.addi %scan3A_37, %scan3A_38 : i32
    %scan3A_40 = arith.constant 1 : i32
    scf.for %scan3A_44 = %scan3A_37 to %scan3A_39 step %scan3A_40  : i32 {
      %mul3A_45 = arith.constant 16 : i32
      %mul3A_46 = arith.muli %scan3A_44, %mul3A_45 : i32
      %multiple_of3A = tpu.assume_multiple %mul3A_46, 16 : i32
      %get3A = arith.index_cast %multiple_of3A : i32 to index
      %get3A_47 = tpu.vector_load %arg7[%get3A] {strides = array<i32>} : memref<2048xf32, #tpu.memory_space<vmem>>, vector<16xf32>,
      %get3A_48 = arith.index_cast %multiple_of3A : i32 to index
      %get3A_49 = tpu.vector_load %arg9[%get3A_48] {strides = array<i32>} : memref<2048xi32, #tpu.memory_space<vmem>>, vector<16xi32>,
      %sub3A_50 = vector.broadcast %mul3A_32 : i32 to vector<16xi32>
      %sub3A_51 = arith.subi %get3A_49, %sub3A_50 : vector<16xi32>
      %ge3A = arith.constant 0 : i32
      %ge3A_52 = vector.broadcast %ge3A : i32 to vector<16xi32>
      %ge3A_53 = arith.cmpi sge, %sub3A_51, %ge3A_52 : vector<16xi32>
      %lt3A_54 = arith.constant 18432 : i32
      %lt3A_55 = vector.broadcast %lt3A_54 : i32 to vector<16xi32>
      %lt3A_56 = arith.cmpi slt, %sub3A_51, %lt3A_55 : vector<16xi32>
      %and3A_57 = arith.andi %ge3A_53, %lt3A_56 : vector<16xi1>
      %jit3A_58 = arith.constant 0 : i32
      %jit3A_59 = arith.constant 18431 : i32
      %max3A = vector.broadcast %jit3A_58 : i32 to vector<16xi32>
      %max3A_60 = arith.maxsi %max3A, %sub3A_51 : vector<16xi32>
      %min3A = vector.broadcast %jit3A_59 : i32 to vector<16xi32>
      %min3A_61 = arith.minsi %min3A, %max3A_60 : vector<16xi32>
      tpu.vector_store_idx %arg6[%min3A_61], %get3A_47 masked %and3A_57 {add = true} : memref<18432xf32, #tpu.memory_space<vmem>>[vector<16xi32>], vector<16xf32>, vector<16xi1>
      %get3A_62 = arith.index_cast %multiple_of3A : i32 to index
      %get3A_63 = tpu.vector_load %arg8[%get3A_62] {strides = array<i32>} : memref<2048xf32, #tpu.memory_space<vmem>>, vector<16xf32>,
      %get3A_64 = arith.index_cast %multiple_of3A : i32 to index
      %get3A_65 = tpu.vector_load %arg10[%get3A_64] {strides = array<i32>} : memref<2048xi32, #tpu.memory_space<vmem>>, vector<16xi32>,
      %sub3A_66 = vector.broadcast %mul3A_32 : i32 to vector<16xi32>
      %sub3A_67 = arith.subi %get3A_65, %sub3A_66 : vector<16xi32>
      %ge3A_68 = arith.constant 0 : i32
      %ge3A_69 = vector.broadcast %ge3A_68 : i32 to vector<16xi32>
      %ge3A_70 = arith.cmpi sge, %sub3A_67, %ge3A_69 : vector<16xi32>
      %lt3A_71 = arith.constant 18432 : i32
      %lt3A_72 = vector.broadcast %lt3A_71 : i32 to vector<16xi32>
      %lt3A_73 = arith.cmpi slt, %sub3A_67, %lt3A_72 : vector<16xi32>
      %and3A_74 = arith.andi %ge3A_70, %lt3A_73 : vector<16xi1>
      %jit3A_75 = arith.constant 0 : i32
      %jit3A_76 = arith.constant 18431 : i32
      %max3A_77 = vector.broadcast %jit3A_75 : i32 to vector<16xi32>
      %max3A_78 = arith.maxsi %max3A_77, %sub3A_67 : vector<16xi32>
      %min3A_79 = vector.broadcast %jit3A_76 : i32 to vector<16xi32>
      %min3A_80 = arith.minsi %min3A_79, %max3A_78 : vector<16xi32>
      tpu.vector_store_idx %arg6[%min3A_80], %get3A_63 masked %and3A_74 {add = true} : memref<18432xf32, #tpu.memory_space<vmem>>[vector<16xi32>], vector<16xf32>, vector<16xi1>
    }
    %scan3A_41 = arith.constant 128 : i32
    %mul3A_42 = arith.constant 18432 : i32
    %mul3A_43 = arith.muli %add3A, %mul3A_42 : i32
    "tpu.region"() ({
      %run_scoped3A = tpu.sem_alloc : memref<!tpu.dma_semaphore, #tpu.memory_space<semaphore_mem>>
      %dma_start3A = tpu.memref_slice %arg5[%mul3A_43] : memref<589824xf32, #tpu.memory_space<hbm>> -> memref<18432xf32, #tpu.memory_space<hbm>>
      %dma_start3A_44 = tpu.memref_slice %arg5[%mul3A_43] : memref<589824xf32, #tpu.memory_space<hbm>> -> memref<18432xf32, #tpu.memory_space<hbm>>
      tpu.enqueue_dma source(%arg6 : memref<18432xf32, #tpu.memory_space<vmem>>) target(%dma_start3A_44 : memref<18432xf32, #tpu.memory_space<hbm>>) target_semaphore(%run_scoped3A : memref<!tpu.dma_semaphore, #tpu.memory_space<semaphore_mem>>)
      %dma_wait3A = tpu.memref_slice %arg5[%mul3A_43] : memref<589824xf32, #tpu.memory_space<hbm>> -> memref<18432xf32, #tpu.memory_space<hbm>>
      %dma_wait3A_45 = tpu.memref_slice %arg5[%mul3A_43] : memref<589824xf32, #tpu.memory_space<hbm>> -> memref<18432xf32, #tpu.memory_space<hbm>>
      tpu.wait_dma2 semaphore(%run_scoped3A : memref<!tpu.dma_semaphore, #tpu.memory_space<semaphore_mem>>) src(%arg6 : memref<18432xf32, #tpu.memory_space<vmem>>) dst(%dma_wait3A_45 : memref<18432xf32, #tpu.memory_space<hbm>>)
      tpu.yield
    }) : () -> ()
    return
  }
}

#map = affine_map<(d0, d1) -> (0)>
module attributes {stable_mosaic.version = 14 : i64} {
  func.func @_warp_body(%arg0: i32, %arg1: i32, %arg2: memref<589824xf32, #tpu.memory_space<hbm>>, %arg3: memref<589824xi32, #tpu.memory_space<hbm>>, %arg4: memref<589824xi32, #tpu.memory_space<hbm>>, %arg5: memref<589824xi32, #tpu.memory_space<hbm>>, %arg6: memref<589824xi32, #tpu.memory_space<hbm>>, %arg7: memref<589824xf32, #tpu.memory_space<hbm>>, %arg8: memref<589824xf32, #tpu.memory_space<hbm>>, %arg9: memref<589824xf32, #tpu.memory_space<hbm>>, %arg10: memref<589824xf32, #tpu.memory_space<hbm>>, %arg11: memref<589824xf32, #tpu.memory_space<hbm>>, %arg12: memref<4608xi32, #tpu.memory_space<vmem>>, %arg13: memref<4608xi32, #tpu.memory_space<vmem>>, %arg14: memref<4608xi32, #tpu.memory_space<vmem>>, %arg15: memref<4608xi32, #tpu.memory_space<vmem>>, %arg16: memref<4608xf32, #tpu.memory_space<vmem>>, %arg17: memref<4608xf32, #tpu.memory_space<vmem>>, %arg18: memref<4608xf32, #tpu.memory_space<vmem>>, %arg19: memref<4608xf32, #tpu.memory_space<vmem>>, %arg20: memref<4608xf32, #tpu.memory_space<vmem>>, %arg21: memref<4608xf32, #tpu.memory_space<vmem>>, %arg22: memref<4608xf32, #tpu.memory_space<vmem>>, %arg23: memref<4608xf32, #tpu.memory_space<vmem>>, %arg24: memref<4608xf32, #tpu.memory_space<vmem>>, %arg25: memref<!tpu.dma_semaphore, #tpu.memory_space<semaphore_mem>>) attributes {dimension_semantics = [#tpu.dimension_semantics<core_parallel>, #tpu.dimension_semantics<subcore_parallel>], iteration_bounds = array<i64: 2, 16>, scalar_prefetch = 0 : i64, scratch_operands = 14 : i64, tpu.core_type = #tpu.core_type<sc_vector_subcore>, window_params = [{transform_indices = #map}, {transform_indices = #map}, {transform_indices = #map}, {transform_indices = #map}, {transform_indices = #map}, {transform_indices = #map}, {transform_indices = #map}, {transform_indices = #map}, {transform_indices = #map}, {transform_indices = #map}]} {
    %mul3A = arith.constant 2 : i32
    %mul3A_0 = arith.muli %arg1, %mul3A : i32
    %add3A = arith.addi %mul3A_0, %arg0 : i32
    %mul3A_1 = arith.constant 18432 : i32
    %mul3A_2 = arith.muli %add3A, %mul3A_1 : i32
    %add3A_3 = arith.constant 0 : i32
    %add3A_4 = arith.addi %mul3A_2, %add3A_3 : i32
    "tpu.region"() ({
      %run_scoped3A = tpu.sem_alloc : memref<!tpu.dma_semaphore, #tpu.memory_space<semaphore_mem>>
      %dma_start3A_102 = tpu.memref_slice %arg3[%add3A_4] : memref<589824xi32, #tpu.memory_space<hbm>> -> memref<4608xi32, #tpu.memory_space<hbm>>
      %dma_start3A_103 = tpu.memref_slice %arg3[%add3A_4] : memref<589824xi32, #tpu.memory_space<hbm>> -> memref<4608xi32, #tpu.memory_space<hbm>>
      tpu.enqueue_dma source(%dma_start3A_103 : memref<4608xi32, #tpu.memory_space<hbm>>) target(%arg12 : memref<4608xi32, #tpu.memory_space<vmem>>) target_semaphore(%run_scoped3A : memref<!tpu.dma_semaphore, #tpu.memory_space<semaphore_mem>>)
      %dma_wait3A_104 = tpu.memref_slice %arg3[%add3A_4] : memref<589824xi32, #tpu.memory_space<hbm>> -> memref<4608xi32, #tpu.memory_space<hbm>>
      %dma_wait3A_105 = tpu.memref_slice %arg3[%add3A_4] : memref<589824xi32, #tpu.memory_space<hbm>> -> memref<4608xi32, #tpu.memory_space<hbm>>
      tpu.wait_dma2 semaphore(%run_scoped3A : memref<!tpu.dma_semaphore, #tpu.memory_space<semaphore_mem>>) src(%dma_wait3A_105 : memref<4608xi32, #tpu.memory_space<hbm>>) dst(%arg12 : memref<4608xi32, #tpu.memory_space<vmem>>)
      tpu.yield
    }) : () -> ()
    "tpu.region"() ({
      %run_scoped3A = tpu.sem_alloc : memref<!tpu.dma_semaphore, #tpu.memory_space<semaphore_mem>>
      %dma_start3A_102 = tpu.memref_slice %arg4[%add3A_4] : memref<589824xi32, #tpu.memory_space<hbm>> -> memref<4608xi32, #tpu.memory_space<hbm>>
      %dma_start3A_103 = tpu.memref_slice %arg4[%add3A_4] : memref<589824xi32, #tpu.memory_space<hbm>> -> memref<4608xi32, #tpu.memory_space<hbm>>
      tpu.enqueue_dma source(%dma_start3A_103 : memref<4608xi32, #tpu.memory_space<hbm>>) target(%arg13 : memref<4608xi32, #tpu.memory_space<vmem>>) target_semaphore(%run_scoped3A : memref<!tpu.dma_semaphore, #tpu.memory_space<semaphore_mem>>)
      %dma_wait3A_104 = tpu.memref_slice %arg4[%add3A_4] : memref<589824xi32, #tpu.memory_space<hbm>> -> memref<4608xi32, #tpu.memory_space<hbm>>
      %dma_wait3A_105 = tpu.memref_slice %arg4[%add3A_4] : memref<589824xi32, #tpu.memory_space<hbm>> -> memref<4608xi32, #tpu.memory_space<hbm>>
      tpu.wait_dma2 semaphore(%run_scoped3A : memref<!tpu.dma_semaphore, #tpu.memory_space<semaphore_mem>>) src(%dma_wait3A_105 : memref<4608xi32, #tpu.memory_space<hbm>>) dst(%arg13 : memref<4608xi32, #tpu.memory_space<vmem>>)
      tpu.yield
    }) : () -> ()
    "tpu.region"() ({
      %run_scoped3A = tpu.sem_alloc : memref<!tpu.dma_semaphore, #tpu.memory_space<semaphore_mem>>
      %dma_start3A_102 = tpu.memref_slice %arg5[%add3A_4] : memref<589824xi32, #tpu.memory_space<hbm>> -> memref<4608xi32, #tpu.memory_space<hbm>>
      %dma_start3A_103 = tpu.memref_slice %arg5[%add3A_4] : memref<589824xi32, #tpu.memory_space<hbm>> -> memref<4608xi32, #tpu.memory_space<hbm>>
      tpu.enqueue_dma source(%dma_start3A_103 : memref<4608xi32, #tpu.memory_space<hbm>>) target(%arg14 : memref<4608xi32, #tpu.memory_space<vmem>>) target_semaphore(%run_scoped3A : memref<!tpu.dma_semaphore, #tpu.memory_space<semaphore_mem>>)
      %dma_wait3A_104 = tpu.memref_slice %arg5[%add3A_4] : memref<589824xi32, #tpu.memory_space<hbm>> -> memref<4608xi32, #tpu.memory_space<hbm>>
      %dma_wait3A_105 = tpu.memref_slice %arg5[%add3A_4] : memref<589824xi32, #tpu.memory_space<hbm>> -> memref<4608xi32, #tpu.memory_space<hbm>>
      tpu.wait_dma2 semaphore(%run_scoped3A : memref<!tpu.dma_semaphore, #tpu.memory_space<semaphore_mem>>) src(%dma_wait3A_105 : memref<4608xi32, #tpu.memory_space<hbm>>) dst(%arg14 : memref<4608xi32, #tpu.memory_space<vmem>>)
      tpu.yield
    }) : () -> ()
    "tpu.region"() ({
      %run_scoped3A = tpu.sem_alloc : memref<!tpu.dma_semaphore, #tpu.memory_space<semaphore_mem>>
      %dma_start3A_102 = tpu.memref_slice %arg6[%add3A_4] : memref<589824xi32, #tpu.memory_space<hbm>> -> memref<4608xi32, #tpu.memory_space<hbm>>
      %dma_start3A_103 = tpu.memref_slice %arg6[%add3A_4] : memref<589824xi32, #tpu.memory_space<hbm>> -> memref<4608xi32, #tpu.memory_space<hbm>>
      tpu.enqueue_dma source(%dma_start3A_103 : memref<4608xi32, #tpu.memory_space<hbm>>) target(%arg15 : memref<4608xi32, #tpu.memory_space<vmem>>) target_semaphore(%run_scoped3A : memref<!tpu.dma_semaphore, #tpu.memory_space<semaphore_mem>>)
      %dma_wait3A_104 = tpu.memref_slice %arg6[%add3A_4] : memref<589824xi32, #tpu.memory_space<hbm>> -> memref<4608xi32, #tpu.memory_space<hbm>>
      %dma_wait3A_105 = tpu.memref_slice %arg6[%add3A_4] : memref<589824xi32, #tpu.memory_space<hbm>> -> memref<4608xi32, #tpu.memory_space<hbm>>
      tpu.wait_dma2 semaphore(%run_scoped3A : memref<!tpu.dma_semaphore, #tpu.memory_space<semaphore_mem>>) src(%dma_wait3A_105 : memref<4608xi32, #tpu.memory_space<hbm>>) dst(%arg15 : memref<4608xi32, #tpu.memory_space<vmem>>)
      tpu.yield
    }) : () -> ()
    %dma_start3A = arith.constant 0 : i32
    %dma_start3A_5 = tpu.memref_slice %arg2[%dma_start3A] : memref<589824xf32, #tpu.memory_space<hbm>> -> memref<589824xf32, #tpu.memory_space<hbm>>
    tpu.enqueue_indirect_dma source(%dma_start3A_5 : memref<589824xf32, #tpu.memory_space<hbm>>) target(%arg20 : memref<4608xf32, #tpu.memory_space<vmem>>) offsets(%arg12 : memref<4608xi32, #tpu.memory_space<vmem>>) semaphore(%arg25 : memref<!tpu.dma_semaphore, #tpu.memory_space<semaphore_mem>>)
    %dma_start3A_6 = arith.constant 0 : i32
    %dma_start3A_7 = tpu.memref_slice %arg2[%dma_start3A_6] : memref<589824xf32, #tpu.memory_space<hbm>> -> memref<589824xf32, #tpu.memory_space<hbm>>
    tpu.enqueue_indirect_dma source(%dma_start3A_7 : memref<589824xf32, #tpu.memory_space<hbm>>) target(%arg21 : memref<4608xf32, #tpu.memory_space<vmem>>) offsets(%arg13 : memref<4608xi32, #tpu.memory_space<vmem>>) semaphore(%arg25 : memref<!tpu.dma_semaphore, #tpu.memory_space<semaphore_mem>>)
    %dma_start3A_8 = arith.constant 0 : i32
    %dma_start3A_9 = tpu.memref_slice %arg2[%dma_start3A_8] : memref<589824xf32, #tpu.memory_space<hbm>> -> memref<589824xf32, #tpu.memory_space<hbm>>
    tpu.enqueue_indirect_dma source(%dma_start3A_9 : memref<589824xf32, #tpu.memory_space<hbm>>) target(%arg22 : memref<4608xf32, #tpu.memory_space<vmem>>) offsets(%arg14 : memref<4608xi32, #tpu.memory_space<vmem>>) semaphore(%arg25 : memref<!tpu.dma_semaphore, #tpu.memory_space<semaphore_mem>>)
    %dma_start3A_10 = arith.constant 0 : i32
    %dma_start3A_11 = tpu.memref_slice %arg2[%dma_start3A_10] : memref<589824xf32, #tpu.memory_space<hbm>> -> memref<589824xf32, #tpu.memory_space<hbm>>
    tpu.enqueue_indirect_dma source(%dma_start3A_11 : memref<589824xf32, #tpu.memory_space<hbm>>) target(%arg23 : memref<4608xf32, #tpu.memory_space<vmem>>) offsets(%arg15 : memref<4608xi32, #tpu.memory_space<vmem>>) semaphore(%arg25 : memref<!tpu.dma_semaphore, #tpu.memory_space<semaphore_mem>>)
    "tpu.region"() ({
      %run_scoped3A = tpu.sem_alloc : memref<!tpu.dma_semaphore, #tpu.memory_space<semaphore_mem>>
      %dma_start3A_102 = tpu.memref_slice %arg7[%add3A_4] : memref<589824xf32, #tpu.memory_space<hbm>> -> memref<4608xf32, #tpu.memory_space<hbm>>
      %dma_start3A_103 = tpu.memref_slice %arg7[%add3A_4] : memref<589824xf32, #tpu.memory_space<hbm>> -> memref<4608xf32, #tpu.memory_space<hbm>>
      tpu.enqueue_dma source(%dma_start3A_103 : memref<4608xf32, #tpu.memory_space<hbm>>) target(%arg16 : memref<4608xf32, #tpu.memory_space<vmem>>) target_semaphore(%run_scoped3A : memref<!tpu.dma_semaphore, #tpu.memory_space<semaphore_mem>>)
      %dma_wait3A_104 = tpu.memref_slice %arg7[%add3A_4] : memref<589824xf32, #tpu.memory_space<hbm>> -> memref<4608xf32, #tpu.memory_space<hbm>>
      %dma_wait3A_105 = tpu.memref_slice %arg7[%add3A_4] : memref<589824xf32, #tpu.memory_space<hbm>> -> memref<4608xf32, #tpu.memory_space<hbm>>
      tpu.wait_dma2 semaphore(%run_scoped3A : memref<!tpu.dma_semaphore, #tpu.memory_space<semaphore_mem>>) src(%dma_wait3A_105 : memref<4608xf32, #tpu.memory_space<hbm>>) dst(%arg16 : memref<4608xf32, #tpu.memory_space<vmem>>)
      tpu.yield
    }) : () -> ()
    "tpu.region"() ({
      %run_scoped3A = tpu.sem_alloc : memref<!tpu.dma_semaphore, #tpu.memory_space<semaphore_mem>>
      %dma_start3A_102 = tpu.memref_slice %arg8[%add3A_4] : memref<589824xf32, #tpu.memory_space<hbm>> -> memref<4608xf32, #tpu.memory_space<hbm>>
      %dma_start3A_103 = tpu.memref_slice %arg8[%add3A_4] : memref<589824xf32, #tpu.memory_space<hbm>> -> memref<4608xf32, #tpu.memory_space<hbm>>
      tpu.enqueue_dma source(%dma_start3A_103 : memref<4608xf32, #tpu.memory_space<hbm>>) target(%arg17 : memref<4608xf32, #tpu.memory_space<vmem>>) target_semaphore(%run_scoped3A : memref<!tpu.dma_semaphore, #tpu.memory_space<semaphore_mem>>)
      %dma_wait3A_104 = tpu.memref_slice %arg8[%add3A_4] : memref<589824xf32, #tpu.memory_space<hbm>> -> memref<4608xf32, #tpu.memory_space<hbm>>
      %dma_wait3A_105 = tpu.memref_slice %arg8[%add3A_4] : memref<589824xf32, #tpu.memory_space<hbm>> -> memref<4608xf32, #tpu.memory_space<hbm>>
      tpu.wait_dma2 semaphore(%run_scoped3A : memref<!tpu.dma_semaphore, #tpu.memory_space<semaphore_mem>>) src(%dma_wait3A_105 : memref<4608xf32, #tpu.memory_space<hbm>>) dst(%arg17 : memref<4608xf32, #tpu.memory_space<vmem>>)
      tpu.yield
    }) : () -> ()
    "tpu.region"() ({
      %run_scoped3A = tpu.sem_alloc : memref<!tpu.dma_semaphore, #tpu.memory_space<semaphore_mem>>
      %dma_start3A_102 = tpu.memref_slice %arg9[%add3A_4] : memref<589824xf32, #tpu.memory_space<hbm>> -> memref<4608xf32, #tpu.memory_space<hbm>>
      %dma_start3A_103 = tpu.memref_slice %arg9[%add3A_4] : memref<589824xf32, #tpu.memory_space<hbm>> -> memref<4608xf32, #tpu.memory_space<hbm>>
      tpu.enqueue_dma source(%dma_start3A_103 : memref<4608xf32, #tpu.memory_space<hbm>>) target(%arg18 : memref<4608xf32, #tpu.memory_space<vmem>>) target_semaphore(%run_scoped3A : memref<!tpu.dma_semaphore, #tpu.memory_space<semaphore_mem>>)
      %dma_wait3A_104 = tpu.memref_slice %arg9[%add3A_4] : memref<589824xf32, #tpu.memory_space<hbm>> -> memref<4608xf32, #tpu.memory_space<hbm>>
      %dma_wait3A_105 = tpu.memref_slice %arg9[%add3A_4] : memref<589824xf32, #tpu.memory_space<hbm>> -> memref<4608xf32, #tpu.memory_space<hbm>>
      tpu.wait_dma2 semaphore(%run_scoped3A : memref<!tpu.dma_semaphore, #tpu.memory_space<semaphore_mem>>) src(%dma_wait3A_105 : memref<4608xf32, #tpu.memory_space<hbm>>) dst(%arg18 : memref<4608xf32, #tpu.memory_space<vmem>>)
      tpu.yield
    }) : () -> ()
    "tpu.region"() ({
      %run_scoped3A = tpu.sem_alloc : memref<!tpu.dma_semaphore, #tpu.memory_space<semaphore_mem>>
      %dma_start3A_102 = tpu.memref_slice %arg10[%add3A_4] : memref<589824xf32, #tpu.memory_space<hbm>> -> memref<4608xf32, #tpu.memory_space<hbm>>
      %dma_start3A_103 = tpu.memref_slice %arg10[%add3A_4] : memref<589824xf32, #tpu.memory_space<hbm>> -> memref<4608xf32, #tpu.memory_space<hbm>>
      tpu.enqueue_dma source(%dma_start3A_103 : memref<4608xf32, #tpu.memory_space<hbm>>) target(%arg19 : memref<4608xf32, #tpu.memory_space<vmem>>) target_semaphore(%run_scoped3A : memref<!tpu.dma_semaphore, #tpu.memory_space<semaphore_mem>>)
      %dma_wait3A_104 = tpu.memref_slice %arg10[%add3A_4] : memref<589824xf32, #tpu.memory_space<hbm>> -> memref<4608xf32, #tpu.memory_space<hbm>>
      %dma_wait3A_105 = tpu.memref_slice %arg10[%add3A_4] : memref<589824xf32, #tpu.memory_space<hbm>> -> memref<4608xf32, #tpu.memory_space<hbm>>
      tpu.wait_dma2 semaphore(%run_scoped3A : memref<!tpu.dma_semaphore, #tpu.memory_space<semaphore_mem>>) src(%dma_wait3A_105 : memref<4608xf32, #tpu.memory_space<hbm>>) dst(%arg19 : memref<4608xf32, #tpu.memory_space<vmem>>)
      tpu.yield
    }) : () -> ()
    %dma_wait3A = arith.constant 0 : i32
    %dma_wait3A_12 = tpu.memref_slice %arg2[%dma_wait3A] : memref<589824xf32, #tpu.memory_space<hbm>> -> memref<589824xf32, #tpu.memory_space<hbm>>
    tpu.wait_indirect_dma semaphore(%arg25 : memref<!tpu.dma_semaphore, #tpu.memory_space<semaphore_mem>>) src(%dma_wait3A_12 : memref<589824xf32, #tpu.memory_space<hbm>>) dst(%arg20 : memref<4608xf32, #tpu.memory_space<vmem>>)
    %dma_wait3A_13 = arith.constant 0 : i32
    %dma_wait3A_14 = tpu.memref_slice %arg2[%dma_wait3A_13] : memref<589824xf32, #tpu.memory_space<hbm>> -> memref<589824xf32, #tpu.memory_space<hbm>>
    tpu.wait_indirect_dma semaphore(%arg25 : memref<!tpu.dma_semaphore, #tpu.memory_space<semaphore_mem>>) src(%dma_wait3A_14 : memref<589824xf32, #tpu.memory_space<hbm>>) dst(%arg21 : memref<4608xf32, #tpu.memory_space<vmem>>)
    %dma_wait3A_15 = arith.constant 0 : i32
    %dma_wait3A_16 = tpu.memref_slice %arg2[%dma_wait3A_15] : memref<589824xf32, #tpu.memory_space<hbm>> -> memref<589824xf32, #tpu.memory_space<hbm>>
    tpu.wait_indirect_dma semaphore(%arg25 : memref<!tpu.dma_semaphore, #tpu.memory_space<semaphore_mem>>) src(%dma_wait3A_16 : memref<589824xf32, #tpu.memory_space<hbm>>) dst(%arg22 : memref<4608xf32, #tpu.memory_space<vmem>>)
    %dma_wait3A_17 = arith.constant 0 : i32
    %dma_wait3A_18 = tpu.memref_slice %arg2[%dma_wait3A_17] : memref<589824xf32, #tpu.memory_space<hbm>> -> memref<589824xf32, #tpu.memory_space<hbm>>
    tpu.wait_indirect_dma semaphore(%arg25 : memref<!tpu.dma_semaphore, #tpu.memory_space<semaphore_mem>>) src(%dma_wait3A_18 : memref<589824xf32, #tpu.memory_space<hbm>>) dst(%arg23 : memref<4608xf32, #tpu.memory_space<vmem>>)
    %scan3A = arith.constant 0 : i32
    %scan3A_19 = arith.constant 0 : i32
    %scan3A_20 = arith.constant 288 : i32
    %scan3A_21 = arith.addi %scan3A_19, %scan3A_20 : i32
    %scan3A_22 = arith.constant 1 : i32
    scf.for %scan3A_102 = %scan3A_19 to %scan3A_21 step %scan3A_22  : i32 {
      %mul3A_103 = arith.constant 16 : i32
      %mul3A_104 = arith.muli %scan3A_102, %mul3A_103 : i32
      %multiple_of3A = tpu.assume_multiple %mul3A_104, 16 : i32
      %get3A = arith.index_cast %multiple_of3A : i32 to index
      %get3A_105 = tpu.vector_load %arg20[%get3A] {strides = array<i32>} : memref<4608xf32, #tpu.memory_space<vmem>>, vector<16xf32>,
      %get3A_106 = arith.index_cast %multiple_of3A : i32 to index
      %get3A_107 = tpu.vector_load %arg16[%get3A_106] {strides = array<i32>} : memref<4608xf32, #tpu.memory_space<vmem>>, vector<16xf32>,
      %mul3A_108 = arith.mulf %get3A_105, %get3A_107 : vector<16xf32>
      %get3A_109 = arith.index_cast %multiple_of3A : i32 to index
      %get3A_110 = tpu.vector_load %arg21[%get3A_109] {strides = array<i32>} : memref<4608xf32, #tpu.memory_space<vmem>>, vector<16xf32>,
      %get3A_111 = arith.index_cast %multiple_of3A : i32 to index
      %get3A_112 = tpu.vector_load %arg17[%get3A_111] {strides = array<i32>} : memref<4608xf32, #tpu.memory_space<vmem>>, vector<16xf32>,
      %mul3A_113 = arith.mulf %get3A_110, %get3A_112 : vector<16xf32>
      %add3A_114 = arith.addf %mul3A_108, %mul3A_113 : vector<16xf32>
      %get3A_115 = arith.index_cast %multiple_of3A : i32 to index
      %get3A_116 = tpu.vector_load %arg22[%get3A_115] {strides = array<i32>} : memref<4608xf32, #tpu.memory_space<vmem>>, vector<16xf32>,
      %get3A_117 = arith.index_cast %multiple_of3A : i32 to index
      %get3A_118 = tpu.vector_load %arg18[%get3A_117] {strides = array<i32>} : memref<4608xf32, #tpu.memory_space<vmem>>, vector<16xf32>,
      %mul3A_119 = arith.mulf %get3A_116, %get3A_118 : vector<16xf32>
      %add3A_120 = arith.addf %add3A_114, %mul3A_119 : vector<16xf32>
      %get3A_121 = arith.index_cast %multiple_of3A : i32 to index
      %get3A_122 = tpu.vector_load %arg23[%get3A_121] {strides = array<i32>} : memref<4608xf32, #tpu.memory_space<vmem>>, vector<16xf32>,
      %get3A_123 = arith.index_cast %multiple_of3A : i32 to index
      %get3A_124 = tpu.vector_load %arg19[%get3A_123] {strides = array<i32>} : memref<4608xf32, #tpu.memory_space<vmem>>, vector<16xf32>,
      %mul3A_125 = arith.mulf %get3A_122, %get3A_124 : vector<16xf32>
      %add3A_126 = arith.addf %add3A_120, %mul3A_125 : vector<16xf32>
      %swap3A = arith.index_cast %multiple_of3A : i32 to index
      %swap3A_127 = tpu.vector_load %arg24[%swap3A] {strides = array<i32>} : memref<4608xf32, #tpu.memory_space<vmem>>, vector<16xf32>,
      tpu.vector_store %arg24[%swap3A], %add3A_126 {strides = array<i32>} : memref<4608xf32, #tpu.memory_space<vmem>>, vector<16xf32>,
    }
    %scan3A_23 = arith.constant 288 : i32
    "tpu.region"() ({
      %run_scoped3A = tpu.sem_alloc : memref<!tpu.dma_semaphore, #tpu.memory_space<semaphore_mem>>
      %dma_start3A_102 = tpu.memref_slice %arg11[%add3A_4] : memref<589824xf32, #tpu.memory_space<hbm>> -> memref<4608xf32, #tpu.memory_space<hbm>>
      %dma_start3A_103 = tpu.memref_slice %arg11[%add3A_4] : memref<589824xf32, #tpu.memory_space<hbm>> -> memref<4608xf32, #tpu.memory_space<hbm>>
      tpu.enqueue_dma source(%arg24 : memref<4608xf32, #tpu.memory_space<vmem>>) target(%dma_start3A_103 : memref<4608xf32, #tpu.memory_space<hbm>>) target_semaphore(%run_scoped3A : memref<!tpu.dma_semaphore, #tpu.memory_space<semaphore_mem>>)
      %dma_wait3A_104 = tpu.memref_slice %arg11[%add3A_4] : memref<589824xf32, #tpu.memory_space<hbm>> -> memref<4608xf32, #tpu.memory_space<hbm>>
      %dma_wait3A_105 = tpu.memref_slice %arg11[%add3A_4] : memref<589824xf32, #tpu.memory_space<hbm>> -> memref<4608xf32, #tpu.memory_space<hbm>>
      tpu.wait_dma2 semaphore(%run_scoped3A : memref<!tpu.dma_semaphore, #tpu.memory_space<semaphore_mem>>) src(%arg24 : memref<4608xf32, #tpu.memory_space<vmem>>) dst(%dma_wait3A_105 : memref<4608xf32, #tpu.memory_space<hbm>>)
      tpu.yield
    }) : () -> ()
    %mul3A_24 = arith.constant 18432 : i32
    %mul3A_25 = arith.muli %add3A, %mul3A_24 : i32
    %add3A_26 = arith.constant 4608 : i32
    %add3A_27 = arith.addi %mul3A_25, %add3A_26 : i32
    "tpu.region"() ({
      %run_scoped3A = tpu.sem_alloc : memref<!tpu.dma_semaphore, #tpu.memory_space<semaphore_mem>>
      %dma_start3A_102 = tpu.memref_slice %arg3[%add3A_27] : memref<589824xi32, #tpu.memory_space<hbm>> -> memref<4608xi32, #tpu.memory_space<hbm>>
      %dma_start3A_103 = tpu.memref_slice %arg3[%add3A_27] : memref<589824xi32, #tpu.memory_space<hbm>> -> memref<4608xi32, #tpu.memory_space<hbm>>
      tpu.enqueue_dma source(%dma_start3A_103 : memref<4608xi32, #tpu.memory_space<hbm>>) target(%arg12 : memref<4608xi32, #tpu.memory_space<vmem>>) target_semaphore(%run_scoped3A : memref<!tpu.dma_semaphore, #tpu.memory_space<semaphore_mem>>)
      %dma_wait3A_104 = tpu.memref_slice %arg3[%add3A_27] : memref<589824xi32, #tpu.memory_space<hbm>> -> memref<4608xi32, #tpu.memory_space<hbm>>
      %dma_wait3A_105 = tpu.memref_slice %arg3[%add3A_27] : memref<589824xi32, #tpu.memory_space<hbm>> -> memref<4608xi32, #tpu.memory_space<hbm>>
      tpu.wait_dma2 semaphore(%run_scoped3A : memref<!tpu.dma_semaphore, #tpu.memory_space<semaphore_mem>>) src(%dma_wait3A_105 : memref<4608xi32, #tpu.memory_space<hbm>>) dst(%arg12 : memref<4608xi32, #tpu.memory_space<vmem>>)
      tpu.yield
    }) : () -> ()
    "tpu.region"() ({
      %run_scoped3A = tpu.sem_alloc : memref<!tpu.dma_semaphore, #tpu.memory_space<semaphore_mem>>
      %dma_start3A_102 = tpu.memref_slice %arg4[%add3A_27] : memref<589824xi32, #tpu.memory_space<hbm>> -> memref<4608xi32, #tpu.memory_space<hbm>>
      %dma_start3A_103 = tpu.memref_slice %arg4[%add3A_27] : memref<589824xi32, #tpu.memory_space<hbm>> -> memref<4608xi32, #tpu.memory_space<hbm>>
      tpu.enqueue_dma source(%dma_start3A_103 : memref<4608xi32, #tpu.memory_space<hbm>>) target(%arg13 : memref<4608xi32, #tpu.memory_space<vmem>>) target_semaphore(%run_scoped3A : memref<!tpu.dma_semaphore, #tpu.memory_space<semaphore_mem>>)
      %dma_wait3A_104 = tpu.memref_slice %arg4[%add3A_27] : memref<589824xi32, #tpu.memory_space<hbm>> -> memref<4608xi32, #tpu.memory_space<hbm>>
      %dma_wait3A_105 = tpu.memref_slice %arg4[%add3A_27] : memref<589824xi32, #tpu.memory_space<hbm>> -> memref<4608xi32, #tpu.memory_space<hbm>>
      tpu.wait_dma2 semaphore(%run_scoped3A : memref<!tpu.dma_semaphore, #tpu.memory_space<semaphore_mem>>) src(%dma_wait3A_105 : memref<4608xi32, #tpu.memory_space<hbm>>) dst(%arg13 : memref<4608xi32, #tpu.memory_space<vmem>>)
      tpu.yield
    }) : () -> ()
    "tpu.region"() ({
      %run_scoped3A = tpu.sem_alloc : memref<!tpu.dma_semaphore, #tpu.memory_space<semaphore_mem>>
      %dma_start3A_102 = tpu.memref_slice %arg5[%add3A_27] : memref<589824xi32, #tpu.memory_space<hbm>> -> memref<4608xi32, #tpu.memory_space<hbm>>
      %dma_start3A_103 = tpu.memref_slice %arg5[%add3A_27] : memref<589824xi32, #tpu.memory_space<hbm>> -> memref<4608xi32, #tpu.memory_space<hbm>>
      tpu.enqueue_dma source(%dma_start3A_103 : memref<4608xi32, #tpu.memory_space<hbm>>) target(%arg14 : memref<4608xi32, #tpu.memory_space<vmem>>) target_semaphore(%run_scoped3A : memref<!tpu.dma_semaphore, #tpu.memory_space<semaphore_mem>>)
      %dma_wait3A_104 = tpu.memref_slice %arg5[%add3A_27] : memref<589824xi32, #tpu.memory_space<hbm>> -> memref<4608xi32, #tpu.memory_space<hbm>>
      %dma_wait3A_105 = tpu.memref_slice %arg5[%add3A_27] : memref<589824xi32, #tpu.memory_space<hbm>> -> memref<4608xi32, #tpu.memory_space<hbm>>
      tpu.wait_dma2 semaphore(%run_scoped3A : memref<!tpu.dma_semaphore, #tpu.memory_space<semaphore_mem>>) src(%dma_wait3A_105 : memref<4608xi32, #tpu.memory_space<hbm>>) dst(%arg14 : memref<4608xi32, #tpu.memory_space<vmem>>)
      tpu.yield
    }) : () -> ()
    "tpu.region"() ({
      %run_scoped3A = tpu.sem_alloc : memref<!tpu.dma_semaphore, #tpu.memory_space<semaphore_mem>>
      %dma_start3A_102 = tpu.memref_slice %arg6[%add3A_27] : memref<589824xi32, #tpu.memory_space<hbm>> -> memref<4608xi32, #tpu.memory_space<hbm>>
      %dma_start3A_103 = tpu.memref_slice %arg6[%add3A_27] : memref<589824xi32, #tpu.memory_space<hbm>> -> memref<4608xi32, #tpu.memory_space<hbm>>
      tpu.enqueue_dma source(%dma_start3A_103 : memref<4608xi32, #tpu.memory_space<hbm>>) target(%arg15 : memref<4608xi32, #tpu.memory_space<vmem>>) target_semaphore(%run_scoped3A : memref<!tpu.dma_semaphore, #tpu.memory_space<semaphore_mem>>)
      %dma_wait3A_104 = tpu.memref_slice %arg6[%add3A_27] : memref<589824xi32, #tpu.memory_space<hbm>> -> memref<4608xi32, #tpu.memory_space<hbm>>
      %dma_wait3A_105 = tpu.memref_slice %arg6[%add3A_27] : memref<589824xi32, #tpu.memory_space<hbm>> -> memref<4608xi32, #tpu.memory_space<hbm>>
      tpu.wait_dma2 semaphore(%run_scoped3A : memref<!tpu.dma_semaphore, #tpu.memory_space<semaphore_mem>>) src(%dma_wait3A_105 : memref<4608xi32, #tpu.memory_space<hbm>>) dst(%arg15 : memref<4608xi32, #tpu.memory_space<vmem>>)
      tpu.yield
    }) : () -> ()
    %dma_start3A_28 = arith.constant 0 : i32
    %dma_start3A_29 = tpu.memref_slice %arg2[%dma_start3A_28] : memref<589824xf32, #tpu.memory_space<hbm>> -> memref<589824xf32, #tpu.memory_space<hbm>>
    tpu.enqueue_indirect_dma source(%dma_start3A_29 : memref<589824xf32, #tpu.memory_space<hbm>>) target(%arg20 : memref<4608xf32, #tpu.memory_space<vmem>>) offsets(%arg12 : memref<4608xi32, #tpu.memory_space<vmem>>) semaphore(%arg25 : memref<!tpu.dma_semaphore, #tpu.memory_space<semaphore_mem>>)
    %dma_start3A_30 = arith.constant 0 : i32
    %dma_start3A_31 = tpu.memref_slice %arg2[%dma_start3A_30] : memref<589824xf32, #tpu.memory_space<hbm>> -> memref<589824xf32, #tpu.memory_space<hbm>>
    tpu.enqueue_indirect_dma source(%dma_start3A_31 : memref<589824xf32, #tpu.memory_space<hbm>>) target(%arg21 : memref<4608xf32, #tpu.memory_space<vmem>>) offsets(%arg13 : memref<4608xi32, #tpu.memory_space<vmem>>) semaphore(%arg25 : memref<!tpu.dma_semaphore, #tpu.memory_space<semaphore_mem>>)
    %dma_start3A_32 = arith.constant 0 : i32
    %dma_start3A_33 = tpu.memref_slice %arg2[%dma_start3A_32] : memref<589824xf32, #tpu.memory_space<hbm>> -> memref<589824xf32, #tpu.memory_space<hbm>>
    tpu.enqueue_indirect_dma source(%dma_start3A_33 : memref<589824xf32, #tpu.memory_space<hbm>>) target(%arg22 : memref<4608xf32, #tpu.memory_space<vmem>>) offsets(%arg14 : memref<4608xi32, #tpu.memory_space<vmem>>) semaphore(%arg25 : memref<!tpu.dma_semaphore, #tpu.memory_space<semaphore_mem>>)
    %dma_start3A_34 = arith.constant 0 : i32
    %dma_start3A_35 = tpu.memref_slice %arg2[%dma_start3A_34] : memref<589824xf32, #tpu.memory_space<hbm>> -> memref<589824xf32, #tpu.memory_space<hbm>>
    tpu.enqueue_indirect_dma source(%dma_start3A_35 : memref<589824xf32, #tpu.memory_space<hbm>>) target(%arg23 : memref<4608xf32, #tpu.memory_space<vmem>>) offsets(%arg15 : memref<4608xi32, #tpu.memory_space<vmem>>) semaphore(%arg25 : memref<!tpu.dma_semaphore, #tpu.memory_space<semaphore_mem>>)
    "tpu.region"() ({
      %run_scoped3A = tpu.sem_alloc : memref<!tpu.dma_semaphore, #tpu.memory_space<semaphore_mem>>
      %dma_start3A_102 = tpu.memref_slice %arg7[%add3A_27] : memref<589824xf32, #tpu.memory_space<hbm>> -> memref<4608xf32, #tpu.memory_space<hbm>>
      %dma_start3A_103 = tpu.memref_slice %arg7[%add3A_27] : memref<589824xf32, #tpu.memory_space<hbm>> -> memref<4608xf32, #tpu.memory_space<hbm>>
      tpu.enqueue_dma source(%dma_start3A_103 : memref<4608xf32, #tpu.memory_space<hbm>>) target(%arg16 : memref<4608xf32, #tpu.memory_space<vmem>>) target_semaphore(%run_scoped3A : memref<!tpu.dma_semaphore, #tpu.memory_space<semaphore_mem>>)
      %dma_wait3A_104 = tpu.memref_slice %arg7[%add3A_27] : memref<589824xf32, #tpu.memory_space<hbm>> -> memref<4608xf32, #tpu.memory_space<hbm>>
      %dma_wait3A_105 = tpu.memref_slice %arg7[%add3A_27] : memref<589824xf32, #tpu.memory_space<hbm>> -> memref<4608xf32, #tpu.memory_space<hbm>>
      tpu.wait_dma2 semaphore(%run_scoped3A : memref<!tpu.dma_semaphore, #tpu.memory_space<semaphore_mem>>) src(%dma_wait3A_105 : memref<4608xf32, #tpu.memory_space<hbm>>) dst(%arg16 : memref<4608xf32, #tpu.memory_space<vmem>>)
      tpu.yield
    }) : () -> ()
    "tpu.region"() ({
      %run_scoped3A = tpu.sem_alloc : memref<!tpu.dma_semaphore, #tpu.memory_space<semaphore_mem>>
      %dma_start3A_102 = tpu.memref_slice %arg8[%add3A_27] : memref<589824xf32, #tpu.memory_space<hbm>> -> memref<4608xf32, #tpu.memory_space<hbm>>
      %dma_start3A_103 = tpu.memref_slice %arg8[%add3A_27] : memref<589824xf32, #tpu.memory_space<hbm>> -> memref<4608xf32, #tpu.memory_space<hbm>>
      tpu.enqueue_dma source(%dma_start3A_103 : memref<4608xf32, #tpu.memory_space<hbm>>) target(%arg17 : memref<4608xf32, #tpu.memory_space<vmem>>) target_semaphore(%run_scoped3A : memref<!tpu.dma_semaphore, #tpu.memory_space<semaphore_mem>>)
      %dma_wait3A_104 = tpu.memref_slice %arg8[%add3A_27] : memref<589824xf32, #tpu.memory_space<hbm>> -> memref<4608xf32, #tpu.memory_space<hbm>>
      %dma_wait3A_105 = tpu.memref_slice %arg8[%add3A_27] : memref<589824xf32, #tpu.memory_space<hbm>> -> memref<4608xf32, #tpu.memory_space<hbm>>
      tpu.wait_dma2 semaphore(%run_scoped3A : memref<!tpu.dma_semaphore, #tpu.memory_space<semaphore_mem>>) src(%dma_wait3A_105 : memref<4608xf32, #tpu.memory_space<hbm>>) dst(%arg17 : memref<4608xf32, #tpu.memory_space<vmem>>)
      tpu.yield
    }) : () -> ()
    "tpu.region"() ({
      %run_scoped3A = tpu.sem_alloc : memref<!tpu.dma_semaphore, #tpu.memory_space<semaphore_mem>>
      %dma_start3A_102 = tpu.memref_slice %arg9[%add3A_27] : memref<589824xf32, #tpu.memory_space<hbm>> -> memref<4608xf32, #tpu.memory_space<hbm>>
      %dma_start3A_103 = tpu.memref_slice %arg9[%add3A_27] : memref<589824xf32, #tpu.memory_space<hbm>> -> memref<4608xf32, #tpu.memory_space<hbm>>
      tpu.enqueue_dma source(%dma_start3A_103 : memref<4608xf32, #tpu.memory_space<hbm>>) target(%arg18 : memref<4608xf32, #tpu.memory_space<vmem>>) target_semaphore(%run_scoped3A : memref<!tpu.dma_semaphore, #tpu.memory_space<semaphore_mem>>)
      %dma_wait3A_104 = tpu.memref_slice %arg9[%add3A_27] : memref<589824xf32, #tpu.memory_space<hbm>> -> memref<4608xf32, #tpu.memory_space<hbm>>
      %dma_wait3A_105 = tpu.memref_slice %arg9[%add3A_27] : memref<589824xf32, #tpu.memory_space<hbm>> -> memref<4608xf32, #tpu.memory_space<hbm>>
      tpu.wait_dma2 semaphore(%run_scoped3A : memref<!tpu.dma_semaphore, #tpu.memory_space<semaphore_mem>>) src(%dma_wait3A_105 : memref<4608xf32, #tpu.memory_space<hbm>>) dst(%arg18 : memref<4608xf32, #tpu.memory_space<vmem>>)
      tpu.yield
    }) : () -> ()
    "tpu.region"() ({
      %run_scoped3A = tpu.sem_alloc : memref<!tpu.dma_semaphore, #tpu.memory_space<semaphore_mem>>
      %dma_start3A_102 = tpu.memref_slice %arg10[%add3A_27] : memref<589824xf32, #tpu.memory_space<hbm>> -> memref<4608xf32, #tpu.memory_space<hbm>>
      %dma_start3A_103 = tpu.memref_slice %arg10[%add3A_27] : memref<589824xf32, #tpu.memory_space<hbm>> -> memref<4608xf32, #tpu.memory_space<hbm>>
      tpu.enqueue_dma source(%dma_start3A_103 : memref<4608xf32, #tpu.memory_space<hbm>>) target(%arg19 : memref<4608xf32, #tpu.memory_space<vmem>>) target_semaphore(%run_scoped3A : memref<!tpu.dma_semaphore, #tpu.memory_space<semaphore_mem>>)
      %dma_wait3A_104 = tpu.memref_slice %arg10[%add3A_27] : memref<589824xf32, #tpu.memory_space<hbm>> -> memref<4608xf32, #tpu.memory_space<hbm>>
      %dma_wait3A_105 = tpu.memref_slice %arg10[%add3A_27] : memref<589824xf32, #tpu.memory_space<hbm>> -> memref<4608xf32, #tpu.memory_space<hbm>>
      tpu.wait_dma2 semaphore(%run_scoped3A : memref<!tpu.dma_semaphore, #tpu.memory_space<semaphore_mem>>) src(%dma_wait3A_105 : memref<4608xf32, #tpu.memory_space<hbm>>) dst(%arg19 : memref<4608xf32, #tpu.memory_space<vmem>>)
      tpu.yield
    }) : () -> ()
    %dma_wait3A_36 = arith.constant 0 : i32
    %dma_wait3A_37 = tpu.memref_slice %arg2[%dma_wait3A_36] : memref<589824xf32, #tpu.memory_space<hbm>> -> memref<589824xf32, #tpu.memory_space<hbm>>
    tpu.wait_indirect_dma semaphore(%arg25 : memref<!tpu.dma_semaphore, #tpu.memory_space<semaphore_mem>>) src(%dma_wait3A_37 : memref<589824xf32, #tpu.memory_space<hbm>>) dst(%arg20 : memref<4608xf32, #tpu.memory_space<vmem>>)
    %dma_wait3A_38 = arith.constant 0 : i32
    %dma_wait3A_39 = tpu.memref_slice %arg2[%dma_wait3A_38] : memref<589824xf32, #tpu.memory_space<hbm>> -> memref<589824xf32, #tpu.memory_space<hbm>>
    tpu.wait_indirect_dma semaphore(%arg25 : memref<!tpu.dma_semaphore, #tpu.memory_space<semaphore_mem>>) src(%dma_wait3A_39 : memref<589824xf32, #tpu.memory_space<hbm>>) dst(%arg21 : memref<4608xf32, #tpu.memory_space<vmem>>)
    %dma_wait3A_40 = arith.constant 0 : i32
    %dma_wait3A_41 = tpu.memref_slice %arg2[%dma_wait3A_40] : memref<589824xf32, #tpu.memory_space<hbm>> -> memref<589824xf32, #tpu.memory_space<hbm>>
    tpu.wait_indirect_dma semaphore(%arg25 : memref<!tpu.dma_semaphore, #tpu.memory_space<semaphore_mem>>) src(%dma_wait3A_41 : memref<589824xf32, #tpu.memory_space<hbm>>) dst(%arg22 : memref<4608xf32, #tpu.memory_space<vmem>>)
    %dma_wait3A_42 = arith.constant 0 : i32
    %dma_wait3A_43 = tpu.memref_slice %arg2[%dma_wait3A_42] : memref<589824xf32, #tpu.memory_space<hbm>> -> memref<589824xf32, #tpu.memory_space<hbm>>
    tpu.wait_indirect_dma semaphore(%arg25 : memref<!tpu.dma_semaphore, #tpu.memory_space<semaphore_mem>>) src(%dma_wait3A_43 : memref<589824xf32, #tpu.memory_space<hbm>>) dst(%arg23 : memref<4608xf32, #tpu.memory_space<vmem>>)
    %scan3A_44 = arith.constant 0 : i32
    %scan3A_45 = arith.constant 0 : i32
    %scan3A_46 = arith.constant 288 : i32
    %scan3A_47 = arith.addi %scan3A_45, %scan3A_46 : i32
    %scan3A_48 = arith.constant 1 : i32
    scf.for %scan3A_102 = %scan3A_45 to %scan3A_47 step %scan3A_48  : i32 {
      %mul3A_103 = arith.constant 16 : i32
      %mul3A_104 = arith.muli %scan3A_102, %mul3A_103 : i32
      %multiple_of3A = tpu.assume_multiple %mul3A_104, 16 : i32
      %get3A = arith.index_cast %multiple_of3A : i32 to index
      %get3A_105 = tpu.vector_load %arg20[%get3A] {strides = array<i32>} : memref<4608xf32, #tpu.memory_space<vmem>>, vector<16xf32>,
      %get3A_106 = arith.index_cast %multiple_of3A : i32 to index
      %get3A_107 = tpu.vector_load %arg16[%get3A_106] {strides = array<i32>} : memref<4608xf32, #tpu.memory_space<vmem>>, vector<16xf32>,
      %mul3A_108 = arith.mulf %get3A_105, %get3A_107 : vector<16xf32>
      %get3A_109 = arith.index_cast %multiple_of3A : i32 to index
      %get3A_110 = tpu.vector_load %arg21[%get3A_109] {strides = array<i32>} : memref<4608xf32, #tpu.memory_space<vmem>>, vector<16xf32>,
      %get3A_111 = arith.index_cast %multiple_of3A : i32 to index
      %get3A_112 = tpu.vector_load %arg17[%get3A_111] {strides = array<i32>} : memref<4608xf32, #tpu.memory_space<vmem>>, vector<16xf32>,
      %mul3A_113 = arith.mulf %get3A_110, %get3A_112 : vector<16xf32>
      %add3A_114 = arith.addf %mul3A_108, %mul3A_113 : vector<16xf32>
      %get3A_115 = arith.index_cast %multiple_of3A : i32 to index
      %get3A_116 = tpu.vector_load %arg22[%get3A_115] {strides = array<i32>} : memref<4608xf32, #tpu.memory_space<vmem>>, vector<16xf32>,
      %get3A_117 = arith.index_cast %multiple_of3A : i32 to index
      %get3A_118 = tpu.vector_load %arg18[%get3A_117] {strides = array<i32>} : memref<4608xf32, #tpu.memory_space<vmem>>, vector<16xf32>,
      %mul3A_119 = arith.mulf %get3A_116, %get3A_118 : vector<16xf32>
      %add3A_120 = arith.addf %add3A_114, %mul3A_119 : vector<16xf32>
      %get3A_121 = arith.index_cast %multiple_of3A : i32 to index
      %get3A_122 = tpu.vector_load %arg23[%get3A_121] {strides = array<i32>} : memref<4608xf32, #tpu.memory_space<vmem>>, vector<16xf32>,
      %get3A_123 = arith.index_cast %multiple_of3A : i32 to index
      %get3A_124 = tpu.vector_load %arg19[%get3A_123] {strides = array<i32>} : memref<4608xf32, #tpu.memory_space<vmem>>, vector<16xf32>,
      %mul3A_125 = arith.mulf %get3A_122, %get3A_124 : vector<16xf32>
      %add3A_126 = arith.addf %add3A_120, %mul3A_125 : vector<16xf32>
      %swap3A = arith.index_cast %multiple_of3A : i32 to index
      %swap3A_127 = tpu.vector_load %arg24[%swap3A] {strides = array<i32>} : memref<4608xf32, #tpu.memory_space<vmem>>, vector<16xf32>,
      tpu.vector_store %arg24[%swap3A], %add3A_126 {strides = array<i32>} : memref<4608xf32, #tpu.memory_space<vmem>>, vector<16xf32>,
    }
    %scan3A_49 = arith.constant 288 : i32
    "tpu.region"() ({
      %run_scoped3A = tpu.sem_alloc : memref<!tpu.dma_semaphore, #tpu.memory_space<semaphore_mem>>
      %dma_start3A_102 = tpu.memref_slice %arg11[%add3A_27] : memref<589824xf32, #tpu.memory_space<hbm>> -> memref<4608xf32, #tpu.memory_space<hbm>>
      %dma_start3A_103 = tpu.memref_slice %arg11[%add3A_27] : memref<589824xf32, #tpu.memory_space<hbm>> -> memref<4608xf32, #tpu.memory_space<hbm>>
      tpu.enqueue_dma source(%arg24 : memref<4608xf32, #tpu.memory_space<vmem>>) target(%dma_start3A_103 : memref<4608xf32, #tpu.memory_space<hbm>>) target_semaphore(%run_scoped3A : memref<!tpu.dma_semaphore, #tpu.memory_space<semaphore_mem>>)
      %dma_wait3A_104 = tpu.memref_slice %arg11[%add3A_27] : memref<589824xf32, #tpu.memory_space<hbm>> -> memref<4608xf32, #tpu.memory_space<hbm>>
      %dma_wait3A_105 = tpu.memref_slice %arg11[%add3A_27] : memref<589824xf32, #tpu.memory_space<hbm>> -> memref<4608xf32, #tpu.memory_space<hbm>>
      tpu.wait_dma2 semaphore(%run_scoped3A : memref<!tpu.dma_semaphore, #tpu.memory_space<semaphore_mem>>) src(%arg24 : memref<4608xf32, #tpu.memory_space<vmem>>) dst(%dma_wait3A_105 : memref<4608xf32, #tpu.memory_space<hbm>>)
      tpu.yield
    }) : () -> ()
    %mul3A_50 = arith.constant 18432 : i32
    %mul3A_51 = arith.muli %add3A, %mul3A_50 : i32
    %add3A_52 = arith.constant 9216 : i32
    %add3A_53 = arith.addi %mul3A_51, %add3A_52 : i32
    "tpu.region"() ({
      %run_scoped3A = tpu.sem_alloc : memref<!tpu.dma_semaphore, #tpu.memory_space<semaphore_mem>>
      %dma_start3A_102 = tpu.memref_slice %arg3[%add3A_53] : memref<589824xi32, #tpu.memory_space<hbm>> -> memref<4608xi32, #tpu.memory_space<hbm>>
      %dma_start3A_103 = tpu.memref_slice %arg3[%add3A_53] : memref<589824xi32, #tpu.memory_space<hbm>> -> memref<4608xi32, #tpu.memory_space<hbm>>
      tpu.enqueue_dma source(%dma_start3A_103 : memref<4608xi32, #tpu.memory_space<hbm>>) target(%arg12 : memref<4608xi32, #tpu.memory_space<vmem>>) target_semaphore(%run_scoped3A : memref<!tpu.dma_semaphore, #tpu.memory_space<semaphore_mem>>)
      %dma_wait3A_104 = tpu.memref_slice %arg3[%add3A_53] : memref<589824xi32, #tpu.memory_space<hbm>> -> memref<4608xi32, #tpu.memory_space<hbm>>
      %dma_wait3A_105 = tpu.memref_slice %arg3[%add3A_53] : memref<589824xi32, #tpu.memory_space<hbm>> -> memref<4608xi32, #tpu.memory_space<hbm>>
      tpu.wait_dma2 semaphore(%run_scoped3A : memref<!tpu.dma_semaphore, #tpu.memory_space<semaphore_mem>>) src(%dma_wait3A_105 : memref<4608xi32, #tpu.memory_space<hbm>>) dst(%arg12 : memref<4608xi32, #tpu.memory_space<vmem>>)
      tpu.yield
    }) : () -> ()
    "tpu.region"() ({
      %run_scoped3A = tpu.sem_alloc : memref<!tpu.dma_semaphore, #tpu.memory_space<semaphore_mem>>
      %dma_start3A_102 = tpu.memref_slice %arg4[%add3A_53] : memref<589824xi32, #tpu.memory_space<hbm>> -> memref<4608xi32, #tpu.memory_space<hbm>>
      %dma_start3A_103 = tpu.memref_slice %arg4[%add3A_53] : memref<589824xi32, #tpu.memory_space<hbm>> -> memref<4608xi32, #tpu.memory_space<hbm>>
      tpu.enqueue_dma source(%dma_start3A_103 : memref<4608xi32, #tpu.memory_space<hbm>>) target(%arg13 : memref<4608xi32, #tpu.memory_space<vmem>>) target_semaphore(%run_scoped3A : memref<!tpu.dma_semaphore, #tpu.memory_space<semaphore_mem>>)
      %dma_wait3A_104 = tpu.memref_slice %arg4[%add3A_53] : memref<589824xi32, #tpu.memory_space<hbm>> -> memref<4608xi32, #tpu.memory_space<hbm>>
      %dma_wait3A_105 = tpu.memref_slice %arg4[%add3A_53] : memref<589824xi32, #tpu.memory_space<hbm>> -> memref<4608xi32, #tpu.memory_space<hbm>>
      tpu.wait_dma2 semaphore(%run_scoped3A : memref<!tpu.dma_semaphore, #tpu.memory_space<semaphore_mem>>) src(%dma_wait3A_105 : memref<4608xi32, #tpu.memory_space<hbm>>) dst(%arg13 : memref<4608xi32, #tpu.memory_space<vmem>>)
      tpu.yield
    }) : () -> ()
    "tpu.region"() ({
      %run_scoped3A = tpu.sem_alloc : memref<!tpu.dma_semaphore, #tpu.memory_space<semaphore_mem>>
      %dma_start3A_102 = tpu.memref_slice %arg5[%add3A_53] : memref<589824xi32, #tpu.memory_space<hbm>> -> memref<4608xi32, #tpu.memory_space<hbm>>
      %dma_start3A_103 = tpu.memref_slice %arg5[%add3A_53] : memref<589824xi32, #tpu.memory_space<hbm>> -> memref<4608xi32, #tpu.memory_space<hbm>>
      tpu.enqueue_dma source(%dma_start3A_103 : memref<4608xi32, #tpu.memory_space<hbm>>) target(%arg14 : memref<4608xi32, #tpu.memory_space<vmem>>) target_semaphore(%run_scoped3A : memref<!tpu.dma_semaphore, #tpu.memory_space<semaphore_mem>>)
      %dma_wait3A_104 = tpu.memref_slice %arg5[%add3A_53] : memref<589824xi32, #tpu.memory_space<hbm>> -> memref<4608xi32, #tpu.memory_space<hbm>>
      %dma_wait3A_105 = tpu.memref_slice %arg5[%add3A_53] : memref<589824xi32, #tpu.memory_space<hbm>> -> memref<4608xi32, #tpu.memory_space<hbm>>
      tpu.wait_dma2 semaphore(%run_scoped3A : memref<!tpu.dma_semaphore, #tpu.memory_space<semaphore_mem>>) src(%dma_wait3A_105 : memref<4608xi32, #tpu.memory_space<hbm>>) dst(%arg14 : memref<4608xi32, #tpu.memory_space<vmem>>)
      tpu.yield
    }) : () -> ()
    "tpu.region"() ({
      %run_scoped3A = tpu.sem_alloc : memref<!tpu.dma_semaphore, #tpu.memory_space<semaphore_mem>>
      %dma_start3A_102 = tpu.memref_slice %arg6[%add3A_53] : memref<589824xi32, #tpu.memory_space<hbm>> -> memref<4608xi32, #tpu.memory_space<hbm>>
      %dma_start3A_103 = tpu.memref_slice %arg6[%add3A_53] : memref<589824xi32, #tpu.memory_space<hbm>> -> memref<4608xi32, #tpu.memory_space<hbm>>
      tpu.enqueue_dma source(%dma_start3A_103 : memref<4608xi32, #tpu.memory_space<hbm>>) target(%arg15 : memref<4608xi32, #tpu.memory_space<vmem>>) target_semaphore(%run_scoped3A : memref<!tpu.dma_semaphore, #tpu.memory_space<semaphore_mem>>)
      %dma_wait3A_104 = tpu.memref_slice %arg6[%add3A_53] : memref<589824xi32, #tpu.memory_space<hbm>> -> memref<4608xi32, #tpu.memory_space<hbm>>
      %dma_wait3A_105 = tpu.memref_slice %arg6[%add3A_53] : memref<589824xi32, #tpu.memory_space<hbm>> -> memref<4608xi32, #tpu.memory_space<hbm>>
      tpu.wait_dma2 semaphore(%run_scoped3A : memref<!tpu.dma_semaphore, #tpu.memory_space<semaphore_mem>>) src(%dma_wait3A_105 : memref<4608xi32, #tpu.memory_space<hbm>>) dst(%arg15 : memref<4608xi32, #tpu.memory_space<vmem>>)
      tpu.yield
    }) : () -> ()
    %dma_start3A_54 = arith.constant 0 : i32
    %dma_start3A_55 = tpu.memref_slice %arg2[%dma_start3A_54] : memref<589824xf32, #tpu.memory_space<hbm>> -> memref<589824xf32, #tpu.memory_space<hbm>>
    tpu.enqueue_indirect_dma source(%dma_start3A_55 : memref<589824xf32, #tpu.memory_space<hbm>>) target(%arg20 : memref<4608xf32, #tpu.memory_space<vmem>>) offsets(%arg12 : memref<4608xi32, #tpu.memory_space<vmem>>) semaphore(%arg25 : memref<!tpu.dma_semaphore, #tpu.memory_space<semaphore_mem>>)
    %dma_start3A_56 = arith.constant 0 : i32
    %dma_start3A_57 = tpu.memref_slice %arg2[%dma_start3A_56] : memref<589824xf32, #tpu.memory_space<hbm>> -> memref<589824xf32, #tpu.memory_space<hbm>>
    tpu.enqueue_indirect_dma source(%dma_start3A_57 : memref<589824xf32, #tpu.memory_space<hbm>>) target(%arg21 : memref<4608xf32, #tpu.memory_space<vmem>>) offsets(%arg13 : memref<4608xi32, #tpu.memory_space<vmem>>) semaphore(%arg25 : memref<!tpu.dma_semaphore, #tpu.memory_space<semaphore_mem>>)
    %dma_start3A_58 = arith.constant 0 : i32
    %dma_start3A_59 = tpu.memref_slice %arg2[%dma_start3A_58] : memref<589824xf32, #tpu.memory_space<hbm>> -> memref<589824xf32, #tpu.memory_space<hbm>>
    tpu.enqueue_indirect_dma source(%dma_start3A_59 : memref<589824xf32, #tpu.memory_space<hbm>>) target(%arg22 : memref<4608xf32, #tpu.memory_space<vmem>>) offsets(%arg14 : memref<4608xi32, #tpu.memory_space<vmem>>) semaphore(%arg25 : memref<!tpu.dma_semaphore, #tpu.memory_space<semaphore_mem>>)
    %dma_start3A_60 = arith.constant 0 : i32
    %dma_start3A_61 = tpu.memref_slice %arg2[%dma_start3A_60] : memref<589824xf32, #tpu.memory_space<hbm>> -> memref<589824xf32, #tpu.memory_space<hbm>>
    tpu.enqueue_indirect_dma source(%dma_start3A_61 : memref<589824xf32, #tpu.memory_space<hbm>>) target(%arg23 : memref<4608xf32, #tpu.memory_space<vmem>>) offsets(%arg15 : memref<4608xi32, #tpu.memory_space<vmem>>) semaphore(%arg25 : memref<!tpu.dma_semaphore, #tpu.memory_space<semaphore_mem>>)
    "tpu.region"() ({
      %run_scoped3A = tpu.sem_alloc : memref<!tpu.dma_semaphore, #tpu.memory_space<semaphore_mem>>
      %dma_start3A_102 = tpu.memref_slice %arg7[%add3A_53] : memref<589824xf32, #tpu.memory_space<hbm>> -> memref<4608xf32, #tpu.memory_space<hbm>>
      %dma_start3A_103 = tpu.memref_slice %arg7[%add3A_53] : memref<589824xf32, #tpu.memory_space<hbm>> -> memref<4608xf32, #tpu.memory_space<hbm>>
      tpu.enqueue_dma source(%dma_start3A_103 : memref<4608xf32, #tpu.memory_space<hbm>>) target(%arg16 : memref<4608xf32, #tpu.memory_space<vmem>>) target_semaphore(%run_scoped3A : memref<!tpu.dma_semaphore, #tpu.memory_space<semaphore_mem>>)
      %dma_wait3A_104 = tpu.memref_slice %arg7[%add3A_53] : memref<589824xf32, #tpu.memory_space<hbm>> -> memref<4608xf32, #tpu.memory_space<hbm>>
      %dma_wait3A_105 = tpu.memref_slice %arg7[%add3A_53] : memref<589824xf32, #tpu.memory_space<hbm>> -> memref<4608xf32, #tpu.memory_space<hbm>>
      tpu.wait_dma2 semaphore(%run_scoped3A : memref<!tpu.dma_semaphore, #tpu.memory_space<semaphore_mem>>) src(%dma_wait3A_105 : memref<4608xf32, #tpu.memory_space<hbm>>) dst(%arg16 : memref<4608xf32, #tpu.memory_space<vmem>>)
      tpu.yield
    }) : () -> ()
    "tpu.region"() ({
      %run_scoped3A = tpu.sem_alloc : memref<!tpu.dma_semaphore, #tpu.memory_space<semaphore_mem>>
      %dma_start3A_102 = tpu.memref_slice %arg8[%add3A_53] : memref<589824xf32, #tpu.memory_space<hbm>> -> memref<4608xf32, #tpu.memory_space<hbm>>
      %dma_start3A_103 = tpu.memref_slice %arg8[%add3A_53] : memref<589824xf32, #tpu.memory_space<hbm>> -> memref<4608xf32, #tpu.memory_space<hbm>>
      tpu.enqueue_dma source(%dma_start3A_103 : memref<4608xf32, #tpu.memory_space<hbm>>) target(%arg17 : memref<4608xf32, #tpu.memory_space<vmem>>) target_semaphore(%run_scoped3A : memref<!tpu.dma_semaphore, #tpu.memory_space<semaphore_mem>>)
      %dma_wait3A_104 = tpu.memref_slice %arg8[%add3A_53] : memref<589824xf32, #tpu.memory_space<hbm>> -> memref<4608xf32, #tpu.memory_space<hbm>>
      %dma_wait3A_105 = tpu.memref_slice %arg8[%add3A_53] : memref<589824xf32, #tpu.memory_space<hbm>> -> memref<4608xf32, #tpu.memory_space<hbm>>
      tpu.wait_dma2 semaphore(%run_scoped3A : memref<!tpu.dma_semaphore, #tpu.memory_space<semaphore_mem>>) src(%dma_wait3A_105 : memref<4608xf32, #tpu.memory_space<hbm>>) dst(%arg17 : memref<4608xf32, #tpu.memory_space<vmem>>)
      tpu.yield
    }) : () -> ()
    "tpu.region"() ({
      %run_scoped3A = tpu.sem_alloc : memref<!tpu.dma_semaphore, #tpu.memory_space<semaphore_mem>>
      %dma_start3A_102 = tpu.memref_slice %arg9[%add3A_53] : memref<589824xf32, #tpu.memory_space<hbm>> -> memref<4608xf32, #tpu.memory_space<hbm>>
      %dma_start3A_103 = tpu.memref_slice %arg9[%add3A_53] : memref<589824xf32, #tpu.memory_space<hbm>> -> memref<4608xf32, #tpu.memory_space<hbm>>
      tpu.enqueue_dma source(%dma_start3A_103 : memref<4608xf32, #tpu.memory_space<hbm>>) target(%arg18 : memref<4608xf32, #tpu.memory_space<vmem>>) target_semaphore(%run_scoped3A : memref<!tpu.dma_semaphore, #tpu.memory_space<semaphore_mem>>)
      %dma_wait3A_104 = tpu.memref_slice %arg9[%add3A_53] : memref<589824xf32, #tpu.memory_space<hbm>> -> memref<4608xf32, #tpu.memory_space<hbm>>
      %dma_wait3A_105 = tpu.memref_slice %arg9[%add3A_53] : memref<589824xf32, #tpu.memory_space<hbm>> -> memref<4608xf32, #tpu.memory_space<hbm>>
      tpu.wait_dma2 semaphore(%run_scoped3A : memref<!tpu.dma_semaphore, #tpu.memory_space<semaphore_mem>>) src(%dma_wait3A_105 : memref<4608xf32, #tpu.memory_space<hbm>>) dst(%arg18 : memref<4608xf32, #tpu.memory_space<vmem>>)
      tpu.yield
    }) : () -> ()
    "tpu.region"() ({
      %run_scoped3A = tpu.sem_alloc : memref<!tpu.dma_semaphore, #tpu.memory_space<semaphore_mem>>
      %dma_start3A_102 = tpu.memref_slice %arg10[%add3A_53] : memref<589824xf32, #tpu.memory_space<hbm>> -> memref<4608xf32, #tpu.memory_space<hbm>>
      %dma_start3A_103 = tpu.memref_slice %arg10[%add3A_53] : memref<589824xf32, #tpu.memory_space<hbm>> -> memref<4608xf32, #tpu.memory_space<hbm>>
      tpu.enqueue_dma source(%dma_start3A_103 : memref<4608xf32, #tpu.memory_space<hbm>>) target(%arg19 : memref<4608xf32, #tpu.memory_space<vmem>>) target_semaphore(%run_scoped3A : memref<!tpu.dma_semaphore, #tpu.memory_space<semaphore_mem>>)
      %dma_wait3A_104 = tpu.memref_slice %arg10[%add3A_53] : memref<589824xf32, #tpu.memory_space<hbm>> -> memref<4608xf32, #tpu.memory_space<hbm>>
      %dma_wait3A_105 = tpu.memref_slice %arg10[%add3A_53] : memref<589824xf32, #tpu.memory_space<hbm>> -> memref<4608xf32, #tpu.memory_space<hbm>>
      tpu.wait_dma2 semaphore(%run_scoped3A : memref<!tpu.dma_semaphore, #tpu.memory_space<semaphore_mem>>) src(%dma_wait3A_105 : memref<4608xf32, #tpu.memory_space<hbm>>) dst(%arg19 : memref<4608xf32, #tpu.memory_space<vmem>>)
      tpu.yield
    }) : () -> ()
    %dma_wait3A_62 = arith.constant 0 : i32
    %dma_wait3A_63 = tpu.memref_slice %arg2[%dma_wait3A_62] : memref<589824xf32, #tpu.memory_space<hbm>> -> memref<589824xf32, #tpu.memory_space<hbm>>
    tpu.wait_indirect_dma semaphore(%arg25 : memref<!tpu.dma_semaphore, #tpu.memory_space<semaphore_mem>>) src(%dma_wait3A_63 : memref<589824xf32, #tpu.memory_space<hbm>>) dst(%arg20 : memref<4608xf32, #tpu.memory_space<vmem>>)
    %dma_wait3A_64 = arith.constant 0 : i32
    %dma_wait3A_65 = tpu.memref_slice %arg2[%dma_wait3A_64] : memref<589824xf32, #tpu.memory_space<hbm>> -> memref<589824xf32, #tpu.memory_space<hbm>>
    tpu.wait_indirect_dma semaphore(%arg25 : memref<!tpu.dma_semaphore, #tpu.memory_space<semaphore_mem>>) src(%dma_wait3A_65 : memref<589824xf32, #tpu.memory_space<hbm>>) dst(%arg21 : memref<4608xf32, #tpu.memory_space<vmem>>)
    %dma_wait3A_66 = arith.constant 0 : i32
    %dma_wait3A_67 = tpu.memref_slice %arg2[%dma_wait3A_66] : memref<589824xf32, #tpu.memory_space<hbm>> -> memref<589824xf32, #tpu.memory_space<hbm>>
    tpu.wait_indirect_dma semaphore(%arg25 : memref<!tpu.dma_semaphore, #tpu.memory_space<semaphore_mem>>) src(%dma_wait3A_67 : memref<589824xf32, #tpu.memory_space<hbm>>) dst(%arg22 : memref<4608xf32, #tpu.memory_space<vmem>>)
    %dma_wait3A_68 = arith.constant 0 : i32
    %dma_wait3A_69 = tpu.memref_slice %arg2[%dma_wait3A_68] : memref<589824xf32, #tpu.memory_space<hbm>> -> memref<589824xf32, #tpu.memory_space<hbm>>
    tpu.wait_indirect_dma semaphore(%arg25 : memref<!tpu.dma_semaphore, #tpu.memory_space<semaphore_mem>>) src(%dma_wait3A_69 : memref<589824xf32, #tpu.memory_space<hbm>>) dst(%arg23 : memref<4608xf32, #tpu.memory_space<vmem>>)
    %scan3A_70 = arith.constant 0 : i32
    %scan3A_71 = arith.constant 0 : i32
    %scan3A_72 = arith.constant 288 : i32
    %scan3A_73 = arith.addi %scan3A_71, %scan3A_72 : i32
    %scan3A_74 = arith.constant 1 : i32
    scf.for %scan3A_102 = %scan3A_71 to %scan3A_73 step %scan3A_74  : i32 {
      %mul3A_103 = arith.constant 16 : i32
      %mul3A_104 = arith.muli %scan3A_102, %mul3A_103 : i32
      %multiple_of3A = tpu.assume_multiple %mul3A_104, 16 : i32
      %get3A = arith.index_cast %multiple_of3A : i32 to index
      %get3A_105 = tpu.vector_load %arg20[%get3A] {strides = array<i32>} : memref<4608xf32, #tpu.memory_space<vmem>>, vector<16xf32>,
      %get3A_106 = arith.index_cast %multiple_of3A : i32 to index
      %get3A_107 = tpu.vector_load %arg16[%get3A_106] {strides = array<i32>} : memref<4608xf32, #tpu.memory_space<vmem>>, vector<16xf32>,
      %mul3A_108 = arith.mulf %get3A_105, %get3A_107 : vector<16xf32>
      %get3A_109 = arith.index_cast %multiple_of3A : i32 to index
      %get3A_110 = tpu.vector_load %arg21[%get3A_109] {strides = array<i32>} : memref<4608xf32, #tpu.memory_space<vmem>>, vector<16xf32>,
      %get3A_111 = arith.index_cast %multiple_of3A : i32 to index
      %get3A_112 = tpu.vector_load %arg17[%get3A_111] {strides = array<i32>} : memref<4608xf32, #tpu.memory_space<vmem>>, vector<16xf32>,
      %mul3A_113 = arith.mulf %get3A_110, %get3A_112 : vector<16xf32>
      %add3A_114 = arith.addf %mul3A_108, %mul3A_113 : vector<16xf32>
      %get3A_115 = arith.index_cast %multiple_of3A : i32 to index
      %get3A_116 = tpu.vector_load %arg22[%get3A_115] {strides = array<i32>} : memref<4608xf32, #tpu.memory_space<vmem>>, vector<16xf32>,
      %get3A_117 = arith.index_cast %multiple_of3A : i32 to index
      %get3A_118 = tpu.vector_load %arg18[%get3A_117] {strides = array<i32>} : memref<4608xf32, #tpu.memory_space<vmem>>, vector<16xf32>,
      %mul3A_119 = arith.mulf %get3A_116, %get3A_118 : vector<16xf32>
      %add3A_120 = arith.addf %add3A_114, %mul3A_119 : vector<16xf32>
      %get3A_121 = arith.index_cast %multiple_of3A : i32 to index
      %get3A_122 = tpu.vector_load %arg23[%get3A_121] {strides = array<i32>} : memref<4608xf32, #tpu.memory_space<vmem>>, vector<16xf32>,
      %get3A_123 = arith.index_cast %multiple_of3A : i32 to index
      %get3A_124 = tpu.vector_load %arg19[%get3A_123] {strides = array<i32>} : memref<4608xf32, #tpu.memory_space<vmem>>, vector<16xf32>,
      %mul3A_125 = arith.mulf %get3A_122, %get3A_124 : vector<16xf32>
      %add3A_126 = arith.addf %add3A_120, %mul3A_125 : vector<16xf32>
      %swap3A = arith.index_cast %multiple_of3A : i32 to index
      %swap3A_127 = tpu.vector_load %arg24[%swap3A] {strides = array<i32>} : memref<4608xf32, #tpu.memory_space<vmem>>, vector<16xf32>,
      tpu.vector_store %arg24[%swap3A], %add3A_126 {strides = array<i32>} : memref<4608xf32, #tpu.memory_space<vmem>>, vector<16xf32>,
    }
    %scan3A_75 = arith.constant 288 : i32
    "tpu.region"() ({
      %run_scoped3A = tpu.sem_alloc : memref<!tpu.dma_semaphore, #tpu.memory_space<semaphore_mem>>
      %dma_start3A_102 = tpu.memref_slice %arg11[%add3A_53] : memref<589824xf32, #tpu.memory_space<hbm>> -> memref<4608xf32, #tpu.memory_space<hbm>>
      %dma_start3A_103 = tpu.memref_slice %arg11[%add3A_53] : memref<589824xf32, #tpu.memory_space<hbm>> -> memref<4608xf32, #tpu.memory_space<hbm>>
      tpu.enqueue_dma source(%arg24 : memref<4608xf32, #tpu.memory_space<vmem>>) target(%dma_start3A_103 : memref<4608xf32, #tpu.memory_space<hbm>>) target_semaphore(%run_scoped3A : memref<!tpu.dma_semaphore, #tpu.memory_space<semaphore_mem>>)
      %dma_wait3A_104 = tpu.memref_slice %arg11[%add3A_53] : memref<589824xf32, #tpu.memory_space<hbm>> -> memref<4608xf32, #tpu.memory_space<hbm>>
      %dma_wait3A_105 = tpu.memref_slice %arg11[%add3A_53] : memref<589824xf32, #tpu.memory_space<hbm>> -> memref<4608xf32, #tpu.memory_space<hbm>>
      tpu.wait_dma2 semaphore(%run_scoped3A : memref<!tpu.dma_semaphore, #tpu.memory_space<semaphore_mem>>) src(%arg24 : memref<4608xf32, #tpu.memory_space<vmem>>) dst(%dma_wait3A_105 : memref<4608xf32, #tpu.memory_space<hbm>>)
      tpu.yield
    }) : () -> ()
    %mul3A_76 = arith.constant 18432 : i32
    %mul3A_77 = arith.muli %add3A, %mul3A_76 : i32
    %add3A_78 = arith.constant 13824 : i32
    %add3A_79 = arith.addi %mul3A_77, %add3A_78 : i32
    "tpu.region"() ({
      %run_scoped3A = tpu.sem_alloc : memref<!tpu.dma_semaphore, #tpu.memory_space<semaphore_mem>>
      %dma_start3A_102 = tpu.memref_slice %arg3[%add3A_79] : memref<589824xi32, #tpu.memory_space<hbm>> -> memref<4608xi32, #tpu.memory_space<hbm>>
      %dma_start3A_103 = tpu.memref_slice %arg3[%add3A_79] : memref<589824xi32, #tpu.memory_space<hbm>> -> memref<4608xi32, #tpu.memory_space<hbm>>
      tpu.enqueue_dma source(%dma_start3A_103 : memref<4608xi32, #tpu.memory_space<hbm>>) target(%arg12 : memref<4608xi32, #tpu.memory_space<vmem>>) target_semaphore(%run_scoped3A : memref<!tpu.dma_semaphore, #tpu.memory_space<semaphore_mem>>)
      %dma_wait3A_104 = tpu.memref_slice %arg3[%add3A_79] : memref<589824xi32, #tpu.memory_space<hbm>> -> memref<4608xi32, #tpu.memory_space<hbm>>
      %dma_wait3A_105 = tpu.memref_slice %arg3[%add3A_79] : memref<589824xi32, #tpu.memory_space<hbm>> -> memref<4608xi32, #tpu.memory_space<hbm>>
      tpu.wait_dma2 semaphore(%run_scoped3A : memref<!tpu.dma_semaphore, #tpu.memory_space<semaphore_mem>>) src(%dma_wait3A_105 : memref<4608xi32, #tpu.memory_space<hbm>>) dst(%arg12 : memref<4608xi32, #tpu.memory_space<vmem>>)
      tpu.yield
    }) : () -> ()
    "tpu.region"() ({
      %run_scoped3A = tpu.sem_alloc : memref<!tpu.dma_semaphore, #tpu.memory_space<semaphore_mem>>
      %dma_start3A_102 = tpu.memref_slice %arg4[%add3A_79] : memref<589824xi32, #tpu.memory_space<hbm>> -> memref<4608xi32, #tpu.memory_space<hbm>>
      %dma_start3A_103 = tpu.memref_slice %arg4[%add3A_79] : memref<589824xi32, #tpu.memory_space<hbm>> -> memref<4608xi32, #tpu.memory_space<hbm>>
      tpu.enqueue_dma source(%dma_start3A_103 : memref<4608xi32, #tpu.memory_space<hbm>>) target(%arg13 : memref<4608xi32, #tpu.memory_space<vmem>>) target_semaphore(%run_scoped3A : memref<!tpu.dma_semaphore, #tpu.memory_space<semaphore_mem>>)
      %dma_wait3A_104 = tpu.memref_slice %arg4[%add3A_79] : memref<589824xi32, #tpu.memory_space<hbm>> -> memref<4608xi32, #tpu.memory_space<hbm>>
      %dma_wait3A_105 = tpu.memref_slice %arg4[%add3A_79] : memref<589824xi32, #tpu.memory_space<hbm>> -> memref<4608xi32, #tpu.memory_space<hbm>>
      tpu.wait_dma2 semaphore(%run_scoped3A : memref<!tpu.dma_semaphore, #tpu.memory_space<semaphore_mem>>) src(%dma_wait3A_105 : memref<4608xi32, #tpu.memory_space<hbm>>) dst(%arg13 : memref<4608xi32, #tpu.memory_space<vmem>>)
      tpu.yield
    }) : () -> ()
    "tpu.region"() ({
      %run_scoped3A = tpu.sem_alloc : memref<!tpu.dma_semaphore, #tpu.memory_space<semaphore_mem>>
      %dma_start3A_102 = tpu.memref_slice %arg5[%add3A_79] : memref<589824xi32, #tpu.memory_space<hbm>> -> memref<4608xi32, #tpu.memory_space<hbm>>
      %dma_start3A_103 = tpu.memref_slice %arg5[%add3A_79] : memref<589824xi32, #tpu.memory_space<hbm>> -> memref<4608xi32, #tpu.memory_space<hbm>>
      tpu.enqueue_dma source(%dma_start3A_103 : memref<4608xi32, #tpu.memory_space<hbm>>) target(%arg14 : memref<4608xi32, #tpu.memory_space<vmem>>) target_semaphore(%run_scoped3A : memref<!tpu.dma_semaphore, #tpu.memory_space<semaphore_mem>>)
      %dma_wait3A_104 = tpu.memref_slice %arg5[%add3A_79] : memref<589824xi32, #tpu.memory_space<hbm>> -> memref<4608xi32, #tpu.memory_space<hbm>>
      %dma_wait3A_105 = tpu.memref_slice %arg5[%add3A_79] : memref<589824xi32, #tpu.memory_space<hbm>> -> memref<4608xi32, #tpu.memory_space<hbm>>
      tpu.wait_dma2 semaphore(%run_scoped3A : memref<!tpu.dma_semaphore, #tpu.memory_space<semaphore_mem>>) src(%dma_wait3A_105 : memref<4608xi32, #tpu.memory_space<hbm>>) dst(%arg14 : memref<4608xi32, #tpu.memory_space<vmem>>)
      tpu.yield
    }) : () -> ()
    "tpu.region"() ({
      %run_scoped3A = tpu.sem_alloc : memref<!tpu.dma_semaphore, #tpu.memory_space<semaphore_mem>>
      %dma_start3A_102 = tpu.memref_slice %arg6[%add3A_79] : memref<589824xi32, #tpu.memory_space<hbm>> -> memref<4608xi32, #tpu.memory_space<hbm>>
      %dma_start3A_103 = tpu.memref_slice %arg6[%add3A_79] : memref<589824xi32, #tpu.memory_space<hbm>> -> memref<4608xi32, #tpu.memory_space<hbm>>
      tpu.enqueue_dma source(%dma_start3A_103 : memref<4608xi32, #tpu.memory_space<hbm>>) target(%arg15 : memref<4608xi32, #tpu.memory_space<vmem>>) target_semaphore(%run_scoped3A : memref<!tpu.dma_semaphore, #tpu.memory_space<semaphore_mem>>)
      %dma_wait3A_104 = tpu.memref_slice %arg6[%add3A_79] : memref<589824xi32, #tpu.memory_space<hbm>> -> memref<4608xi32, #tpu.memory_space<hbm>>
      %dma_wait3A_105 = tpu.memref_slice %arg6[%add3A_79] : memref<589824xi32, #tpu.memory_space<hbm>> -> memref<4608xi32, #tpu.memory_space<hbm>>
      tpu.wait_dma2 semaphore(%run_scoped3A : memref<!tpu.dma_semaphore, #tpu.memory_space<semaphore_mem>>) src(%dma_wait3A_105 : memref<4608xi32, #tpu.memory_space<hbm>>) dst(%arg15 : memref<4608xi32, #tpu.memory_space<vmem>>)
      tpu.yield
    }) : () -> ()
    %dma_start3A_80 = arith.constant 0 : i32
    %dma_start3A_81 = tpu.memref_slice %arg2[%dma_start3A_80] : memref<589824xf32, #tpu.memory_space<hbm>> -> memref<589824xf32, #tpu.memory_space<hbm>>
    tpu.enqueue_indirect_dma source(%dma_start3A_81 : memref<589824xf32, #tpu.memory_space<hbm>>) target(%arg20 : memref<4608xf32, #tpu.memory_space<vmem>>) offsets(%arg12 : memref<4608xi32, #tpu.memory_space<vmem>>) semaphore(%arg25 : memref<!tpu.dma_semaphore, #tpu.memory_space<semaphore_mem>>)
    %dma_start3A_82 = arith.constant 0 : i32
    %dma_start3A_83 = tpu.memref_slice %arg2[%dma_start3A_82] : memref<589824xf32, #tpu.memory_space<hbm>> -> memref<589824xf32, #tpu.memory_space<hbm>>
    tpu.enqueue_indirect_dma source(%dma_start3A_83 : memref<589824xf32, #tpu.memory_space<hbm>>) target(%arg21 : memref<4608xf32, #tpu.memory_space<vmem>>) offsets(%arg13 : memref<4608xi32, #tpu.memory_space<vmem>>) semaphore(%arg25 : memref<!tpu.dma_semaphore, #tpu.memory_space<semaphore_mem>>)
    %dma_start3A_84 = arith.constant 0 : i32
    %dma_start3A_85 = tpu.memref_slice %arg2[%dma_start3A_84] : memref<589824xf32, #tpu.memory_space<hbm>> -> memref<589824xf32, #tpu.memory_space<hbm>>
    tpu.enqueue_indirect_dma source(%dma_start3A_85 : memref<589824xf32, #tpu.memory_space<hbm>>) target(%arg22 : memref<4608xf32, #tpu.memory_space<vmem>>) offsets(%arg14 : memref<4608xi32, #tpu.memory_space<vmem>>) semaphore(%arg25 : memref<!tpu.dma_semaphore, #tpu.memory_space<semaphore_mem>>)
    %dma_start3A_86 = arith.constant 0 : i32
    %dma_start3A_87 = tpu.memref_slice %arg2[%dma_start3A_86] : memref<589824xf32, #tpu.memory_space<hbm>> -> memref<589824xf32, #tpu.memory_space<hbm>>
    tpu.enqueue_indirect_dma source(%dma_start3A_87 : memref<589824xf32, #tpu.memory_space<hbm>>) target(%arg23 : memref<4608xf32, #tpu.memory_space<vmem>>) offsets(%arg15 : memref<4608xi32, #tpu.memory_space<vmem>>) semaphore(%arg25 : memref<!tpu.dma_semaphore, #tpu.memory_space<semaphore_mem>>)
    "tpu.region"() ({
      %run_scoped3A = tpu.sem_alloc : memref<!tpu.dma_semaphore, #tpu.memory_space<semaphore_mem>>
      %dma_start3A_102 = tpu.memref_slice %arg7[%add3A_79] : memref<589824xf32, #tpu.memory_space<hbm>> -> memref<4608xf32, #tpu.memory_space<hbm>>
      %dma_start3A_103 = tpu.memref_slice %arg7[%add3A_79] : memref<589824xf32, #tpu.memory_space<hbm>> -> memref<4608xf32, #tpu.memory_space<hbm>>
      tpu.enqueue_dma source(%dma_start3A_103 : memref<4608xf32, #tpu.memory_space<hbm>>) target(%arg16 : memref<4608xf32, #tpu.memory_space<vmem>>) target_semaphore(%run_scoped3A : memref<!tpu.dma_semaphore, #tpu.memory_space<semaphore_mem>>)
      %dma_wait3A_104 = tpu.memref_slice %arg7[%add3A_79] : memref<589824xf32, #tpu.memory_space<hbm>> -> memref<4608xf32, #tpu.memory_space<hbm>>
      %dma_wait3A_105 = tpu.memref_slice %arg7[%add3A_79] : memref<589824xf32, #tpu.memory_space<hbm>> -> memref<4608xf32, #tpu.memory_space<hbm>>
      tpu.wait_dma2 semaphore(%run_scoped3A : memref<!tpu.dma_semaphore, #tpu.memory_space<semaphore_mem>>) src(%dma_wait3A_105 : memref<4608xf32, #tpu.memory_space<hbm>>) dst(%arg16 : memref<4608xf32, #tpu.memory_space<vmem>>)
      tpu.yield
    }) : () -> ()
    "tpu.region"() ({
      %run_scoped3A = tpu.sem_alloc : memref<!tpu.dma_semaphore, #tpu.memory_space<semaphore_mem>>
      %dma_start3A_102 = tpu.memref_slice %arg8[%add3A_79] : memref<589824xf32, #tpu.memory_space<hbm>> -> memref<4608xf32, #tpu.memory_space<hbm>>
      %dma_start3A_103 = tpu.memref_slice %arg8[%add3A_79] : memref<589824xf32, #tpu.memory_space<hbm>> -> memref<4608xf32, #tpu.memory_space<hbm>>
      tpu.enqueue_dma source(%dma_start3A_103 : memref<4608xf32, #tpu.memory_space<hbm>>) target(%arg17 : memref<4608xf32, #tpu.memory_space<vmem>>) target_semaphore(%run_scoped3A : memref<!tpu.dma_semaphore, #tpu.memory_space<semaphore_mem>>)
      %dma_wait3A_104 = tpu.memref_slice %arg8[%add3A_79] : memref<589824xf32, #tpu.memory_space<hbm>> -> memref<4608xf32, #tpu.memory_space<hbm>>
      %dma_wait3A_105 = tpu.memref_slice %arg8[%add3A_79] : memref<589824xf32, #tpu.memory_space<hbm>> -> memref<4608xf32, #tpu.memory_space<hbm>>
      tpu.wait_dma2 semaphore(%run_scoped3A : memref<!tpu.dma_semaphore, #tpu.memory_space<semaphore_mem>>) src(%dma_wait3A_105 : memref<4608xf32, #tpu.memory_space<hbm>>) dst(%arg17 : memref<4608xf32, #tpu.memory_space<vmem>>)
      tpu.yield
    }) : () -> ()
    "tpu.region"() ({
      %run_scoped3A = tpu.sem_alloc : memref<!tpu.dma_semaphore, #tpu.memory_space<semaphore_mem>>
      %dma_start3A_102 = tpu.memref_slice %arg9[%add3A_79] : memref<589824xf32, #tpu.memory_space<hbm>> -> memref<4608xf32, #tpu.memory_space<hbm>>
      %dma_start3A_103 = tpu.memref_slice %arg9[%add3A_79] : memref<589824xf32, #tpu.memory_space<hbm>> -> memref<4608xf32, #tpu.memory_space<hbm>>
      tpu.enqueue_dma source(%dma_start3A_103 : memref<4608xf32, #tpu.memory_space<hbm>>) target(%arg18 : memref<4608xf32, #tpu.memory_space<vmem>>) target_semaphore(%run_scoped3A : memref<!tpu.dma_semaphore, #tpu.memory_space<semaphore_mem>>)
      %dma_wait3A_104 = tpu.memref_slice %arg9[%add3A_79] : memref<589824xf32, #tpu.memory_space<hbm>> -> memref<4608xf32, #tpu.memory_space<hbm>>
      %dma_wait3A_105 = tpu.memref_slice %arg9[%add3A_79] : memref<589824xf32, #tpu.memory_space<hbm>> -> memref<4608xf32, #tpu.memory_space<hbm>>
      tpu.wait_dma2 semaphore(%run_scoped3A : memref<!tpu.dma_semaphore, #tpu.memory_space<semaphore_mem>>) src(%dma_wait3A_105 : memref<4608xf32, #tpu.memory_space<hbm>>) dst(%arg18 : memref<4608xf32, #tpu.memory_space<vmem>>)
      tpu.yield
    }) : () -> ()
    "tpu.region"() ({
      %run_scoped3A = tpu.sem_alloc : memref<!tpu.dma_semaphore, #tpu.memory_space<semaphore_mem>>
      %dma_start3A_102 = tpu.memref_slice %arg10[%add3A_79] : memref<589824xf32, #tpu.memory_space<hbm>> -> memref<4608xf32, #tpu.memory_space<hbm>>
      %dma_start3A_103 = tpu.memref_slice %arg10[%add3A_79] : memref<589824xf32, #tpu.memory_space<hbm>> -> memref<4608xf32, #tpu.memory_space<hbm>>
      tpu.enqueue_dma source(%dma_start3A_103 : memref<4608xf32, #tpu.memory_space<hbm>>) target(%arg19 : memref<4608xf32, #tpu.memory_space<vmem>>) target_semaphore(%run_scoped3A : memref<!tpu.dma_semaphore, #tpu.memory_space<semaphore_mem>>)
      %dma_wait3A_104 = tpu.memref_slice %arg10[%add3A_79] : memref<589824xf32, #tpu.memory_space<hbm>> -> memref<4608xf32, #tpu.memory_space<hbm>>
      %dma_wait3A_105 = tpu.memref_slice %arg10[%add3A_79] : memref<589824xf32, #tpu.memory_space<hbm>> -> memref<4608xf32, #tpu.memory_space<hbm>>
      tpu.wait_dma2 semaphore(%run_scoped3A : memref<!tpu.dma_semaphore, #tpu.memory_space<semaphore_mem>>) src(%dma_wait3A_105 : memref<4608xf32, #tpu.memory_space<hbm>>) dst(%arg19 : memref<4608xf32, #tpu.memory_space<vmem>>)
      tpu.yield
    }) : () -> ()
    %dma_wait3A_88 = arith.constant 0 : i32
    %dma_wait3A_89 = tpu.memref_slice %arg2[%dma_wait3A_88] : memref<589824xf32, #tpu.memory_space<hbm>> -> memref<589824xf32, #tpu.memory_space<hbm>>
    tpu.wait_indirect_dma semaphore(%arg25 : memref<!tpu.dma_semaphore, #tpu.memory_space<semaphore_mem>>) src(%dma_wait3A_89 : memref<589824xf32, #tpu.memory_space<hbm>>) dst(%arg20 : memref<4608xf32, #tpu.memory_space<vmem>>)
    %dma_wait3A_90 = arith.constant 0 : i32
    %dma_wait3A_91 = tpu.memref_slice %arg2[%dma_wait3A_90] : memref<589824xf32, #tpu.memory_space<hbm>> -> memref<589824xf32, #tpu.memory_space<hbm>>
    tpu.wait_indirect_dma semaphore(%arg25 : memref<!tpu.dma_semaphore, #tpu.memory_space<semaphore_mem>>) src(%dma_wait3A_91 : memref<589824xf32, #tpu.memory_space<hbm>>) dst(%arg21 : memref<4608xf32, #tpu.memory_space<vmem>>)
    %dma_wait3A_92 = arith.constant 0 : i32
    %dma_wait3A_93 = tpu.memref_slice %arg2[%dma_wait3A_92] : memref<589824xf32, #tpu.memory_space<hbm>> -> memref<589824xf32, #tpu.memory_space<hbm>>
    tpu.wait_indirect_dma semaphore(%arg25 : memref<!tpu.dma_semaphore, #tpu.memory_space<semaphore_mem>>) src(%dma_wait3A_93 : memref<589824xf32, #tpu.memory_space<hbm>>) dst(%arg22 : memref<4608xf32, #tpu.memory_space<vmem>>)
    %dma_wait3A_94 = arith.constant 0 : i32
    %dma_wait3A_95 = tpu.memref_slice %arg2[%dma_wait3A_94] : memref<589824xf32, #tpu.memory_space<hbm>> -> memref<589824xf32, #tpu.memory_space<hbm>>
    tpu.wait_indirect_dma semaphore(%arg25 : memref<!tpu.dma_semaphore, #tpu.memory_space<semaphore_mem>>) src(%dma_wait3A_95 : memref<589824xf32, #tpu.memory_space<hbm>>) dst(%arg23 : memref<4608xf32, #tpu.memory_space<vmem>>)
    %scan3A_96 = arith.constant 0 : i32
    %scan3A_97 = arith.constant 0 : i32
    %scan3A_98 = arith.constant 288 : i32
    %scan3A_99 = arith.addi %scan3A_97, %scan3A_98 : i32
    %scan3A_100 = arith.constant 1 : i32
    scf.for %scan3A_102 = %scan3A_97 to %scan3A_99 step %scan3A_100  : i32 {
      %mul3A_103 = arith.constant 16 : i32
      %mul3A_104 = arith.muli %scan3A_102, %mul3A_103 : i32
      %multiple_of3A = tpu.assume_multiple %mul3A_104, 16 : i32
      %get3A = arith.index_cast %multiple_of3A : i32 to index
      %get3A_105 = tpu.vector_load %arg20[%get3A] {strides = array<i32>} : memref<4608xf32, #tpu.memory_space<vmem>>, vector<16xf32>,
      %get3A_106 = arith.index_cast %multiple_of3A : i32 to index
      %get3A_107 = tpu.vector_load %arg16[%get3A_106] {strides = array<i32>} : memref<4608xf32, #tpu.memory_space<vmem>>, vector<16xf32>,
      %mul3A_108 = arith.mulf %get3A_105, %get3A_107 : vector<16xf32>
      %get3A_109 = arith.index_cast %multiple_of3A : i32 to index
      %get3A_110 = tpu.vector_load %arg21[%get3A_109] {strides = array<i32>} : memref<4608xf32, #tpu.memory_space<vmem>>, vector<16xf32>,
      %get3A_111 = arith.index_cast %multiple_of3A : i32 to index
      %get3A_112 = tpu.vector_load %arg17[%get3A_111] {strides = array<i32>} : memref<4608xf32, #tpu.memory_space<vmem>>, vector<16xf32>,
      %mul3A_113 = arith.mulf %get3A_110, %get3A_112 : vector<16xf32>
      %add3A_114 = arith.addf %mul3A_108, %mul3A_113 : vector<16xf32>
      %get3A_115 = arith.index_cast %multiple_of3A : i32 to index
      %get3A_116 = tpu.vector_load %arg22[%get3A_115] {strides = array<i32>} : memref<4608xf32, #tpu.memory_space<vmem>>, vector<16xf32>,
      %get3A_117 = arith.index_cast %multiple_of3A : i32 to index
      %get3A_118 = tpu.vector_load %arg18[%get3A_117] {strides = array<i32>} : memref<4608xf32, #tpu.memory_space<vmem>>, vector<16xf32>,
      %mul3A_119 = arith.mulf %get3A_116, %get3A_118 : vector<16xf32>
      %add3A_120 = arith.addf %add3A_114, %mul3A_119 : vector<16xf32>
      %get3A_121 = arith.index_cast %multiple_of3A : i32 to index
      %get3A_122 = tpu.vector_load %arg23[%get3A_121] {strides = array<i32>} : memref<4608xf32, #tpu.memory_space<vmem>>, vector<16xf32>,
      %get3A_123 = arith.index_cast %multiple_of3A : i32 to index
      %get3A_124 = tpu.vector_load %arg19[%get3A_123] {strides = array<i32>} : memref<4608xf32, #tpu.memory_space<vmem>>, vector<16xf32>,
      %mul3A_125 = arith.mulf %get3A_122, %get3A_124 : vector<16xf32>
      %add3A_126 = arith.addf %add3A_120, %mul3A_125 : vector<16xf32>
      %swap3A = arith.index_cast %multiple_of3A : i32 to index
      %swap3A_127 = tpu.vector_load %arg24[%swap3A] {strides = array<i32>} : memref<4608xf32, #tpu.memory_space<vmem>>, vector<16xf32>,
      tpu.vector_store %arg24[%swap3A], %add3A_126 {strides = array<i32>} : memref<4608xf32, #tpu.memory_space<vmem>>, vector<16xf32>,
    }
    %scan3A_101 = arith.constant 288 : i32
    "tpu.region"() ({
      %run_scoped3A = tpu.sem_alloc : memref<!tpu.dma_semaphore, #tpu.memory_space<semaphore_mem>>
      %dma_start3A_102 = tpu.memref_slice %arg11[%add3A_79] : memref<589824xf32, #tpu.memory_space<hbm>> -> memref<4608xf32, #tpu.memory_space<hbm>>
      %dma_start3A_103 = tpu.memref_slice %arg11[%add3A_79] : memref<589824xf32, #tpu.memory_space<hbm>> -> memref<4608xf32, #tpu.memory_space<hbm>>
      tpu.enqueue_dma source(%arg24 : memref<4608xf32, #tpu.memory_space<vmem>>) target(%dma_start3A_103 : memref<4608xf32, #tpu.memory_space<hbm>>) target_semaphore(%run_scoped3A : memref<!tpu.dma_semaphore, #tpu.memory_space<semaphore_mem>>)
      %dma_wait3A_104 = tpu.memref_slice %arg11[%add3A_79] : memref<589824xf32, #tpu.memory_space<hbm>> -> memref<4608xf32, #tpu.memory_space<hbm>>
      %dma_wait3A_105 = tpu.memref_slice %arg11[%add3A_79] : memref<589824xf32, #tpu.memory_space<hbm>> -> memref<4608xf32, #tpu.memory_space<hbm>>
      tpu.wait_dma2 semaphore(%run_scoped3A : memref<!tpu.dma_semaphore, #tpu.memory_space<semaphore_mem>>) src(%arg24 : memref<4608xf32, #tpu.memory_space<vmem>>) dst(%dma_wait3A_105 : memref<4608xf32, #tpu.memory_space<hbm>>)
      tpu.yield
    }) : () -> ()
    return
  }
}

module attributes {stable_mosaic.version = 14 : i64} {
  func.func @_coord_body(%arg0: i32, %arg1: memref<1x384x384xf32, #tpu.memory_space<vmem>>, %arg2: memref<1x384x384xf32, #tpu.memory_space<vmem>>, %arg3: memref<1x384x384xi32, #tpu.memory_space<vmem>>, %arg4: memref<1x384x384xi32, #tpu.memory_space<vmem>>, %arg5: memref<1x384x384xi32, #tpu.memory_space<vmem>>, %arg6: memref<1x384x384xi32, #tpu.memory_space<vmem>>, %arg7: memref<1x384x384xf32, #tpu.memory_space<vmem>>, %arg8: memref<1x384x384xf32, #tpu.memory_space<vmem>>, %arg9: memref<1x384x384xf32, #tpu.memory_space<vmem>>, %arg10: memref<1x384x384xf32, #tpu.memory_space<vmem>>) attributes {dimension_semantics = [#tpu.dimension_semantics<arbitrary>], iteration_bounds = array<i64: 4>, scalar_prefetch = 0 : i64, scratch_operands = 0 : i64, tpu.core_type = #tpu.core_type<tc>, window_params = [{transform_indices = @transform_0, window_bounds = array<i64: 1, 384, 384>}, {transform_indices = @transform_1, window_bounds = array<i64: 1, 384, 384>}, {transform_indices = @transform_2, window_bounds = array<i64: 1, 384, 384>}, {transform_indices = @transform_3, window_bounds = array<i64: 1, 384, 384>}, {transform_indices = @transform_4, window_bounds = array<i64: 1, 384, 384>}, {transform_indices = @transform_5, window_bounds = array<i64: 1, 384, 384>}, {transform_indices = @transform_6, window_bounds = array<i64: 1, 384, 384>}, {transform_indices = @transform_7, window_bounds = array<i64: 1, 384, 384>}, {transform_indices = @transform_8, window_bounds = array<i64: 1, 384, 384>}, {transform_indices = @transform_9, window_bounds = array<i64: 1, 384, 384>}]} {
    %get3A = arith.constant 0 : index
    %get3A_0 = arith.constant 0 : index
    %get3A_1 = arith.constant 0 : index
    %get3A_2 = vector.load %arg1[%get3A, %get3A_0, %get3A_1] : memref<1x384x384xf32, #tpu.memory_space<vmem>>, vector<1x384x384xf32>
    %get3A_3 = vector.shape_cast %get3A_2 : vector<1x384x384xf32> to vector<384x384xf32>
    %jit3A = arith.constant -4.000000e+00 : f32
    %jit3A_4 = arith.constant 3.880000e+02 : f32
    %max3A = vector.broadcast %jit3A : f32 to vector<384x384xf32>
    %max3A_5 = arith.maximumf %max3A, %get3A_3 : vector<384x384xf32>
    %min3A = vector.broadcast %jit3A_4 : f32 to vector<384x384xf32>
    %min3A_6 = arith.minimumf %min3A, %max3A_5 : vector<384x384xf32>
    %get3A_7 = arith.constant 0 : index
    %get3A_8 = arith.constant 0 : index
    %get3A_9 = arith.constant 0 : index
    %get3A_10 = vector.load %arg2[%get3A_7, %get3A_8, %get3A_9] : memref<1x384x384xf32, #tpu.memory_space<vmem>>, vector<1x384x384xf32>
    %get3A_11 = vector.shape_cast %get3A_10 : vector<1x384x384xf32> to vector<384x384xf32>
    %jit3A_12 = arith.constant -4.000000e+00 : f32
    %jit3A_13 = arith.constant 3.880000e+02 : f32
    %max3A_14 = vector.broadcast %jit3A_12 : f32 to vector<384x384xf32>
    %max3A_15 = arith.maximumf %max3A_14, %get3A_11 : vector<384x384xf32>
    %min3A_16 = vector.broadcast %jit3A_13 : f32 to vector<384x384xf32>
    %min3A_17 = arith.minimumf %min3A_16, %max3A_15 : vector<384x384xf32>
    %floor3A = math.floor %min3A_6 : vector<384x384xf32>
    %floor3A_18 = math.floor %min3A_17 : vector<384x384xf32>
    %sub3A = arith.subf %min3A_6, %floor3A : vector<384x384xf32>
    %sub3A_19 = arith.subf %min3A_17, %floor3A_18 : vector<384x384xf32>
    %ge3A = arith.constant 0.000000e+00 : f32
    %ge3A_20 = vector.broadcast %ge3A : f32 to vector<384x384xf32>
    %ge3A_21 = arith.cmpf oge, %floor3A, %ge3A_20 : vector<384x384xf32>
    %le3A = arith.constant 3.830000e+02 : f32
    %le3A_22 = vector.broadcast %le3A : f32 to vector<384x384xf32>
    %le3A_23 = arith.cmpf ole, %floor3A, %le3A_22 : vector<384x384xf32>
    %and3A = arith.andi %ge3A_21, %le3A_23 : vector<384x384xi1>
    %add3A = arith.constant 1.000000e+00 : f32
    %add3A_24 = vector.broadcast %add3A : f32 to vector<384x384xf32>
    %add3A_25 = arith.addf %floor3A, %add3A_24 : vector<384x384xf32>
    %ge3A_26 = arith.constant 0.000000e+00 : f32
    %ge3A_27 = vector.broadcast %ge3A_26 : f32 to vector<384x384xf32>
    %ge3A_28 = arith.cmpf oge, %add3A_25, %ge3A_27 : vector<384x384xf32>
    %add3A_29 = arith.constant 1.000000e+00 : f32
    %add3A_30 = vector.broadcast %add3A_29 : f32 to vector<384x384xf32>
    %add3A_31 = arith.addf %floor3A, %add3A_30 : vector<384x384xf32>
    %le3A_32 = arith.constant 3.830000e+02 : f32
    %le3A_33 = vector.broadcast %le3A_32 : f32 to vector<384x384xf32>
    %le3A_34 = arith.cmpf ole, %add3A_31, %le3A_33 : vector<384x384xf32>
    %and3A_35 = arith.andi %ge3A_28, %le3A_34 : vector<384x384xi1>
    %ge3A_36 = arith.constant 0.000000e+00 : f32
    %ge3A_37 = vector.broadcast %ge3A_36 : f32 to vector<384x384xf32>
    %ge3A_38 = arith.cmpf oge, %floor3A_18, %ge3A_37 : vector<384x384xf32>
    %le3A_39 = arith.constant 3.830000e+02 : f32
    %le3A_40 = vector.broadcast %le3A_39 : f32 to vector<384x384xf32>
    %le3A_41 = arith.cmpf ole, %floor3A_18, %le3A_40 : vector<384x384xf32>
    %and3A_42 = arith.andi %ge3A_38, %le3A_41 : vector<384x384xi1>
    %add3A_43 = arith.constant 1.000000e+00 : f32
    %add3A_44 = vector.broadcast %add3A_43 : f32 to vector<384x384xf32>
    %add3A_45 = arith.addf %floor3A_18, %add3A_44 : vector<384x384xf32>
    %ge3A_46 = arith.constant 0.000000e+00 : f32
    %ge3A_47 = vector.broadcast %ge3A_46 : f32 to vector<384x384xf32>
    %ge3A_48 = arith.cmpf oge, %add3A_45, %ge3A_47 : vector<384x384xf32>
    %add3A_49 = arith.constant 1.000000e+00 : f32
    %add3A_50 = vector.broadcast %add3A_49 : f32 to vector<384x384xf32>
    %add3A_51 = arith.addf %floor3A_18, %add3A_50 : vector<384x384xf32>
    %le3A_52 = arith.constant 3.830000e+02 : f32
    %le3A_53 = vector.broadcast %le3A_52 : f32 to vector<384x384xf32>
    %le3A_54 = arith.cmpf ole, %add3A_51, %le3A_53 : vector<384x384xf32>
    %and3A_55 = arith.andi %ge3A_48, %le3A_54 : vector<384x384xi1>
    %mul3A = arith.constant 147456 : i32
    %mul3A_56 = arith.muli %arg0, %mul3A : i32
    %convert_element_type3A = arith.fptosi %floor3A : vector<384x384xf32> to vector<384x384xi32>
    %jit3A_57 = arith.constant 0 : i32
    %jit3A_58 = arith.constant 383 : i32
    %max3A_59 = vector.broadcast %jit3A_57 : i32 to vector<384x384xi32>
    %max3A_60 = arith.maxsi %max3A_59, %convert_element_type3A : vector<384x384xi32>
    %min3A_61 = vector.broadcast %jit3A_58 : i32 to vector<384x384xi32>
    %min3A_62 = arith.minsi %min3A_61, %max3A_60 : vector<384x384xi32>
    %convert_element_type3A_63 = arith.fptosi %floor3A : vector<384x384xf32> to vector<384x384xi32>
    %add3A_64 = arith.constant 1 : i32
    %add3A_65 = vector.broadcast %add3A_64 : i32 to vector<384x384xi32>
    %add3A_66 = arith.addi %convert_element_type3A_63, %add3A_65 : vector<384x384xi32>
    %jit3A_67 = arith.constant 0 : i32
    %jit3A_68 = arith.constant 383 : i32
    %max3A_69 = vector.broadcast %jit3A_67 : i32 to vector<384x384xi32>
    %max3A_70 = arith.maxsi %max3A_69, %add3A_66 : vector<384x384xi32>
    %min3A_71 = vector.broadcast %jit3A_68 : i32 to vector<384x384xi32>
    %min3A_72 = arith.minsi %min3A_71, %max3A_70 : vector<384x384xi32>
    %convert_element_type3A_73 = arith.fptosi %floor3A_18 : vector<384x384xf32> to vector<384x384xi32>
    %jit3A_74 = arith.constant 0 : i32
    %jit3A_75 = arith.constant 383 : i32
    %max3A_76 = vector.broadcast %jit3A_74 : i32 to vector<384x384xi32>
    %max3A_77 = arith.maxsi %max3A_76, %convert_element_type3A_73 : vector<384x384xi32>
    %min3A_78 = vector.broadcast %jit3A_75 : i32 to vector<384x384xi32>
    %min3A_79 = arith.minsi %min3A_78, %max3A_77 : vector<384x384xi32>
    %mul3A_80 = arith.constant 384 : i32
    %mul3A_81 = vector.broadcast %mul3A_80 : i32 to vector<384x384xi32>
    %mul3A_82 = arith.muli %min3A_79, %mul3A_81 : vector<384x384xi32>
    %add3A_83 = vector.broadcast %mul3A_56 : i32 to vector<384x384xi32>
    %add3A_84 = arith.addi %mul3A_82, %add3A_83 : vector<384x384xi32>
    %convert_element_type3A_85 = arith.fptosi %floor3A_18 : vector<384x384xf32> to vector<384x384xi32>
    %add3A_86 = arith.constant 1 : i32
    %add3A_87 = vector.broadcast %add3A_86 : i32 to vector<384x384xi32>
    %add3A_88 = arith.addi %convert_element_type3A_85, %add3A_87 : vector<384x384xi32>
    %jit3A_89 = arith.constant 0 : i32
    %jit3A_90 = arith.constant 383 : i32
    %max3A_91 = vector.broadcast %jit3A_89 : i32 to vector<384x384xi32>
    %max3A_92 = arith.maxsi %max3A_91, %add3A_88 : vector<384x384xi32>
    %min3A_93 = vector.broadcast %jit3A_90 : i32 to vector<384x384xi32>
    %min3A_94 = arith.minsi %min3A_93, %max3A_92 : vector<384x384xi32>
    %mul3A_95 = arith.constant 384 : i32
    %mul3A_96 = vector.broadcast %mul3A_95 : i32 to vector<384x384xi32>
    %mul3A_97 = arith.muli %min3A_94, %mul3A_96 : vector<384x384xi32>
    %add3A_98 = vector.broadcast %mul3A_56 : i32 to vector<384x384xi32>
    %add3A_99 = arith.addi %mul3A_97, %add3A_98 : vector<384x384xi32>
    %add3A_100 = arith.addi %add3A_84, %min3A_62 : vector<384x384xi32>
    %swap3A = arith.constant 0 : index
    %swap3A_101 = arith.constant 0 : index
    %swap3A_102 = arith.constant 0 : index
    %swap3A_103 = vector.load %arg3[%swap3A, %swap3A_101, %swap3A_102] : memref<1x384x384xi32, #tpu.memory_space<vmem>>, vector<1x384x384xi32>
    %swap3A_104 = vector.shape_cast %swap3A_103 : vector<1x384x384xi32> to vector<384x384xi32>
    %swap3A_105 = vector.shape_cast %add3A_100 : vector<384x384xi32> to vector<1x384x384xi32>
    tpu.vector_store %arg3[%swap3A, %swap3A_101, %swap3A_102], %swap3A_105 {strides = array<i32>} : memref<1x384x384xi32, #tpu.memory_space<vmem>>, vector<1x384x384xi32>,
    %add3A_106 = arith.addi %add3A_84, %min3A_72 : vector<384x384xi32>
    %swap3A_107 = arith.constant 0 : index
    %swap3A_108 = arith.constant 0 : index
    %swap3A_109 = arith.constant 0 : index
    %swap3A_110 = vector.load %arg4[%swap3A_107, %swap3A_108, %swap3A_109] : memref<1x384x384xi32, #tpu.memory_space<vmem>>, vector<1x384x384xi32>
    %swap3A_111 = vector.shape_cast %swap3A_110 : vector<1x384x384xi32> to vector<384x384xi32>
    %swap3A_112 = vector.shape_cast %add3A_106 : vector<384x384xi32> to vector<1x384x384xi32>
    tpu.vector_store %arg4[%swap3A_107, %swap3A_108, %swap3A_109], %swap3A_112 {strides = array<i32>} : memref<1x384x384xi32, #tpu.memory_space<vmem>>, vector<1x384x384xi32>,
    %add3A_113 = arith.addi %add3A_99, %min3A_62 : vector<384x384xi32>
    %swap3A_114 = arith.constant 0 : index
    %swap3A_115 = arith.constant 0 : index
    %swap3A_116 = arith.constant 0 : index
    %swap3A_117 = vector.load %arg5[%swap3A_114, %swap3A_115, %swap3A_116] : memref<1x384x384xi32, #tpu.memory_space<vmem>>, vector<1x384x384xi32>
    %swap3A_118 = vector.shape_cast %swap3A_117 : vector<1x384x384xi32> to vector<384x384xi32>
    %swap3A_119 = vector.shape_cast %add3A_113 : vector<384x384xi32> to vector<1x384x384xi32>
    tpu.vector_store %arg5[%swap3A_114, %swap3A_115, %swap3A_116], %swap3A_119 {strides = array<i32>} : memref<1x384x384xi32, #tpu.memory_space<vmem>>, vector<1x384x384xi32>,
    %add3A_120 = arith.addi %add3A_99, %min3A_72 : vector<384x384xi32>
    %swap3A_121 = arith.constant 0 : index
    %swap3A_122 = arith.constant 0 : index
    %swap3A_123 = arith.constant 0 : index
    %swap3A_124 = vector.load %arg6[%swap3A_121, %swap3A_122, %swap3A_123] : memref<1x384x384xi32, #tpu.memory_space<vmem>>, vector<1x384x384xi32>
    %swap3A_125 = vector.shape_cast %swap3A_124 : vector<1x384x384xi32> to vector<384x384xi32>
    %swap3A_126 = vector.shape_cast %add3A_120 : vector<384x384xi32> to vector<1x384x384xi32>
    tpu.vector_store %arg6[%swap3A_121, %swap3A_122, %swap3A_123], %swap3A_126 {strides = array<i32>} : memref<1x384x384xi32, #tpu.memory_space<vmem>>, vector<1x384x384xi32>,
    %and3A_127 = arith.andi %and3A, %and3A_42 : vector<384x384xi1>
    %sub3A_128 = arith.constant 1.000000e+00 : f32
    %sub3A_129 = vector.broadcast %sub3A_128 : f32 to vector<384x384xf32>
    %sub3A_130 = arith.subf %sub3A_129, %sub3A : vector<384x384xf32>
    %sub3A_131 = arith.constant 1.000000e+00 : f32
    %sub3A_132 = vector.broadcast %sub3A_131 : f32 to vector<384x384xf32>
    %sub3A_133 = arith.subf %sub3A_132, %sub3A_19 : vector<384x384xf32>
    %mul3A_134 = arith.mulf %sub3A_130, %sub3A_133 : vector<384x384xf32>
    %jit3A_135 = arith.constant 0.000000e+00 : f32
    %broadcast_in_dim3A = vector.broadcast %jit3A_135 : f32 to vector<384x384xf32>
    %select_n3A = arith.select %and3A_127, %mul3A_134, %broadcast_in_dim3A : vector<384x384xi1>, vector<384x384xf32>
    %swap3A_136 = arith.constant 0 : index
    %swap3A_137 = arith.constant 0 : index
    %swap3A_138 = arith.constant 0 : index
    %swap3A_139 = vector.load %arg7[%swap3A_136, %swap3A_137, %swap3A_138] : memref<1x384x384xf32, #tpu.memory_space<vmem>>, vector<1x384x384xf32>
    %swap3A_140 = vector.shape_cast %swap3A_139 : vector<1x384x384xf32> to vector<384x384xf32>
    %swap3A_141 = vector.shape_cast %select_n3A : vector<384x384xf32> to vector<1x384x384xf32>
    tpu.vector_store %arg7[%swap3A_136, %swap3A_137, %swap3A_138], %swap3A_141 {strides = array<i32>} : memref<1x384x384xf32, #tpu.memory_space<vmem>>, vector<1x384x384xf32>,
    %and3A_142 = arith.andi %and3A_35, %and3A_42 : vector<384x384xi1>
    %sub3A_143 = arith.constant 1.000000e+00 : f32
    %sub3A_144 = vector.broadcast %sub3A_143 : f32 to vector<384x384xf32>
    %sub3A_145 = arith.subf %sub3A_144, %sub3A_19 : vector<384x384xf32>
    %mul3A_146 = arith.mulf %sub3A, %sub3A_145 : vector<384x384xf32>
    %jit3A_147 = arith.constant 0.000000e+00 : f32
    %broadcast_in_dim3A_148 = vector.broadcast %jit3A_147 : f32 to vector<384x384xf32>
    %select_n3A_149 = arith.select %and3A_142, %mul3A_146, %broadcast_in_dim3A_148 : vector<384x384xi1>, vector<384x384xf32>
    %swap3A_150 = arith.constant 0 : index
    %swap3A_151 = arith.constant 0 : index
    %swap3A_152 = arith.constant 0 : index
    %swap3A_153 = vector.load %arg8[%swap3A_150, %swap3A_151, %swap3A_152] : memref<1x384x384xf32, #tpu.memory_space<vmem>>, vector<1x384x384xf32>
    %swap3A_154 = vector.shape_cast %swap3A_153 : vector<1x384x384xf32> to vector<384x384xf32>
    %swap3A_155 = vector.shape_cast %select_n3A_149 : vector<384x384xf32> to vector<1x384x384xf32>
    tpu.vector_store %arg8[%swap3A_150, %swap3A_151, %swap3A_152], %swap3A_155 {strides = array<i32>} : memref<1x384x384xf32, #tpu.memory_space<vmem>>, vector<1x384x384xf32>,
    %and3A_156 = arith.andi %and3A, %and3A_55 : vector<384x384xi1>
    %sub3A_157 = arith.constant 1.000000e+00 : f32
    %sub3A_158 = vector.broadcast %sub3A_157 : f32 to vector<384x384xf32>
    %sub3A_159 = arith.subf %sub3A_158, %sub3A : vector<384x384xf32>
    %mul3A_160 = arith.mulf %sub3A_159, %sub3A_19 : vector<384x384xf32>
    %jit3A_161 = arith.constant 0.000000e+00 : f32
    %broadcast_in_dim3A_162 = vector.broadcast %jit3A_161 : f32 to vector<384x384xf32>
    %select_n3A_163 = arith.select %and3A_156, %mul3A_160, %broadcast_in_dim3A_162 : vector<384x384xi1>, vector<384x384xf32>
    %swap3A_164 = arith.constant 0 : index
    %swap3A_165 = arith.constant 0 : index
    %swap3A_166 = arith.constant 0 : index
    %swap3A_167 = vector.load %arg9[%swap3A_164, %swap3A_165, %swap3A_166] : memref<1x384x384xf32, #tpu.memory_space<vmem>>, vector<1x384x384xf32>
    %swap3A_168 = vector.shape_cast %swap3A_167 : vector<1x384x384xf32> to vector<384x384xf32>
    %swap3A_169 = vector.shape_cast %select_n3A_163 : vector<384x384xf32> to vector<1x384x384xf32>
    tpu.vector_store %arg9[%swap3A_164, %swap3A_165, %swap3A_166], %swap3A_169 {strides = array<i32>} : memref<1x384x384xf32, #tpu.memory_space<vmem>>, vector<1x384x384xf32>,
    %and3A_170 = arith.andi %and3A_35, %and3A_55 : vector<384x384xi1>
    %mul3A_171 = arith.mulf %sub3A, %sub3A_19 : vector<384x384xf32>
    %jit3A_172 = arith.constant 0.000000e+00 : f32
    %broadcast_in_dim3A_173 = vector.broadcast %jit3A_172 : f32 to vector<384x384xf32>
    %select_n3A_174 = arith.select %and3A_170, %mul3A_171, %broadcast_in_dim3A_173 : vector<384x384xi1>, vector<384x384xf32>
    %swap3A_175 = arith.constant 0 : index
    %swap3A_176 = arith.constant 0 : index
    %swap3A_177 = arith.constant 0 : index
    %swap3A_178 = vector.load %arg10[%swap3A_175, %swap3A_176, %swap3A_177] : memref<1x384x384xf32, #tpu.memory_space<vmem>>, vector<1x384x384xf32>
    %swap3A_179 = vector.shape_cast %swap3A_178 : vector<1x384x384xf32> to vector<384x384xf32>
    %swap3A_180 = vector.shape_cast %select_n3A_174 : vector<384x384xf32> to vector<1x384x384xf32>
    tpu.vector_store %arg10[%swap3A_175, %swap3A_176, %swap3A_177], %swap3A_180 {strides = array<i32>} : memref<1x384x384xf32, #tpu.memory_space<vmem>>, vector<1x384x384xf32>,
    return
  }
  func.func @transform_0(%arg0: i32) -> (i32, i32, i32) {
    %c0_i32 = arith.constant 0 : i32
    %c0_i32_0 = arith.constant 0 : i32
    %c0_i32_1 = arith.constant 0 : i32
    return %arg0, %c0_i32, %c0_i32_0 : i32, i32, i32
  }
  func.func @transform_1(%arg0: i32) -> (i32, i32, i32) {
    %c0_i32 = arith.constant 0 : i32
    %c0_i32_0 = arith.constant 0 : i32
    %c0_i32_1 = arith.constant 0 : i32
    return %arg0, %c0_i32, %c0_i32_0 : i32, i32, i32
  }
  func.func @transform_2(%arg0: i32) -> (i32, i32, i32) {
    %c0_i32 = arith.constant 0 : i32
    %c0_i32_0 = arith.constant 0 : i32
    %c0_i32_1 = arith.constant 0 : i32
    return %arg0, %c0_i32, %c0_i32_0 : i32, i32, i32
  }
  func.func @transform_3(%arg0: i32) -> (i32, i32, i32) {
    %c0_i32 = arith.constant 0 : i32
    %c0_i32_0 = arith.constant 0 : i32
    %c0_i32_1 = arith.constant 0 : i32
    return %arg0, %c0_i32, %c0_i32_0 : i32, i32, i32
  }
  func.func @transform_4(%arg0: i32) -> (i32, i32, i32) {
    %c0_i32 = arith.constant 0 : i32
    %c0_i32_0 = arith.constant 0 : i32
    %c0_i32_1 = arith.constant 0 : i32
    return %arg0, %c0_i32, %c0_i32_0 : i32, i32, i32
  }
  func.func @transform_5(%arg0: i32) -> (i32, i32, i32) {
    %c0_i32 = arith.constant 0 : i32
    %c0_i32_0 = arith.constant 0 : i32
    %c0_i32_1 = arith.constant 0 : i32
    return %arg0, %c0_i32, %c0_i32_0 : i32, i32, i32
  }
  func.func @transform_6(%arg0: i32) -> (i32, i32, i32) {
    %c0_i32 = arith.constant 0 : i32
    %c0_i32_0 = arith.constant 0 : i32
    %c0_i32_1 = arith.constant 0 : i32
    return %arg0, %c0_i32, %c0_i32_0 : i32, i32, i32
  }
  func.func @transform_7(%arg0: i32) -> (i32, i32, i32) {
    %c0_i32 = arith.constant 0 : i32
    %c0_i32_0 = arith.constant 0 : i32
    %c0_i32_1 = arith.constant 0 : i32
    return %arg0, %c0_i32, %c0_i32_0 : i32, i32, i32
  }
  func.func @transform_8(%arg0: i32) -> (i32, i32, i32) {
    %c0_i32 = arith.constant 0 : i32
    %c0_i32_0 = arith.constant 0 : i32
    %c0_i32_1 = arith.constant 0 : i32
    return %arg0, %c0_i32, %c0_i32_0 : i32, i32, i32
  }
  func.func @transform_9(%arg0: i32) -> (i32, i32, i32) {
    %c0_i32 = arith.constant 0 : i32
    %c0_i32_0 = arith.constant 0 : i32
    %c0_i32_1 = arith.constant 0 : i32
    return %arg0, %c0_i32, %c0_i32_0 : i32, i32, i32
  }
}

module attributes {stable_mosaic.version = 14 : i64} {
  func.func @_nms_body(%arg0: i32, %arg1: memref<1x384x384xf32, #tpu.memory_space<vmem>>, %arg2: memref<1x384x384xf32, #tpu.memory_space<vmem>>, %arg3: memref<1x384x384xf32, #tpu.memory_space<vmem>>, %arg4: memref<1x384x384xf32, #tpu.memory_space<vmem>>, %arg5: memref<1x2x128xf32, #tpu.memory_space<vmem>>) attributes {dimension_semantics = [#tpu.dimension_semantics<arbitrary>], iteration_bounds = array<i64: 4>, scalar_prefetch = 0 : i64, scratch_operands = 0 : i64, tpu.core_type = #tpu.core_type<tc>, window_params = [{transform_indices = @transform_0, window_bounds = array<i64: 1, 384, 384>}, {transform_indices = @transform_1, window_bounds = array<i64: 1, 384, 384>}, {transform_indices = @transform_2, window_bounds = array<i64: 1, 384, 384>}, {transform_indices = @transform_3, window_bounds = array<i64: 1, 384, 384>}, {transform_indices = @transform_4, window_bounds = array<i64: 1, 2, 128>}]} {
    %iota3A = tpu.iota {dimensions = array<i32: 0>} : vector<384x384xi32>
    %iota3A_0 = tpu.iota {dimensions = array<i32: 1>} : vector<384x384xi32>
    %ge3A = arith.constant 8 : i32
    %ge3A_1 = vector.broadcast %ge3A : i32 to vector<384x384xi32>
    %ge3A_2 = arith.cmpi sge, %iota3A, %ge3A_1 : vector<384x384xi32>
    %lt3A = arith.constant 376 : i32
    %lt3A_3 = vector.broadcast %lt3A : i32 to vector<384x384xi32>
    %lt3A_4 = arith.cmpi slt, %iota3A, %lt3A_3 : vector<384x384xi32>
    %and3A = arith.andi %ge3A_2, %lt3A_4 : vector<384x384xi1>
    %ge3A_5 = arith.constant 8 : i32
    %ge3A_6 = vector.broadcast %ge3A_5 : i32 to vector<384x384xi32>
    %ge3A_7 = arith.cmpi sge, %iota3A_0, %ge3A_6 : vector<384x384xi32>
    %and3A_8 = arith.andi %and3A, %ge3A_7 : vector<384x384xi1>
    %lt3A_9 = arith.constant 376 : i32
    %lt3A_10 = vector.broadcast %lt3A_9 : i32 to vector<384x384xi32>
    %lt3A_11 = arith.cmpi slt, %iota3A_0, %lt3A_10 : vector<384x384xi32>
    %and3A_12 = arith.andi %and3A_8, %lt3A_11 : vector<384x384xi1>
    %get3A = arith.constant 0 : index
    %get3A_13 = arith.constant 0 : index
    %get3A_14 = arith.constant 0 : index
    %get3A_15 = vector.load %arg1[%get3A, %get3A_13, %get3A_14] : memref<1x384x384xf32, #tpu.memory_space<vmem>>, vector<1x384x384xf32>
    %get3A_16 = vector.shape_cast %get3A_15 : vector<1x384x384xf32> to vector<384x384xf32>
    %jit3A = arith.constant 0.000000e+00 : f32
    %broadcast_in_dim3A = vector.broadcast %jit3A : f32 to vector<384x384xf32>
    %select_n3A = arith.select %and3A_12, %get3A_16, %broadcast_in_dim3A : vector<384x384xi1>, vector<384x384xf32>
    %broadcast_in_dim3A_17 = arith.constant 0.000000e+00 : f32
    %broadcast_in_dim3A_18 = vector.broadcast %broadcast_in_dim3A_17 : f32 to vector<384x2xf32>
    %concatenate3A = tpu.concatenate %broadcast_in_dim3A_18, %select_n3A, %broadcast_in_dim3A_18 in 1 : vector<384x2xf32>, vector<384x384xf32>, vector<384x2xf32> -> vector<384x388xf32>
    %slice3A = vector.extract_strided_slice %concatenate3A {offsets = [0, 0], sizes = [384, 384], strides = [1, 1]} : vector<384x388xf32> to vector<384x384xf32>
    %slice3A_19 = vector.extract_strided_slice %concatenate3A {offsets = [0, 1], sizes = [384, 384], strides = [1, 1]} : vector<384x388xf32> to vector<384x384xf32>
    %max3A = arith.maximumf %slice3A, %slice3A_19 : vector<384x384xf32>
    %slice3A_20 = vector.extract_strided_slice %concatenate3A {offsets = [0, 2], sizes = [384, 384], strides = [1, 1]} : vector<384x388xf32> to vector<384x384xf32>
    %max3A_21 = arith.maximumf %max3A, %slice3A_20 : vector<384x384xf32>
    %slice3A_22 = vector.extract_strided_slice %concatenate3A {offsets = [0, 3], sizes = [384, 384], strides = [1, 1]} : vector<384x388xf32> to vector<384x384xf32>
    %max3A_23 = arith.maximumf %max3A_21, %slice3A_22 : vector<384x384xf32>
    %slice3A_24 = vector.extract_strided_slice %concatenate3A {offsets = [0, 4], sizes = [384, 384], strides = [1, 1]} : vector<384x388xf32> to vector<384x384xf32>
    %max3A_25 = arith.maximumf %max3A_23, %slice3A_24 : vector<384x384xf32>
    %broadcast_in_dim3A_26 = arith.constant 0.000000e+00 : f32
    %broadcast_in_dim3A_27 = vector.broadcast %broadcast_in_dim3A_26 : f32 to vector<2x384xf32>
    %concatenate3A_28 = tpu.concatenate %broadcast_in_dim3A_27, %max3A_25, %broadcast_in_dim3A_27 in 0 : vector<2x384xf32>, vector<384x384xf32>, vector<2x384xf32> -> vector<388x384xf32>
    %slice3A_29 = vector.extract_strided_slice %concatenate3A_28 {offsets = [0, 0], sizes = [384, 384], strides = [1, 1]} : vector<388x384xf32> to vector<384x384xf32>
    %slice3A_30 = vector.extract_strided_slice %concatenate3A_28 {offsets = [1, 0], sizes = [384, 384], strides = [1, 1]} : vector<388x384xf32> to vector<384x384xf32>
    %max3A_31 = arith.maximumf %slice3A_29, %slice3A_30 : vector<384x384xf32>
    %slice3A_32 = vector.extract_strided_slice %concatenate3A_28 {offsets = [2, 0], sizes = [384, 384], strides = [1, 1]} : vector<388x384xf32> to vector<384x384xf32>
    %max3A_33 = arith.maximumf %max3A_31, %slice3A_32 : vector<384x384xf32>
    %slice3A_34 = vector.extract_strided_slice %concatenate3A_28 {offsets = [3, 0], sizes = [384, 384], strides = [1, 1]} : vector<388x384xf32> to vector<384x384xf32>
    %max3A_35 = arith.maximumf %max3A_33, %slice3A_34 : vector<384x384xf32>
    %slice3A_36 = vector.extract_strided_slice %concatenate3A_28 {offsets = [4, 0], sizes = [384, 384], strides = [1, 1]} : vector<388x384xf32> to vector<384x384xf32>
    %max3A_37 = arith.maximumf %max3A_35, %slice3A_36 : vector<384x384xf32>
    %eq3A = arith.cmpf oeq, %select_n3A, %max3A_37 : vector<384x384xf32>
    %gt3A = arith.constant 0.000000e+00 : f32
    %gt3A_38 = vector.broadcast %gt3A : f32 to vector<384x384xf32>
    %gt3A_39 = arith.cmpf ogt, %select_n3A, %gt3A_38 : vector<384x384xf32>
    %and3A_40 = arith.andi %eq3A, %gt3A_39 : vector<384x384xi1>
    %jit3A_41 = arith.constant 0.000000e+00 : f32
    %broadcast_in_dim3A_42 = vector.broadcast %jit3A_41 : f32 to vector<384x384xf32>
    %select_n3A_43 = arith.select %and3A_40, %select_n3A, %broadcast_in_dim3A_42 : vector<384x384xi1>, vector<384x384xf32>
    %swap3A = arith.constant 0 : index
    %swap3A_44 = arith.constant 0 : index
    %swap3A_45 = arith.constant 0 : index
    %swap3A_46 = vector.load %arg3[%swap3A, %swap3A_44, %swap3A_45] : memref<1x384x384xf32, #tpu.memory_space<vmem>>, vector<1x384x384xf32>
    %swap3A_47 = vector.shape_cast %swap3A_46 : vector<1x384x384xf32> to vector<384x384xf32>
    %swap3A_48 = vector.shape_cast %select_n3A_43 : vector<384x384xf32> to vector<1x384x384xf32>
    tpu.vector_store %arg3[%swap3A, %swap3A_44, %swap3A_45], %swap3A_48 {strides = array<i32>} : memref<1x384x384xf32, #tpu.memory_space<vmem>>, vector<1x384x384xf32>,
    %bitcast_convert_type3A = tpu.bitcast %select_n3A_43 : vector<384x384xf32> -> vector<384x384xi32>
    %scan3A = arith.constant 0 : i32
    %scan3A_49 = arith.constant 1073741824 : i32
    %scan3A_50 = arith.constant 0 : i32
    %scan3A_51 = arith.constant 31 : i32
    %scan3A_52 = arith.addi %scan3A_50, %scan3A_51 : i32
    %scan3A_53 = arith.constant 1 : i32
    %scan3A_54:2 = scf.for %scan3A_130 = %scan3A_50 to %scan3A_52 step %scan3A_53 iter_args(%scan3A_131 = %scan3A, %scan3A_132 = %scan3A_49) -> (i32, i32)  : i32 {
      %sub3A = arith.subi %scan3A_132, %scan3A_131 : i32
      %add3A_133 = arith.constant 1 : i32
      %add3A_134 = arith.addi %sub3A, %add3A_133 : i32
      %jit3A_135 = arith.constant 2 : i32
      %div3A = arith.divsi %add3A_134, %jit3A_135 : i32
      %sign3A = arith.constant 0 : i32
      %sign3A_136 = arith.cmpi sgt, %add3A_134, %sign3A : i32
      %sign3A_137 = arith.extui %sign3A_136 : i1 to i32
      %sign3A_138 = arith.constant 0 : i32
      %sign3A_139 = arith.cmpi slt, %add3A_134, %sign3A_138 : i32
      %sign3A_140 = arith.extui %sign3A_139 : i1 to i32
      %sign3A_141 = arith.subi %sign3A_137, %sign3A_140 : i32
      %sign3A_142 = arith.constant 0 : i32
      %sign3A_143 = arith.cmpi sgt, %jit3A_135, %sign3A_142 : i32
      %sign3A_144 = arith.extui %sign3A_143 : i1 to i32
      %sign3A_145 = arith.constant 0 : i32
      %sign3A_146 = arith.cmpi slt, %jit3A_135, %sign3A_145 : i32
      %sign3A_147 = arith.extui %sign3A_146 : i1 to i32
      %sign3A_148 = arith.subi %sign3A_144, %sign3A_147 : i32
      %ne3A = arith.cmpi ne, %sign3A_141, %sign3A_148 : i32
      %rem3A = arith.remsi %add3A_134, %jit3A_135 : i32
      %ne3A_149 = arith.constant 0 : i32
      %ne3A_150 = arith.cmpi ne, %rem3A, %ne3A_149 : i32
      %and3A_151 = arith.andi %ne3A, %ne3A_150 : i1
      %sub3A_152 = arith.constant 1 : i32
      %sub3A_153 = arith.subi %div3A, %sub3A_152 : i32
      %select_n3A_154 = arith.select %and3A_151, %sub3A_153, %div3A : i32
      %add3A_155 = arith.addi %scan3A_131, %select_n3A_154 : i32
      %ge3A_156 = vector.broadcast %add3A_155 : i32 to vector<384x384xi32>
      %ge3A_157 = arith.cmpi sge, %bitcast_convert_type3A, %ge3A_156 : vector<384x384xi32>
      %convert_element_type3A = arith.extui %ge3A_157 : vector<384x384xi1> to vector<384x384xi32>
      %reduce_sum3A = vector.shape_cast %convert_element_type3A : vector<384x384xi32> to vector<1x384x384xi32>
      %reduce_sum3A_158 = arith.constant dense<0> : vector<1xi32>
      %reduce_sum3A_159 = vector.multi_reduction <add>, %reduce_sum3A, %reduce_sum3A_158 [1, 2] : vector<1x384x384xi32> to vector<1xi32>
      %reduce_sum3A_160 = vector.shape_cast %reduce_sum3A_159 : vector<1xi32> to vector<1x1x1xi32>
      %reduce_sum3A_161 = vector.extract %reduce_sum3A_160[0, 0, 0] : i32 from vector<1x1x1xi32>
      %ge3A_162 = arith.constant 512 : i32
      %ge3A_163 = arith.cmpi sge, %reduce_sum3A_161, %ge3A_162 : i32
      %select_n3A_164 = arith.select %ge3A_163, %add3A_155, %scan3A_131 : i32
      %sub3A_165 = arith.constant 1 : i32
      %sub3A_166 = arith.subi %add3A_155, %sub3A_165 : i32
      %select_n3A_167 = arith.select %ge3A_163, %scan3A_132, %sub3A_166 : i32
      scf.yield %select_n3A_164, %select_n3A_167 : i32, i32
    }
    %bitcast_convert_type3A_55 = arith.bitcast %scan3A_54#0 : i32 to f32
    %broadcast_in_dim3A_56 = arith.constant 0.000000e+00 : f32
    %broadcast_in_dim3A_57 = vector.broadcast %broadcast_in_dim3A_56 : f32 to vector<128xf32>
    %add3A = vector.broadcast %bitcast_convert_type3A_55 : f32 to vector<128xf32>
    %add3A_58 = arith.addf %broadcast_in_dim3A_57, %add3A : vector<128xf32>
    %swap3A_59 = arith.constant 0 : index
    %swap3A_60 = arith.constant 0 : index
    %swap3A_61 = arith.constant 0 : index
    %swap3A_62 = vector.load %arg5[%swap3A_59, %swap3A_60, %swap3A_61] : memref<1x2x128xf32, #tpu.memory_space<vmem>>, vector<1x1x128xf32>
    %swap3A_63 = vector.shape_cast %swap3A_62 : vector<1x1x128xf32> to vector<128xf32>
    %swap3A_64 = vector.shape_cast %add3A_58 : vector<128xf32> to vector<1x1x128xf32>
    tpu.vector_store %arg5[%swap3A_59, %swap3A_60, %swap3A_61], %swap3A_64 {strides = array<i32>} : memref<1x2x128xf32, #tpu.memory_space<vmem>>, vector<1x1x128xf32>,
    %get3A_65 = arith.constant 0 : index
    %get3A_66 = arith.constant 0 : index
    %get3A_67 = arith.constant 0 : index
    %get3A_68 = vector.load %arg2[%get3A_65, %get3A_66, %get3A_67] : memref<1x384x384xf32, #tpu.memory_space<vmem>>, vector<1x384x384xf32>
    %get3A_69 = vector.shape_cast %get3A_68 : vector<1x384x384xf32> to vector<384x384xf32>
    %jit3A_70 = arith.constant 0.000000e+00 : f32
    %broadcast_in_dim3A_71 = vector.broadcast %jit3A_70 : f32 to vector<384x384xf32>
    %select_n3A_72 = arith.select %and3A_12, %get3A_69, %broadcast_in_dim3A_71 : vector<384x384xi1>, vector<384x384xf32>
    %broadcast_in_dim3A_73 = arith.constant 0.000000e+00 : f32
    %broadcast_in_dim3A_74 = vector.broadcast %broadcast_in_dim3A_73 : f32 to vector<384x2xf32>
    %concatenate3A_75 = tpu.concatenate %broadcast_in_dim3A_74, %select_n3A_72, %broadcast_in_dim3A_74 in 1 : vector<384x2xf32>, vector<384x384xf32>, vector<384x2xf32> -> vector<384x388xf32>
    %slice3A_76 = vector.extract_strided_slice %concatenate3A_75 {offsets = [0, 0], sizes = [384, 384], strides = [1, 1]} : vector<384x388xf32> to vector<384x384xf32>
    %slice3A_77 = vector.extract_strided_slice %concatenate3A_75 {offsets = [0, 1], sizes = [384, 384], strides = [1, 1]} : vector<384x388xf32> to vector<384x384xf32>
    %max3A_78 = arith.maximumf %slice3A_76, %slice3A_77 : vector<384x384xf32>
    %slice3A_79 = vector.extract_strided_slice %concatenate3A_75 {offsets = [0, 2], sizes = [384, 384], strides = [1, 1]} : vector<384x388xf32> to vector<384x384xf32>
    %max3A_80 = arith.maximumf %max3A_78, %slice3A_79 : vector<384x384xf32>
    %slice3A_81 = vector.extract_strided_slice %concatenate3A_75 {offsets = [0, 3], sizes = [384, 384], strides = [1, 1]} : vector<384x388xf32> to vector<384x384xf32>
    %max3A_82 = arith.maximumf %max3A_80, %slice3A_81 : vector<384x384xf32>
    %slice3A_83 = vector.extract_strided_slice %concatenate3A_75 {offsets = [0, 4], sizes = [384, 384], strides = [1, 1]} : vector<384x388xf32> to vector<384x384xf32>
    %max3A_84 = arith.maximumf %max3A_82, %slice3A_83 : vector<384x384xf32>
    %broadcast_in_dim3A_85 = arith.constant 0.000000e+00 : f32
    %broadcast_in_dim3A_86 = vector.broadcast %broadcast_in_dim3A_85 : f32 to vector<2x384xf32>
    %concatenate3A_87 = tpu.concatenate %broadcast_in_dim3A_86, %max3A_84, %broadcast_in_dim3A_86 in 0 : vector<2x384xf32>, vector<384x384xf32>, vector<2x384xf32> -> vector<388x384xf32>
    %slice3A_88 = vector.extract_strided_slice %concatenate3A_87 {offsets = [0, 0], sizes = [384, 384], strides = [1, 1]} : vector<388x384xf32> to vector<384x384xf32>
    %slice3A_89 = vector.extract_strided_slice %concatenate3A_87 {offsets = [1, 0], sizes = [384, 384], strides = [1, 1]} : vector<388x384xf32> to vector<384x384xf32>
    %max3A_90 = arith.maximumf %slice3A_88, %slice3A_89 : vector<384x384xf32>
    %slice3A_91 = vector.extract_strided_slice %concatenate3A_87 {offsets = [2, 0], sizes = [384, 384], strides = [1, 1]} : vector<388x384xf32> to vector<384x384xf32>
    %max3A_92 = arith.maximumf %max3A_90, %slice3A_91 : vector<384x384xf32>
    %slice3A_93 = vector.extract_strided_slice %concatenate3A_87 {offsets = [3, 0], sizes = [384, 384], strides = [1, 1]} : vector<388x384xf32> to vector<384x384xf32>
    %max3A_94 = arith.maximumf %max3A_92, %slice3A_93 : vector<384x384xf32>
    %slice3A_95 = vector.extract_strided_slice %concatenate3A_87 {offsets = [4, 0], sizes = [384, 384], strides = [1, 1]} : vector<388x384xf32> to vector<384x384xf32>
    %max3A_96 = arith.maximumf %max3A_94, %slice3A_95 : vector<384x384xf32>
    %eq3A_97 = arith.cmpf oeq, %select_n3A_72, %max3A_96 : vector<384x384xf32>
    %gt3A_98 = arith.constant 0.000000e+00 : f32
    %gt3A_99 = vector.broadcast %gt3A_98 : f32 to vector<384x384xf32>
    %gt3A_100 = arith.cmpf ogt, %select_n3A_72, %gt3A_99 : vector<384x384xf32>
    %and3A_101 = arith.andi %eq3A_97, %gt3A_100 : vector<384x384xi1>
    %jit3A_102 = arith.constant 0.000000e+00 : f32
    %broadcast_in_dim3A_103 = vector.broadcast %jit3A_102 : f32 to vector<384x384xf32>
    %select_n3A_104 = arith.select %and3A_101, %select_n3A_72, %broadcast_in_dim3A_103 : vector<384x384xi1>, vector<384x384xf32>
    %swap3A_105 = arith.constant 0 : index
    %swap3A_106 = arith.constant 0 : index
    %swap3A_107 = arith.constant 0 : index
    %swap3A_108 = vector.load %arg4[%swap3A_105, %swap3A_106, %swap3A_107] : memref<1x384x384xf32, #tpu.memory_space<vmem>>, vector<1x384x384xf32>
    %swap3A_109 = vector.shape_cast %swap3A_108 : vector<1x384x384xf32> to vector<384x384xf32>
    %swap3A_110 = vector.shape_cast %select_n3A_104 : vector<384x384xf32> to vector<1x384x384xf32>
    tpu.vector_store %arg4[%swap3A_105, %swap3A_106, %swap3A_107], %swap3A_110 {strides = array<i32>} : memref<1x384x384xf32, #tpu.memory_space<vmem>>, vector<1x384x384xf32>,
    %bitcast_convert_type3A_111 = tpu.bitcast %select_n3A_104 : vector<384x384xf32> -> vector<384x384xi32>
    %scan3A_112 = arith.constant 0 : i32
    %scan3A_113 = arith.constant 1073741824 : i32
    %scan3A_114 = arith.constant 0 : i32
    %scan3A_115 = arith.constant 31 : i32
    %scan3A_116 = arith.addi %scan3A_114, %scan3A_115 : i32
    %scan3A_117 = arith.constant 1 : i32
    %scan3A_118:2 = scf.for %scan3A_130 = %scan3A_114 to %scan3A_116 step %scan3A_117 iter_args(%scan3A_131 = %scan3A_112, %scan3A_132 = %scan3A_113) -> (i32, i32)  : i32 {
      %sub3A = arith.subi %scan3A_132, %scan3A_131 : i32
      %add3A_133 = arith.constant 1 : i32
      %add3A_134 = arith.addi %sub3A, %add3A_133 : i32
      %jit3A_135 = arith.constant 2 : i32
      %div3A = arith.divsi %add3A_134, %jit3A_135 : i32
      %sign3A = arith.constant 0 : i32
      %sign3A_136 = arith.cmpi sgt, %add3A_134, %sign3A : i32
      %sign3A_137 = arith.extui %sign3A_136 : i1 to i32
      %sign3A_138 = arith.constant 0 : i32
      %sign3A_139 = arith.cmpi slt, %add3A_134, %sign3A_138 : i32
      %sign3A_140 = arith.extui %sign3A_139 : i1 to i32
      %sign3A_141 = arith.subi %sign3A_137, %sign3A_140 : i32
      %sign3A_142 = arith.constant 0 : i32
      %sign3A_143 = arith.cmpi sgt, %jit3A_135, %sign3A_142 : i32
      %sign3A_144 = arith.extui %sign3A_143 : i1 to i32
      %sign3A_145 = arith.constant 0 : i32
      %sign3A_146 = arith.cmpi slt, %jit3A_135, %sign3A_145 : i32
      %sign3A_147 = arith.extui %sign3A_146 : i1 to i32
      %sign3A_148 = arith.subi %sign3A_144, %sign3A_147 : i32
      %ne3A = arith.cmpi ne, %sign3A_141, %sign3A_148 : i32
      %rem3A = arith.remsi %add3A_134, %jit3A_135 : i32
      %ne3A_149 = arith.constant 0 : i32
      %ne3A_150 = arith.cmpi ne, %rem3A, %ne3A_149 : i32
      %and3A_151 = arith.andi %ne3A, %ne3A_150 : i1
      %sub3A_152 = arith.constant 1 : i32
      %sub3A_153 = arith.subi %div3A, %sub3A_152 : i32
      %select_n3A_154 = arith.select %and3A_151, %sub3A_153, %div3A : i32
      %add3A_155 = arith.addi %scan3A_131, %select_n3A_154 : i32
      %ge3A_156 = vector.broadcast %add3A_155 : i32 to vector<384x384xi32>
      %ge3A_157 = arith.cmpi sge, %bitcast_convert_type3A_111, %ge3A_156 : vector<384x384xi32>
      %convert_element_type3A = arith.extui %ge3A_157 : vector<384x384xi1> to vector<384x384xi32>
      %reduce_sum3A = vector.shape_cast %convert_element_type3A : vector<384x384xi32> to vector<1x384x384xi32>
      %reduce_sum3A_158 = arith.constant dense<0> : vector<1xi32>
      %reduce_sum3A_159 = vector.multi_reduction <add>, %reduce_sum3A, %reduce_sum3A_158 [1, 2] : vector<1x384x384xi32> to vector<1xi32>
      %reduce_sum3A_160 = vector.shape_cast %reduce_sum3A_159 : vector<1xi32> to vector<1x1x1xi32>
      %reduce_sum3A_161 = vector.extract %reduce_sum3A_160[0, 0, 0] : i32 from vector<1x1x1xi32>
      %ge3A_162 = arith.constant 512 : i32
      %ge3A_163 = arith.cmpi sge, %reduce_sum3A_161, %ge3A_162 : i32
      %select_n3A_164 = arith.select %ge3A_163, %add3A_155, %scan3A_131 : i32
      %sub3A_165 = arith.constant 1 : i32
      %sub3A_166 = arith.subi %add3A_155, %sub3A_165 : i32
      %select_n3A_167 = arith.select %ge3A_163, %scan3A_132, %sub3A_166 : i32
      scf.yield %select_n3A_164, %select_n3A_167 : i32, i32
    }
    %bitcast_convert_type3A_119 = arith.bitcast %scan3A_118#0 : i32 to f32
    %broadcast_in_dim3A_120 = arith.constant 0.000000e+00 : f32
    %broadcast_in_dim3A_121 = vector.broadcast %broadcast_in_dim3A_120 : f32 to vector<128xf32>
    %add3A_122 = vector.broadcast %bitcast_convert_type3A_119 : f32 to vector<128xf32>
    %add3A_123 = arith.addf %broadcast_in_dim3A_121, %add3A_122 : vector<128xf32>
    %swap3A_124 = arith.constant 0 : index
    %swap3A_125 = arith.constant 1 : index
    %swap3A_126 = arith.constant 0 : index
    %swap3A_127 = vector.load %arg5[%swap3A_124, %swap3A_125, %swap3A_126] : memref<1x2x128xf32, #tpu.memory_space<vmem>>, vector<1x1x128xf32>
    %swap3A_128 = vector.shape_cast %swap3A_127 : vector<1x1x128xf32> to vector<128xf32>
    %swap3A_129 = vector.shape_cast %add3A_123 : vector<128xf32> to vector<1x1x128xf32>
    tpu.vector_store %arg5[%swap3A_124, %swap3A_125, %swap3A_126], %swap3A_129 {strides = array<i32>} : memref<1x2x128xf32, #tpu.memory_space<vmem>>, vector<1x1x128xf32>,
    return
  }
  func.func @transform_0(%arg0: i32) -> (i32, i32, i32) {
    %c0_i32 = arith.constant 0 : i32
    %c0_i32_0 = arith.constant 0 : i32
    %c0_i32_1 = arith.constant 0 : i32
    return %arg0, %c0_i32, %c0_i32_0 : i32, i32, i32
  }
  func.func @transform_1(%arg0: i32) -> (i32, i32, i32) {
    %c0_i32 = arith.constant 0 : i32
    %c0_i32_0 = arith.constant 0 : i32
    %c0_i32_1 = arith.constant 0 : i32
    return %arg0, %c0_i32, %c0_i32_0 : i32, i32, i32
  }
  func.func @transform_2(%arg0: i32) -> (i32, i32, i32) {
    %c0_i32 = arith.constant 0 : i32
    %c0_i32_0 = arith.constant 0 : i32
    %c0_i32_1 = arith.constant 0 : i32
    return %arg0, %c0_i32, %c0_i32_0 : i32, i32, i32
  }
  func.func @transform_3(%arg0: i32) -> (i32, i32, i32) {
    %c0_i32 = arith.constant 0 : i32
    %c0_i32_0 = arith.constant 0 : i32
    %c0_i32_1 = arith.constant 0 : i32
    return %arg0, %c0_i32, %c0_i32_0 : i32, i32, i32
  }
  func.func @transform_4(%arg0: i32) -> (i32, i32, i32) {
    %c0_i32 = arith.constant 0 : i32
    %c0_i32_0 = arith.constant 0 : i32
    %c0_i32_1 = arith.constant 0 : i32
    return %arg0, %c0_i32, %c0_i32_0 : i32, i32, i32
  }
}

module attributes {stable_mosaic.version = 14 : i64} {
  func.func @_rank_body(%arg0: i32, %arg1: memref<2x1x1x2048xf32, #tpu.memory_space<vmem>>, %arg2: memref<2x1x1x2048xi32, #tpu.memory_space<vmem>>, %arg3: memref<2x1x2048x1xf32, #tpu.memory_space<vmem>>, %arg4: memref<2x1x2048x1xi32, #tpu.memory_space<vmem>>, %arg5: memref<1x2x128xf32, #tpu.memory_space<vmem>>, %arg6: memref<1x2x512xi32, #tpu.memory_space<vmem>>, %arg7: memref<2x1x1x2048xf32, #tpu.memory_space<vmem>>) attributes {dimension_semantics = [#tpu.dimension_semantics<arbitrary>], iteration_bounds = array<i64: 4>, scalar_prefetch = 0 : i64, scratch_operands = 0 : i64, tpu.core_type = #tpu.core_type<tc>, window_params = [{transform_indices = @transform_0, window_bounds = array<i64: 2, 1, 1, 2048>}, {transform_indices = @transform_1, window_bounds = array<i64: 2, 1, 1, 2048>}, {transform_indices = @transform_2, window_bounds = array<i64: 2, 1, 2048, 1>}, {transform_indices = @transform_3, window_bounds = array<i64: 2, 1, 2048, 1>}, {transform_indices = @transform_4, window_bounds = array<i64: 1, 2, 128>}, {transform_indices = @transform_5, window_bounds = array<i64: 1, 2, 512>}, {transform_indices = @transform_6, window_bounds = array<i64: 2, 1, 1, 2048>}]} {
    %get3A = arith.constant 0 : index
    %get3A_0 = arith.constant 0 : index
    %get3A_1 = arith.constant 0 : index
    %get3A_2 = arith.constant 0 : index
    %get3A_3 = vector.load %arg1[%get3A, %get3A_0, %get3A_1, %get3A_2] : memref<2x1x1x2048xf32, #tpu.memory_space<vmem>>, vector<1x1x1x2048xf32>
    %get3A_4 = vector.shape_cast %get3A_3 : vector<1x1x1x2048xf32> to vector<2048xf32>
    %get3A_5 = arith.constant 0 : index
    %get3A_6 = arith.constant 0 : index
    %get3A_7 = arith.constant 0 : index
    %get3A_8 = arith.constant 0 : index
    %get3A_9 = vector.load %arg2[%get3A_5, %get3A_6, %get3A_7, %get3A_8] : memref<2x1x1x2048xi32, #tpu.memory_space<vmem>>, vector<1x1x1x2048xi32>
    %get3A_10 = vector.shape_cast %get3A_9 : vector<1x1x1x2048xi32> to vector<2048xi32>
    %get3A_11 = arith.constant 0 : index
    %get3A_12 = arith.constant 0 : index
    %get3A_13 = arith.constant 0 : index
    %get3A_14 = vector.load %arg5[%get3A_11, %get3A_12, %get3A_13] : memref<1x2x128xf32, #tpu.memory_space<vmem>>, vector<1x1x1xf32>
    %get3A_15 = vector.extract %get3A_14[0, 0, 0] : f32 from vector<1x1x1xf32>
    %gt3A = vector.broadcast %get3A_15 : f32 to vector<2048xf32>
    %gt3A_16 = arith.cmpf ogt, %get3A_4, %gt3A : vector<2048xf32>
    %convert_element_type3A = arith.extui %gt3A_16 : vector<2048xi1> to vector<2048xi32>
    %convert_element_type3A_17 = arith.sitofp %convert_element_type3A : vector<2048xi32> to vector<2048xf32>
    %reduce_sum3A = vector.shape_cast %convert_element_type3A_17 : vector<2048xf32> to vector<1x2048xf32>
    %reduce_sum3A_18 = arith.constant dense<0.000000e+00> : vector<1xf32>
    %reduce_sum3A_19 = vector.multi_reduction <add>, %reduce_sum3A, %reduce_sum3A_18 [1] : vector<1x2048xf32> to vector<1xf32>
    %reduce_sum3A_20 = vector.shape_cast %reduce_sum3A_19 : vector<1xf32> to vector<1x1xf32>
    %reduce_sum3A_21 = vector.extract %reduce_sum3A_20[0, 0] : f32 from vector<1x1xf32>
    %sub3A = arith.constant 5.120000e+02 : f32
    %sub3A_22 = arith.subf %sub3A, %reduce_sum3A_21 : f32
    %broadcast_in_dim3A = vector.shape_cast %get3A_4 : vector<2048xf32> to vector<1x2048xf32>
    %broadcast_in_dim3A_23 = vector.shape_cast %get3A_10 : vector<2048xi32> to vector<1x2048xi32>
    %broadcast_in_dim3A_24 = arith.constant 0.000000e+00 : f32
    %broadcast_in_dim3A_25 = vector.broadcast %broadcast_in_dim3A_24 : f32 to vector<1x2048xf32>
    %get3A_26 = arith.constant 0 : index
    %get3A_27 = arith.constant 0 : index
    %get3A_28 = arith.constant 0 : index
    %get3A_29 = arith.constant 0 : index
    %get3A_30 = vector.load %arg3[%get3A_26, %get3A_27, %get3A_28, %get3A_29] : memref<2x1x2048x1xf32, #tpu.memory_space<vmem>>, vector<1x1x256x1xf32>
    %get3A_31 = vector.shape_cast %get3A_30 : vector<1x1x256x1xf32> to vector<256x1xf32>
    %get3A_32 = arith.constant 0 : index
    %get3A_33 = arith.constant 0 : index
    %get3A_34 = arith.constant 0 : index
    %get3A_35 = arith.constant 0 : index
    %get3A_36 = vector.load %arg4[%get3A_32, %get3A_33, %get3A_34, %get3A_35] : memref<2x1x2048x1xi32, #tpu.memory_space<vmem>>, vector<1x1x256x1xi32>
    %get3A_37 = vector.shape_cast %get3A_36 : vector<1x1x256x1xi32> to vector<256x1xi32>
    %eq3A = vector.broadcast %get3A_15 : f32 to vector<256x1xf32>
    %eq3A_38 = arith.cmpf oeq, %get3A_31, %eq3A : vector<256x1xf32>
    %lt3A = vector.broadcast %get3A_37 : vector<256x1xi32> to vector<256x2048xi32>
    %lt3A_39 = vector.broadcast %broadcast_in_dim3A_23 : vector<1x2048xi32> to vector<256x2048xi32>
    %lt3A_40 = arith.cmpi slt, %lt3A, %lt3A_39 : vector<256x2048xi32>
    %and3A = vector.broadcast %eq3A_38 : vector<256x1xi1> to vector<256x2048xi1>
    %and3A_41 = arith.andi %and3A, %lt3A_40 : vector<256x2048xi1>
    %convert_element_type3A_42 = arith.extui %and3A_41 : vector<256x2048xi1> to vector<256x2048xi32>
    %convert_element_type3A_43 = arith.sitofp %convert_element_type3A_42 : vector<256x2048xi32> to vector<256x2048xf32>
    %reduce_sum3A_44 = arith.constant dense<0.000000e+00> : vector<2048xf32>
    %reduce_sum3A_45 = vector.multi_reduction <add>, %convert_element_type3A_43, %reduce_sum3A_44 [0] : vector<256x2048xf32> to vector<2048xf32>
    %broadcast_in_dim3A_46 = vector.shape_cast %reduce_sum3A_45 : vector<2048xf32> to vector<1x2048xf32>
    %add3A = arith.addf %broadcast_in_dim3A_25, %broadcast_in_dim3A_46 : vector<1x2048xf32>
    %get3A_47 = arith.constant 0 : index
    %get3A_48 = arith.constant 0 : index
    %get3A_49 = arith.constant 256 : index
    %get3A_50 = arith.constant 0 : index
    %get3A_51 = vector.load %arg3[%get3A_47, %get3A_48, %get3A_49, %get3A_50] : memref<2x1x2048x1xf32, #tpu.memory_space<vmem>>, vector<1x1x256x1xf32>
    %get3A_52 = vector.shape_cast %get3A_51 : vector<1x1x256x1xf32> to vector<256x1xf32>
    %get3A_53 = arith.constant 0 : index
    %get3A_54 = arith.constant 0 : index
    %get3A_55 = arith.constant 256 : index
    %get3A_56 = arith.constant 0 : index
    %get3A_57 = vector.load %arg4[%get3A_53, %get3A_54, %get3A_55, %get3A_56] : memref<2x1x2048x1xi32, #tpu.memory_space<vmem>>, vector<1x1x256x1xi32>
    %get3A_58 = vector.shape_cast %get3A_57 : vector<1x1x256x1xi32> to vector<256x1xi32>
    %eq3A_59 = vector.broadcast %get3A_15 : f32 to vector<256x1xf32>
    %eq3A_60 = arith.cmpf oeq, %get3A_52, %eq3A_59 : vector<256x1xf32>
    %lt3A_61 = vector.broadcast %get3A_58 : vector<256x1xi32> to vector<256x2048xi32>
    %lt3A_62 = vector.broadcast %broadcast_in_dim3A_23 : vector<1x2048xi32> to vector<256x2048xi32>
    %lt3A_63 = arith.cmpi slt, %lt3A_61, %lt3A_62 : vector<256x2048xi32>
    %and3A_64 = vector.broadcast %eq3A_60 : vector<256x1xi1> to vector<256x2048xi1>
    %and3A_65 = arith.andi %and3A_64, %lt3A_63 : vector<256x2048xi1>
    %convert_element_type3A_66 = arith.extui %and3A_65 : vector<256x2048xi1> to vector<256x2048xi32>
    %convert_element_type3A_67 = arith.sitofp %convert_element_type3A_66 : vector<256x2048xi32> to vector<256x2048xf32>
    %reduce_sum3A_68 = arith.constant dense<0.000000e+00> : vector<2048xf32>
    %reduce_sum3A_69 = vector.multi_reduction <add>, %convert_element_type3A_67, %reduce_sum3A_68 [0] : vector<256x2048xf32> to vector<2048xf32>
    %broadcast_in_dim3A_70 = vector.shape_cast %reduce_sum3A_69 : vector<2048xf32> to vector<1x2048xf32>
    %add3A_71 = arith.addf %add3A, %broadcast_in_dim3A_70 : vector<1x2048xf32>
    %get3A_72 = arith.constant 0 : index
    %get3A_73 = arith.constant 0 : index
    %get3A_74 = arith.constant 512 : index
    %get3A_75 = arith.constant 0 : index
    %get3A_76 = vector.load %arg3[%get3A_72, %get3A_73, %get3A_74, %get3A_75] : memref<2x1x2048x1xf32, #tpu.memory_space<vmem>>, vector<1x1x256x1xf32>
    %get3A_77 = vector.shape_cast %get3A_76 : vector<1x1x256x1xf32> to vector<256x1xf32>
    %get3A_78 = arith.constant 0 : index
    %get3A_79 = arith.constant 0 : index
    %get3A_80 = arith.constant 512 : index
    %get3A_81 = arith.constant 0 : index
    %get3A_82 = vector.load %arg4[%get3A_78, %get3A_79, %get3A_80, %get3A_81] : memref<2x1x2048x1xi32, #tpu.memory_space<vmem>>, vector<1x1x256x1xi32>
    %get3A_83 = vector.shape_cast %get3A_82 : vector<1x1x256x1xi32> to vector<256x1xi32>
    %eq3A_84 = vector.broadcast %get3A_15 : f32 to vector<256x1xf32>
    %eq3A_85 = arith.cmpf oeq, %get3A_77, %eq3A_84 : vector<256x1xf32>
    %lt3A_86 = vector.broadcast %get3A_83 : vector<256x1xi32> to vector<256x2048xi32>
    %lt3A_87 = vector.broadcast %broadcast_in_dim3A_23 : vector<1x2048xi32> to vector<256x2048xi32>
    %lt3A_88 = arith.cmpi slt, %lt3A_86, %lt3A_87 : vector<256x2048xi32>
    %and3A_89 = vector.broadcast %eq3A_85 : vector<256x1xi1> to vector<256x2048xi1>
    %and3A_90 = arith.andi %and3A_89, %lt3A_88 : vector<256x2048xi1>
    %convert_element_type3A_91 = arith.extui %and3A_90 : vector<256x2048xi1> to vector<256x2048xi32>
    %convert_element_type3A_92 = arith.sitofp %convert_element_type3A_91 : vector<256x2048xi32> to vector<256x2048xf32>
    %reduce_sum3A_93 = arith.constant dense<0.000000e+00> : vector<2048xf32>
    %reduce_sum3A_94 = vector.multi_reduction <add>, %convert_element_type3A_92, %reduce_sum3A_93 [0] : vector<256x2048xf32> to vector<2048xf32>
    %broadcast_in_dim3A_95 = vector.shape_cast %reduce_sum3A_94 : vector<2048xf32> to vector<1x2048xf32>
    %add3A_96 = arith.addf %add3A_71, %broadcast_in_dim3A_95 : vector<1x2048xf32>
    %get3A_97 = arith.constant 0 : index
    %get3A_98 = arith.constant 0 : index
    %get3A_99 = arith.constant 768 : index
    %get3A_100 = arith.constant 0 : index
    %get3A_101 = vector.load %arg3[%get3A_97, %get3A_98, %get3A_99, %get3A_100] : memref<2x1x2048x1xf32, #tpu.memory_space<vmem>>, vector<1x1x256x1xf32>
    %get3A_102 = vector.shape_cast %get3A_101 : vector<1x1x256x1xf32> to vector<256x1xf32>
    %get3A_103 = arith.constant 0 : index
    %get3A_104 = arith.constant 0 : index
    %get3A_105 = arith.constant 768 : index
    %get3A_106 = arith.constant 0 : index
    %get3A_107 = vector.load %arg4[%get3A_103, %get3A_104, %get3A_105, %get3A_106] : memref<2x1x2048x1xi32, #tpu.memory_space<vmem>>, vector<1x1x256x1xi32>
    %get3A_108 = vector.shape_cast %get3A_107 : vector<1x1x256x1xi32> to vector<256x1xi32>
    %eq3A_109 = vector.broadcast %get3A_15 : f32 to vector<256x1xf32>
    %eq3A_110 = arith.cmpf oeq, %get3A_102, %eq3A_109 : vector<256x1xf32>
    %lt3A_111 = vector.broadcast %get3A_108 : vector<256x1xi32> to vector<256x2048xi32>
    %lt3A_112 = vector.broadcast %broadcast_in_dim3A_23 : vector<1x2048xi32> to vector<256x2048xi32>
    %lt3A_113 = arith.cmpi slt, %lt3A_111, %lt3A_112 : vector<256x2048xi32>
    %and3A_114 = vector.broadcast %eq3A_110 : vector<256x1xi1> to vector<256x2048xi1>
    %and3A_115 = arith.andi %and3A_114, %lt3A_113 : vector<256x2048xi1>
    %convert_element_type3A_116 = arith.extui %and3A_115 : vector<256x2048xi1> to vector<256x2048xi32>
    %convert_element_type3A_117 = arith.sitofp %convert_element_type3A_116 : vector<256x2048xi32> to vector<256x2048xf32>
    %reduce_sum3A_118 = arith.constant dense<0.000000e+00> : vector<2048xf32>
    %reduce_sum3A_119 = vector.multi_reduction <add>, %convert_element_type3A_117, %reduce_sum3A_118 [0] : vector<256x2048xf32> to vector<2048xf32>
    %broadcast_in_dim3A_120 = vector.shape_cast %reduce_sum3A_119 : vector<2048xf32> to vector<1x2048xf32>
    %add3A_121 = arith.addf %add3A_96, %broadcast_in_dim3A_120 : vector<1x2048xf32>
    %get3A_122 = arith.constant 0 : index
    %get3A_123 = arith.constant 0 : index
    %get3A_124 = arith.constant 1024 : index
    %get3A_125 = arith.constant 0 : index
    %get3A_126 = vector.load %arg3[%get3A_122, %get3A_123, %get3A_124, %get3A_125] : memref<2x1x2048x1xf32, #tpu.memory_space<vmem>>, vector<1x1x256x1xf32>
    %get3A_127 = vector.shape_cast %get3A_126 : vector<1x1x256x1xf32> to vector<256x1xf32>
    %get3A_128 = arith.constant 0 : index
    %get3A_129 = arith.constant 0 : index
    %get3A_130 = arith.constant 1024 : index
    %get3A_131 = arith.constant 0 : index
    %get3A_132 = vector.load %arg4[%get3A_128, %get3A_129, %get3A_130, %get3A_131] : memref<2x1x2048x1xi32, #tpu.memory_space<vmem>>, vector<1x1x256x1xi32>
    %get3A_133 = vector.shape_cast %get3A_132 : vector<1x1x256x1xi32> to vector<256x1xi32>
    %eq3A_134 = vector.broadcast %get3A_15 : f32 to vector<256x1xf32>
    %eq3A_135 = arith.cmpf oeq, %get3A_127, %eq3A_134 : vector<256x1xf32>
    %lt3A_136 = vector.broadcast %get3A_133 : vector<256x1xi32> to vector<256x2048xi32>
    %lt3A_137 = vector.broadcast %broadcast_in_dim3A_23 : vector<1x2048xi32> to vector<256x2048xi32>
    %lt3A_138 = arith.cmpi slt, %lt3A_136, %lt3A_137 : vector<256x2048xi32>
    %and3A_139 = vector.broadcast %eq3A_135 : vector<256x1xi1> to vector<256x2048xi1>
    %and3A_140 = arith.andi %and3A_139, %lt3A_138 : vector<256x2048xi1>
    %convert_element_type3A_141 = arith.extui %and3A_140 : vector<256x2048xi1> to vector<256x2048xi32>
    %convert_element_type3A_142 = arith.sitofp %convert_element_type3A_141 : vector<256x2048xi32> to vector<256x2048xf32>
    %reduce_sum3A_143 = arith.constant dense<0.000000e+00> : vector<2048xf32>
    %reduce_sum3A_144 = vector.multi_reduction <add>, %convert_element_type3A_142, %reduce_sum3A_143 [0] : vector<256x2048xf32> to vector<2048xf32>
    %broadcast_in_dim3A_145 = vector.shape_cast %reduce_sum3A_144 : vector<2048xf32> to vector<1x2048xf32>
    %add3A_146 = arith.addf %add3A_121, %broadcast_in_dim3A_145 : vector<1x2048xf32>
    %get3A_147 = arith.constant 0 : index
    %get3A_148 = arith.constant 0 : index
    %get3A_149 = arith.constant 1280 : index
    %get3A_150 = arith.constant 0 : index
    %get3A_151 = vector.load %arg3[%get3A_147, %get3A_148, %get3A_149, %get3A_150] : memref<2x1x2048x1xf32, #tpu.memory_space<vmem>>, vector<1x1x256x1xf32>
    %get3A_152 = vector.shape_cast %get3A_151 : vector<1x1x256x1xf32> to vector<256x1xf32>
    %get3A_153 = arith.constant 0 : index
    %get3A_154 = arith.constant 0 : index
    %get3A_155 = arith.constant 1280 : index
    %get3A_156 = arith.constant 0 : index
    %get3A_157 = vector.load %arg4[%get3A_153, %get3A_154, %get3A_155, %get3A_156] : memref<2x1x2048x1xi32, #tpu.memory_space<vmem>>, vector<1x1x256x1xi32>
    %get3A_158 = vector.shape_cast %get3A_157 : vector<1x1x256x1xi32> to vector<256x1xi32>
    %eq3A_159 = vector.broadcast %get3A_15 : f32 to vector<256x1xf32>
    %eq3A_160 = arith.cmpf oeq, %get3A_152, %eq3A_159 : vector<256x1xf32>
    %lt3A_161 = vector.broadcast %get3A_158 : vector<256x1xi32> to vector<256x2048xi32>
    %lt3A_162 = vector.broadcast %broadcast_in_dim3A_23 : vector<1x2048xi32> to vector<256x2048xi32>
    %lt3A_163 = arith.cmpi slt, %lt3A_161, %lt3A_162 : vector<256x2048xi32>
    %and3A_164 = vector.broadcast %eq3A_160 : vector<256x1xi1> to vector<256x2048xi1>
    %and3A_165 = arith.andi %and3A_164, %lt3A_163 : vector<256x2048xi1>
    %convert_element_type3A_166 = arith.extui %and3A_165 : vector<256x2048xi1> to vector<256x2048xi32>
    %convert_element_type3A_167 = arith.sitofp %convert_element_type3A_166 : vector<256x2048xi32> to vector<256x2048xf32>
    %reduce_sum3A_168 = arith.constant dense<0.000000e+00> : vector<2048xf32>
    %reduce_sum3A_169 = vector.multi_reduction <add>, %convert_element_type3A_167, %reduce_sum3A_168 [0] : vector<256x2048xf32> to vector<2048xf32>
    %broadcast_in_dim3A_170 = vector.shape_cast %reduce_sum3A_169 : vector<2048xf32> to vector<1x2048xf32>
    %add3A_171 = arith.addf %add3A_146, %broadcast_in_dim3A_170 : vector<1x2048xf32>
    %get3A_172 = arith.constant 0 : index
    %get3A_173 = arith.constant 0 : index
    %get3A_174 = arith.constant 1536 : index
    %get3A_175 = arith.constant 0 : index
    %get3A_176 = vector.load %arg3[%get3A_172, %get3A_173, %get3A_174, %get3A_175] : memref<2x1x2048x1xf32, #tpu.memory_space<vmem>>, vector<1x1x256x1xf32>
    %get3A_177 = vector.shape_cast %get3A_176 : vector<1x1x256x1xf32> to vector<256x1xf32>
    %get3A_178 = arith.constant 0 : index
    %get3A_179 = arith.constant 0 : index
    %get3A_180 = arith.constant 1536 : index
    %get3A_181 = arith.constant 0 : index
    %get3A_182 = vector.load %arg4[%get3A_178, %get3A_179, %get3A_180, %get3A_181] : memref<2x1x2048x1xi32, #tpu.memory_space<vmem>>, vector<1x1x256x1xi32>
    %get3A_183 = vector.shape_cast %get3A_182 : vector<1x1x256x1xi32> to vector<256x1xi32>
    %eq3A_184 = vector.broadcast %get3A_15 : f32 to vector<256x1xf32>
    %eq3A_185 = arith.cmpf oeq, %get3A_177, %eq3A_184 : vector<256x1xf32>
    %lt3A_186 = vector.broadcast %get3A_183 : vector<256x1xi32> to vector<256x2048xi32>
    %lt3A_187 = vector.broadcast %broadcast_in_dim3A_23 : vector<1x2048xi32> to vector<256x2048xi32>
    %lt3A_188 = arith.cmpi slt, %lt3A_186, %lt3A_187 : vector<256x2048xi32>
    %and3A_189 = vector.broadcast %eq3A_185 : vector<256x1xi1> to vector<256x2048xi1>
    %and3A_190 = arith.andi %and3A_189, %lt3A_188 : vector<256x2048xi1>
    %convert_element_type3A_191 = arith.extui %and3A_190 : vector<256x2048xi1> to vector<256x2048xi32>
    %convert_element_type3A_192 = arith.sitofp %convert_element_type3A_191 : vector<256x2048xi32> to vector<256x2048xf32>
    %reduce_sum3A_193 = arith.constant dense<0.000000e+00> : vector<2048xf32>
    %reduce_sum3A_194 = vector.multi_reduction <add>, %convert_element_type3A_192, %reduce_sum3A_193 [0] : vector<256x2048xf32> to vector<2048xf32>
    %broadcast_in_dim3A_195 = vector.shape_cast %reduce_sum3A_194 : vector<2048xf32> to vector<1x2048xf32>
    %add3A_196 = arith.addf %add3A_171, %broadcast_in_dim3A_195 : vector<1x2048xf32>
    %get3A_197 = arith.constant 0 : index
    %get3A_198 = arith.constant 0 : index
    %get3A_199 = arith.constant 1792 : index
    %get3A_200 = arith.constant 0 : index
    %get3A_201 = vector.load %arg3[%get3A_197, %get3A_198, %get3A_199, %get3A_200] : memref<2x1x2048x1xf32, #tpu.memory_space<vmem>>, vector<1x1x256x1xf32>
    %get3A_202 = vector.shape_cast %get3A_201 : vector<1x1x256x1xf32> to vector<256x1xf32>
    %get3A_203 = arith.constant 0 : index
    %get3A_204 = arith.constant 0 : index
    %get3A_205 = arith.constant 1792 : index
    %get3A_206 = arith.constant 0 : index
    %get3A_207 = vector.load %arg4[%get3A_203, %get3A_204, %get3A_205, %get3A_206] : memref<2x1x2048x1xi32, #tpu.memory_space<vmem>>, vector<1x1x256x1xi32>
    %get3A_208 = vector.shape_cast %get3A_207 : vector<1x1x256x1xi32> to vector<256x1xi32>
    %eq3A_209 = vector.broadcast %get3A_15 : f32 to vector<256x1xf32>
    %eq3A_210 = arith.cmpf oeq, %get3A_202, %eq3A_209 : vector<256x1xf32>
    %lt3A_211 = vector.broadcast %get3A_208 : vector<256x1xi32> to vector<256x2048xi32>
    %lt3A_212 = vector.broadcast %broadcast_in_dim3A_23 : vector<1x2048xi32> to vector<256x2048xi32>
    %lt3A_213 = arith.cmpi slt, %lt3A_211, %lt3A_212 : vector<256x2048xi32>
    %and3A_214 = vector.broadcast %eq3A_210 : vector<256x1xi1> to vector<256x2048xi1>
    %and3A_215 = arith.andi %and3A_214, %lt3A_213 : vector<256x2048xi1>
    %convert_element_type3A_216 = arith.extui %and3A_215 : vector<256x2048xi1> to vector<256x2048xi32>
    %convert_element_type3A_217 = arith.sitofp %convert_element_type3A_216 : vector<256x2048xi32> to vector<256x2048xf32>
    %reduce_sum3A_218 = arith.constant dense<0.000000e+00> : vector<2048xf32>
    %reduce_sum3A_219 = vector.multi_reduction <add>, %convert_element_type3A_217, %reduce_sum3A_218 [0] : vector<256x2048xf32> to vector<2048xf32>
    %broadcast_in_dim3A_220 = vector.shape_cast %reduce_sum3A_219 : vector<2048xf32> to vector<1x2048xf32>
    %add3A_221 = arith.addf %add3A_196, %broadcast_in_dim3A_220 : vector<1x2048xf32>
    %gt3A_222 = vector.broadcast %get3A_15 : f32 to vector<2048xf32>
    %gt3A_223 = arith.cmpf ogt, %get3A_4, %gt3A_222 : vector<2048xf32>
    %eq3A_224 = vector.broadcast %get3A_15 : f32 to vector<2048xf32>
    %eq3A_225 = arith.cmpf oeq, %get3A_4, %eq3A_224 : vector<2048xf32>
    %squeeze3A = vector.shape_cast %add3A_221 : vector<1x2048xf32> to vector<2048xf32>
    %lt3A_226 = vector.broadcast %sub3A_22 : f32 to vector<2048xf32>
    %lt3A_227 = arith.cmpf olt, %squeeze3A, %lt3A_226 : vector<2048xf32>
    %and3A_228 = arith.andi %eq3A_225, %lt3A_227 : vector<2048xi1>
    %or3A = arith.ori %gt3A_223, %and3A_228 : vector<2048xi1>
    %jit3A = arith.constant 0.000000e+00 : f32
    %broadcast_in_dim3A_229 = vector.broadcast %jit3A : f32 to vector<2048xf32>
    %select_n3A = arith.select %or3A, %get3A_4, %broadcast_in_dim3A_229 : vector<2048xi1>, vector<2048xf32>
    %swap3A = arith.constant 0 : index
    %swap3A_230 = arith.constant 0 : index
    %swap3A_231 = arith.constant 0 : index
    %swap3A_232 = arith.constant 0 : index
    %swap3A_233 = vector.load %arg7[%swap3A, %swap3A_230, %swap3A_231, %swap3A_232] : memref<2x1x1x2048xf32, #tpu.memory_space<vmem>>, vector<1x1x1x2048xf32>
    %swap3A_234 = vector.shape_cast %swap3A_233 : vector<1x1x1x2048xf32> to vector<2048xf32>
    %swap3A_235 = vector.shape_cast %select_n3A : vector<2048xf32> to vector<1x1x1x2048xf32>
    tpu.vector_store %arg7[%swap3A, %swap3A_230, %swap3A_231, %swap3A_232], %swap3A_235 {strides = array<i32>} : memref<2x1x1x2048xf32, #tpu.memory_space<vmem>>, vector<1x1x1x2048xf32>,
    %iota3A = tpu.iota {dimensions = array<i32: 1>} : vector<256x512xi32>
    %broadcast_in_dim3A_236 = arith.constant 0.000000e+00 : f32
    %broadcast_in_dim3A_237 = vector.broadcast %broadcast_in_dim3A_236 : f32 to vector<512xf32>
    %broadcast_in_dim3A_238 = arith.constant 0.000000e+00 : f32
    %broadcast_in_dim3A_239 = vector.broadcast %broadcast_in_dim3A_238 : f32 to vector<512xf32>
    %get3A_240 = arith.constant 0 : index
    %get3A_241 = arith.constant 0 : index
    %get3A_242 = arith.constant 0 : index
    %get3A_243 = arith.constant 0 : index
    %get3A_244 = vector.load %arg3[%get3A_240, %get3A_241, %get3A_242, %get3A_243] : memref<2x1x2048x1xf32, #tpu.memory_space<vmem>>, vector<1x1x256x1xf32>
    %get3A_245 = vector.shape_cast %get3A_244 : vector<1x1x256x1xf32> to vector<256x1xf32>
    %get3A_246 = arith.constant 0 : index
    %get3A_247 = arith.constant 0 : index
    %get3A_248 = arith.constant 0 : index
    %get3A_249 = arith.constant 0 : index
    %get3A_250 = vector.load %arg4[%get3A_246, %get3A_247, %get3A_248, %get3A_249] : memref<2x1x2048x1xi32, #tpu.memory_space<vmem>>, vector<1x1x256x1xi32>
    %get3A_251 = vector.shape_cast %get3A_250 : vector<1x1x256x1xi32> to vector<256x1xi32>
    %gt3A_252 = vector.broadcast %broadcast_in_dim3A : vector<1x2048xf32> to vector<256x2048xf32>
    %gt3A_253 = vector.broadcast %get3A_245 : vector<256x1xf32> to vector<256x2048xf32>
    %gt3A_254 = arith.cmpf ogt, %gt3A_252, %gt3A_253 : vector<256x2048xf32>
    %eq3A_255 = vector.broadcast %broadcast_in_dim3A : vector<1x2048xf32> to vector<256x2048xf32>
    %eq3A_256 = vector.broadcast %get3A_245 : vector<256x1xf32> to vector<256x2048xf32>
    %eq3A_257 = arith.cmpf oeq, %eq3A_255, %eq3A_256 : vector<256x2048xf32>
    %lt3A_258 = vector.broadcast %broadcast_in_dim3A_23 : vector<1x2048xi32> to vector<256x2048xi32>
    %lt3A_259 = vector.broadcast %get3A_251 : vector<256x1xi32> to vector<256x2048xi32>
    %lt3A_260 = arith.cmpi slt, %lt3A_258, %lt3A_259 : vector<256x2048xi32>
    %and3A_261 = arith.andi %eq3A_257, %lt3A_260 : vector<256x2048xi1>
    %or3A_262 = arith.ori %gt3A_254, %and3A_261 : vector<256x2048xi1>
    %convert_element_type3A_263 = arith.extui %or3A_262 : vector<256x2048xi1> to vector<256x2048xi32>
    %convert_element_type3A_264 = arith.sitofp %convert_element_type3A_263 : vector<256x2048xi32> to vector<256x2048xf32>
    %reduce_sum3A_265 = arith.constant dense<0.000000e+00> : vector<256xf32>
    %reduce_sum3A_266 = vector.multi_reduction <add>, %convert_element_type3A_264, %reduce_sum3A_265 [1] : vector<256x2048xf32> to vector<256xf32>
    %broadcast_in_dim3A_267 = vector.shape_cast %reduce_sum3A_266 : vector<256xf32> to vector<256x1xf32>
    %convert_element_type3A_268 = arith.fptosi %broadcast_in_dim3A_267 : vector<256x1xf32> to vector<256x1xi32>
    %eq3A_269 = vector.broadcast %get3A_15 : f32 to vector<1x2048xf32>
    %eq3A_270 = arith.cmpf oeq, %broadcast_in_dim3A, %eq3A_269 : vector<1x2048xf32>
    %lt3A_271 = vector.broadcast %broadcast_in_dim3A_23 : vector<1x2048xi32> to vector<256x2048xi32>
    %lt3A_272 = vector.broadcast %get3A_251 : vector<256x1xi32> to vector<256x2048xi32>
    %lt3A_273 = arith.cmpi slt, %lt3A_271, %lt3A_272 : vector<256x2048xi32>
    %and3A_274 = vector.broadcast %eq3A_270 : vector<1x2048xi1> to vector<256x2048xi1>
    %and3A_275 = arith.andi %and3A_274, %lt3A_273 : vector<256x2048xi1>
    %convert_element_type3A_276 = arith.extui %and3A_275 : vector<256x2048xi1> to vector<256x2048xi32>
    %convert_element_type3A_277 = arith.sitofp %convert_element_type3A_276 : vector<256x2048xi32> to vector<256x2048xf32>
    %reduce_sum3A_278 = arith.constant dense<0.000000e+00> : vector<256xf32>
    %reduce_sum3A_279 = vector.multi_reduction <add>, %convert_element_type3A_277, %reduce_sum3A_278 [1] : vector<256x2048xf32> to vector<256xf32>
    %broadcast_in_dim3A_280 = vector.shape_cast %reduce_sum3A_279 : vector<256xf32> to vector<256x1xf32>
    %gt3A_281 = vector.broadcast %get3A_15 : f32 to vector<256x1xf32>
    %gt3A_282 = arith.cmpf ogt, %get3A_245, %gt3A_281 : vector<256x1xf32>
    %eq3A_283 = vector.broadcast %get3A_15 : f32 to vector<256x1xf32>
    %eq3A_284 = arith.cmpf oeq, %get3A_245, %eq3A_283 : vector<256x1xf32>
    %lt3A_285 = vector.broadcast %sub3A_22 : f32 to vector<256x1xf32>
    %lt3A_286 = arith.cmpf olt, %broadcast_in_dim3A_280, %lt3A_285 : vector<256x1xf32>
    %and3A_287 = arith.andi %eq3A_284, %lt3A_286 : vector<256x1xi1>
    %or3A_288 = arith.ori %gt3A_282, %and3A_287 : vector<256x1xi1>
    %shift_right_arithmetic3A = arith.constant 7 : i32
    %shift_right_arithmetic3A_289 = vector.broadcast %shift_right_arithmetic3A : i32 to vector<256x1xi32>
    %shift_right_arithmetic3A_290 = arith.shrsi %get3A_251, %shift_right_arithmetic3A_289 : vector<256x1xi32>
    %mul3A = arith.constant 21846 : i32
    %mul3A_291 = vector.broadcast %mul3A : i32 to vector<256x1xi32>
    %mul3A_292 = arith.muli %shift_right_arithmetic3A_290, %mul3A_291 : vector<256x1xi32>
    %shift_right_arithmetic3A_293 = arith.constant 16 : i32
    %shift_right_arithmetic3A_294 = vector.broadcast %shift_right_arithmetic3A_293 : i32 to vector<256x1xi32>
    %shift_right_arithmetic3A_295 = arith.shrsi %mul3A_292, %shift_right_arithmetic3A_294 : vector<256x1xi32>
    %mul3A_296 = arith.constant 3 : i32
    %mul3A_297 = vector.broadcast %mul3A_296 : i32 to vector<256x1xi32>
    %mul3A_298 = arith.muli %mul3A_297, %shift_right_arithmetic3A_295 : vector<256x1xi32>
    %sub3A_299 = arith.subi %shift_right_arithmetic3A_290, %mul3A_298 : vector<256x1xi32>
    %mul3A_300 = arith.constant 128 : i32
    %mul3A_301 = vector.broadcast %mul3A_300 : i32 to vector<256x1xi32>
    %mul3A_302 = arith.muli %sub3A_299, %mul3A_301 : vector<256x1xi32>
    %and3A_303 = arith.constant 127 : i32
    %and3A_304 = vector.broadcast %and3A_303 : i32 to vector<256x1xi32>
    %and3A_305 = arith.andi %get3A_251, %and3A_304 : vector<256x1xi32>
    %add3A_306 = arith.addi %mul3A_302, %and3A_305 : vector<256x1xi32>
    %eq3A_307 = vector.broadcast %convert_element_type3A_268 : vector<256x1xi32> to vector<256x512xi32>
    %eq3A_308 = arith.cmpi eq, %eq3A_307, %iota3A : vector<256x512xi32>
    %and3A_309 = vector.broadcast %or3A_288 : vector<256x1xi1> to vector<256x512xi1>
    %and3A_310 = arith.andi %eq3A_308, %and3A_309 : vector<256x512xi1>
    %jit3A_311 = arith.constant 1.000000e+00 : f32
    %jit3A_312 = arith.constant 0.000000e+00 : f32
    %broadcast_in_dim3A_313 = vector.broadcast %jit3A_311 : f32 to vector<256x512xf32>
    %broadcast_in_dim3A_314 = vector.broadcast %jit3A_312 : f32 to vector<256x512xf32>
    %select_n3A_315 = arith.select %and3A_310, %broadcast_in_dim3A_313, %broadcast_in_dim3A_314 : vector<256x512xi1>, vector<256x512xf32>
    %convert_element_type3A_316 = arith.sitofp %shift_right_arithmetic3A_295 : vector<256x1xi32> to vector<256x1xf32>
    %mul3A_317 = vector.broadcast %convert_element_type3A_316 : vector<256x1xf32> to vector<256x512xf32>
    %mul3A_318 = arith.mulf %select_n3A_315, %mul3A_317 : vector<256x512xf32>
    %reduce_sum3A_319 = arith.constant dense<0.000000e+00> : vector<512xf32>
    %reduce_sum3A_320 = vector.multi_reduction <add>, %mul3A_318, %reduce_sum3A_319 [0] : vector<256x512xf32> to vector<512xf32>
    %add3A_321 = arith.addf %broadcast_in_dim3A_237, %reduce_sum3A_320 : vector<512xf32>
    %convert_element_type3A_322 = arith.sitofp %add3A_306 : vector<256x1xi32> to vector<256x1xf32>
    %mul3A_323 = vector.broadcast %convert_element_type3A_322 : vector<256x1xf32> to vector<256x512xf32>
    %mul3A_324 = arith.mulf %select_n3A_315, %mul3A_323 : vector<256x512xf32>
    %reduce_sum3A_325 = arith.constant dense<0.000000e+00> : vector<512xf32>
    %reduce_sum3A_326 = vector.multi_reduction <add>, %mul3A_324, %reduce_sum3A_325 [0] : vector<256x512xf32> to vector<512xf32>
    %add3A_327 = arith.addf %broadcast_in_dim3A_239, %reduce_sum3A_326 : vector<512xf32>
    %get3A_328 = arith.constant 0 : index
    %get3A_329 = arith.constant 0 : index
    %get3A_330 = arith.constant 256 : index
    %get3A_331 = arith.constant 0 : index
    %get3A_332 = vector.load %arg3[%get3A_328, %get3A_329, %get3A_330, %get3A_331] : memref<2x1x2048x1xf32, #tpu.memory_space<vmem>>, vector<1x1x256x1xf32>
    %get3A_333 = vector.shape_cast %get3A_332 : vector<1x1x256x1xf32> to vector<256x1xf32>
    %get3A_334 = arith.constant 0 : index
    %get3A_335 = arith.constant 0 : index
    %get3A_336 = arith.constant 256 : index
    %get3A_337 = arith.constant 0 : index
    %get3A_338 = vector.load %arg4[%get3A_334, %get3A_335, %get3A_336, %get3A_337] : memref<2x1x2048x1xi32, #tpu.memory_space<vmem>>, vector<1x1x256x1xi32>
    %get3A_339 = vector.shape_cast %get3A_338 : vector<1x1x256x1xi32> to vector<256x1xi32>
    %gt3A_340 = vector.broadcast %broadcast_in_dim3A : vector<1x2048xf32> to vector<256x2048xf32>
    %gt3A_341 = vector.broadcast %get3A_333 : vector<256x1xf32> to vector<256x2048xf32>
    %gt3A_342 = arith.cmpf ogt, %gt3A_340, %gt3A_341 : vector<256x2048xf32>
    %eq3A_343 = vector.broadcast %broadcast_in_dim3A : vector<1x2048xf32> to vector<256x2048xf32>
    %eq3A_344 = vector.broadcast %get3A_333 : vector<256x1xf32> to vector<256x2048xf32>
    %eq3A_345 = arith.cmpf oeq, %eq3A_343, %eq3A_344 : vector<256x2048xf32>
    %lt3A_346 = vector.broadcast %broadcast_in_dim3A_23 : vector<1x2048xi32> to vector<256x2048xi32>
    %lt3A_347 = vector.broadcast %get3A_339 : vector<256x1xi32> to vector<256x2048xi32>
    %lt3A_348 = arith.cmpi slt, %lt3A_346, %lt3A_347 : vector<256x2048xi32>
    %and3A_349 = arith.andi %eq3A_345, %lt3A_348 : vector<256x2048xi1>
    %or3A_350 = arith.ori %gt3A_342, %and3A_349 : vector<256x2048xi1>
    %convert_element_type3A_351 = arith.extui %or3A_350 : vector<256x2048xi1> to vector<256x2048xi32>
    %convert_element_type3A_352 = arith.sitofp %convert_element_type3A_351 : vector<256x2048xi32> to vector<256x2048xf32>
    %reduce_sum3A_353 = arith.constant dense<0.000000e+00> : vector<256xf32>
    %reduce_sum3A_354 = vector.multi_reduction <add>, %convert_element_type3A_352, %reduce_sum3A_353 [1] : vector<256x2048xf32> to vector<256xf32>
    %broadcast_in_dim3A_355 = vector.shape_cast %reduce_sum3A_354 : vector<256xf32> to vector<256x1xf32>
    %convert_element_type3A_356 = arith.fptosi %broadcast_in_dim3A_355 : vector<256x1xf32> to vector<256x1xi32>
    %eq3A_357 = vector.broadcast %get3A_15 : f32 to vector<1x2048xf32>
    %eq3A_358 = arith.cmpf oeq, %broadcast_in_dim3A, %eq3A_357 : vector<1x2048xf32>
    %lt3A_359 = vector.broadcast %broadcast_in_dim3A_23 : vector<1x2048xi32> to vector<256x2048xi32>
    %lt3A_360 = vector.broadcast %get3A_339 : vector<256x1xi32> to vector<256x2048xi32>
    %lt3A_361 = arith.cmpi slt, %lt3A_359, %lt3A_360 : vector<256x2048xi32>
    %and3A_362 = vector.broadcast %eq3A_358 : vector<1x2048xi1> to vector<256x2048xi1>
    %and3A_363 = arith.andi %and3A_362, %lt3A_361 : vector<256x2048xi1>
    %convert_element_type3A_364 = arith.extui %and3A_363 : vector<256x2048xi1> to vector<256x2048xi32>
    %convert_element_type3A_365 = arith.sitofp %convert_element_type3A_364 : vector<256x2048xi32> to vector<256x2048xf32>
    %reduce_sum3A_366 = arith.constant dense<0.000000e+00> : vector<256xf32>
    %reduce_sum3A_367 = vector.multi_reduction <add>, %convert_element_type3A_365, %reduce_sum3A_366 [1] : vector<256x2048xf32> to vector<256xf32>
    %broadcast_in_dim3A_368 = vector.shape_cast %reduce_sum3A_367 : vector<256xf32> to vector<256x1xf32>
    %gt3A_369 = vector.broadcast %get3A_15 : f32 to vector<256x1xf32>
    %gt3A_370 = arith.cmpf ogt, %get3A_333, %gt3A_369 : vector<256x1xf32>
    %eq3A_371 = vector.broadcast %get3A_15 : f32 to vector<256x1xf32>
    %eq3A_372 = arith.cmpf oeq, %get3A_333, %eq3A_371 : vector<256x1xf32>
    %lt3A_373 = vector.broadcast %sub3A_22 : f32 to vector<256x1xf32>
    %lt3A_374 = arith.cmpf olt, %broadcast_in_dim3A_368, %lt3A_373 : vector<256x1xf32>
    %and3A_375 = arith.andi %eq3A_372, %lt3A_374 : vector<256x1xi1>
    %or3A_376 = arith.ori %gt3A_370, %and3A_375 : vector<256x1xi1>
    %shift_right_arithmetic3A_377 = arith.constant 7 : i32
    %shift_right_arithmetic3A_378 = vector.broadcast %shift_right_arithmetic3A_377 : i32 to vector<256x1xi32>
    %shift_right_arithmetic3A_379 = arith.shrsi %get3A_339, %shift_right_arithmetic3A_378 : vector<256x1xi32>
    %mul3A_380 = arith.constant 21846 : i32
    %mul3A_381 = vector.broadcast %mul3A_380 : i32 to vector<256x1xi32>
    %mul3A_382 = arith.muli %shift_right_arithmetic3A_379, %mul3A_381 : vector<256x1xi32>
    %shift_right_arithmetic3A_383 = arith.constant 16 : i32
    %shift_right_arithmetic3A_384 = vector.broadcast %shift_right_arithmetic3A_383 : i32 to vector<256x1xi32>
    %shift_right_arithmetic3A_385 = arith.shrsi %mul3A_382, %shift_right_arithmetic3A_384 : vector<256x1xi32>
    %mul3A_386 = arith.constant 3 : i32
    %mul3A_387 = vector.broadcast %mul3A_386 : i32 to vector<256x1xi32>
    %mul3A_388 = arith.muli %mul3A_387, %shift_right_arithmetic3A_385 : vector<256x1xi32>
    %sub3A_389 = arith.subi %shift_right_arithmetic3A_379, %mul3A_388 : vector<256x1xi32>
    %mul3A_390 = arith.constant 128 : i32
    %mul3A_391 = vector.broadcast %mul3A_390 : i32 to vector<256x1xi32>
    %mul3A_392 = arith.muli %sub3A_389, %mul3A_391 : vector<256x1xi32>
    %and3A_393 = arith.constant 127 : i32
    %and3A_394 = vector.broadcast %and3A_393 : i32 to vector<256x1xi32>
    %and3A_395 = arith.andi %get3A_339, %and3A_394 : vector<256x1xi32>
    %add3A_396 = arith.addi %mul3A_392, %and3A_395 : vector<256x1xi32>
    %eq3A_397 = vector.broadcast %convert_element_type3A_356 : vector<256x1xi32> to vector<256x512xi32>
    %eq3A_398 = arith.cmpi eq, %eq3A_397, %iota3A : vector<256x512xi32>
    %and3A_399 = vector.broadcast %or3A_376 : vector<256x1xi1> to vector<256x512xi1>
    %and3A_400 = arith.andi %eq3A_398, %and3A_399 : vector<256x512xi1>
    %jit3A_401 = arith.constant 1.000000e+00 : f32
    %jit3A_402 = arith.constant 0.000000e+00 : f32
    %broadcast_in_dim3A_403 = vector.broadcast %jit3A_401 : f32 to vector<256x512xf32>
    %broadcast_in_dim3A_404 = vector.broadcast %jit3A_402 : f32 to vector<256x512xf32>
    %select_n3A_405 = arith.select %and3A_400, %broadcast_in_dim3A_403, %broadcast_in_dim3A_404 : vector<256x512xi1>, vector<256x512xf32>
    %convert_element_type3A_406 = arith.sitofp %shift_right_arithmetic3A_385 : vector<256x1xi32> to vector<256x1xf32>
    %mul3A_407 = vector.broadcast %convert_element_type3A_406 : vector<256x1xf32> to vector<256x512xf32>
    %mul3A_408 = arith.mulf %select_n3A_405, %mul3A_407 : vector<256x512xf32>
    %reduce_sum3A_409 = arith.constant dense<0.000000e+00> : vector<512xf32>
    %reduce_sum3A_410 = vector.multi_reduction <add>, %mul3A_408, %reduce_sum3A_409 [0] : vector<256x512xf32> to vector<512xf32>
    %add3A_411 = arith.addf %add3A_321, %reduce_sum3A_410 : vector<512xf32>
    %convert_element_type3A_412 = arith.sitofp %add3A_396 : vector<256x1xi32> to vector<256x1xf32>
    %mul3A_413 = vector.broadcast %convert_element_type3A_412 : vector<256x1xf32> to vector<256x512xf32>
    %mul3A_414 = arith.mulf %select_n3A_405, %mul3A_413 : vector<256x512xf32>
    %reduce_sum3A_415 = arith.constant dense<0.000000e+00> : vector<512xf32>
    %reduce_sum3A_416 = vector.multi_reduction <add>, %mul3A_414, %reduce_sum3A_415 [0] : vector<256x512xf32> to vector<512xf32>
    %add3A_417 = arith.addf %add3A_327, %reduce_sum3A_416 : vector<512xf32>
    %get3A_418 = arith.constant 0 : index
    %get3A_419 = arith.constant 0 : index
    %get3A_420 = arith.constant 512 : index
    %get3A_421 = arith.constant 0 : index
    %get3A_422 = vector.load %arg3[%get3A_418, %get3A_419, %get3A_420, %get3A_421] : memref<2x1x2048x1xf32, #tpu.memory_space<vmem>>, vector<1x1x256x1xf32>
    %get3A_423 = vector.shape_cast %get3A_422 : vector<1x1x256x1xf32> to vector<256x1xf32>
    %get3A_424 = arith.constant 0 : index
    %get3A_425 = arith.constant 0 : index
    %get3A_426 = arith.constant 512 : index
    %get3A_427 = arith.constant 0 : index
    %get3A_428 = vector.load %arg4[%get3A_424, %get3A_425, %get3A_426, %get3A_427] : memref<2x1x2048x1xi32, #tpu.memory_space<vmem>>, vector<1x1x256x1xi32>
    %get3A_429 = vector.shape_cast %get3A_428 : vector<1x1x256x1xi32> to vector<256x1xi32>
    %gt3A_430 = vector.broadcast %broadcast_in_dim3A : vector<1x2048xf32> to vector<256x2048xf32>
    %gt3A_431 = vector.broadcast %get3A_423 : vector<256x1xf32> to vector<256x2048xf32>
    %gt3A_432 = arith.cmpf ogt, %gt3A_430, %gt3A_431 : vector<256x2048xf32>
    %eq3A_433 = vector.broadcast %broadcast_in_dim3A : vector<1x2048xf32> to vector<256x2048xf32>
    %eq3A_434 = vector.broadcast %get3A_423 : vector<256x1xf32> to vector<256x2048xf32>
    %eq3A_435 = arith.cmpf oeq, %eq3A_433, %eq3A_434 : vector<256x2048xf32>
    %lt3A_436 = vector.broadcast %broadcast_in_dim3A_23 : vector<1x2048xi32> to vector<256x2048xi32>
    %lt3A_437 = vector.broadcast %get3A_429 : vector<256x1xi32> to vector<256x2048xi32>
    %lt3A_438 = arith.cmpi slt, %lt3A_436, %lt3A_437 : vector<256x2048xi32>
    %and3A_439 = arith.andi %eq3A_435, %lt3A_438 : vector<256x2048xi1>
    %or3A_440 = arith.ori %gt3A_432, %and3A_439 : vector<256x2048xi1>
    %convert_element_type3A_441 = arith.extui %or3A_440 : vector<256x2048xi1> to vector<256x2048xi32>
    %convert_element_type3A_442 = arith.sitofp %convert_element_type3A_441 : vector<256x2048xi32> to vector<256x2048xf32>
    %reduce_sum3A_443 = arith.constant dense<0.000000e+00> : vector<256xf32>
    %reduce_sum3A_444 = vector.multi_reduction <add>, %convert_element_type3A_442, %reduce_sum3A_443 [1] : vector<256x2048xf32> to vector<256xf32>
    %broadcast_in_dim3A_445 = vector.shape_cast %reduce_sum3A_444 : vector<256xf32> to vector<256x1xf32>
    %convert_element_type3A_446 = arith.fptosi %broadcast_in_dim3A_445 : vector<256x1xf32> to vector<256x1xi32>
    %eq3A_447 = vector.broadcast %get3A_15 : f32 to vector<1x2048xf32>
    %eq3A_448 = arith.cmpf oeq, %broadcast_in_dim3A, %eq3A_447 : vector<1x2048xf32>
    %lt3A_449 = vector.broadcast %broadcast_in_dim3A_23 : vector<1x2048xi32> to vector<256x2048xi32>
    %lt3A_450 = vector.broadcast %get3A_429 : vector<256x1xi32> to vector<256x2048xi32>
    %lt3A_451 = arith.cmpi slt, %lt3A_449, %lt3A_450 : vector<256x2048xi32>
    %and3A_452 = vector.broadcast %eq3A_448 : vector<1x2048xi1> to vector<256x2048xi1>
    %and3A_453 = arith.andi %and3A_452, %lt3A_451 : vector<256x2048xi1>
    %convert_element_type3A_454 = arith.extui %and3A_453 : vector<256x2048xi1> to vector<256x2048xi32>
    %convert_element_type3A_455 = arith.sitofp %convert_element_type3A_454 : vector<256x2048xi32> to vector<256x2048xf32>
    %reduce_sum3A_456 = arith.constant dense<0.000000e+00> : vector<256xf32>
    %reduce_sum3A_457 = vector.multi_reduction <add>, %convert_element_type3A_455, %reduce_sum3A_456 [1] : vector<256x2048xf32> to vector<256xf32>
    %broadcast_in_dim3A_458 = vector.shape_cast %reduce_sum3A_457 : vector<256xf32> to vector<256x1xf32>
    %gt3A_459 = vector.broadcast %get3A_15 : f32 to vector<256x1xf32>
    %gt3A_460 = arith.cmpf ogt, %get3A_423, %gt3A_459 : vector<256x1xf32>
    %eq3A_461 = vector.broadcast %get3A_15 : f32 to vector<256x1xf32>
    %eq3A_462 = arith.cmpf oeq, %get3A_423, %eq3A_461 : vector<256x1xf32>
    %lt3A_463 = vector.broadcast %sub3A_22 : f32 to vector<256x1xf32>
    %lt3A_464 = arith.cmpf olt, %broadcast_in_dim3A_458, %lt3A_463 : vector<256x1xf32>
    %and3A_465 = arith.andi %eq3A_462, %lt3A_464 : vector<256x1xi1>
    %or3A_466 = arith.ori %gt3A_460, %and3A_465 : vector<256x1xi1>
    %shift_right_arithmetic3A_467 = arith.constant 7 : i32
    %shift_right_arithmetic3A_468 = vector.broadcast %shift_right_arithmetic3A_467 : i32 to vector<256x1xi32>
    %shift_right_arithmetic3A_469 = arith.shrsi %get3A_429, %shift_right_arithmetic3A_468 : vector<256x1xi32>
    %mul3A_470 = arith.constant 21846 : i32
    %mul3A_471 = vector.broadcast %mul3A_470 : i32 to vector<256x1xi32>
    %mul3A_472 = arith.muli %shift_right_arithmetic3A_469, %mul3A_471 : vector<256x1xi32>
    %shift_right_arithmetic3A_473 = arith.constant 16 : i32
    %shift_right_arithmetic3A_474 = vector.broadcast %shift_right_arithmetic3A_473 : i32 to vector<256x1xi32>
    %shift_right_arithmetic3A_475 = arith.shrsi %mul3A_472, %shift_right_arithmetic3A_474 : vector<256x1xi32>
    %mul3A_476 = arith.constant 3 : i32
    %mul3A_477 = vector.broadcast %mul3A_476 : i32 to vector<256x1xi32>
    %mul3A_478 = arith.muli %mul3A_477, %shift_right_arithmetic3A_475 : vector<256x1xi32>
    %sub3A_479 = arith.subi %shift_right_arithmetic3A_469, %mul3A_478 : vector<256x1xi32>
    %mul3A_480 = arith.constant 128 : i32
    %mul3A_481 = vector.broadcast %mul3A_480 : i32 to vector<256x1xi32>
    %mul3A_482 = arith.muli %sub3A_479, %mul3A_481 : vector<256x1xi32>
    %and3A_483 = arith.constant 127 : i32
    %and3A_484 = vector.broadcast %and3A_483 : i32 to vector<256x1xi32>
    %and3A_485 = arith.andi %get3A_429, %and3A_484 : vector<256x1xi32>
    %add3A_486 = arith.addi %mul3A_482, %and3A_485 : vector<256x1xi32>
    %eq3A_487 = vector.broadcast %convert_element_type3A_446 : vector<256x1xi32> to vector<256x512xi32>
    %eq3A_488 = arith.cmpi eq, %eq3A_487, %iota3A : vector<256x512xi32>
    %and3A_489 = vector.broadcast %or3A_466 : vector<256x1xi1> to vector<256x512xi1>
    %and3A_490 = arith.andi %eq3A_488, %and3A_489 : vector<256x512xi1>
    %jit3A_491 = arith.constant 1.000000e+00 : f32
    %jit3A_492 = arith.constant 0.000000e+00 : f32
    %broadcast_in_dim3A_493 = vector.broadcast %jit3A_491 : f32 to vector<256x512xf32>
    %broadcast_in_dim3A_494 = vector.broadcast %jit3A_492 : f32 to vector<256x512xf32>
    %select_n3A_495 = arith.select %and3A_490, %broadcast_in_dim3A_493, %broadcast_in_dim3A_494 : vector<256x512xi1>, vector<256x512xf32>
    %convert_element_type3A_496 = arith.sitofp %shift_right_arithmetic3A_475 : vector<256x1xi32> to vector<256x1xf32>
    %mul3A_497 = vector.broadcast %convert_element_type3A_496 : vector<256x1xf32> to vector<256x512xf32>
    %mul3A_498 = arith.mulf %select_n3A_495, %mul3A_497 : vector<256x512xf32>
    %reduce_sum3A_499 = arith.constant dense<0.000000e+00> : vector<512xf32>
    %reduce_sum3A_500 = vector.multi_reduction <add>, %mul3A_498, %reduce_sum3A_499 [0] : vector<256x512xf32> to vector<512xf32>
    %add3A_501 = arith.addf %add3A_411, %reduce_sum3A_500 : vector<512xf32>
    %convert_element_type3A_502 = arith.sitofp %add3A_486 : vector<256x1xi32> to vector<256x1xf32>
    %mul3A_503 = vector.broadcast %convert_element_type3A_502 : vector<256x1xf32> to vector<256x512xf32>
    %mul3A_504 = arith.mulf %select_n3A_495, %mul3A_503 : vector<256x512xf32>
    %reduce_sum3A_505 = arith.constant dense<0.000000e+00> : vector<512xf32>
    %reduce_sum3A_506 = vector.multi_reduction <add>, %mul3A_504, %reduce_sum3A_505 [0] : vector<256x512xf32> to vector<512xf32>
    %add3A_507 = arith.addf %add3A_417, %reduce_sum3A_506 : vector<512xf32>
    %get3A_508 = arith.constant 0 : index
    %get3A_509 = arith.constant 0 : index
    %get3A_510 = arith.constant 768 : index
    %get3A_511 = arith.constant 0 : index
    %get3A_512 = vector.load %arg3[%get3A_508, %get3A_509, %get3A_510, %get3A_511] : memref<2x1x2048x1xf32, #tpu.memory_space<vmem>>, vector<1x1x256x1xf32>
    %get3A_513 = vector.shape_cast %get3A_512 : vector<1x1x256x1xf32> to vector<256x1xf32>
    %get3A_514 = arith.constant 0 : index
    %get3A_515 = arith.constant 0 : index
    %get3A_516 = arith.constant 768 : index
    %get3A_517 = arith.constant 0 : index
    %get3A_518 = vector.load %arg4[%get3A_514, %get3A_515, %get3A_516, %get3A_517] : memref<2x1x2048x1xi32, #tpu.memory_space<vmem>>, vector<1x1x256x1xi32>
    %get3A_519 = vector.shape_cast %get3A_518 : vector<1x1x256x1xi32> to vector<256x1xi32>
    %gt3A_520 = vector.broadcast %broadcast_in_dim3A : vector<1x2048xf32> to vector<256x2048xf32>
    %gt3A_521 = vector.broadcast %get3A_513 : vector<256x1xf32> to vector<256x2048xf32>
    %gt3A_522 = arith.cmpf ogt, %gt3A_520, %gt3A_521 : vector<256x2048xf32>
    %eq3A_523 = vector.broadcast %broadcast_in_dim3A : vector<1x2048xf32> to vector<256x2048xf32>
    %eq3A_524 = vector.broadcast %get3A_513 : vector<256x1xf32> to vector<256x2048xf32>
    %eq3A_525 = arith.cmpf oeq, %eq3A_523, %eq3A_524 : vector<256x2048xf32>
    %lt3A_526 = vector.broadcast %broadcast_in_dim3A_23 : vector<1x2048xi32> to vector<256x2048xi32>
    %lt3A_527 = vector.broadcast %get3A_519 : vector<256x1xi32> to vector<256x2048xi32>
    %lt3A_528 = arith.cmpi slt, %lt3A_526, %lt3A_527 : vector<256x2048xi32>
    %and3A_529 = arith.andi %eq3A_525, %lt3A_528 : vector<256x2048xi1>
    %or3A_530 = arith.ori %gt3A_522, %and3A_529 : vector<256x2048xi1>
    %convert_element_type3A_531 = arith.extui %or3A_530 : vector<256x2048xi1> to vector<256x2048xi32>
    %convert_element_type3A_532 = arith.sitofp %convert_element_type3A_531 : vector<256x2048xi32> to vector<256x2048xf32>
    %reduce_sum3A_533 = arith.constant dense<0.000000e+00> : vector<256xf32>
    %reduce_sum3A_534 = vector.multi_reduction <add>, %convert_element_type3A_532, %reduce_sum3A_533 [1] : vector<256x2048xf32> to vector<256xf32>
    %broadcast_in_dim3A_535 = vector.shape_cast %reduce_sum3A_534 : vector<256xf32> to vector<256x1xf32>
    %convert_element_type3A_536 = arith.fptosi %broadcast_in_dim3A_535 : vector<256x1xf32> to vector<256x1xi32>
    %eq3A_537 = vector.broadcast %get3A_15 : f32 to vector<1x2048xf32>
    %eq3A_538 = arith.cmpf oeq, %broadcast_in_dim3A, %eq3A_537 : vector<1x2048xf32>
    %lt3A_539 = vector.broadcast %broadcast_in_dim3A_23 : vector<1x2048xi32> to vector<256x2048xi32>
    %lt3A_540 = vector.broadcast %get3A_519 : vector<256x1xi32> to vector<256x2048xi32>
    %lt3A_541 = arith.cmpi slt, %lt3A_539, %lt3A_540 : vector<256x2048xi32>
    %and3A_542 = vector.broadcast %eq3A_538 : vector<1x2048xi1> to vector<256x2048xi1>
    %and3A_543 = arith.andi %and3A_542, %lt3A_541 : vector<256x2048xi1>
    %convert_element_type3A_544 = arith.extui %and3A_543 : vector<256x2048xi1> to vector<256x2048xi32>
    %convert_element_type3A_545 = arith.sitofp %convert_element_type3A_544 : vector<256x2048xi32> to vector<256x2048xf32>
    %reduce_sum3A_546 = arith.constant dense<0.000000e+00> : vector<256xf32>
    %reduce_sum3A_547 = vector.multi_reduction <add>, %convert_element_type3A_545, %reduce_sum3A_546 [1] : vector<256x2048xf32> to vector<256xf32>
    %broadcast_in_dim3A_548 = vector.shape_cast %reduce_sum3A_547 : vector<256xf32> to vector<256x1xf32>
    %gt3A_549 = vector.broadcast %get3A_15 : f32 to vector<256x1xf32>
    %gt3A_550 = arith.cmpf ogt, %get3A_513, %gt3A_549 : vector<256x1xf32>
    %eq3A_551 = vector.broadcast %get3A_15 : f32 to vector<256x1xf32>
    %eq3A_552 = arith.cmpf oeq, %get3A_513, %eq3A_551 : vector<256x1xf32>
    %lt3A_553 = vector.broadcast %sub3A_22 : f32 to vector<256x1xf32>
    %lt3A_554 = arith.cmpf olt, %broadcast_in_dim3A_548, %lt3A_553 : vector<256x1xf32>
    %and3A_555 = arith.andi %eq3A_552, %lt3A_554 : vector<256x1xi1>
    %or3A_556 = arith.ori %gt3A_550, %and3A_555 : vector<256x1xi1>
    %shift_right_arithmetic3A_557 = arith.constant 7 : i32
    %shift_right_arithmetic3A_558 = vector.broadcast %shift_right_arithmetic3A_557 : i32 to vector<256x1xi32>
    %shift_right_arithmetic3A_559 = arith.shrsi %get3A_519, %shift_right_arithmetic3A_558 : vector<256x1xi32>
    %mul3A_560 = arith.constant 21846 : i32
    %mul3A_561 = vector.broadcast %mul3A_560 : i32 to vector<256x1xi32>
    %mul3A_562 = arith.muli %shift_right_arithmetic3A_559, %mul3A_561 : vector<256x1xi32>
    %shift_right_arithmetic3A_563 = arith.constant 16 : i32
    %shift_right_arithmetic3A_564 = vector.broadcast %shift_right_arithmetic3A_563 : i32 to vector<256x1xi32>
    %shift_right_arithmetic3A_565 = arith.shrsi %mul3A_562, %shift_right_arithmetic3A_564 : vector<256x1xi32>
    %mul3A_566 = arith.constant 3 : i32
    %mul3A_567 = vector.broadcast %mul3A_566 : i32 to vector<256x1xi32>
    %mul3A_568 = arith.muli %mul3A_567, %shift_right_arithmetic3A_565 : vector<256x1xi32>
    %sub3A_569 = arith.subi %shift_right_arithmetic3A_559, %mul3A_568 : vector<256x1xi32>
    %mul3A_570 = arith.constant 128 : i32
    %mul3A_571 = vector.broadcast %mul3A_570 : i32 to vector<256x1xi32>
    %mul3A_572 = arith.muli %sub3A_569, %mul3A_571 : vector<256x1xi32>
    %and3A_573 = arith.constant 127 : i32
    %and3A_574 = vector.broadcast %and3A_573 : i32 to vector<256x1xi32>
    %and3A_575 = arith.andi %get3A_519, %and3A_574 : vector<256x1xi32>
    %add3A_576 = arith.addi %mul3A_572, %and3A_575 : vector<256x1xi32>
    %eq3A_577 = vector.broadcast %convert_element_type3A_536 : vector<256x1xi32> to vector<256x512xi32>
    %eq3A_578 = arith.cmpi eq, %eq3A_577, %iota3A : vector<256x512xi32>
    %and3A_579 = vector.broadcast %or3A_556 : vector<256x1xi1> to vector<256x512xi1>
    %and3A_580 = arith.andi %eq3A_578, %and3A_579 : vector<256x512xi1>
    %jit3A_581 = arith.constant 1.000000e+00 : f32
    %jit3A_582 = arith.constant 0.000000e+00 : f32
    %broadcast_in_dim3A_583 = vector.broadcast %jit3A_581 : f32 to vector<256x512xf32>
    %broadcast_in_dim3A_584 = vector.broadcast %jit3A_582 : f32 to vector<256x512xf32>
    %select_n3A_585 = arith.select %and3A_580, %broadcast_in_dim3A_583, %broadcast_in_dim3A_584 : vector<256x512xi1>, vector<256x512xf32>
    %convert_element_type3A_586 = arith.sitofp %shift_right_arithmetic3A_565 : vector<256x1xi32> to vector<256x1xf32>
    %mul3A_587 = vector.broadcast %convert_element_type3A_586 : vector<256x1xf32> to vector<256x512xf32>
    %mul3A_588 = arith.mulf %select_n3A_585, %mul3A_587 : vector<256x512xf32>
    %reduce_sum3A_589 = arith.constant dense<0.000000e+00> : vector<512xf32>
    %reduce_sum3A_590 = vector.multi_reduction <add>, %mul3A_588, %reduce_sum3A_589 [0] : vector<256x512xf32> to vector<512xf32>
    %add3A_591 = arith.addf %add3A_501, %reduce_sum3A_590 : vector<512xf32>
    %convert_element_type3A_592 = arith.sitofp %add3A_576 : vector<256x1xi32> to vector<256x1xf32>
    %mul3A_593 = vector.broadcast %convert_element_type3A_592 : vector<256x1xf32> to vector<256x512xf32>
    %mul3A_594 = arith.mulf %select_n3A_585, %mul3A_593 : vector<256x512xf32>
    %reduce_sum3A_595 = arith.constant dense<0.000000e+00> : vector<512xf32>
    %reduce_sum3A_596 = vector.multi_reduction <add>, %mul3A_594, %reduce_sum3A_595 [0] : vector<256x512xf32> to vector<512xf32>
    %add3A_597 = arith.addf %add3A_507, %reduce_sum3A_596 : vector<512xf32>
    %get3A_598 = arith.constant 0 : index
    %get3A_599 = arith.constant 0 : index
    %get3A_600 = arith.constant 1024 : index
    %get3A_601 = arith.constant 0 : index
    %get3A_602 = vector.load %arg3[%get3A_598, %get3A_599, %get3A_600, %get3A_601] : memref<2x1x2048x1xf32, #tpu.memory_space<vmem>>, vector<1x1x256x1xf32>
    %get3A_603 = vector.shape_cast %get3A_602 : vector<1x1x256x1xf32> to vector<256x1xf32>
    %get3A_604 = arith.constant 0 : index
    %get3A_605 = arith.constant 0 : index
    %get3A_606 = arith.constant 1024 : index
    %get3A_607 = arith.constant 0 : index
    %get3A_608 = vector.load %arg4[%get3A_604, %get3A_605, %get3A_606, %get3A_607] : memref<2x1x2048x1xi32, #tpu.memory_space<vmem>>, vector<1x1x256x1xi32>
    %get3A_609 = vector.shape_cast %get3A_608 : vector<1x1x256x1xi32> to vector<256x1xi32>
    %gt3A_610 = vector.broadcast %broadcast_in_dim3A : vector<1x2048xf32> to vector<256x2048xf32>
    %gt3A_611 = vector.broadcast %get3A_603 : vector<256x1xf32> to vector<256x2048xf32>
    %gt3A_612 = arith.cmpf ogt, %gt3A_610, %gt3A_611 : vector<256x2048xf32>
    %eq3A_613 = vector.broadcast %broadcast_in_dim3A : vector<1x2048xf32> to vector<256x2048xf32>
    %eq3A_614 = vector.broadcast %get3A_603 : vector<256x1xf32> to vector<256x2048xf32>
    %eq3A_615 = arith.cmpf oeq, %eq3A_613, %eq3A_614 : vector<256x2048xf32>
    %lt3A_616 = vector.broadcast %broadcast_in_dim3A_23 : vector<1x2048xi32> to vector<256x2048xi32>
    %lt3A_617 = vector.broadcast %get3A_609 : vector<256x1xi32> to vector<256x2048xi32>
    %lt3A_618 = arith.cmpi slt, %lt3A_616, %lt3A_617 : vector<256x2048xi32>
    %and3A_619 = arith.andi %eq3A_615, %lt3A_618 : vector<256x2048xi1>
    %or3A_620 = arith.ori %gt3A_612, %and3A_619 : vector<256x2048xi1>
    %convert_element_type3A_621 = arith.extui %or3A_620 : vector<256x2048xi1> to vector<256x2048xi32>
    %convert_element_type3A_622 = arith.sitofp %convert_element_type3A_621 : vector<256x2048xi32> to vector<256x2048xf32>
    %reduce_sum3A_623 = arith.constant dense<0.000000e+00> : vector<256xf32>
    %reduce_sum3A_624 = vector.multi_reduction <add>, %convert_element_type3A_622, %reduce_sum3A_623 [1] : vector<256x2048xf32> to vector<256xf32>
    %broadcast_in_dim3A_625 = vector.shape_cast %reduce_sum3A_624 : vector<256xf32> to vector<256x1xf32>
    %convert_element_type3A_626 = arith.fptosi %broadcast_in_dim3A_625 : vector<256x1xf32> to vector<256x1xi32>
    %eq3A_627 = vector.broadcast %get3A_15 : f32 to vector<1x2048xf32>
    %eq3A_628 = arith.cmpf oeq, %broadcast_in_dim3A, %eq3A_627 : vector<1x2048xf32>
    %lt3A_629 = vector.broadcast %broadcast_in_dim3A_23 : vector<1x2048xi32> to vector<256x2048xi32>
    %lt3A_630 = vector.broadcast %get3A_609 : vector<256x1xi32> to vector<256x2048xi32>
    %lt3A_631 = arith.cmpi slt, %lt3A_629, %lt3A_630 : vector<256x2048xi32>
    %and3A_632 = vector.broadcast %eq3A_628 : vector<1x2048xi1> to vector<256x2048xi1>
    %and3A_633 = arith.andi %and3A_632, %lt3A_631 : vector<256x2048xi1>
    %convert_element_type3A_634 = arith.extui %and3A_633 : vector<256x2048xi1> to vector<256x2048xi32>
    %convert_element_type3A_635 = arith.sitofp %convert_element_type3A_634 : vector<256x2048xi32> to vector<256x2048xf32>
    %reduce_sum3A_636 = arith.constant dense<0.000000e+00> : vector<256xf32>
    %reduce_sum3A_637 = vector.multi_reduction <add>, %convert_element_type3A_635, %reduce_sum3A_636 [1] : vector<256x2048xf32> to vector<256xf32>
    %broadcast_in_dim3A_638 = vector.shape_cast %reduce_sum3A_637 : vector<256xf32> to vector<256x1xf32>
    %gt3A_639 = vector.broadcast %get3A_15 : f32 to vector<256x1xf32>
    %gt3A_640 = arith.cmpf ogt, %get3A_603, %gt3A_639 : vector<256x1xf32>
    %eq3A_641 = vector.broadcast %get3A_15 : f32 to vector<256x1xf32>
    %eq3A_642 = arith.cmpf oeq, %get3A_603, %eq3A_641 : vector<256x1xf32>
    %lt3A_643 = vector.broadcast %sub3A_22 : f32 to vector<256x1xf32>
    %lt3A_644 = arith.cmpf olt, %broadcast_in_dim3A_638, %lt3A_643 : vector<256x1xf32>
    %and3A_645 = arith.andi %eq3A_642, %lt3A_644 : vector<256x1xi1>
    %or3A_646 = arith.ori %gt3A_640, %and3A_645 : vector<256x1xi1>
    %shift_right_arithmetic3A_647 = arith.constant 7 : i32
    %shift_right_arithmetic3A_648 = vector.broadcast %shift_right_arithmetic3A_647 : i32 to vector<256x1xi32>
    %shift_right_arithmetic3A_649 = arith.shrsi %get3A_609, %shift_right_arithmetic3A_648 : vector<256x1xi32>
    %mul3A_650 = arith.constant 21846 : i32
    %mul3A_651 = vector.broadcast %mul3A_650 : i32 to vector<256x1xi32>
    %mul3A_652 = arith.muli %shift_right_arithmetic3A_649, %mul3A_651 : vector<256x1xi32>
    %shift_right_arithmetic3A_653 = arith.constant 16 : i32
    %shift_right_arithmetic3A_654 = vector.broadcast %shift_right_arithmetic3A_653 : i32 to vector<256x1xi32>
    %shift_right_arithmetic3A_655 = arith.shrsi %mul3A_652, %shift_right_arithmetic3A_654 : vector<256x1xi32>
    %mul3A_656 = arith.constant 3 : i32
    %mul3A_657 = vector.broadcast %mul3A_656 : i32 to vector<256x1xi32>
    %mul3A_658 = arith.muli %mul3A_657, %shift_right_arithmetic3A_655 : vector<256x1xi32>
    %sub3A_659 = arith.subi %shift_right_arithmetic3A_649, %mul3A_658 : vector<256x1xi32>
    %mul3A_660 = arith.constant 128 : i32
    %mul3A_661 = vector.broadcast %mul3A_660 : i32 to vector<256x1xi32>
    %mul3A_662 = arith.muli %sub3A_659, %mul3A_661 : vector<256x1xi32>
    %and3A_663 = arith.constant 127 : i32
    %and3A_664 = vector.broadcast %and3A_663 : i32 to vector<256x1xi32>
    %and3A_665 = arith.andi %get3A_609, %and3A_664 : vector<256x1xi32>
    %add3A_666 = arith.addi %mul3A_662, %and3A_665 : vector<256x1xi32>
    %eq3A_667 = vector.broadcast %convert_element_type3A_626 : vector<256x1xi32> to vector<256x512xi32>
    %eq3A_668 = arith.cmpi eq, %eq3A_667, %iota3A : vector<256x512xi32>
    %and3A_669 = vector.broadcast %or3A_646 : vector<256x1xi1> to vector<256x512xi1>
    %and3A_670 = arith.andi %eq3A_668, %and3A_669 : vector<256x512xi1>
    %jit3A_671 = arith.constant 1.000000e+00 : f32
    %jit3A_672 = arith.constant 0.000000e+00 : f32
    %broadcast_in_dim3A_673 = vector.broadcast %jit3A_671 : f32 to vector<256x512xf32>
    %broadcast_in_dim3A_674 = vector.broadcast %jit3A_672 : f32 to vector<256x512xf32>
    %select_n3A_675 = arith.select %and3A_670, %broadcast_in_dim3A_673, %broadcast_in_dim3A_674 : vector<256x512xi1>, vector<256x512xf32>
    %convert_element_type3A_676 = arith.sitofp %shift_right_arithmetic3A_655 : vector<256x1xi32> to vector<256x1xf32>
    %mul3A_677 = vector.broadcast %convert_element_type3A_676 : vector<256x1xf32> to vector<256x512xf32>
    %mul3A_678 = arith.mulf %select_n3A_675, %mul3A_677 : vector<256x512xf32>
    %reduce_sum3A_679 = arith.constant dense<0.000000e+00> : vector<512xf32>
    %reduce_sum3A_680 = vector.multi_reduction <add>, %mul3A_678, %reduce_sum3A_679 [0] : vector<256x512xf32> to vector<512xf32>
    %add3A_681 = arith.addf %add3A_591, %reduce_sum3A_680 : vector<512xf32>
    %convert_element_type3A_682 = arith.sitofp %add3A_666 : vector<256x1xi32> to vector<256x1xf32>
    %mul3A_683 = vector.broadcast %convert_element_type3A_682 : vector<256x1xf32> to vector<256x512xf32>
    %mul3A_684 = arith.mulf %select_n3A_675, %mul3A_683 : vector<256x512xf32>
    %reduce_sum3A_685 = arith.constant dense<0.000000e+00> : vector<512xf32>
    %reduce_sum3A_686 = vector.multi_reduction <add>, %mul3A_684, %reduce_sum3A_685 [0] : vector<256x512xf32> to vector<512xf32>
    %add3A_687 = arith.addf %add3A_597, %reduce_sum3A_686 : vector<512xf32>
    %get3A_688 = arith.constant 0 : index
    %get3A_689 = arith.constant 0 : index
    %get3A_690 = arith.constant 1280 : index
    %get3A_691 = arith.constant 0 : index
    %get3A_692 = vector.load %arg3[%get3A_688, %get3A_689, %get3A_690, %get3A_691] : memref<2x1x2048x1xf32, #tpu.memory_space<vmem>>, vector<1x1x256x1xf32>
    %get3A_693 = vector.shape_cast %get3A_692 : vector<1x1x256x1xf32> to vector<256x1xf32>
    %get3A_694 = arith.constant 0 : index
    %get3A_695 = arith.constant 0 : index
    %get3A_696 = arith.constant 1280 : index
    %get3A_697 = arith.constant 0 : index
    %get3A_698 = vector.load %arg4[%get3A_694, %get3A_695, %get3A_696, %get3A_697] : memref<2x1x2048x1xi32, #tpu.memory_space<vmem>>, vector<1x1x256x1xi32>
    %get3A_699 = vector.shape_cast %get3A_698 : vector<1x1x256x1xi32> to vector<256x1xi32>
    %gt3A_700 = vector.broadcast %broadcast_in_dim3A : vector<1x2048xf32> to vector<256x2048xf32>
    %gt3A_701 = vector.broadcast %get3A_693 : vector<256x1xf32> to vector<256x2048xf32>
    %gt3A_702 = arith.cmpf ogt, %gt3A_700, %gt3A_701 : vector<256x2048xf32>
    %eq3A_703 = vector.broadcast %broadcast_in_dim3A : vector<1x2048xf32> to vector<256x2048xf32>
    %eq3A_704 = vector.broadcast %get3A_693 : vector<256x1xf32> to vector<256x2048xf32>
    %eq3A_705 = arith.cmpf oeq, %eq3A_703, %eq3A_704 : vector<256x2048xf32>
    %lt3A_706 = vector.broadcast %broadcast_in_dim3A_23 : vector<1x2048xi32> to vector<256x2048xi32>
    %lt3A_707 = vector.broadcast %get3A_699 : vector<256x1xi32> to vector<256x2048xi32>
    %lt3A_708 = arith.cmpi slt, %lt3A_706, %lt3A_707 : vector<256x2048xi32>
    %and3A_709 = arith.andi %eq3A_705, %lt3A_708 : vector<256x2048xi1>
    %or3A_710 = arith.ori %gt3A_702, %and3A_709 : vector<256x2048xi1>
    %convert_element_type3A_711 = arith.extui %or3A_710 : vector<256x2048xi1> to vector<256x2048xi32>
    %convert_element_type3A_712 = arith.sitofp %convert_element_type3A_711 : vector<256x2048xi32> to vector<256x2048xf32>
    %reduce_sum3A_713 = arith.constant dense<0.000000e+00> : vector<256xf32>
    %reduce_sum3A_714 = vector.multi_reduction <add>, %convert_element_type3A_712, %reduce_sum3A_713 [1] : vector<256x2048xf32> to vector<256xf32>
    %broadcast_in_dim3A_715 = vector.shape_cast %reduce_sum3A_714 : vector<256xf32> to vector<256x1xf32>
    %convert_element_type3A_716 = arith.fptosi %broadcast_in_dim3A_715 : vector<256x1xf32> to vector<256x1xi32>
    %eq3A_717 = vector.broadcast %get3A_15 : f32 to vector<1x2048xf32>
    %eq3A_718 = arith.cmpf oeq, %broadcast_in_dim3A, %eq3A_717 : vector<1x2048xf32>
    %lt3A_719 = vector.broadcast %broadcast_in_dim3A_23 : vector<1x2048xi32> to vector<256x2048xi32>
    %lt3A_720 = vector.broadcast %get3A_699 : vector<256x1xi32> to vector<256x2048xi32>
    %lt3A_721 = arith.cmpi slt, %lt3A_719, %lt3A_720 : vector<256x2048xi32>
    %and3A_722 = vector.broadcast %eq3A_718 : vector<1x2048xi1> to vector<256x2048xi1>
    %and3A_723 = arith.andi %and3A_722, %lt3A_721 : vector<256x2048xi1>
    %convert_element_type3A_724 = arith.extui %and3A_723 : vector<256x2048xi1> to vector<256x2048xi32>
    %convert_element_type3A_725 = arith.sitofp %convert_element_type3A_724 : vector<256x2048xi32> to vector<256x2048xf32>
    %reduce_sum3A_726 = arith.constant dense<0.000000e+00> : vector<256xf32>
    %reduce_sum3A_727 = vector.multi_reduction <add>, %convert_element_type3A_725, %reduce_sum3A_726 [1] : vector<256x2048xf32> to vector<256xf32>
    %broadcast_in_dim3A_728 = vector.shape_cast %reduce_sum3A_727 : vector<256xf32> to vector<256x1xf32>
    %gt3A_729 = vector.broadcast %get3A_15 : f32 to vector<256x1xf32>
    %gt3A_730 = arith.cmpf ogt, %get3A_693, %gt3A_729 : vector<256x1xf32>
    %eq3A_731 = vector.broadcast %get3A_15 : f32 to vector<256x1xf32>
    %eq3A_732 = arith.cmpf oeq, %get3A_693, %eq3A_731 : vector<256x1xf32>
    %lt3A_733 = vector.broadcast %sub3A_22 : f32 to vector<256x1xf32>
    %lt3A_734 = arith.cmpf olt, %broadcast_in_dim3A_728, %lt3A_733 : vector<256x1xf32>
    %and3A_735 = arith.andi %eq3A_732, %lt3A_734 : vector<256x1xi1>
    %or3A_736 = arith.ori %gt3A_730, %and3A_735 : vector<256x1xi1>
    %shift_right_arithmetic3A_737 = arith.constant 7 : i32
    %shift_right_arithmetic3A_738 = vector.broadcast %shift_right_arithmetic3A_737 : i32 to vector<256x1xi32>
    %shift_right_arithmetic3A_739 = arith.shrsi %get3A_699, %shift_right_arithmetic3A_738 : vector<256x1xi32>
    %mul3A_740 = arith.constant 21846 : i32
    %mul3A_741 = vector.broadcast %mul3A_740 : i32 to vector<256x1xi32>
    %mul3A_742 = arith.muli %shift_right_arithmetic3A_739, %mul3A_741 : vector<256x1xi32>
    %shift_right_arithmetic3A_743 = arith.constant 16 : i32
    %shift_right_arithmetic3A_744 = vector.broadcast %shift_right_arithmetic3A_743 : i32 to vector<256x1xi32>
    %shift_right_arithmetic3A_745 = arith.shrsi %mul3A_742, %shift_right_arithmetic3A_744 : vector<256x1xi32>
    %mul3A_746 = arith.constant 3 : i32
    %mul3A_747 = vector.broadcast %mul3A_746 : i32 to vector<256x1xi32>
    %mul3A_748 = arith.muli %mul3A_747, %shift_right_arithmetic3A_745 : vector<256x1xi32>
    %sub3A_749 = arith.subi %shift_right_arithmetic3A_739, %mul3A_748 : vector<256x1xi32>
    %mul3A_750 = arith.constant 128 : i32
    %mul3A_751 = vector.broadcast %mul3A_750 : i32 to vector<256x1xi32>
    %mul3A_752 = arith.muli %sub3A_749, %mul3A_751 : vector<256x1xi32>
    %and3A_753 = arith.constant 127 : i32
    %and3A_754 = vector.broadcast %and3A_753 : i32 to vector<256x1xi32>
    %and3A_755 = arith.andi %get3A_699, %and3A_754 : vector<256x1xi32>
    %add3A_756 = arith.addi %mul3A_752, %and3A_755 : vector<256x1xi32>
    %eq3A_757 = vector.broadcast %convert_element_type3A_716 : vector<256x1xi32> to vector<256x512xi32>
    %eq3A_758 = arith.cmpi eq, %eq3A_757, %iota3A : vector<256x512xi32>
    %and3A_759 = vector.broadcast %or3A_736 : vector<256x1xi1> to vector<256x512xi1>
    %and3A_760 = arith.andi %eq3A_758, %and3A_759 : vector<256x512xi1>
    %jit3A_761 = arith.constant 1.000000e+00 : f32
    %jit3A_762 = arith.constant 0.000000e+00 : f32
    %broadcast_in_dim3A_763 = vector.broadcast %jit3A_761 : f32 to vector<256x512xf32>
    %broadcast_in_dim3A_764 = vector.broadcast %jit3A_762 : f32 to vector<256x512xf32>
    %select_n3A_765 = arith.select %and3A_760, %broadcast_in_dim3A_763, %broadcast_in_dim3A_764 : vector<256x512xi1>, vector<256x512xf32>
    %convert_element_type3A_766 = arith.sitofp %shift_right_arithmetic3A_745 : vector<256x1xi32> to vector<256x1xf32>
    %mul3A_767 = vector.broadcast %convert_element_type3A_766 : vector<256x1xf32> to vector<256x512xf32>
    %mul3A_768 = arith.mulf %select_n3A_765, %mul3A_767 : vector<256x512xf32>
    %reduce_sum3A_769 = arith.constant dense<0.000000e+00> : vector<512xf32>
    %reduce_sum3A_770 = vector.multi_reduction <add>, %mul3A_768, %reduce_sum3A_769 [0] : vector<256x512xf32> to vector<512xf32>
    %add3A_771 = arith.addf %add3A_681, %reduce_sum3A_770 : vector<512xf32>
    %convert_element_type3A_772 = arith.sitofp %add3A_756 : vector<256x1xi32> to vector<256x1xf32>
    %mul3A_773 = vector.broadcast %convert_element_type3A_772 : vector<256x1xf32> to vector<256x512xf32>
    %mul3A_774 = arith.mulf %select_n3A_765, %mul3A_773 : vector<256x512xf32>
    %reduce_sum3A_775 = arith.constant dense<0.000000e+00> : vector<512xf32>
    %reduce_sum3A_776 = vector.multi_reduction <add>, %mul3A_774, %reduce_sum3A_775 [0] : vector<256x512xf32> to vector<512xf32>
    %add3A_777 = arith.addf %add3A_687, %reduce_sum3A_776 : vector<512xf32>
    %get3A_778 = arith.constant 0 : index
    %get3A_779 = arith.constant 0 : index
    %get3A_780 = arith.constant 1536 : index
    %get3A_781 = arith.constant 0 : index
    %get3A_782 = vector.load %arg3[%get3A_778, %get3A_779, %get3A_780, %get3A_781] : memref<2x1x2048x1xf32, #tpu.memory_space<vmem>>, vector<1x1x256x1xf32>
    %get3A_783 = vector.shape_cast %get3A_782 : vector<1x1x256x1xf32> to vector<256x1xf32>
    %get3A_784 = arith.constant 0 : index
    %get3A_785 = arith.constant 0 : index
    %get3A_786 = arith.constant 1536 : index
    %get3A_787 = arith.constant 0 : index
    %get3A_788 = vector.load %arg4[%get3A_784, %get3A_785, %get3A_786, %get3A_787] : memref<2x1x2048x1xi32, #tpu.memory_space<vmem>>, vector<1x1x256x1xi32>
    %get3A_789 = vector.shape_cast %get3A_788 : vector<1x1x256x1xi32> to vector<256x1xi32>
    %gt3A_790 = vector.broadcast %broadcast_in_dim3A : vector<1x2048xf32> to vector<256x2048xf32>
    %gt3A_791 = vector.broadcast %get3A_783 : vector<256x1xf32> to vector<256x2048xf32>
    %gt3A_792 = arith.cmpf ogt, %gt3A_790, %gt3A_791 : vector<256x2048xf32>
    %eq3A_793 = vector.broadcast %broadcast_in_dim3A : vector<1x2048xf32> to vector<256x2048xf32>
    %eq3A_794 = vector.broadcast %get3A_783 : vector<256x1xf32> to vector<256x2048xf32>
    %eq3A_795 = arith.cmpf oeq, %eq3A_793, %eq3A_794 : vector<256x2048xf32>
    %lt3A_796 = vector.broadcast %broadcast_in_dim3A_23 : vector<1x2048xi32> to vector<256x2048xi32>
    %lt3A_797 = vector.broadcast %get3A_789 : vector<256x1xi32> to vector<256x2048xi32>
    %lt3A_798 = arith.cmpi slt, %lt3A_796, %lt3A_797 : vector<256x2048xi32>
    %and3A_799 = arith.andi %eq3A_795, %lt3A_798 : vector<256x2048xi1>
    %or3A_800 = arith.ori %gt3A_792, %and3A_799 : vector<256x2048xi1>
    %convert_element_type3A_801 = arith.extui %or3A_800 : vector<256x2048xi1> to vector<256x2048xi32>
    %convert_element_type3A_802 = arith.sitofp %convert_element_type3A_801 : vector<256x2048xi32> to vector<256x2048xf32>
    %reduce_sum3A_803 = arith.constant dense<0.000000e+00> : vector<256xf32>
    %reduce_sum3A_804 = vector.multi_reduction <add>, %convert_element_type3A_802, %reduce_sum3A_803 [1] : vector<256x2048xf32> to vector<256xf32>
    %broadcast_in_dim3A_805 = vector.shape_cast %reduce_sum3A_804 : vector<256xf32> to vector<256x1xf32>
    %convert_element_type3A_806 = arith.fptosi %broadcast_in_dim3A_805 : vector<256x1xf32> to vector<256x1xi32>
    %eq3A_807 = vector.broadcast %get3A_15 : f32 to vector<1x2048xf32>
    %eq3A_808 = arith.cmpf oeq, %broadcast_in_dim3A, %eq3A_807 : vector<1x2048xf32>
    %lt3A_809 = vector.broadcast %broadcast_in_dim3A_23 : vector<1x2048xi32> to vector<256x2048xi32>
    %lt3A_810 = vector.broadcast %get3A_789 : vector<256x1xi32> to vector<256x2048xi32>
    %lt3A_811 = arith.cmpi slt, %lt3A_809, %lt3A_810 : vector<256x2048xi32>
    %and3A_812 = vector.broadcast %eq3A_808 : vector<1x2048xi1> to vector<256x2048xi1>
    %and3A_813 = arith.andi %and3A_812, %lt3A_811 : vector<256x2048xi1>
    %convert_element_type3A_814 = arith.extui %and3A_813 : vector<256x2048xi1> to vector<256x2048xi32>
    %convert_element_type3A_815 = arith.sitofp %convert_element_type3A_814 : vector<256x2048xi32> to vector<256x2048xf32>
    %reduce_sum3A_816 = arith.constant dense<0.000000e+00> : vector<256xf32>
    %reduce_sum3A_817 = vector.multi_reduction <add>, %convert_element_type3A_815, %reduce_sum3A_816 [1] : vector<256x2048xf32> to vector<256xf32>
    %broadcast_in_dim3A_818 = vector.shape_cast %reduce_sum3A_817 : vector<256xf32> to vector<256x1xf32>
    %gt3A_819 = vector.broadcast %get3A_15 : f32 to vector<256x1xf32>
    %gt3A_820 = arith.cmpf ogt, %get3A_783, %gt3A_819 : vector<256x1xf32>
    %eq3A_821 = vector.broadcast %get3A_15 : f32 to vector<256x1xf32>
    %eq3A_822 = arith.cmpf oeq, %get3A_783, %eq3A_821 : vector<256x1xf32>
    %lt3A_823 = vector.broadcast %sub3A_22 : f32 to vector<256x1xf32>
    %lt3A_824 = arith.cmpf olt, %broadcast_in_dim3A_818, %lt3A_823 : vector<256x1xf32>
    %and3A_825 = arith.andi %eq3A_822, %lt3A_824 : vector<256x1xi1>
    %or3A_826 = arith.ori %gt3A_820, %and3A_825 : vector<256x1xi1>
    %shift_right_arithmetic3A_827 = arith.constant 7 : i32
    %shift_right_arithmetic3A_828 = vector.broadcast %shift_right_arithmetic3A_827 : i32 to vector<256x1xi32>
    %shift_right_arithmetic3A_829 = arith.shrsi %get3A_789, %shift_right_arithmetic3A_828 : vector<256x1xi32>
    %mul3A_830 = arith.constant 21846 : i32
    %mul3A_831 = vector.broadcast %mul3A_830 : i32 to vector<256x1xi32>
    %mul3A_832 = arith.muli %shift_right_arithmetic3A_829, %mul3A_831 : vector<256x1xi32>
    %shift_right_arithmetic3A_833 = arith.constant 16 : i32
    %shift_right_arithmetic3A_834 = vector.broadcast %shift_right_arithmetic3A_833 : i32 to vector<256x1xi32>
    %shift_right_arithmetic3A_835 = arith.shrsi %mul3A_832, %shift_right_arithmetic3A_834 : vector<256x1xi32>
    %mul3A_836 = arith.constant 3 : i32
    %mul3A_837 = vector.broadcast %mul3A_836 : i32 to vector<256x1xi32>
    %mul3A_838 = arith.muli %mul3A_837, %shift_right_arithmetic3A_835 : vector<256x1xi32>
    %sub3A_839 = arith.subi %shift_right_arithmetic3A_829, %mul3A_838 : vector<256x1xi32>
    %mul3A_840 = arith.constant 128 : i32
    %mul3A_841 = vector.broadcast %mul3A_840 : i32 to vector<256x1xi32>
    %mul3A_842 = arith.muli %sub3A_839, %mul3A_841 : vector<256x1xi32>
    %and3A_843 = arith.constant 127 : i32
    %and3A_844 = vector.broadcast %and3A_843 : i32 to vector<256x1xi32>
    %and3A_845 = arith.andi %get3A_789, %and3A_844 : vector<256x1xi32>
    %add3A_846 = arith.addi %mul3A_842, %and3A_845 : vector<256x1xi32>
    %eq3A_847 = vector.broadcast %convert_element_type3A_806 : vector<256x1xi32> to vector<256x512xi32>
    %eq3A_848 = arith.cmpi eq, %eq3A_847, %iota3A : vector<256x512xi32>
    %and3A_849 = vector.broadcast %or3A_826 : vector<256x1xi1> to vector<256x512xi1>
    %and3A_850 = arith.andi %eq3A_848, %and3A_849 : vector<256x512xi1>
    %jit3A_851 = arith.constant 1.000000e+00 : f32
    %jit3A_852 = arith.constant 0.000000e+00 : f32
    %broadcast_in_dim3A_853 = vector.broadcast %jit3A_851 : f32 to vector<256x512xf32>
    %broadcast_in_dim3A_854 = vector.broadcast %jit3A_852 : f32 to vector<256x512xf32>
    %select_n3A_855 = arith.select %and3A_850, %broadcast_in_dim3A_853, %broadcast_in_dim3A_854 : vector<256x512xi1>, vector<256x512xf32>
    %convert_element_type3A_856 = arith.sitofp %shift_right_arithmetic3A_835 : vector<256x1xi32> to vector<256x1xf32>
    %mul3A_857 = vector.broadcast %convert_element_type3A_856 : vector<256x1xf32> to vector<256x512xf32>
    %mul3A_858 = arith.mulf %select_n3A_855, %mul3A_857 : vector<256x512xf32>
    %reduce_sum3A_859 = arith.constant dense<0.000000e+00> : vector<512xf32>
    %reduce_sum3A_860 = vector.multi_reduction <add>, %mul3A_858, %reduce_sum3A_859 [0] : vector<256x512xf32> to vector<512xf32>
    %add3A_861 = arith.addf %add3A_771, %reduce_sum3A_860 : vector<512xf32>
    %convert_element_type3A_862 = arith.sitofp %add3A_846 : vector<256x1xi32> to vector<256x1xf32>
    %mul3A_863 = vector.broadcast %convert_element_type3A_862 : vector<256x1xf32> to vector<256x512xf32>
    %mul3A_864 = arith.mulf %select_n3A_855, %mul3A_863 : vector<256x512xf32>
    %reduce_sum3A_865 = arith.constant dense<0.000000e+00> : vector<512xf32>
    %reduce_sum3A_866 = vector.multi_reduction <add>, %mul3A_864, %reduce_sum3A_865 [0] : vector<256x512xf32> to vector<512xf32>
    %add3A_867 = arith.addf %add3A_777, %reduce_sum3A_866 : vector<512xf32>
    %get3A_868 = arith.constant 0 : index
    %get3A_869 = arith.constant 0 : index
    %get3A_870 = arith.constant 1792 : index
    %get3A_871 = arith.constant 0 : index
    %get3A_872 = vector.load %arg3[%get3A_868, %get3A_869, %get3A_870, %get3A_871] : memref<2x1x2048x1xf32, #tpu.memory_space<vmem>>, vector<1x1x256x1xf32>
    %get3A_873 = vector.shape_cast %get3A_872 : vector<1x1x256x1xf32> to vector<256x1xf32>
    %get3A_874 = arith.constant 0 : index
    %get3A_875 = arith.constant 0 : index
    %get3A_876 = arith.constant 1792 : index
    %get3A_877 = arith.constant 0 : index
    %get3A_878 = vector.load %arg4[%get3A_874, %get3A_875, %get3A_876, %get3A_877] : memref<2x1x2048x1xi32, #tpu.memory_space<vmem>>, vector<1x1x256x1xi32>
    %get3A_879 = vector.shape_cast %get3A_878 : vector<1x1x256x1xi32> to vector<256x1xi32>
    %gt3A_880 = vector.broadcast %broadcast_in_dim3A : vector<1x2048xf32> to vector<256x2048xf32>
    %gt3A_881 = vector.broadcast %get3A_873 : vector<256x1xf32> to vector<256x2048xf32>
    %gt3A_882 = arith.cmpf ogt, %gt3A_880, %gt3A_881 : vector<256x2048xf32>
    %eq3A_883 = vector.broadcast %broadcast_in_dim3A : vector<1x2048xf32> to vector<256x2048xf32>
    %eq3A_884 = vector.broadcast %get3A_873 : vector<256x1xf32> to vector<256x2048xf32>
    %eq3A_885 = arith.cmpf oeq, %eq3A_883, %eq3A_884 : vector<256x2048xf32>
    %lt3A_886 = vector.broadcast %broadcast_in_dim3A_23 : vector<1x2048xi32> to vector<256x2048xi32>
    %lt3A_887 = vector.broadcast %get3A_879 : vector<256x1xi32> to vector<256x2048xi32>
    %lt3A_888 = arith.cmpi slt, %lt3A_886, %lt3A_887 : vector<256x2048xi32>
    %and3A_889 = arith.andi %eq3A_885, %lt3A_888 : vector<256x2048xi1>
    %or3A_890 = arith.ori %gt3A_882, %and3A_889 : vector<256x2048xi1>
    %convert_element_type3A_891 = arith.extui %or3A_890 : vector<256x2048xi1> to vector<256x2048xi32>
    %convert_element_type3A_892 = arith.sitofp %convert_element_type3A_891 : vector<256x2048xi32> to vector<256x2048xf32>
    %reduce_sum3A_893 = arith.constant dense<0.000000e+00> : vector<256xf32>
    %reduce_sum3A_894 = vector.multi_reduction <add>, %convert_element_type3A_892, %reduce_sum3A_893 [1] : vector<256x2048xf32> to vector<256xf32>
    %broadcast_in_dim3A_895 = vector.shape_cast %reduce_sum3A_894 : vector<256xf32> to vector<256x1xf32>
    %convert_element_type3A_896 = arith.fptosi %broadcast_in_dim3A_895 : vector<256x1xf32> to vector<256x1xi32>
    %eq3A_897 = vector.broadcast %get3A_15 : f32 to vector<1x2048xf32>
    %eq3A_898 = arith.cmpf oeq, %broadcast_in_dim3A, %eq3A_897 : vector<1x2048xf32>
    %lt3A_899 = vector.broadcast %broadcast_in_dim3A_23 : vector<1x2048xi32> to vector<256x2048xi32>
    %lt3A_900 = vector.broadcast %get3A_879 : vector<256x1xi32> to vector<256x2048xi32>
    %lt3A_901 = arith.cmpi slt, %lt3A_899, %lt3A_900 : vector<256x2048xi32>
    %and3A_902 = vector.broadcast %eq3A_898 : vector<1x2048xi1> to vector<256x2048xi1>
    %and3A_903 = arith.andi %and3A_902, %lt3A_901 : vector<256x2048xi1>
    %convert_element_type3A_904 = arith.extui %and3A_903 : vector<256x2048xi1> to vector<256x2048xi32>
    %convert_element_type3A_905 = arith.sitofp %convert_element_type3A_904 : vector<256x2048xi32> to vector<256x2048xf32>
    %reduce_sum3A_906 = arith.constant dense<0.000000e+00> : vector<256xf32>
    %reduce_sum3A_907 = vector.multi_reduction <add>, %convert_element_type3A_905, %reduce_sum3A_906 [1] : vector<256x2048xf32> to vector<256xf32>
    %broadcast_in_dim3A_908 = vector.shape_cast %reduce_sum3A_907 : vector<256xf32> to vector<256x1xf32>
    %gt3A_909 = vector.broadcast %get3A_15 : f32 to vector<256x1xf32>
    %gt3A_910 = arith.cmpf ogt, %get3A_873, %gt3A_909 : vector<256x1xf32>
    %eq3A_911 = vector.broadcast %get3A_15 : f32 to vector<256x1xf32>
    %eq3A_912 = arith.cmpf oeq, %get3A_873, %eq3A_911 : vector<256x1xf32>
    %lt3A_913 = vector.broadcast %sub3A_22 : f32 to vector<256x1xf32>
    %lt3A_914 = arith.cmpf olt, %broadcast_in_dim3A_908, %lt3A_913 : vector<256x1xf32>
    %and3A_915 = arith.andi %eq3A_912, %lt3A_914 : vector<256x1xi1>
    %or3A_916 = arith.ori %gt3A_910, %and3A_915 : vector<256x1xi1>
    %shift_right_arithmetic3A_917 = arith.constant 7 : i32
    %shift_right_arithmetic3A_918 = vector.broadcast %shift_right_arithmetic3A_917 : i32 to vector<256x1xi32>
    %shift_right_arithmetic3A_919 = arith.shrsi %get3A_879, %shift_right_arithmetic3A_918 : vector<256x1xi32>
    %mul3A_920 = arith.constant 21846 : i32
    %mul3A_921 = vector.broadcast %mul3A_920 : i32 to vector<256x1xi32>
    %mul3A_922 = arith.muli %shift_right_arithmetic3A_919, %mul3A_921 : vector<256x1xi32>
    %shift_right_arithmetic3A_923 = arith.constant 16 : i32
    %shift_right_arithmetic3A_924 = vector.broadcast %shift_right_arithmetic3A_923 : i32 to vector<256x1xi32>
    %shift_right_arithmetic3A_925 = arith.shrsi %mul3A_922, %shift_right_arithmetic3A_924 : vector<256x1xi32>
    %mul3A_926 = arith.constant 3 : i32
    %mul3A_927 = vector.broadcast %mul3A_926 : i32 to vector<256x1xi32>
    %mul3A_928 = arith.muli %mul3A_927, %shift_right_arithmetic3A_925 : vector<256x1xi32>
    %sub3A_929 = arith.subi %shift_right_arithmetic3A_919, %mul3A_928 : vector<256x1xi32>
    %mul3A_930 = arith.constant 128 : i32
    %mul3A_931 = vector.broadcast %mul3A_930 : i32 to vector<256x1xi32>
    %mul3A_932 = arith.muli %sub3A_929, %mul3A_931 : vector<256x1xi32>
    %and3A_933 = arith.constant 127 : i32
    %and3A_934 = vector.broadcast %and3A_933 : i32 to vector<256x1xi32>
    %and3A_935 = arith.andi %get3A_879, %and3A_934 : vector<256x1xi32>
    %add3A_936 = arith.addi %mul3A_932, %and3A_935 : vector<256x1xi32>
    %eq3A_937 = vector.broadcast %convert_element_type3A_896 : vector<256x1xi32> to vector<256x512xi32>
    %eq3A_938 = arith.cmpi eq, %eq3A_937, %iota3A : vector<256x512xi32>
    %and3A_939 = vector.broadcast %or3A_916 : vector<256x1xi1> to vector<256x512xi1>
    %and3A_940 = arith.andi %eq3A_938, %and3A_939 : vector<256x512xi1>
    %jit3A_941 = arith.constant 1.000000e+00 : f32
    %jit3A_942 = arith.constant 0.000000e+00 : f32
    %broadcast_in_dim3A_943 = vector.broadcast %jit3A_941 : f32 to vector<256x512xf32>
    %broadcast_in_dim3A_944 = vector.broadcast %jit3A_942 : f32 to vector<256x512xf32>
    %select_n3A_945 = arith.select %and3A_940, %broadcast_in_dim3A_943, %broadcast_in_dim3A_944 : vector<256x512xi1>, vector<256x512xf32>
    %convert_element_type3A_946 = arith.sitofp %shift_right_arithmetic3A_925 : vector<256x1xi32> to vector<256x1xf32>
    %mul3A_947 = vector.broadcast %convert_element_type3A_946 : vector<256x1xf32> to vector<256x512xf32>
    %mul3A_948 = arith.mulf %select_n3A_945, %mul3A_947 : vector<256x512xf32>
    %reduce_sum3A_949 = arith.constant dense<0.000000e+00> : vector<512xf32>
    %reduce_sum3A_950 = vector.multi_reduction <add>, %mul3A_948, %reduce_sum3A_949 [0] : vector<256x512xf32> to vector<512xf32>
    %add3A_951 = arith.addf %add3A_861, %reduce_sum3A_950 : vector<512xf32>
    %convert_element_type3A_952 = arith.sitofp %add3A_936 : vector<256x1xi32> to vector<256x1xf32>
    %mul3A_953 = vector.broadcast %convert_element_type3A_952 : vector<256x1xf32> to vector<256x512xf32>
    %mul3A_954 = arith.mulf %select_n3A_945, %mul3A_953 : vector<256x512xf32>
    %reduce_sum3A_955 = arith.constant dense<0.000000e+00> : vector<512xf32>
    %reduce_sum3A_956 = vector.multi_reduction <add>, %mul3A_954, %reduce_sum3A_955 [0] : vector<256x512xf32> to vector<512xf32>
    %add3A_957 = arith.addf %add3A_867, %reduce_sum3A_956 : vector<512xf32>
    %convert_element_type3A_958 = arith.fptosi %add3A_951 : vector<512xf32> to vector<512xi32>
    %swap3A_959 = arith.constant 0 : index
    %swap3A_960 = arith.constant 0 : index
    %swap3A_961 = arith.constant 0 : index
    %swap3A_962 = vector.load %arg6[%swap3A_959, %swap3A_960, %swap3A_961] : memref<1x2x512xi32, #tpu.memory_space<vmem>>, vector<1x1x512xi32>
    %swap3A_963 = vector.shape_cast %swap3A_962 : vector<1x1x512xi32> to vector<512xi32>
    %swap3A_964 = vector.shape_cast %convert_element_type3A_958 : vector<512xi32> to vector<1x1x512xi32>
    tpu.vector_store %arg6[%swap3A_959, %swap3A_960, %swap3A_961], %swap3A_964 {strides = array<i32>} : memref<1x2x512xi32, #tpu.memory_space<vmem>>, vector<1x1x512xi32>,
    %convert_element_type3A_965 = arith.fptosi %add3A_957 : vector<512xf32> to vector<512xi32>
    %swap3A_966 = arith.constant 0 : index
    %swap3A_967 = arith.constant 1 : index
    %swap3A_968 = arith.constant 0 : index
    %swap3A_969 = vector.load %arg6[%swap3A_966, %swap3A_967, %swap3A_968] : memref<1x2x512xi32, #tpu.memory_space<vmem>>, vector<1x1x512xi32>
    %swap3A_970 = vector.shape_cast %swap3A_969 : vector<1x1x512xi32> to vector<512xi32>
    %swap3A_971 = vector.shape_cast %convert_element_type3A_965 : vector<512xi32> to vector<1x1x512xi32>
    tpu.vector_store %arg6[%swap3A_966, %swap3A_967, %swap3A_968], %swap3A_971 {strides = array<i32>} : memref<1x2x512xi32, #tpu.memory_space<vmem>>, vector<1x1x512xi32>,
    %get3A_972 = arith.constant 1 : index
    %get3A_973 = arith.constant 0 : index
    %get3A_974 = arith.constant 0 : index
    %get3A_975 = arith.constant 0 : index
    %get3A_976 = vector.load %arg1[%get3A_972, %get3A_973, %get3A_974, %get3A_975] : memref<2x1x1x2048xf32, #tpu.memory_space<vmem>>, vector<1x1x1x2048xf32>
    %get3A_977 = vector.shape_cast %get3A_976 : vector<1x1x1x2048xf32> to vector<2048xf32>
    %get3A_978 = arith.constant 1 : index
    %get3A_979 = arith.constant 0 : index
    %get3A_980 = arith.constant 0 : index
    %get3A_981 = arith.constant 0 : index
    %get3A_982 = vector.load %arg2[%get3A_978, %get3A_979, %get3A_980, %get3A_981] : memref<2x1x1x2048xi32, #tpu.memory_space<vmem>>, vector<1x1x1x2048xi32>
    %get3A_983 = vector.shape_cast %get3A_982 : vector<1x1x1x2048xi32> to vector<2048xi32>
    %get3A_984 = arith.constant 0 : index
    %get3A_985 = arith.constant 1 : index
    %get3A_986 = arith.constant 0 : index
    %get3A_987 = vector.load %arg5[%get3A_984, %get3A_985, %get3A_986] : memref<1x2x128xf32, #tpu.memory_space<vmem>>, vector<1x1x1xf32>
    %get3A_988 = vector.extract %get3A_987[0, 0, 0] : f32 from vector<1x1x1xf32>
    %gt3A_989 = vector.broadcast %get3A_988 : f32 to vector<2048xf32>
    %gt3A_990 = arith.cmpf ogt, %get3A_977, %gt3A_989 : vector<2048xf32>
    %convert_element_type3A_991 = arith.extui %gt3A_990 : vector<2048xi1> to vector<2048xi32>
    %convert_element_type3A_992 = arith.sitofp %convert_element_type3A_991 : vector<2048xi32> to vector<2048xf32>
    %reduce_sum3A_993 = vector.shape_cast %convert_element_type3A_992 : vector<2048xf32> to vector<1x2048xf32>
    %reduce_sum3A_994 = arith.constant dense<0.000000e+00> : vector<1xf32>
    %reduce_sum3A_995 = vector.multi_reduction <add>, %reduce_sum3A_993, %reduce_sum3A_994 [1] : vector<1x2048xf32> to vector<1xf32>
    %reduce_sum3A_996 = vector.shape_cast %reduce_sum3A_995 : vector<1xf32> to vector<1x1xf32>
    %reduce_sum3A_997 = vector.extract %reduce_sum3A_996[0, 0] : f32 from vector<1x1xf32>
    %sub3A_998 = arith.constant 5.120000e+02 : f32
    %sub3A_999 = arith.subf %sub3A_998, %reduce_sum3A_997 : f32
    %broadcast_in_dim3A_1000 = vector.shape_cast %get3A_983 : vector<2048xi32> to vector<1x2048xi32>
    %broadcast_in_dim3A_1001 = arith.constant 0.000000e+00 : f32
    %broadcast_in_dim3A_1002 = vector.broadcast %broadcast_in_dim3A_1001 : f32 to vector<1x2048xf32>
    %get3A_1003 = arith.constant 1 : index
    %get3A_1004 = arith.constant 0 : index
    %get3A_1005 = arith.constant 0 : index
    %get3A_1006 = arith.constant 0 : index
    %get3A_1007 = vector.load %arg3[%get3A_1003, %get3A_1004, %get3A_1005, %get3A_1006] : memref<2x1x2048x1xf32, #tpu.memory_space<vmem>>, vector<1x1x256x1xf32>
    %get3A_1008 = vector.shape_cast %get3A_1007 : vector<1x1x256x1xf32> to vector<256x1xf32>
    %get3A_1009 = arith.constant 1 : index
    %get3A_1010 = arith.constant 0 : index
    %get3A_1011 = arith.constant 0 : index
    %get3A_1012 = arith.constant 0 : index
    %get3A_1013 = vector.load %arg4[%get3A_1009, %get3A_1010, %get3A_1011, %get3A_1012] : memref<2x1x2048x1xi32, #tpu.memory_space<vmem>>, vector<1x1x256x1xi32>
    %get3A_1014 = vector.shape_cast %get3A_1013 : vector<1x1x256x1xi32> to vector<256x1xi32>
    %eq3A_1015 = vector.broadcast %get3A_988 : f32 to vector<256x1xf32>
    %eq3A_1016 = arith.cmpf oeq, %get3A_1008, %eq3A_1015 : vector<256x1xf32>
    %lt3A_1017 = vector.broadcast %get3A_1014 : vector<256x1xi32> to vector<256x2048xi32>
    %lt3A_1018 = vector.broadcast %broadcast_in_dim3A_1000 : vector<1x2048xi32> to vector<256x2048xi32>
    %lt3A_1019 = arith.cmpi slt, %lt3A_1017, %lt3A_1018 : vector<256x2048xi32>
    %and3A_1020 = vector.broadcast %eq3A_1016 : vector<256x1xi1> to vector<256x2048xi1>
    %and3A_1021 = arith.andi %and3A_1020, %lt3A_1019 : vector<256x2048xi1>
    %convert_element_type3A_1022 = arith.extui %and3A_1021 : vector<256x2048xi1> to vector<256x2048xi32>
    %convert_element_type3A_1023 = arith.sitofp %convert_element_type3A_1022 : vector<256x2048xi32> to vector<256x2048xf32>
    %reduce_sum3A_1024 = arith.constant dense<0.000000e+00> : vector<2048xf32>
    %reduce_sum3A_1025 = vector.multi_reduction <add>, %convert_element_type3A_1023, %reduce_sum3A_1024 [0] : vector<256x2048xf32> to vector<2048xf32>
    %broadcast_in_dim3A_1026 = vector.shape_cast %reduce_sum3A_1025 : vector<2048xf32> to vector<1x2048xf32>
    %add3A_1027 = arith.addf %broadcast_in_dim3A_1002, %broadcast_in_dim3A_1026 : vector<1x2048xf32>
    %get3A_1028 = arith.constant 1 : index
    %get3A_1029 = arith.constant 0 : index
    %get3A_1030 = arith.constant 256 : index
    %get3A_1031 = arith.constant 0 : index
    %get3A_1032 = vector.load %arg3[%get3A_1028, %get3A_1029, %get3A_1030, %get3A_1031] : memref<2x1x2048x1xf32, #tpu.memory_space<vmem>>, vector<1x1x256x1xf32>
    %get3A_1033 = vector.shape_cast %get3A_1032 : vector<1x1x256x1xf32> to vector<256x1xf32>
    %get3A_1034 = arith.constant 1 : index
    %get3A_1035 = arith.constant 0 : index
    %get3A_1036 = arith.constant 256 : index
    %get3A_1037 = arith.constant 0 : index
    %get3A_1038 = vector.load %arg4[%get3A_1034, %get3A_1035, %get3A_1036, %get3A_1037] : memref<2x1x2048x1xi32, #tpu.memory_space<vmem>>, vector<1x1x256x1xi32>
    %get3A_1039 = vector.shape_cast %get3A_1038 : vector<1x1x256x1xi32> to vector<256x1xi32>
    %eq3A_1040 = vector.broadcast %get3A_988 : f32 to vector<256x1xf32>
    %eq3A_1041 = arith.cmpf oeq, %get3A_1033, %eq3A_1040 : vector<256x1xf32>
    %lt3A_1042 = vector.broadcast %get3A_1039 : vector<256x1xi32> to vector<256x2048xi32>
    %lt3A_1043 = vector.broadcast %broadcast_in_dim3A_1000 : vector<1x2048xi32> to vector<256x2048xi32>
    %lt3A_1044 = arith.cmpi slt, %lt3A_1042, %lt3A_1043 : vector<256x2048xi32>
    %and3A_1045 = vector.broadcast %eq3A_1041 : vector<256x1xi1> to vector<256x2048xi1>
    %and3A_1046 = arith.andi %and3A_1045, %lt3A_1044 : vector<256x2048xi1>
    %convert_element_type3A_1047 = arith.extui %and3A_1046 : vector<256x2048xi1> to vector<256x2048xi32>
    %convert_element_type3A_1048 = arith.sitofp %convert_element_type3A_1047 : vector<256x2048xi32> to vector<256x2048xf32>
    %reduce_sum3A_1049 = arith.constant dense<0.000000e+00> : vector<2048xf32>
    %reduce_sum3A_1050 = vector.multi_reduction <add>, %convert_element_type3A_1048, %reduce_sum3A_1049 [0] : vector<256x2048xf32> to vector<2048xf32>
    %broadcast_in_dim3A_1051 = vector.shape_cast %reduce_sum3A_1050 : vector<2048xf32> to vector<1x2048xf32>
    %add3A_1052 = arith.addf %add3A_1027, %broadcast_in_dim3A_1051 : vector<1x2048xf32>
    %get3A_1053 = arith.constant 1 : index
    %get3A_1054 = arith.constant 0 : index
    %get3A_1055 = arith.constant 512 : index
    %get3A_1056 = arith.constant 0 : index
    %get3A_1057 = vector.load %arg3[%get3A_1053, %get3A_1054, %get3A_1055, %get3A_1056] : memref<2x1x2048x1xf32, #tpu.memory_space<vmem>>, vector<1x1x256x1xf32>
    %get3A_1058 = vector.shape_cast %get3A_1057 : vector<1x1x256x1xf32> to vector<256x1xf32>
    %get3A_1059 = arith.constant 1 : index
    %get3A_1060 = arith.constant 0 : index
    %get3A_1061 = arith.constant 512 : index
    %get3A_1062 = arith.constant 0 : index
    %get3A_1063 = vector.load %arg4[%get3A_1059, %get3A_1060, %get3A_1061, %get3A_1062] : memref<2x1x2048x1xi32, #tpu.memory_space<vmem>>, vector<1x1x256x1xi32>
    %get3A_1064 = vector.shape_cast %get3A_1063 : vector<1x1x256x1xi32> to vector<256x1xi32>
    %eq3A_1065 = vector.broadcast %get3A_988 : f32 to vector<256x1xf32>
    %eq3A_1066 = arith.cmpf oeq, %get3A_1058, %eq3A_1065 : vector<256x1xf32>
    %lt3A_1067 = vector.broadcast %get3A_1064 : vector<256x1xi32> to vector<256x2048xi32>
    %lt3A_1068 = vector.broadcast %broadcast_in_dim3A_1000 : vector<1x2048xi32> to vector<256x2048xi32>
    %lt3A_1069 = arith.cmpi slt, %lt3A_1067, %lt3A_1068 : vector<256x2048xi32>
    %and3A_1070 = vector.broadcast %eq3A_1066 : vector<256x1xi1> to vector<256x2048xi1>
    %and3A_1071 = arith.andi %and3A_1070, %lt3A_1069 : vector<256x2048xi1>
    %convert_element_type3A_1072 = arith.extui %and3A_1071 : vector<256x2048xi1> to vector<256x2048xi32>
    %convert_element_type3A_1073 = arith.sitofp %convert_element_type3A_1072 : vector<256x2048xi32> to vector<256x2048xf32>
    %reduce_sum3A_1074 = arith.constant dense<0.000000e+00> : vector<2048xf32>
    %reduce_sum3A_1075 = vector.multi_reduction <add>, %convert_element_type3A_1073, %reduce_sum3A_1074 [0] : vector<256x2048xf32> to vector<2048xf32>
    %broadcast_in_dim3A_1076 = vector.shape_cast %reduce_sum3A_1075 : vector<2048xf32> to vector<1x2048xf32>
    %add3A_1077 = arith.addf %add3A_1052, %broadcast_in_dim3A_1076 : vector<1x2048xf32>
    %get3A_1078 = arith.constant 1 : index
    %get3A_1079 = arith.constant 0 : index
    %get3A_1080 = arith.constant 768 : index
    %get3A_1081 = arith.constant 0 : index
    %get3A_1082 = vector.load %arg3[%get3A_1078, %get3A_1079, %get3A_1080, %get3A_1081] : memref<2x1x2048x1xf32, #tpu.memory_space<vmem>>, vector<1x1x256x1xf32>
    %get3A_1083 = vector.shape_cast %get3A_1082 : vector<1x1x256x1xf32> to vector<256x1xf32>
    %get3A_1084 = arith.constant 1 : index
    %get3A_1085 = arith.constant 0 : index
    %get3A_1086 = arith.constant 768 : index
    %get3A_1087 = arith.constant 0 : index
    %get3A_1088 = vector.load %arg4[%get3A_1084, %get3A_1085, %get3A_1086, %get3A_1087] : memref<2x1x2048x1xi32, #tpu.memory_space<vmem>>, vector<1x1x256x1xi32>
    %get3A_1089 = vector.shape_cast %get3A_1088 : vector<1x1x256x1xi32> to vector<256x1xi32>
    %eq3A_1090 = vector.broadcast %get3A_988 : f32 to vector<256x1xf32>
    %eq3A_1091 = arith.cmpf oeq, %get3A_1083, %eq3A_1090 : vector<256x1xf32>
    %lt3A_1092 = vector.broadcast %get3A_1089 : vector<256x1xi32> to vector<256x2048xi32>
    %lt3A_1093 = vector.broadcast %broadcast_in_dim3A_1000 : vector<1x2048xi32> to vector<256x2048xi32>
    %lt3A_1094 = arith.cmpi slt, %lt3A_1092, %lt3A_1093 : vector<256x2048xi32>
    %and3A_1095 = vector.broadcast %eq3A_1091 : vector<256x1xi1> to vector<256x2048xi1>
    %and3A_1096 = arith.andi %and3A_1095, %lt3A_1094 : vector<256x2048xi1>
    %convert_element_type3A_1097 = arith.extui %and3A_1096 : vector<256x2048xi1> to vector<256x2048xi32>
    %convert_element_type3A_1098 = arith.sitofp %convert_element_type3A_1097 : vector<256x2048xi32> to vector<256x2048xf32>
    %reduce_sum3A_1099 = arith.constant dense<0.000000e+00> : vector<2048xf32>
    %reduce_sum3A_1100 = vector.multi_reduction <add>, %convert_element_type3A_1098, %reduce_sum3A_1099 [0] : vector<256x2048xf32> to vector<2048xf32>
    %broadcast_in_dim3A_1101 = vector.shape_cast %reduce_sum3A_1100 : vector<2048xf32> to vector<1x2048xf32>
    %add3A_1102 = arith.addf %add3A_1077, %broadcast_in_dim3A_1101 : vector<1x2048xf32>
    %get3A_1103 = arith.constant 1 : index
    %get3A_1104 = arith.constant 0 : index
    %get3A_1105 = arith.constant 1024 : index
    %get3A_1106 = arith.constant 0 : index
    %get3A_1107 = vector.load %arg3[%get3A_1103, %get3A_1104, %get3A_1105, %get3A_1106] : memref<2x1x2048x1xf32, #tpu.memory_space<vmem>>, vector<1x1x256x1xf32>
    %get3A_1108 = vector.shape_cast %get3A_1107 : vector<1x1x256x1xf32> to vector<256x1xf32>
    %get3A_1109 = arith.constant 1 : index
    %get3A_1110 = arith.constant 0 : index
    %get3A_1111 = arith.constant 1024 : index
    %get3A_1112 = arith.constant 0 : index
    %get3A_1113 = vector.load %arg4[%get3A_1109, %get3A_1110, %get3A_1111, %get3A_1112] : memref<2x1x2048x1xi32, #tpu.memory_space<vmem>>, vector<1x1x256x1xi32>
    %get3A_1114 = vector.shape_cast %get3A_1113 : vector<1x1x256x1xi32> to vector<256x1xi32>
    %eq3A_1115 = vector.broadcast %get3A_988 : f32 to vector<256x1xf32>
    %eq3A_1116 = arith.cmpf oeq, %get3A_1108, %eq3A_1115 : vector<256x1xf32>
    %lt3A_1117 = vector.broadcast %get3A_1114 : vector<256x1xi32> to vector<256x2048xi32>
    %lt3A_1118 = vector.broadcast %broadcast_in_dim3A_1000 : vector<1x2048xi32> to vector<256x2048xi32>
    %lt3A_1119 = arith.cmpi slt, %lt3A_1117, %lt3A_1118 : vector<256x2048xi32>
    %and3A_1120 = vector.broadcast %eq3A_1116 : vector<256x1xi1> to vector<256x2048xi1>
    %and3A_1121 = arith.andi %and3A_1120, %lt3A_1119 : vector<256x2048xi1>
    %convert_element_type3A_1122 = arith.extui %and3A_1121 : vector<256x2048xi1> to vector<256x2048xi32>
    %convert_element_type3A_1123 = arith.sitofp %convert_element_type3A_1122 : vector<256x2048xi32> to vector<256x2048xf32>
    %reduce_sum3A_1124 = arith.constant dense<0.000000e+00> : vector<2048xf32>
    %reduce_sum3A_1125 = vector.multi_reduction <add>, %convert_element_type3A_1123, %reduce_sum3A_1124 [0] : vector<256x2048xf32> to vector<2048xf32>
    %broadcast_in_dim3A_1126 = vector.shape_cast %reduce_sum3A_1125 : vector<2048xf32> to vector<1x2048xf32>
    %add3A_1127 = arith.addf %add3A_1102, %broadcast_in_dim3A_1126 : vector<1x2048xf32>
    %get3A_1128 = arith.constant 1 : index
    %get3A_1129 = arith.constant 0 : index
    %get3A_1130 = arith.constant 1280 : index
    %get3A_1131 = arith.constant 0 : index
    %get3A_1132 = vector.load %arg3[%get3A_1128, %get3A_1129, %get3A_1130, %get3A_1131] : memref<2x1x2048x1xf32, #tpu.memory_space<vmem>>, vector<1x1x256x1xf32>
    %get3A_1133 = vector.shape_cast %get3A_1132 : vector<1x1x256x1xf32> to vector<256x1xf32>
    %get3A_1134 = arith.constant 1 : index
    %get3A_1135 = arith.constant 0 : index
    %get3A_1136 = arith.constant 1280 : index
    %get3A_1137 = arith.constant 0 : index
    %get3A_1138 = vector.load %arg4[%get3A_1134, %get3A_1135, %get3A_1136, %get3A_1137] : memref<2x1x2048x1xi32, #tpu.memory_space<vmem>>, vector<1x1x256x1xi32>
    %get3A_1139 = vector.shape_cast %get3A_1138 : vector<1x1x256x1xi32> to vector<256x1xi32>
    %eq3A_1140 = vector.broadcast %get3A_988 : f32 to vector<256x1xf32>
    %eq3A_1141 = arith.cmpf oeq, %get3A_1133, %eq3A_1140 : vector<256x1xf32>
    %lt3A_1142 = vector.broadcast %get3A_1139 : vector<256x1xi32> to vector<256x2048xi32>
    %lt3A_1143 = vector.broadcast %broadcast_in_dim3A_1000 : vector<1x2048xi32> to vector<256x2048xi32>
    %lt3A_1144 = arith.cmpi slt, %lt3A_1142, %lt3A_1143 : vector<256x2048xi32>
    %and3A_1145 = vector.broadcast %eq3A_1141 : vector<256x1xi1> to vector<256x2048xi1>
    %and3A_1146 = arith.andi %and3A_1145, %lt3A_1144 : vector<256x2048xi1>
    %convert_element_type3A_1147 = arith.extui %and3A_1146 : vector<256x2048xi1> to vector<256x2048xi32>
    %convert_element_type3A_1148 = arith.sitofp %convert_element_type3A_1147 : vector<256x2048xi32> to vector<256x2048xf32>
    %reduce_sum3A_1149 = arith.constant dense<0.000000e+00> : vector<2048xf32>
    %reduce_sum3A_1150 = vector.multi_reduction <add>, %convert_element_type3A_1148, %reduce_sum3A_1149 [0] : vector<256x2048xf32> to vector<2048xf32>
    %broadcast_in_dim3A_1151 = vector.shape_cast %reduce_sum3A_1150 : vector<2048xf32> to vector<1x2048xf32>
    %add3A_1152 = arith.addf %add3A_1127, %broadcast_in_dim3A_1151 : vector<1x2048xf32>
    %get3A_1153 = arith.constant 1 : index
    %get3A_1154 = arith.constant 0 : index
    %get3A_1155 = arith.constant 1536 : index
    %get3A_1156 = arith.constant 0 : index
    %get3A_1157 = vector.load %arg3[%get3A_1153, %get3A_1154, %get3A_1155, %get3A_1156] : memref<2x1x2048x1xf32, #tpu.memory_space<vmem>>, vector<1x1x256x1xf32>
    %get3A_1158 = vector.shape_cast %get3A_1157 : vector<1x1x256x1xf32> to vector<256x1xf32>
    %get3A_1159 = arith.constant 1 : index
    %get3A_1160 = arith.constant 0 : index
    %get3A_1161 = arith.constant 1536 : index
    %get3A_1162 = arith.constant 0 : index
    %get3A_1163 = vector.load %arg4[%get3A_1159, %get3A_1160, %get3A_1161, %get3A_1162] : memref<2x1x2048x1xi32, #tpu.memory_space<vmem>>, vector<1x1x256x1xi32>
    %get3A_1164 = vector.shape_cast %get3A_1163 : vector<1x1x256x1xi32> to vector<256x1xi32>
    %eq3A_1165 = vector.broadcast %get3A_988 : f32 to vector<256x1xf32>
    %eq3A_1166 = arith.cmpf oeq, %get3A_1158, %eq3A_1165 : vector<256x1xf32>
    %lt3A_1167 = vector.broadcast %get3A_1164 : vector<256x1xi32> to vector<256x2048xi32>
    %lt3A_1168 = vector.broadcast %broadcast_in_dim3A_1000 : vector<1x2048xi32> to vector<256x2048xi32>
    %lt3A_1169 = arith.cmpi slt, %lt3A_1167, %lt3A_1168 : vector<256x2048xi32>
    %and3A_1170 = vector.broadcast %eq3A_1166 : vector<256x1xi1> to vector<256x2048xi1>
    %and3A_1171 = arith.andi %and3A_1170, %lt3A_1169 : vector<256x2048xi1>
    %convert_element_type3A_1172 = arith.extui %and3A_1171 : vector<256x2048xi1> to vector<256x2048xi32>
    %convert_element_type3A_1173 = arith.sitofp %convert_element_type3A_1172 : vector<256x2048xi32> to vector<256x2048xf32>
    %reduce_sum3A_1174 = arith.constant dense<0.000000e+00> : vector<2048xf32>
    %reduce_sum3A_1175 = vector.multi_reduction <add>, %convert_element_type3A_1173, %reduce_sum3A_1174 [0] : vector<256x2048xf32> to vector<2048xf32>
    %broadcast_in_dim3A_1176 = vector.shape_cast %reduce_sum3A_1175 : vector<2048xf32> to vector<1x2048xf32>
    %add3A_1177 = arith.addf %add3A_1152, %broadcast_in_dim3A_1176 : vector<1x2048xf32>
    %get3A_1178 = arith.constant 1 : index
    %get3A_1179 = arith.constant 0 : index
    %get3A_1180 = arith.constant 1792 : index
    %get3A_1181 = arith.constant 0 : index
    %get3A_1182 = vector.load %arg3[%get3A_1178, %get3A_1179, %get3A_1180, %get3A_1181] : memref<2x1x2048x1xf32, #tpu.memory_space<vmem>>, vector<1x1x256x1xf32>
    %get3A_1183 = vector.shape_cast %get3A_1182 : vector<1x1x256x1xf32> to vector<256x1xf32>
    %get3A_1184 = arith.constant 1 : index
    %get3A_1185 = arith.constant 0 : index
    %get3A_1186 = arith.constant 1792 : index
    %get3A_1187 = arith.constant 0 : index
    %get3A_1188 = vector.load %arg4[%get3A_1184, %get3A_1185, %get3A_1186, %get3A_1187] : memref<2x1x2048x1xi32, #tpu.memory_space<vmem>>, vector<1x1x256x1xi32>
    %get3A_1189 = vector.shape_cast %get3A_1188 : vector<1x1x256x1xi32> to vector<256x1xi32>
    %eq3A_1190 = vector.broadcast %get3A_988 : f32 to vector<256x1xf32>
    %eq3A_1191 = arith.cmpf oeq, %get3A_1183, %eq3A_1190 : vector<256x1xf32>
    %lt3A_1192 = vector.broadcast %get3A_1189 : vector<256x1xi32> to vector<256x2048xi32>
    %lt3A_1193 = vector.broadcast %broadcast_in_dim3A_1000 : vector<1x2048xi32> to vector<256x2048xi32>
    %lt3A_1194 = arith.cmpi slt, %lt3A_1192, %lt3A_1193 : vector<256x2048xi32>
    %and3A_1195 = vector.broadcast %eq3A_1191 : vector<256x1xi1> to vector<256x2048xi1>
    %and3A_1196 = arith.andi %and3A_1195, %lt3A_1194 : vector<256x2048xi1>
    %convert_element_type3A_1197 = arith.extui %and3A_1196 : vector<256x2048xi1> to vector<256x2048xi32>
    %convert_element_type3A_1198 = arith.sitofp %convert_element_type3A_1197 : vector<256x2048xi32> to vector<256x2048xf32>
    %reduce_sum3A_1199 = arith.constant dense<0.000000e+00> : vector<2048xf32>
    %reduce_sum3A_1200 = vector.multi_reduction <add>, %convert_element_type3A_1198, %reduce_sum3A_1199 [0] : vector<256x2048xf32> to vector<2048xf32>
    %broadcast_in_dim3A_1201 = vector.shape_cast %reduce_sum3A_1200 : vector<2048xf32> to vector<1x2048xf32>
    %add3A_1202 = arith.addf %add3A_1177, %broadcast_in_dim3A_1201 : vector<1x2048xf32>
    %gt3A_1203 = vector.broadcast %get3A_988 : f32 to vector<2048xf32>
    %gt3A_1204 = arith.cmpf ogt, %get3A_977, %gt3A_1203 : vector<2048xf32>
    %eq3A_1205 = vector.broadcast %get3A_988 : f32 to vector<2048xf32>
    %eq3A_1206 = arith.cmpf oeq, %get3A_977, %eq3A_1205 : vector<2048xf32>
    %squeeze3A_1207 = vector.shape_cast %add3A_1202 : vector<1x2048xf32> to vector<2048xf32>
    %lt3A_1208 = vector.broadcast %sub3A_999 : f32 to vector<2048xf32>
    %lt3A_1209 = arith.cmpf olt, %squeeze3A_1207, %lt3A_1208 : vector<2048xf32>
    %and3A_1210 = arith.andi %eq3A_1206, %lt3A_1209 : vector<2048xi1>
    %or3A_1211 = arith.ori %gt3A_1204, %and3A_1210 : vector<2048xi1>
    %jit3A_1212 = arith.constant 0.000000e+00 : f32
    %broadcast_in_dim3A_1213 = vector.broadcast %jit3A_1212 : f32 to vector<2048xf32>
    %select_n3A_1214 = arith.select %or3A_1211, %get3A_977, %broadcast_in_dim3A_1213 : vector<2048xi1>, vector<2048xf32>
    %neg3A = arith.constant 0.000000e+00 : f32
    %neg3A_1215 = vector.broadcast %neg3A : f32 to vector<2048xf32>
    %neg3A_1216 = arith.subf %neg3A_1215, %select_n3A_1214 : vector<2048xf32>
    %swap3A_1217 = arith.constant 1 : index
    %swap3A_1218 = arith.constant 0 : index
    %swap3A_1219 = arith.constant 0 : index
    %swap3A_1220 = arith.constant 0 : index
    %swap3A_1221 = vector.load %arg7[%swap3A_1217, %swap3A_1218, %swap3A_1219, %swap3A_1220] : memref<2x1x1x2048xf32, #tpu.memory_space<vmem>>, vector<1x1x1x2048xf32>
    %swap3A_1222 = vector.shape_cast %swap3A_1221 : vector<1x1x1x2048xf32> to vector<2048xf32>
    %swap3A_1223 = vector.shape_cast %neg3A_1216 : vector<2048xf32> to vector<1x1x1x2048xf32>
    tpu.vector_store %arg7[%swap3A_1217, %swap3A_1218, %swap3A_1219, %swap3A_1220], %swap3A_1223 {strides = array<i32>} : memref<2x1x1x2048xf32, #tpu.memory_space<vmem>>, vector<1x1x1x2048xf32>,
    return
  }
  func.func @transform_0(%arg0: i32) -> (i32, i32, i32, i32) {
    %c0_i32 = arith.constant 0 : i32
    %c0_i32_0 = arith.constant 0 : i32
    %c0_i32_1 = arith.constant 0 : i32
    %c0_i32_2 = arith.constant 0 : i32
    return %c0_i32, %arg0, %c0_i32_0, %c0_i32_1 : i32, i32, i32, i32
  }
  func.func @transform_1(%arg0: i32) -> (i32, i32, i32, i32) {
    %c0_i32 = arith.constant 0 : i32
    %c0_i32_0 = arith.constant 0 : i32
    %c0_i32_1 = arith.constant 0 : i32
    %c0_i32_2 = arith.constant 0 : i32
    return %c0_i32, %arg0, %c0_i32_0, %c0_i32_1 : i32, i32, i32, i32
  }
  func.func @transform_2(%arg0: i32) -> (i32, i32, i32, i32) {
    %c0_i32 = arith.constant 0 : i32
    %c0_i32_0 = arith.constant 0 : i32
    %c0_i32_1 = arith.constant 0 : i32
    %c0_i32_2 = arith.constant 0 : i32
    return %c0_i32, %arg0, %c0_i32_0, %c0_i32_1 : i32, i32, i32, i32
  }
  func.func @transform_3(%arg0: i32) -> (i32, i32, i32, i32) {
    %c0_i32 = arith.constant 0 : i32
    %c0_i32_0 = arith.constant 0 : i32
    %c0_i32_1 = arith.constant 0 : i32
    %c0_i32_2 = arith.constant 0 : i32
    return %c0_i32, %arg0, %c0_i32_0, %c0_i32_1 : i32, i32, i32, i32
  }
  func.func @transform_4(%arg0: i32) -> (i32, i32, i32) {
    %c0_i32 = arith.constant 0 : i32
    %c0_i32_0 = arith.constant 0 : i32
    %c0_i32_1 = arith.constant 0 : i32
    return %arg0, %c0_i32, %c0_i32_0 : i32, i32, i32
  }
  func.func @transform_5(%arg0: i32) -> (i32, i32, i32) {
    %c0_i32 = arith.constant 0 : i32
    %c0_i32_0 = arith.constant 0 : i32
    %c0_i32_1 = arith.constant 0 : i32
    return %arg0, %c0_i32, %c0_i32_0 : i32, i32, i32
  }
  func.func @transform_6(%arg0: i32) -> (i32, i32, i32, i32) {
    %c0_i32 = arith.constant 0 : i32
    %c0_i32_0 = arith.constant 0 : i32
    %c0_i32_1 = arith.constant 0 : i32
    %c0_i32_2 = arith.constant 0 : i32
    return %c0_i32, %arg0, %c0_i32_0, %c0_i32_1 : i32, i32, i32, i32
  }
}

module attributes {stable_mosaic.version = 14 : i64} {
  func.func @_loss_body(%arg0: i32, %arg1: memref<1x384x384xf32, #tpu.memory_space<vmem>>, %arg2: memref<1x384x384xf32, #tpu.memory_space<vmem>>, %arg3: memref<1x384x384xf32, #tpu.memory_space<vmem>>, %arg4: memref<1x2x128xf32, #tpu.memory_space<vmem>>) attributes {dimension_semantics = [#tpu.dimension_semantics<arbitrary>], iteration_bounds = array<i64: 4>, scalar_prefetch = 0 : i64, scratch_operands = 0 : i64, tpu.core_type = #tpu.core_type<tc>, window_params = [{transform_indices = @transform_0, window_bounds = array<i64: 1, 384, 384>}, {transform_indices = @transform_1, window_bounds = array<i64: 1, 384, 384>}, {transform_indices = @transform_2, window_bounds = array<i64: 1, 384, 384>}, {transform_indices = @transform_3, window_bounds = array<i64: 1, 2, 128>}]} {
    %get3A = arith.constant 0 : index
    %get3A_0 = arith.constant 0 : index
    %get3A_1 = arith.constant 0 : index
    %get3A_2 = vector.load %arg1[%get3A, %get3A_0, %get3A_1] : memref<1x384x384xf32, #tpu.memory_space<vmem>>, vector<1x384x384xf32>
    %get3A_3 = vector.shape_cast %get3A_2 : vector<1x384x384xf32> to vector<384x384xf32>
    %broadcast_in_dim3A = arith.constant 0.000000e+00 : f32
    %broadcast_in_dim3A_4 = vector.broadcast %broadcast_in_dim3A : f32 to vector<384x7xf32>
    %concatenate3A = tpu.concatenate %broadcast_in_dim3A_4, %get3A_3, %broadcast_in_dim3A_4 in 1 : vector<384x7xf32>, vector<384x384xf32>, vector<384x7xf32> -> vector<384x398xf32>
    %slice3A = vector.extract_strided_slice %concatenate3A {offsets = [0, 0], sizes = [384, 384], strides = [1, 1]} : vector<384x398xf32> to vector<384x384xf32>
    %mul3A = arith.constant 2.158000e-43 : f32
    %mul3A_5 = vector.broadcast %mul3A : f32 to vector<384x384xf32>
    %mul3A_6 = arith.mulf %mul3A_5, %slice3A : vector<384x384xf32>
    %slice3A_7 = vector.extract_strided_slice %concatenate3A {offsets = [0, 1], sizes = [384, 384], strides = [1, 1]} : vector<384x398xf32> to vector<384x384xf32>
    %mul3A_8 = arith.constant 4.23189662E-32 : f32
    %mul3A_9 = vector.broadcast %mul3A_8 : f32 to vector<384x384xf32>
    %mul3A_10 = arith.mulf %mul3A_9, %slice3A_7 : vector<384x384xf32>
    %add3A = arith.addf %mul3A_6, %mul3A_10 : vector<384x384xf32>
    %slice3A_11 = vector.extract_strided_slice %concatenate3A {offsets = [0, 2], sizes = [384, 384], strides = [1, 1]} : vector<384x398xf32> to vector<384x384xf32>
    %mul3A_12 = arith.constant 1.51709817E-22 : f32
    %mul3A_13 = vector.broadcast %mul3A_12 : f32 to vector<384x384xf32>
    %mul3A_14 = arith.mulf %mul3A_13, %slice3A_11 : vector<384x384xf32>
    %add3A_15 = arith.addf %add3A, %mul3A_14 : vector<384x384xf32>
    %slice3A_16 = vector.extract_strided_slice %concatenate3A {offsets = [0, 3], sizes = [384, 384], strides = [1, 1]} : vector<384x398xf32> to vector<384x384xf32>
    %mul3A_17 = arith.constant 9.96126161E-15 : f32
    %mul3A_18 = vector.broadcast %mul3A_17 : f32 to vector<384x384xf32>
    %mul3A_19 = arith.mulf %mul3A_18, %slice3A_16 : vector<384x384xf32>
    %add3A_20 = arith.addf %add3A_15, %mul3A_19 : vector<384x384xf32>
    %slice3A_21 = vector.extract_strided_slice %concatenate3A {offsets = [0, 4], sizes = [384, 384], strides = [1, 1]} : vector<384x398xf32> to vector<384x384xf32>
    %mul3A_22 = arith.constant 1.19794565E-8 : f32
    %mul3A_23 = vector.broadcast %mul3A_22 : f32 to vector<384x384xf32>
    %mul3A_24 = arith.mulf %mul3A_23, %slice3A_21 : vector<384x384xf32>
    %add3A_25 = arith.addf %add3A_20, %mul3A_24 : vector<384x384xf32>
    %slice3A_26 = vector.extract_strided_slice %concatenate3A {offsets = [0, 5], sizes = [384, 384], strides = [1, 1]} : vector<384x398xf32> to vector<384x384xf32>
    %mul3A_27 = arith.constant 2.63865077E-4 : f32
    %mul3A_28 = vector.broadcast %mul3A_27 : f32 to vector<384x384xf32>
    %mul3A_29 = arith.mulf %mul3A_28, %slice3A_26 : vector<384x384xf32>
    %add3A_30 = arith.addf %add3A_25, %mul3A_29 : vector<384x384xf32>
    %slice3A_31 = vector.extract_strided_slice %concatenate3A {offsets = [0, 6], sizes = [384, 384], strides = [1, 1]} : vector<384x398xf32> to vector<384x384xf32>
    %mul3A_32 = arith.constant 0.106450766 : f32
    %mul3A_33 = vector.broadcast %mul3A_32 : f32 to vector<384x384xf32>
    %mul3A_34 = arith.mulf %mul3A_33, %slice3A_31 : vector<384x384xf32>
    %add3A_35 = arith.addf %add3A_30, %mul3A_34 : vector<384x384xf32>
    %slice3A_36 = vector.extract_strided_slice %concatenate3A {offsets = [0, 7], sizes = [384, 384], strides = [1, 1]} : vector<384x398xf32> to vector<384x384xf32>
    %mul3A_37 = arith.constant 0.786570668 : f32
    %mul3A_38 = vector.broadcast %mul3A_37 : f32 to vector<384x384xf32>
    %mul3A_39 = arith.mulf %mul3A_38, %slice3A_36 : vector<384x384xf32>
    %add3A_40 = arith.addf %add3A_35, %mul3A_39 : vector<384x384xf32>
    %slice3A_41 = vector.extract_strided_slice %concatenate3A {offsets = [0, 8], sizes = [384, 384], strides = [1, 1]} : vector<384x398xf32> to vector<384x384xf32>
    %mul3A_42 = arith.constant 0.106450766 : f32
    %mul3A_43 = vector.broadcast %mul3A_42 : f32 to vector<384x384xf32>
    %mul3A_44 = arith.mulf %mul3A_43, %slice3A_41 : vector<384x384xf32>
    %add3A_45 = arith.addf %add3A_40, %mul3A_44 : vector<384x384xf32>
    %slice3A_46 = vector.extract_strided_slice %concatenate3A {offsets = [0, 9], sizes = [384, 384], strides = [1, 1]} : vector<384x398xf32> to vector<384x384xf32>
    %mul3A_47 = arith.constant 2.63865077E-4 : f32
    %mul3A_48 = vector.broadcast %mul3A_47 : f32 to vector<384x384xf32>
    %mul3A_49 = arith.mulf %mul3A_48, %slice3A_46 : vector<384x384xf32>
    %add3A_50 = arith.addf %add3A_45, %mul3A_49 : vector<384x384xf32>
    %slice3A_51 = vector.extract_strided_slice %concatenate3A {offsets = [0, 10], sizes = [384, 384], strides = [1, 1]} : vector<384x398xf32> to vector<384x384xf32>
    %mul3A_52 = arith.constant 1.19794565E-8 : f32
    %mul3A_53 = vector.broadcast %mul3A_52 : f32 to vector<384x384xf32>
    %mul3A_54 = arith.mulf %mul3A_53, %slice3A_51 : vector<384x384xf32>
    %add3A_55 = arith.addf %add3A_50, %mul3A_54 : vector<384x384xf32>
    %slice3A_56 = vector.extract_strided_slice %concatenate3A {offsets = [0, 11], sizes = [384, 384], strides = [1, 1]} : vector<384x398xf32> to vector<384x384xf32>
    %mul3A_57 = arith.constant 9.96126161E-15 : f32
    %mul3A_58 = vector.broadcast %mul3A_57 : f32 to vector<384x384xf32>
    %mul3A_59 = arith.mulf %mul3A_58, %slice3A_56 : vector<384x384xf32>
    %add3A_60 = arith.addf %add3A_55, %mul3A_59 : vector<384x384xf32>
    %slice3A_61 = vector.extract_strided_slice %concatenate3A {offsets = [0, 12], sizes = [384, 384], strides = [1, 1]} : vector<384x398xf32> to vector<384x384xf32>
    %mul3A_62 = arith.constant 1.51709817E-22 : f32
    %mul3A_63 = vector.broadcast %mul3A_62 : f32 to vector<384x384xf32>
    %mul3A_64 = arith.mulf %mul3A_63, %slice3A_61 : vector<384x384xf32>
    %add3A_65 = arith.addf %add3A_60, %mul3A_64 : vector<384x384xf32>
    %slice3A_66 = vector.extract_strided_slice %concatenate3A {offsets = [0, 13], sizes = [384, 384], strides = [1, 1]} : vector<384x398xf32> to vector<384x384xf32>
    %mul3A_67 = arith.constant 4.23189662E-32 : f32
    %mul3A_68 = vector.broadcast %mul3A_67 : f32 to vector<384x384xf32>
    %mul3A_69 = arith.mulf %mul3A_68, %slice3A_66 : vector<384x384xf32>
    %add3A_70 = arith.addf %add3A_65, %mul3A_69 : vector<384x384xf32>
    %slice3A_71 = vector.extract_strided_slice %concatenate3A {offsets = [0, 14], sizes = [384, 384], strides = [1, 1]} : vector<384x398xf32> to vector<384x384xf32>
    %mul3A_72 = arith.constant 2.158000e-43 : f32
    %mul3A_73 = vector.broadcast %mul3A_72 : f32 to vector<384x384xf32>
    %mul3A_74 = arith.mulf %mul3A_73, %slice3A_71 : vector<384x384xf32>
    %add3A_75 = arith.addf %add3A_70, %mul3A_74 : vector<384x384xf32>
    %broadcast_in_dim3A_76 = arith.constant 0.000000e+00 : f32
    %broadcast_in_dim3A_77 = vector.broadcast %broadcast_in_dim3A_76 : f32 to vector<7x384xf32>
    %concatenate3A_78 = tpu.concatenate %broadcast_in_dim3A_77, %add3A_75, %broadcast_in_dim3A_77 in 0 : vector<7x384xf32>, vector<384x384xf32>, vector<7x384xf32> -> vector<398x384xf32>
    %slice3A_79 = vector.extract_strided_slice %concatenate3A_78 {offsets = [0, 0], sizes = [384, 384], strides = [1, 1]} : vector<398x384xf32> to vector<384x384xf32>
    %mul3A_80 = arith.constant 2.158000e-43 : f32
    %mul3A_81 = vector.broadcast %mul3A_80 : f32 to vector<384x384xf32>
    %mul3A_82 = arith.mulf %mul3A_81, %slice3A_79 : vector<384x384xf32>
    %slice3A_83 = vector.extract_strided_slice %concatenate3A_78 {offsets = [1, 0], sizes = [384, 384], strides = [1, 1]} : vector<398x384xf32> to vector<384x384xf32>
    %mul3A_84 = arith.constant 4.23189662E-32 : f32
    %mul3A_85 = vector.broadcast %mul3A_84 : f32 to vector<384x384xf32>
    %mul3A_86 = arith.mulf %mul3A_85, %slice3A_83 : vector<384x384xf32>
    %add3A_87 = arith.addf %mul3A_82, %mul3A_86 : vector<384x384xf32>
    %slice3A_88 = vector.extract_strided_slice %concatenate3A_78 {offsets = [2, 0], sizes = [384, 384], strides = [1, 1]} : vector<398x384xf32> to vector<384x384xf32>
    %mul3A_89 = arith.constant 1.51709817E-22 : f32
    %mul3A_90 = vector.broadcast %mul3A_89 : f32 to vector<384x384xf32>
    %mul3A_91 = arith.mulf %mul3A_90, %slice3A_88 : vector<384x384xf32>
    %add3A_92 = arith.addf %add3A_87, %mul3A_91 : vector<384x384xf32>
    %slice3A_93 = vector.extract_strided_slice %concatenate3A_78 {offsets = [3, 0], sizes = [384, 384], strides = [1, 1]} : vector<398x384xf32> to vector<384x384xf32>
    %mul3A_94 = arith.constant 9.96126161E-15 : f32
    %mul3A_95 = vector.broadcast %mul3A_94 : f32 to vector<384x384xf32>
    %mul3A_96 = arith.mulf %mul3A_95, %slice3A_93 : vector<384x384xf32>
    %add3A_97 = arith.addf %add3A_92, %mul3A_96 : vector<384x384xf32>
    %slice3A_98 = vector.extract_strided_slice %concatenate3A_78 {offsets = [4, 0], sizes = [384, 384], strides = [1, 1]} : vector<398x384xf32> to vector<384x384xf32>
    %mul3A_99 = arith.constant 1.19794565E-8 : f32
    %mul3A_100 = vector.broadcast %mul3A_99 : f32 to vector<384x384xf32>
    %mul3A_101 = arith.mulf %mul3A_100, %slice3A_98 : vector<384x384xf32>
    %add3A_102 = arith.addf %add3A_97, %mul3A_101 : vector<384x384xf32>
    %slice3A_103 = vector.extract_strided_slice %concatenate3A_78 {offsets = [5, 0], sizes = [384, 384], strides = [1, 1]} : vector<398x384xf32> to vector<384x384xf32>
    %mul3A_104 = arith.constant 2.63865077E-4 : f32
    %mul3A_105 = vector.broadcast %mul3A_104 : f32 to vector<384x384xf32>
    %mul3A_106 = arith.mulf %mul3A_105, %slice3A_103 : vector<384x384xf32>
    %add3A_107 = arith.addf %add3A_102, %mul3A_106 : vector<384x384xf32>
    %slice3A_108 = vector.extract_strided_slice %concatenate3A_78 {offsets = [6, 0], sizes = [384, 384], strides = [1, 1]} : vector<398x384xf32> to vector<384x384xf32>
    %mul3A_109 = arith.constant 0.106450766 : f32
    %mul3A_110 = vector.broadcast %mul3A_109 : f32 to vector<384x384xf32>
    %mul3A_111 = arith.mulf %mul3A_110, %slice3A_108 : vector<384x384xf32>
    %add3A_112 = arith.addf %add3A_107, %mul3A_111 : vector<384x384xf32>
    %slice3A_113 = vector.extract_strided_slice %concatenate3A_78 {offsets = [7, 0], sizes = [384, 384], strides = [1, 1]} : vector<398x384xf32> to vector<384x384xf32>
    %mul3A_114 = arith.constant 0.786570668 : f32
    %mul3A_115 = vector.broadcast %mul3A_114 : f32 to vector<384x384xf32>
    %mul3A_116 = arith.mulf %mul3A_115, %slice3A_113 : vector<384x384xf32>
    %add3A_117 = arith.addf %add3A_112, %mul3A_116 : vector<384x384xf32>
    %slice3A_118 = vector.extract_strided_slice %concatenate3A_78 {offsets = [8, 0], sizes = [384, 384], strides = [1, 1]} : vector<398x384xf32> to vector<384x384xf32>
    %mul3A_119 = arith.constant 0.106450766 : f32
    %mul3A_120 = vector.broadcast %mul3A_119 : f32 to vector<384x384xf32>
    %mul3A_121 = arith.mulf %mul3A_120, %slice3A_118 : vector<384x384xf32>
    %add3A_122 = arith.addf %add3A_117, %mul3A_121 : vector<384x384xf32>
    %slice3A_123 = vector.extract_strided_slice %concatenate3A_78 {offsets = [9, 0], sizes = [384, 384], strides = [1, 1]} : vector<398x384xf32> to vector<384x384xf32>
    %mul3A_124 = arith.constant 2.63865077E-4 : f32
    %mul3A_125 = vector.broadcast %mul3A_124 : f32 to vector<384x384xf32>
    %mul3A_126 = arith.mulf %mul3A_125, %slice3A_123 : vector<384x384xf32>
    %add3A_127 = arith.addf %add3A_122, %mul3A_126 : vector<384x384xf32>
    %slice3A_128 = vector.extract_strided_slice %concatenate3A_78 {offsets = [10, 0], sizes = [384, 384], strides = [1, 1]} : vector<398x384xf32> to vector<384x384xf32>
    %mul3A_129 = arith.constant 1.19794565E-8 : f32
    %mul3A_130 = vector.broadcast %mul3A_129 : f32 to vector<384x384xf32>
    %mul3A_131 = arith.mulf %mul3A_130, %slice3A_128 : vector<384x384xf32>
    %add3A_132 = arith.addf %add3A_127, %mul3A_131 : vector<384x384xf32>
    %slice3A_133 = vector.extract_strided_slice %concatenate3A_78 {offsets = [11, 0], sizes = [384, 384], strides = [1, 1]} : vector<398x384xf32> to vector<384x384xf32>
    %mul3A_134 = arith.constant 9.96126161E-15 : f32
    %mul3A_135 = vector.broadcast %mul3A_134 : f32 to vector<384x384xf32>
    %mul3A_136 = arith.mulf %mul3A_135, %slice3A_133 : vector<384x384xf32>
    %add3A_137 = arith.addf %add3A_132, %mul3A_136 : vector<384x384xf32>
    %slice3A_138 = vector.extract_strided_slice %concatenate3A_78 {offsets = [12, 0], sizes = [384, 384], strides = [1, 1]} : vector<398x384xf32> to vector<384x384xf32>
    %mul3A_139 = arith.constant 1.51709817E-22 : f32
    %mul3A_140 = vector.broadcast %mul3A_139 : f32 to vector<384x384xf32>
    %mul3A_141 = arith.mulf %mul3A_140, %slice3A_138 : vector<384x384xf32>
    %add3A_142 = arith.addf %add3A_137, %mul3A_141 : vector<384x384xf32>
    %slice3A_143 = vector.extract_strided_slice %concatenate3A_78 {offsets = [13, 0], sizes = [384, 384], strides = [1, 1]} : vector<398x384xf32> to vector<384x384xf32>
    %mul3A_144 = arith.constant 4.23189662E-32 : f32
    %mul3A_145 = vector.broadcast %mul3A_144 : f32 to vector<384x384xf32>
    %mul3A_146 = arith.mulf %mul3A_145, %slice3A_143 : vector<384x384xf32>
    %add3A_147 = arith.addf %add3A_142, %mul3A_146 : vector<384x384xf32>
    %slice3A_148 = vector.extract_strided_slice %concatenate3A_78 {offsets = [14, 0], sizes = [384, 384], strides = [1, 1]} : vector<398x384xf32> to vector<384x384xf32>
    %mul3A_149 = arith.constant 2.158000e-43 : f32
    %mul3A_150 = vector.broadcast %mul3A_149 : f32 to vector<384x384xf32>
    %mul3A_151 = arith.mulf %mul3A_150, %slice3A_148 : vector<384x384xf32>
    %add3A_152 = arith.addf %add3A_147, %mul3A_151 : vector<384x384xf32>
    %get3A_153 = arith.constant 0 : index
    %get3A_154 = arith.constant 0 : index
    %get3A_155 = arith.constant 0 : index
    %get3A_156 = vector.load %arg2[%get3A_153, %get3A_154, %get3A_155] : memref<1x384x384xf32, #tpu.memory_space<vmem>>, vector<1x384x384xf32>
    %get3A_157 = vector.shape_cast %get3A_156 : vector<1x384x384xf32> to vector<384x384xf32>
    %get3A_158 = arith.constant 0 : index
    %get3A_159 = arith.constant 0 : index
    %get3A_160 = arith.constant 0 : index
    %get3A_161 = vector.load %arg3[%get3A_158, %get3A_159, %get3A_160] : memref<1x384x384xf32, #tpu.memory_space<vmem>>, vector<1x384x384xf32>
    %get3A_162 = vector.shape_cast %get3A_161 : vector<1x384x384xf32> to vector<384x384xf32>
    %floor3A = math.floor %get3A_157 : vector<384x384xf32>
    %floor3A_163 = math.floor %get3A_162 : vector<384x384xf32>
    %sub3A = arith.subf %get3A_157, %floor3A : vector<384x384xf32>
    %sub3A_164 = arith.subf %get3A_162, %floor3A_163 : vector<384x384xf32>
    %sub3A_165 = arith.constant 1.000000e+00 : f32
    %sub3A_166 = vector.broadcast %sub3A_165 : f32 to vector<384x384xf32>
    %sub3A_167 = arith.subf %sub3A_166, %sub3A : vector<384x384xf32>
    %sub3A_168 = arith.constant 1.000000e+00 : f32
    %sub3A_169 = vector.broadcast %sub3A_168 : f32 to vector<384x384xf32>
    %sub3A_170 = arith.subf %sub3A_169, %sub3A_164 : vector<384x384xf32>
    %ge3A = arith.constant 0.000000e+00 : f32
    %ge3A_171 = vector.broadcast %ge3A : f32 to vector<384x384xf32>
    %ge3A_172 = arith.cmpf oge, %floor3A, %ge3A_171 : vector<384x384xf32>
    %le3A = arith.constant 3.830000e+02 : f32
    %le3A_173 = vector.broadcast %le3A : f32 to vector<384x384xf32>
    %le3A_174 = arith.cmpf ole, %floor3A, %le3A_173 : vector<384x384xf32>
    %and3A = arith.andi %ge3A_172, %le3A_174 : vector<384x384xi1>
    %add3A_175 = arith.constant 1.000000e+00 : f32
    %add3A_176 = vector.broadcast %add3A_175 : f32 to vector<384x384xf32>
    %add3A_177 = arith.addf %floor3A, %add3A_176 : vector<384x384xf32>
    %ge3A_178 = arith.constant 0.000000e+00 : f32
    %ge3A_179 = vector.broadcast %ge3A_178 : f32 to vector<384x384xf32>
    %ge3A_180 = arith.cmpf oge, %add3A_177, %ge3A_179 : vector<384x384xf32>
    %add3A_181 = arith.constant 1.000000e+00 : f32
    %add3A_182 = vector.broadcast %add3A_181 : f32 to vector<384x384xf32>
    %add3A_183 = arith.addf %floor3A, %add3A_182 : vector<384x384xf32>
    %le3A_184 = arith.constant 3.830000e+02 : f32
    %le3A_185 = vector.broadcast %le3A_184 : f32 to vector<384x384xf32>
    %le3A_186 = arith.cmpf ole, %add3A_183, %le3A_185 : vector<384x384xf32>
    %and3A_187 = arith.andi %ge3A_180, %le3A_186 : vector<384x384xi1>
    %ge3A_188 = arith.constant 0.000000e+00 : f32
    %ge3A_189 = vector.broadcast %ge3A_188 : f32 to vector<384x384xf32>
    %ge3A_190 = arith.cmpf oge, %floor3A_163, %ge3A_189 : vector<384x384xf32>
    %le3A_191 = arith.constant 3.830000e+02 : f32
    %le3A_192 = vector.broadcast %le3A_191 : f32 to vector<384x384xf32>
    %le3A_193 = arith.cmpf ole, %floor3A_163, %le3A_192 : vector<384x384xf32>
    %and3A_194 = arith.andi %ge3A_190, %le3A_193 : vector<384x384xi1>
    %add3A_195 = arith.constant 1.000000e+00 : f32
    %add3A_196 = vector.broadcast %add3A_195 : f32 to vector<384x384xf32>
    %add3A_197 = arith.addf %floor3A_163, %add3A_196 : vector<384x384xf32>
    %ge3A_198 = arith.constant 0.000000e+00 : f32
    %ge3A_199 = vector.broadcast %ge3A_198 : f32 to vector<384x384xf32>
    %ge3A_200 = arith.cmpf oge, %add3A_197, %ge3A_199 : vector<384x384xf32>
    %add3A_201 = arith.constant 1.000000e+00 : f32
    %add3A_202 = vector.broadcast %add3A_201 : f32 to vector<384x384xf32>
    %add3A_203 = arith.addf %floor3A_163, %add3A_202 : vector<384x384xf32>
    %le3A_204 = arith.constant 3.830000e+02 : f32
    %le3A_205 = vector.broadcast %le3A_204 : f32 to vector<384x384xf32>
    %le3A_206 = arith.cmpf ole, %add3A_203, %le3A_205 : vector<384x384xf32>
    %and3A_207 = arith.andi %ge3A_200, %le3A_206 : vector<384x384xi1>
    %and3A_208 = arith.andi %and3A, %and3A_194 : vector<384x384xi1>
    %mul3A_209 = arith.mulf %sub3A_167, %sub3A_170 : vector<384x384xf32>
    %jit3A = arith.constant 0.000000e+00 : f32
    %broadcast_in_dim3A_210 = vector.broadcast %jit3A : f32 to vector<384x384xf32>
    %select_n3A = arith.select %and3A_208, %mul3A_209, %broadcast_in_dim3A_210 : vector<384x384xi1>, vector<384x384xf32>
    %and3A_211 = arith.andi %and3A_187, %and3A_194 : vector<384x384xi1>
    %mul3A_212 = arith.mulf %sub3A, %sub3A_170 : vector<384x384xf32>
    %jit3A_213 = arith.constant 0.000000e+00 : f32
    %broadcast_in_dim3A_214 = vector.broadcast %jit3A_213 : f32 to vector<384x384xf32>
    %select_n3A_215 = arith.select %and3A_211, %mul3A_212, %broadcast_in_dim3A_214 : vector<384x384xi1>, vector<384x384xf32>
    %add3A_216 = arith.addf %select_n3A, %select_n3A_215 : vector<384x384xf32>
    %and3A_217 = arith.andi %and3A, %and3A_207 : vector<384x384xi1>
    %mul3A_218 = arith.mulf %sub3A_167, %sub3A_164 : vector<384x384xf32>
    %jit3A_219 = arith.constant 0.000000e+00 : f32
    %broadcast_in_dim3A_220 = vector.broadcast %jit3A_219 : f32 to vector<384x384xf32>
    %select_n3A_221 = arith.select %and3A_217, %mul3A_218, %broadcast_in_dim3A_220 : vector<384x384xi1>, vector<384x384xf32>
    %add3A_222 = arith.addf %add3A_216, %select_n3A_221 : vector<384x384xf32>
    %and3A_223 = arith.andi %and3A_187, %and3A_207 : vector<384x384xi1>
    %mul3A_224 = arith.mulf %sub3A, %sub3A_164 : vector<384x384xf32>
    %jit3A_225 = arith.constant 0.000000e+00 : f32
    %broadcast_in_dim3A_226 = vector.broadcast %jit3A_225 : f32 to vector<384x384xf32>
    %select_n3A_227 = arith.select %and3A_223, %mul3A_224, %broadcast_in_dim3A_226 : vector<384x384xi1>, vector<384x384xf32>
    %add3A_228 = arith.addf %add3A_222, %select_n3A_227 : vector<384x384xf32>
    %gt3A = arith.constant 0.000000e+00 : f32
    %gt3A_229 = vector.broadcast %gt3A : f32 to vector<384x384xf32>
    %gt3A_230 = arith.cmpf ogt, %add3A_228, %gt3A_229 : vector<384x384xf32>
    %jit3A_231 = arith.constant 1.000000e+00 : f32
    %jit3A_232 = arith.constant 0.000000e+00 : f32
    %broadcast_in_dim3A_233 = vector.broadcast %jit3A_231 : f32 to vector<384x384xf32>
    %broadcast_in_dim3A_234 = vector.broadcast %jit3A_232 : f32 to vector<384x384xf32>
    %select_n3A_235 = arith.select %gt3A_230, %broadcast_in_dim3A_233, %broadcast_in_dim3A_234 : vector<384x384xi1>, vector<384x384xf32>
    %mul3A_236 = arith.mulf %add3A_152, %add3A_152 : vector<384x384xf32>
    %mul3A_237 = arith.mulf %mul3A_236, %select_n3A_235 : vector<384x384xf32>
    %reduce_sum3A = vector.shape_cast %mul3A_237 : vector<384x384xf32> to vector<1x384x384xf32>
    %reduce_sum3A_238 = arith.constant dense<0.000000e+00> : vector<1xf32>
    %reduce_sum3A_239 = vector.multi_reduction <add>, %reduce_sum3A, %reduce_sum3A_238 [1, 2] : vector<1x384x384xf32> to vector<1xf32>
    %reduce_sum3A_240 = vector.shape_cast %reduce_sum3A_239 : vector<1xf32> to vector<1x1x1xf32>
    %reduce_sum3A_241 = vector.extract %reduce_sum3A_240[0, 0, 0] : f32 from vector<1x1x1xf32>
    %reduce_sum3A_242 = vector.shape_cast %select_n3A_235 : vector<384x384xf32> to vector<1x384x384xf32>
    %reduce_sum3A_243 = arith.constant dense<0.000000e+00> : vector<1xf32>
    %reduce_sum3A_244 = vector.multi_reduction <add>, %reduce_sum3A_242, %reduce_sum3A_243 [1, 2] : vector<1x384x384xf32> to vector<1xf32>
    %reduce_sum3A_245 = vector.shape_cast %reduce_sum3A_244 : vector<1xf32> to vector<1x1x1xf32>
    %reduce_sum3A_246 = vector.extract %reduce_sum3A_245[0, 0, 0] : f32 from vector<1x1x1xf32>
    %broadcast_in_dim3A_247 = arith.constant 0.000000e+00 : f32
    %broadcast_in_dim3A_248 = vector.broadcast %broadcast_in_dim3A_247 : f32 to vector<128xf32>
    %add3A_249 = vector.broadcast %reduce_sum3A_241 : f32 to vector<128xf32>
    %add3A_250 = arith.addf %broadcast_in_dim3A_248, %add3A_249 : vector<128xf32>
    %swap3A = arith.constant 0 : index
    %swap3A_251 = arith.constant 0 : index
    %swap3A_252 = arith.constant 0 : index
    %swap3A_253 = vector.load %arg4[%swap3A, %swap3A_251, %swap3A_252] : memref<1x2x128xf32, #tpu.memory_space<vmem>>, vector<1x1x128xf32>
    %swap3A_254 = vector.shape_cast %swap3A_253 : vector<1x1x128xf32> to vector<128xf32>
    %swap3A_255 = vector.shape_cast %add3A_250 : vector<128xf32> to vector<1x1x128xf32>
    tpu.vector_store %arg4[%swap3A, %swap3A_251, %swap3A_252], %swap3A_255 {strides = array<i32>} : memref<1x2x128xf32, #tpu.memory_space<vmem>>, vector<1x1x128xf32>,
    %broadcast_in_dim3A_256 = arith.constant 0.000000e+00 : f32
    %broadcast_in_dim3A_257 = vector.broadcast %broadcast_in_dim3A_256 : f32 to vector<128xf32>
    %add3A_258 = vector.broadcast %reduce_sum3A_246 : f32 to vector<128xf32>
    %add3A_259 = arith.addf %broadcast_in_dim3A_257, %add3A_258 : vector<128xf32>
    %swap3A_260 = arith.constant 0 : index
    %swap3A_261 = arith.constant 1 : index
    %swap3A_262 = arith.constant 0 : index
    %swap3A_263 = vector.load %arg4[%swap3A_260, %swap3A_261, %swap3A_262] : memref<1x2x128xf32, #tpu.memory_space<vmem>>, vector<1x1x128xf32>
    %swap3A_264 = vector.shape_cast %swap3A_263 : vector<1x1x128xf32> to vector<128xf32>
    %swap3A_265 = vector.shape_cast %add3A_259 : vector<128xf32> to vector<1x1x128xf32>
    tpu.vector_store %arg4[%swap3A_260, %swap3A_261, %swap3A_262], %swap3A_265 {strides = array<i32>} : memref<1x2x128xf32, #tpu.memory_space<vmem>>, vector<1x1x128xf32>,
    return
  }
  func.func @transform_0(%arg0: i32) -> (i32, i32, i32) {
    %c0_i32 = arith.constant 0 : i32
    %c0_i32_0 = arith.constant 0 : i32
    %c0_i32_1 = arith.constant 0 : i32
    return %arg0, %c0_i32, %c0_i32_0 : i32, i32, i32
  }
  func.func @transform_1(%arg0: i32) -> (i32, i32, i32) {
    %c0_i32 = arith.constant 0 : i32
    %c0_i32_0 = arith.constant 0 : i32
    %c0_i32_1 = arith.constant 0 : i32
    return %arg0, %c0_i32, %c0_i32_0 : i32, i32, i32
  }
  func.func @transform_2(%arg0: i32) -> (i32, i32, i32) {
    %c0_i32 = arith.constant 0 : i32
    %c0_i32_0 = arith.constant 0 : i32
    %c0_i32_1 = arith.constant 0 : i32
    return %arg0, %c0_i32, %c0_i32_0 : i32, i32, i32
  }
  func.func @transform_3(%arg0: i32) -> (i32, i32, i32) {
    %c0_i32 = arith.constant 0 : i32
    %c0_i32_0 = arith.constant 0 : i32
    %c0_i32_1 = arith.constant 0 : i32
    return %arg0, %c0_i32, %c0_i32_0 : i32, i32, i32
  }
}

</mosaic_0001>

<sc_bundles>
// kernel: kernel.12.cloned.1.call-start
scs
__scs_entry_jumppad:
0x0: {  	(pc) =	sbr.rel $0x88, $3  }
0x1: {  	(tag) =	ssettag $0x0;
	lr =	simm.s32 $0x1  }
0x2: {  	[smem:$0x3F9E] =	sst lr;
	_ =	strace $0xD0000000  }
0x3: {  	_ = 	snop  }
0x4: {  	_ = 	snop  }
0x5: {  	_ = 	snop  }
0x6: {  	_ = 	snop  }
0x7: {  	_ = 	snop  }
__scs_overlays_trampoline_lowered:
0x8: {  	[smem:$0x3FAD] =	sst s0  }
0x9: {  	[smem:$0x3FAE] =	sst s1  }
0xa: {  	[smem:$0x3FAF] =	sst s2  }
0xb: {  	[smem:$0x3FB0] =	sst s3  }
0xc: {  	[smem:$0x3FB1] =	sst s4  }
0xd: {  	[smem:$0x3FB2] =	sst s5  }
0xe: {  	[smem:$0x3FB3] =	sst s6  }
0xf: {  	[smem:$0x3FB4] =	sst s7  }
0x10: {  	[smem:$0x3FB5] =	sst s8  }
0x11: {  	[smem:$0x3FB6] =	sst s9;
	s0 =	simm.s32 @!p0 $0x0  }
0x12: {  	s1 =	sld [smem:$0x3F9C];
	s0 =	simm.s32 @p0 $0x1  }
0x13: {  	[smem:$0x3FB7] =	sst s0;
	s0 =	simm.s32 @!p1 $0x0  }
0x14: {  	s2 =	sld [smem:$0x3F9B];
	s0 =	simm.s32 @p1 $0x1  }
0x15: {  	[smem:$0x3FB8] =	sst s0;
	s0 =	simm.s32 @!p2 $0x0  }
0x16: {  	s3 =	sld [smem:$0x3FDB];
	s0 =	simm.s32 @p2 $0x1  }
0x17: {  	s4 =	simm.s32 $0x1BF5;
	[smem:$0x3FBA] =	sst s0  }
0x18: {  	s0 =	sld [smem:$0x3F9D];
	_ =	swait.ge [sflag:s4], $0x0  }
0x19: {  	s7 =	sld [smem:$0x3F9E]  }
0x1a: {  	s8 =	sadd.s32 $0xFFFFE003, lr  }
0x1b: {  	s9 =	sadd.s32 $0xFFFFFEF7, lr;
	s5 =	simm.s32 $0xFFFFFFFF;
	p2 =	slt.u32 s8, $0xFFFFF086  }
0x1c: {  	p1 =	slt.u32 s9, $0xF7A;
	s5 =	simm.s32 @!p2 $0x0  }
0x1d: {  	s5 =	simm.s32 @p1 $0x1;
	p0 =	seq.s32 s7, s2  }
0x1e: {  	s7 =	smul.u32 @!p0 $0xF7A, s2;
	p2 =	seq.s32 @!p0 s5, $0x0  }
0x1f: {  	s9 =	smul.u32 $0xF7A, s1;
	s8 =	simm.s32 @!p0 $0x1BF5;
	p2 =	por !p2, p0  }
0x20: {  	[sflag:s8] =	ssyncset.s32 @!p0 $0xFFFFF086;
	s6 =	sadd.s32 @!p0 s3, s7;
	s7 =	simm.s32 @!p0 $0x108  }
0x21: {  	s3 =	sadd.s32 s3, s9;
	s6 =	sadd.s32 @!p0 $0x88, s6;
	s7 =	simm.s32 @p2 $0x1082  }
0x22: {  	[simem:s7], [sflag:s8] =	dma.local @!p0 [hbm:s6], $0xF7A  }
0x23: {  	s9 =	sor.u32 $0xD0000000, s2;
	s6 =	simm.s32 $0x108;
	_ =	swait.ge @!p0 [sflag:s8], $0x0  }
0x24: {  	s3 =	sadd.s32 $0x88, s3;
	s6 =	simm.s32 @!p1 $0x1082;
	[sflag:s4] =	ssyncset.s32 $0xFFFFF086  }
0x25: {  	[simem:s6], [sflag:s4] =	dma.local [hbm:s3], $0xF7A  }
0x26: {  	[smem:$0x3F9E] =	sst s1;
	(tag) =	ssettag s2;
	_ =	strace s9  }
0x27: {  	s1 =	sld [smem:$0x3FAE]  }
0x28: {  	s2 =	sld [smem:$0x3FAF]  }
0x29: {  	s4 =	sld [smem:$0x3FB1]  }
0x2a: {  	p0 =	seq.s32 s5, $0x0;
	s5 =	sld [smem:$0x3FB2]  }
0x2b: {  	s6 =	sld [smem:$0x3FB3]  }
0x2c: {  	s7 =	sld [smem:$0x3FB4]  }
0x2d: {  	s3 =	simm.s32 $0x108;
	s8 =	sld [smem:$0x3FB5]  }
0x2e: {  	s3 =	simm.s32 @!p0 $0x1082;
	s9 =	sld [smem:$0x3FB6]  }
0x2f: {  	lr =	sadd.s32 s0, s3;
	s0 =	sld [smem:$0x3FAD]  }
0x30: {  	s3 =	sld [smem:$0x3FB0]  }
0x31: {  	[smem:$0x3FB9] =	sst s10  }
0x32: {  	s10 =	sld [smem:$0x3FB7];
	_ =	sdelay $0x3  }
0x33: {  	p0 =	seq.s32 s10, $0x1;
	s10 =	sld [smem:$0x3FB9];
	_ =	sdelay $0x3  }
0x34: {  	[smem:$0x3FB9] =	sst s10  }
0x35: {  	s10 =	sld [smem:$0x3FB8];
	_ =	sdelay $0x3  }
0x36: {  	p1 =	seq.s32 s10, $0x1;
	s10 =	sld [smem:$0x3FB9];
	_ =	sdelay $0x3  }
0x37: {  	[smem:$0x3FB9] =	sst s10  }
0x38: {  	s10 =	sld [smem:$0x3FBA]  }
0x39: {  	_ = 	snop;
	(pc) =	sbr.ind lr, $3  }
0x3a: {  	_ = 	snop  }
0x3b: {  	_ = 	snop  }
0x3c: {  	p2 =	seq.s32 s10, $0x1;
	s10 =	sld [smem:$0x3FB9]  }
0x3d: {  	_ =	shalt  }
0x3e: {  	_ =	shalt  }
0x3f: {  	_ =	shalt  }
0x40: {  	_ =	shalt  }
0x41: {  	_ =	shalt  }
0x42: {  	_ =	shalt  }
0x43: {  	_ =	shalt  }
0x44: {  	_ =	shalt  }
0x45: {  	_ =	shalt  }
0x46: {  	_ =	shalt  }
0x47: {  	_ =	shalt  }
0x48: {  	_ =	shalt  }
0x49: {  	_ =	shalt  }
0x4a: {  	_ =	shalt  }
0x4b: {  	_ =	shalt  }
0x4c: {  	_ =	shalt  }
0x4d: {  	_ =	shalt  }
0x4e: {  	_ =	shalt  }
0x4f: {  	_ =	shalt  }
0x50: {  	_ =	shalt  }
0x51: {  	_ =	shalt  }
0x52: {  	_ =	shalt  }
0x53: {  	_ =	shalt  }
0x54: {  	_ =	shalt  }
0x55: {  	_ =	shalt  }
0x56: {  	_ =	shalt  }
0x57: {  	_ =	shalt  }
0x58: {  	_ =	shalt  }
0x59: {  	_ =	shalt  }
0x5a: {  	_ =	shalt  }
0x5b: {  	_ =	shalt  }
0x5c: {  	_ =	shalt  }
0x5d: {  	_ =	shalt  }
0x5e: {  	_ =	shalt  }
0x5f: {  	_ =	shalt  }
0x60: {  	_ =	shalt  }
0x61: {  	_ =	shalt  }
0x62: {  	_ =	shalt  }
0x63: {  	_ =	shalt  }
0x64: {  	_ =	shalt  }
0x65: {  	_ =	shalt  }
0x66: {  	_ =	shalt  }
0x67: {  	_ =	shalt  }
0x68: {  	_ =	shalt  }
0x69: {  	_ =	shalt  }
0x6a: {  	_ =	shalt  }
0x6b: {  	_ =	shalt  }
0x6c: {  	_ =	shalt  }
0x6d: {  	_ =	shalt  }
0x6e: {  	_ =	shalt  }
0x6f: {  	_ =	shalt  }
0x70: {  	_ =	shalt  }
0x71: {  	_ =	shalt  }
0x72: {  	_ =	shalt  }
0x73: {  	_ =	shalt  }
0x74: {  	_ =	shalt  }
0x75: {  	_ =	shalt  }
0x76: {  	_ =	shalt  }
0x77: {  	_ =	shalt  }
0x78: {  	_ =	shalt  }
0x79: {  	_ =	shalt  }
0x7a: {  	_ =	shalt  }
0x7b: {  	_ =	shalt  }
0x7c: {  	_ =	shalt  }
0x7d: {  	_ =	shalt  }
0x7e: {  	_ =	shalt  }
0x7f: {  	_ =	shalt  }
0x80: {  	_ =	shalt  }
0x81: {  	_ =	shalt  }
0x82: {  	_ =	shalt  }
0x83: {  	_ =	shalt  }
0x84: {  	_ =	shalt  }
0x85: {  	_ =	shalt  }
0x86: {  	_ =	shalt  }
0x87: {  	_ =	shalt  }
.Lfunc_end0:
.L_simem_size_0:
called_computation.1_lowered:
.L_overlay_start_0:
0x88: {  	s2 =	sld [smem:$0x3FD9]  }
0x89: {  	s3 =	sld [smem:$0x3FFE];
	_ =	sdelay $0x1  }
0x8a: {  	s1 =	srdreg.scid  }
0x8b: {  	s0 =	sand.u32 $0x1, s1  }
0x8c: {  	s14 =	sshll.u32 s0, $0xA;
	s2 =	sadd.s32 s3, s2  }
0x8d: {  	s2 =	sadd.s32 s2, s14  }
0x8e: {  	[smem:$0x3FC5] =	sst s2  }
0x8f: {  	_ = 	snop  }
0x90: {  	s2 =	sld [smem:$0x3FD0];
	_ =	sdelay $0x2  }
0x91: {  	s15 =	simm.s32 $0xA;
	s4 =	simm.s32 $0x10  }
0x92: {  	[smem:s4], [sflag:s15] =	dma.local [hbm:s2], $0x1  }
0x93: {  	_ =	swait.eq [sflag:s15], $0x1  }
0x94: {  	[sflag:s15] =	ssyncset.done $0x0  }
0x95: {  	[sflag:s15] =	ssyncadd.s32 $0xFFFFFFFF  }
0x96: {  	s16 =	sld [smem:$0x11];
	(tm) =	ssettm $0x1  }
0x97: {  	s17 =	sld [smem:$0x3FFB];
	_ =	sdelay $0x3  }
0x98: {  	_ =	strace s17  }
0x99: {  	s3 =	sld [smem:$0x3FFC];
	_ =	sdelay $0x3  }
0x9a: {  	_ =	strace s3  }
0x9b: {  	s3 =	sld [smem:$0x3FFD];
	_ =	sdelay $0x3  }
0x9c: {  	_ =	strace s3  }
0x9d: {  	_ =	strace $0x8FFFFFFF  }
0x9e: {  	s18 =	sld [smem:$0x3FDB];
	_ =	sdelay $0x1  }
0x9f: {  	s19 =	simm.s32 $_scs_section_size  }
0xa0: {  	s5 =	simm.s32 $_size__tile_overlayer_lowered;
	s6 =	simm.s32 $_tile_overlayer_lowered  }
0xa1: {  	s22 =	simm.s32 $0x1BFF;
	s21 =	sshll.u32 s6, $0x1;
	s3 =	sadd.s32 s19, s18  }
0xa2: {  	s7 =	simm.s32 $0x0;
	s20 =	sshll.u32 s5, $0x1;
	s5 =	sadd.s32 s21, s3  }
0xa3: {  	[timem:s7], [sflag:s22] =	dma.local [hbm:s5], s20  }
0xa4: {  	_ =	swait.ge [sflag:s22], s20  }
0xa5: {  	s4 =	ssub.s32 $0x0, s20;
	[sflag:s22] =	ssyncset.done $0x0  }
0xa6: {  	[sflag:s22] =	ssyncadd.s32 s4;
	_ =	sdelay $0x1  }
0xa7: {  	s23 =	simm.s32 $0x1B8B  }
0xa8: {  	_ =	swait.ge [sflag:s23], $0x1  }
0xa9: {  	[sflag:s23] =	ssyncset.done $0x0  }
0xaa: {  	s25 =	simm.s32 $0x1B8E;
	s24 =	sld [smem:$0x3FFE];
	[sflag:s23] =	ssyncadd.s32 $0xFFFFFFFF  }
0xab: {  	s26 =	simm.s32 $execute0_lowered;
	[smem:$0x3FD2] =	sst s25  }
0xac: {  	s5 =	sshll.u32 s26, $0x1;
	_ =	strace $0x80000049;
	[dreg:$0x1] =	wrdreg $0xFFFFFFFF  }
0xad: {  	s28 =	simm.s32 $_size_execute0_lowered;
	s3 =	sadd.s32 s3, s5;
	[dreg:$0x0] =	wrdreg $0x0  }
0xae: {  	s5 =	sshll.u32 s28, $0x1;
	[dreg:$0x2] =	wrdreg s3  }
0xaf: {  	[dreg:$0x3] =	wrdreg s5  }
0xb0: {  	[dreg:$0x4] =	wrdreg $0xC0  }
0xb1: {  	_ =	task [dreg:s7], $0x5FFFF  }
0xb2: {  	[dreg:$0x1] =	wrdreg $0xFFFFFFFF  }
0xb3: {  	[dreg:$0x0] =	wrdreg $0x60  }
0xb4: {  	[dreg:$0x2] =	wrdreg s24  }
0xb5: {  	[dreg:$0x3] =	wrdreg s16  }
0xb6: {  	[dreg:$0x4] =	wrdreg $0x9  }
0xb7: {  	_ =	task.clear_ibuf [dreg:s7], $0x5FFFF;
	_ =	strace $0x90000049  }
0xb8: {  	s29 =	simm.s32 $0x9;
	_ =	strace $0x8000004B  }
0xb9: {  	_ =	swait.ge [sflag:s29], $0x1  }
0xba: {  	[sflag:s29] =	ssyncadd.s32 $0xFFFFFFFF  }
0xbb: {  	_ =	strace $0x9000004B  }
0xbc: {  	_ =	sfence  }
0xbd: {  	s30 =	sld [smem:$0x0];
	_ =	sdelay $0x2  }
0xbe: {  	s31 =	sshll.u32 s1, $0xD;
	s1 =	sshrl.u32 s1, $0x2  }
0xbf: {  	s3 =	sand.u32 $0x4000, s31;
	s1 =	sadd.s32 s1, s30  }
0xc0: {  	s0 =	sor.u32 s3, s0;
	s1 =	sshll.u32 s1, $0x11  }
0xc1: {  	s0 =	sor.u32 s1, s0  }
0xc2: {  	s0 =	sadd.s32 $0x8F2B, s0  }
0xc3: {  	[sflag:s0] =	ssyncadd.remote.s32 $0x1  }
0xc4: {  	_ =	sfence.sel $0xFFFF  }
0xc5: {  	[dreg:$0x0] =	wrdreg $0xFFFFFFFF;
	(pc) =	sbr.abs _section_cstart, $3  }
0xc6: {  	[dreg:$0x1] =	wrdreg $0xFFFFFFFF  }
0xc7: {  	_ =	task.clear_ibuf [dreg:s7], $0x2FFFF;
	_ =	strace $0x9FFFFFFF  }
0xc8: {  	(tm) =	ssettm $0x7FFFFFFF  }
0xc9: {  	_ =	shalt  }
tec
execute0_lowered:
.L_overlay_start_1:
0x0: {  	(tag) =	ssettag $0x1  }
0x1: {  	s1 =	srdreg.scid;
	s3 =	rddreg [dreg:$0x0]  }
0x2: {  	s0 =	stileid.u32;
	s5 =	rddreg [dreg:$0x1]  }
0x3: {  	s2 =	simm.s32 $0x0;
	s11 =	simm.s32 $0x80;
	s12 =	simm.s32 $0x400  }
0x4: {  	s13 =	simm.s32 $0x9000;
	s14 =	simm.s32 $0x9200;
	s15 =	simm.s32 $0x0  }
0x5: {  	s4 =	sand.u32 $0x1, s1;
	s30 =	sshll.u32 s0, $0x1;
	s1 =	rddreg [dreg:$0x2]  }
0x6: {  	s7 =	sshll.u32 s0, $0x6;
	[smem:$0x7FF] =	sst s2;
	s6 =	sor.u32 s4, s30  }
0x7: {  	s10 =	sshll.u32 s0, $0x7;
	s7 =	sand.u32 $0x380, s7;
	s8 =	sand.u32 $0x3, s6  }
0x8: {  	s4 =	ssub.s32 $0x2, s4;
	s6 =	sshll.u32 s6, $0x4;
	s9 =	smul.u32 $0x48000, s8  }
0x9: {  	_ =	strace $0x8000004A;
	s31 =	sshrl.u32 s4, $0x1;
	s6 =	sor.u32 s10, s6  }
0xa: {  	s10 =	ssub.s32 s4, s31;
	s8 =	smul.u32 $0x9000, s8;
	s9 =	sor.u32 s7, s9  }
0xb: {  	s6 =	sand.u32 $0x670, s6;
	s7 =	sshrl.u32 s7, $0x3;
	s9 =	sshrl.u32 s9, $0x3  }
0xc: {  	s6 =	sadd.s32 s6, s3;
	s9 =	sadd.s32 s9, s3;
	s3 =	sadd.s32 s5, s7  }
0xd: {  	s5 =	sadd.s32 $0x37800, s6;
	s6 =	sadd.s32 $0x38000, s6;
	s7 =	smax.u32 s10, $0x1  }
0xe: {  	v0 =	vimm.f32 $-1.000000000e+00;
	v1 =	vimm.s32 $0x0;
	s10 =	simm.s32 $0x1;
	s4 =	sadd.s32 $0x13800, s9;
	s9 =	simm.s32 $0x9400  }
.LBB2_1:
0xf: {  	[tilespmem:s9], [sflag:$0x1] =	stream.linear.gather [hbm4b:s3+s2], $0x80, $0x38;
	[tilespmem:$0x9480] =	vst v63  }
0x10: {  	_ =	swait.ge [sflag:s10], $0x80  }
0x11: {  	[sflag:s10] =	ssyncset.done $0x0  }
0x12: {  	[sflag:s10] =	ssyncadd.s32 $0xFFFFFF80  }
0x13: {  	v2 =	vld [tilespmem:$0x9400];
	[tilespmem:s2], [sflag:$0x1] =	stream.strided.gather [hbm4b:s4+s11], $0x9000, s12, s11, $0x38  }
0x14: {  	_ =	swait.ge [sflag:s10], $0x9000  }
0x15: {  	[sflag:s10] =	ssyncset.done $0x0  }
0x16: {  	[sflag:s10] =	ssyncadd.s32 $0xFFFF7000  }
0x17: {  	[tilespmem:$0x9000] =	vst v0  }
0x18: {  	[tilespmem:$0x9200] =	vst v1  }
0x19: {  	[tilespmem:$0x9010] =	vst v0  }
0x1a: {  	[tilespmem:$0x9210] =	vst v1  }
0x1b: {  	[tilespmem:$0x9020] =	vst v0  }
0x1c: {  	[tilespmem:$0x9220] =	vst v1  }
0x1d: {  	[tilespmem:$0x9030] =	vst v0  }
0x1e: {  	[tilespmem:$0x9230] =	vst v1  }
0x1f: {  	[tilespmem:$0x9040] =	vst v0  }
0x20: {  	[tilespmem:$0x9240] =	vst v1  }
0x21: {  	[tilespmem:$0x9050] =	vst v0  }
0x22: {  	[tilespmem:$0x9250] =	vst v1  }
0x23: {  	[tilespmem:$0x9060] =	vst v0  }
0x24: {  	[tilespmem:$0x9260] =	vst v1  }
0x25: {  	[tilespmem:$0x9070] =	vst v0  }
0x26: {  	[tilespmem:$0x9270] =	vst v1  }
0x27: {  	[tilespmem:$0x9080] =	vst v0  }
0x28: {  	[tilespmem:$0x9280] =	vst v1  }
0x29: {  	[tilespmem:$0x9090] =	vst v0  }
0x2a: {  	[tilespmem:$0x9290] =	vst v1  }
0x2b: {  	[tilespmem:$0x90A0] =	vst v0  }
0x2c: {  	[tilespmem:$0x92A0] =	vst v1  }
0x2d: {  	[tilespmem:$0x90B0] =	vst v0  }
0x2e: {  	[tilespmem:$0x92B0] =	vst v1  }
0x2f: {  	[tilespmem:$0x90C0] =	vst v0  }
0x30: {  	[tilespmem:$0x92C0] =	vst v1  }
0x31: {  	[tilespmem:$0x90D0] =	vst v0  }
0x32: {  	[tilespmem:$0x92D0] =	vst v1  }
0x33: {  	[tilespmem:$0x90E0] =	vst v0  }
0x34: {  	[tilespmem:$0x92E0] =	vst v1  }
0x35: {  	[tilespmem:$0x90F0] =	vst v0  }
0x36: {  	[tilespmem:$0x92F0] =	vst v1  }
0x37: {  	[tilespmem:$0x9100] =	vst v0  }
0x38: {  	[tilespmem:$0x9300] =	vst v1  }
0x39: {  	[tilespmem:$0x9110] =	vst v0  }
0x3a: {  	[tilespmem:$0x9310] =	vst v1  }
0x3b: {  	[tilespmem:$0x9120] =	vst v0  }
0x3c: {  	[tilespmem:$0x9320] =	vst v1  }
0x3d: {  	[tilespmem:$0x9130] =	vst v0  }
0x3e: {  	[tilespmem:$0x9330] =	vst v1  }
0x3f: {  	[tilespmem:$0x9140] =	vst v0  }
0x40: {  	[tilespmem:$0x9340] =	vst v1  }
0x41: {  	[tilespmem:$0x9150] =	vst v0  }
0x42: {  	[tilespmem:$0x9350] =	vst v1  }
0x43: {  	[tilespmem:$0x9160] =	vst v0  }
0x44: {  	[tilespmem:$0x9360] =	vst v1  }
0x45: {  	[tilespmem:$0x9170] =	vst v0  }
0x46: {  	[tilespmem:$0x9370] =	vst v1  }
0x47: {  	[tilespmem:$0x9180] =	vst v0  }
0x48: {  	[tilespmem:$0x9380] =	vst v1  }
0x49: {  	[tilespmem:$0x9190] =	vst v0  }
0x4a: {  	[tilespmem:$0x9390] =	vst v1  }
0x4b: {  	[tilespmem:$0x91A0] =	vst v0  }
0x4c: {  	[tilespmem:$0x93A0] =	vst v1  }
0x4d: {  	[tilespmem:$0x91B0] =	vst v0  }
0x4e: {  	[tilespmem:$0x93B0] =	vst v1  }
0x4f: {  	[tilespmem:$0x91C0] =	vst v0  }
0x50: {  	[tilespmem:$0x93C0] =	vst v1  }
0x51: {  	[tilespmem:$0x91D0] =	vst v0  }
0x52: {  	[tilespmem:$0x93D0] =	vst v1  }
0x53: {  	[tilespmem:$0x91E0] =	vst v0  }
0x54: {  	[tilespmem:$0x93E0] =	vst v1  }
0x55: {  	[tilespmem:$0x91F0] =	vst v0  }
0x56: {  	s16 =	simm.s32 $0x0;
	[tilespmem:$0x93F0] =	vst v1  }
0x57: {  	v5 =	vld [tilespmem:s16+$0x0];
	_ =	sdelay $0x4  }
0x58: {  	vm0 =	vge.f32 v5, v2  }
0x59: {  	v3 =	vsel vm0, $0x1, v1  }
0x5a: {  	(xrf0) =	vadd.scan.msk.s32 $0xffff, v3;
	_ =	sdelay $0x5  }
0x5b: {  	v3, _, _ =	vpop (xrf0)  }
0x5c: {  	(v2sf) =	vpush v3, $0xF;
	_ =	sdelay $0xe  }
0x5d: {  	s31 =	spop (v2sf)  }
0x5e: {  	p1 =	slt.s32 s31, $0x1  }
0x5f: {  	v4 =	vmov @!p1 s2  }
0x60: {  	v4 =	vadd.s32 @!p1 $0xFFFFFFFF, v4  }
0x61: {  	v4 =	vbroadcast @!p1 v4, $0x0;
	_ =	sdelay $0x1  }
0x62: {  	v3 =	vadd.s32 @!p1 v4, v3  }
0x63: {  	vm0 =	vge.f32 @!p1 v5, v2;
	vm1 =	vlt.s32 @!p1 v3, $0x200;
	vm2 =	vgt.s32 @!p1 v3, $0x0  }
0x64: {  	vm0 =	vmand @!p1 vm0, vm1;
	v3 =	vnsel @!p1 vm2, $0x0, v3  }
0x65: {  	v4 =	vmin.u32 @!p1 v3, $0x1FF;
	_ =	sdelay $0x2  }
0x66: {  	s20 =	simm.s32 $0x40  }
0x67: {  	s19 =	simm.s32 $0x80;
	s18 =	sadd.s32 $0x0, s31;
	s16 =	simm.s32 @!p1 $0x9000;
	v3 =	vlaneseq.u32 @!p1  }
0x68: {  	s21 =	simm.s32 @!p1 $0x9200;
	s17 =	smov.u32 s18;
	v3 =	vor.u32 @!p1 s8, v3;
	[tilespmem:v4+s16+$0x0] =	vst.idx.msk @!p1 vm0, v5;
	s16 =	smov.u32 s8  }
.LBB2_2:
0x69: {  	s22 =	sshra.s32 s20, $0x2  }
0x6a: {  	[tilespmem:v4+s21+$0x0] =	vst.idx.msk @!p1 vm0, v3;
	s16 =	sadd.s32 $0x10, s16;
	s20 =	smov.u32 s19;
	s19 =	sadd.s32 $0x40, s19  }
0x6b: {  	p0 =	sne.s32 s19, $0x24000;
	v5 =	vld [tilespmem:s22+$0x0];
	_ =	sdelay $0x4  }
0x6c: {  	vm0 =	vge.f32 v5, v2  }
0x6d: {  	v3 =	vsel vm0, $0x1, v1  }
0x6e: {  	(xrf0) =	vadd.scan.msk.s32 $0xffff, v3;
	_ =	sdelay $0x5  }
0x6f: {  	v4, _, _ =	vpop (xrf0)  }
0x70: {  	(v2sf) =	vpush v4, $0xF;
	_ =	sdelay $0xe  }
0x71: {  	s21 =	spop (v2sf)  }
0x72: {  	p1 =	slt.s32 s21, $0x1;
	s18 =	sadd.s32 s18, s21  }
0x73: {  	vm0 =	vge.f32 @!p1 v5, v2;
	v3 =	vmov @!p1 s17;
	v6 =	vlaneseq.u32 @!p1;
	s17 =	smov.u32 s18  }
0x74: {  	v7 =	vadd.s32 @!p1 $0xFFFFFFFF, v3;
	v3 =	vor.u32 @!p1 s16, v6  }
0x75: {  	v6 =	vbroadcast @!p1 v7, $0x0;
	_ =	sdelay $0x1  }
0x76: {  	v4 =	vadd.s32 @!p1 v6, v4  }
0x77: {  	vm1 =	vlt.s32 @!p1 v4, $0x200;
	vm2 =	vgt.s32 @!p1 v4, $0x0  }
0x78: {  	vm0 =	vmand @!p1 vm0, vm1;
	v4 =	vnsel @!p1 vm2, $0x0, v4  }
0x79: {  	v4 =	vmin.u32 @!p1 v4, $0x1FF  }
.Ltmp0:
0x7a: {  	(pc) =	sbr.rel @p0 .LBB2_2-.Ltmp0, $3  }
0x7b: {  	_ =	sdelay $0x1  }
0x7c: {  	s21 =	simm.s32 @!p1 $0x9000  }
0x7d: {  	[tilespmem:v4+s21+$0x0] =	vst.idx.msk @!p1 vm0, v5;
	s21 =	simm.s32 @!p1 $0x9200  }
0x7e: {  	_ =	sdelay $0x4  }
0x7f: {  	s18 =	sshra.s32 s20, $0x2;
	[tilespmem:v4+s21+$0x0] =	vst.idx.msk @!p1 vm0, v3  }
0x80: {  	v3 =	vld [tilespmem:s18+$0x0];
	_ =	sdelay $0x4  }
0x81: {  	vm15 =	vge.f32 v3, v2  }
0x82: {  	v63 =	vsel vm15, $0x1, v1  }
0x83: {  	(xrf0) =	vadd.scan.msk.s32 $0xffff, v63;
	_ =	sdelay $0x5  }
0x84: {  	v4, _, _ =	vpop (xrf0)  }
0x85: {  	(v2sf) =	vpush v4, $0xF;
	_ =	sdelay $0xe  }
0x86: {  	s31 =	spop (v2sf)  }
0x87: {  	p0 =	slt.s32 s31, $0x1  }
0x88: {  	v5 =	vmov @!p0 s17  }
0x89: {  	v5 =	vadd.s32 @!p0 $0xFFFFFFFF, v5  }
0x8a: {  	v5 =	vbroadcast @!p0 v5, $0x0;
	_ =	sdelay $0x1  }
0x8b: {  	v4 =	vadd.s32 @!p0 v5, v4  }
0x8c: {  	vm0 =	vge.f32 @!p0 v3, v2;
	vm1 =	vlt.s32 @!p0 v4, $0x200;
	vm2 =	vgt.s32 @!p0 v4, $0x0  }
0x8d: {  	vm0 =	vmand @!p0 vm0, vm1;
	v2 =	vnsel @!p0 vm2, $0x0, v4  }
0x8e: {  	v2 =	vmin.u32 @!p0 v2, $0x1FF;
	_ =	sdelay $0x3  }
0x8f: {  	s16 =	sadd.s32 $0x10, s16;
	s17 =	simm.s32 @!p0 $0x9000;
	v4 =	vlaneseq.u32 @!p0  }
0x90: {  	v4 =	vor.u32 @!p0 s16, v4;
	s16 =	simm.s32 @!p0 $0x9200;
	[tilespmem:v2+s17+$0x0] =	vst.idx.msk @!p0 vm0, v3  }
0x91: {  	[tilespmem:v2+s16+$0x0] =	vst.idx.msk @!p0 vm0, v4  }
0x92: {  	[hbm4b:s5+s11] =	stream.strided.scatter [tilespmem:s13], [sflag:$0x1], $0x200, s12, s11, $0x38;
	[tilespmem:$0x9480] =	vst v63  }
0x93: {  	s15 =	sadd.s32 $0x1, s15;
	_ =	swait.ge [sflag:s10], $0x200  }
0x94: {  	p0 =	sne.s32 s15, s7;
	[sflag:s10] =	ssyncset.done $0x0  }
.Ltmp1:
0x95: {  	[sflag:s10] =	ssyncadd.s32 $0xFFFFFE00;
	(pc) =	sbr.rel @p0 .LBB2_1-.Ltmp1, $4  }
0x96: {  	[hbm4b:s6+s11] =	stream.strided.scatter [tilespmem:s14], [sflag:$0x1], $0x200, s12, s11, $0x38;
	[tilespmem:$0x9480] =	vst v63  }
0x97: {  	_ =	swait.ge [sflag:s10], $0x200  }
0x98: {  	[sflag:s10] =	ssyncset.done $0x0  }
0x99: {  	[sflag:s10] =	ssyncadd.s32 $0xFFFFFE00  }
0x9a: {  	_ =	sfence.sel $0x180000  }
0x9b: {  	[bflag:$0x0] =	sbarrier.arrive $0xFFFF  }
0x9c: {  	p0 =	sne.s32 s0, $0x0;
	_ =	strace $0x9000004A  }
0x9d: {  	s0 =	sadd.s32 @!p0 $0x100000, s1;
	[bflag:$0x2] =	sbarrier.arrive $0xFFFF  }
0x9e: {  	[sflag:s0] =	ssyncadd.tile.s32 @!p0 $0x1;
	_ =	shalt  }
.Lfunc_end2:
_tile_overlayer_lowered:
.L_overlay_start_2:
0x9f: {  	(tag) =	ssettag $0x2  }
0xa0: {  	s0 =	rddreg [dreg:$0x0];
	s2 =	stileid.u32  }
0xa1: {  	s1 =	rddreg [dreg:$0x1];
	p0 =	sne.s32 s2, $0x0  }
0xa2: {  	s3 =	rddreg [dreg:$0x2];
	[bflag:$0x3] =	sbarrier.arrive $0xFFFF;
	s2 =	simm.s32 @!p0 $0x1C01  }
0xa3: {  	[timem:s3], [sflag:s2] =	dma.local @!p0 [hbm:s0], s1  }
0xa4: {  	s0 =	simm.s32 @!p0 $0x1  }
0xa5: {  	_ =	swait.ge @!p0 [sflag:s0], s1  }
0xa6: {  	s1 =	ssub.s32 @!p0 $0x0, s1;
	[sflag:s0] =	ssyncset.done @!p0 $0x0  }
0xa7: {  	[sflag:s0] =	ssyncadd.s32 @!p0 s1  }
0xa8: {  	[bflag:$0x3] =	sbarrier.arrive $0xFFFF  }
0xa9: {  	_ =	shalt  }

// kernel: kernel.15.cloned.1.call-start
scs
__scs_entry_jumppad:
0x0: {  	(pc) =	sbr.rel $0x88, $3  }
0x1: {  	(tag) =	ssettag $0x0;
	lr =	simm.s32 $0x1  }
0x2: {  	[smem:$0x3F9E] =	sst lr;
	_ =	strace $0xD0000000  }
0x3: {  	_ = 	snop  }
0x4: {  	_ = 	snop  }
0x5: {  	_ = 	snop  }
0x6: {  	_ = 	snop  }
0x7: {  	_ = 	snop  }
__scs_overlays_trampoline_lowered:
0x8: {  	[smem:$0x3FAD] =	sst s0  }
0x9: {  	[smem:$0x3FAE] =	sst s1  }
0xa: {  	[smem:$0x3FAF] =	sst s2  }
0xb: {  	[smem:$0x3FB0] =	sst s3  }
0xc: {  	[smem:$0x3FB1] =	sst s4  }
0xd: {  	[smem:$0x3FB2] =	sst s5  }
0xe: {  	[smem:$0x3FB3] =	sst s6  }
0xf: {  	[smem:$0x3FB4] =	sst s7  }
0x10: {  	[smem:$0x3FB5] =	sst s8  }
0x11: {  	[smem:$0x3FB6] =	sst s9;
	s0 =	simm.s32 @!p0 $0x0  }
0x12: {  	s1 =	sld [smem:$0x3F9C];
	s0 =	simm.s32 @p0 $0x1  }
0x13: {  	[smem:$0x3FB7] =	sst s0;
	s0 =	simm.s32 @!p1 $0x0  }
0x14: {  	s2 =	sld [smem:$0x3F9B];
	s0 =	simm.s32 @p1 $0x1  }
0x15: {  	[smem:$0x3FB8] =	sst s0;
	s0 =	simm.s32 @!p2 $0x0  }
0x16: {  	s3 =	sld [smem:$0x3FDB];
	s0 =	simm.s32 @p2 $0x1  }
0x17: {  	s4 =	simm.s32 $0x1BF5;
	[smem:$0x3FBA] =	sst s0  }
0x18: {  	s0 =	sld [smem:$0x3F9D];
	_ =	swait.ge [sflag:s4], $0x0  }
0x19: {  	s7 =	sld [smem:$0x3F9E]  }
0x1a: {  	s8 =	sadd.s32 $0xFFFFE003, lr  }
0x1b: {  	s9 =	sadd.s32 $0xFFFFFEF7, lr;
	s5 =	simm.s32 $0xFFFFFFFF;
	p2 =	slt.u32 s8, $0xFFFFF086  }
0x1c: {  	p1 =	slt.u32 s9, $0xF7A;
	s5 =	simm.s32 @!p2 $0x0  }
0x1d: {  	s5 =	simm.s32 @p1 $0x1;
	p0 =	seq.s32 s7, s2  }
0x1e: {  	s7 =	smul.u32 @!p0 $0xF7A, s2;
	p2 =	seq.s32 @!p0 s5, $0x0  }
0x1f: {  	s9 =	smul.u32 $0xF7A, s1;
	s8 =	simm.s32 @!p0 $0x1BF5;
	p2 =	por !p2, p0  }
0x20: {  	[sflag:s8] =	ssyncset.s32 @!p0 $0xFFFFF086;
	s6 =	sadd.s32 @!p0 s3, s7;
	s7 =	simm.s32 @!p0 $0x108  }
0x21: {  	s3 =	sadd.s32 s3, s9;
	s6 =	sadd.s32 @!p0 $0x88, s6;
	s7 =	simm.s32 @p2 $0x1082  }
0x22: {  	[simem:s7], [sflag:s8] =	dma.local @!p0 [hbm:s6], $0xF7A  }
0x23: {  	s9 =	sor.u32 $0xD0000000, s2;
	s6 =	simm.s32 $0x108;
	_ =	swait.ge @!p0 [sflag:s8], $0x0  }
0x24: {  	s3 =	sadd.s32 $0x88, s3;
	s6 =	simm.s32 @!p1 $0x1082;
	[sflag:s4] =	ssyncset.s32 $0xFFFFF086  }
0x25: {  	[simem:s6], [sflag:s4] =	dma.local [hbm:s3], $0xF7A  }
0x26: {  	[smem:$0x3F9E] =	sst s1;
	(tag) =	ssettag s2;
	_ =	strace s9  }
0x27: {  	s1 =	sld [smem:$0x3FAE]  }
0x28: {  	s2 =	sld [smem:$0x3FAF]  }
0x29: {  	s4 =	sld [smem:$0x3FB1]  }
0x2a: {  	p0 =	seq.s32 s5, $0x0;
	s5 =	sld [smem:$0x3FB2]  }
0x2b: {  	s6 =	sld [smem:$0x3FB3]  }
0x2c: {  	s7 =	sld [smem:$0x3FB4]  }
0x2d: {  	s3 =	simm.s32 $0x108;
	s8 =	sld [smem:$0x3FB5]  }
0x2e: {  	s3 =	simm.s32 @!p0 $0x1082;
	s9 =	sld [smem:$0x3FB6]  }
0x2f: {  	lr =	sadd.s32 s0, s3;
	s0 =	sld [smem:$0x3FAD]  }
0x30: {  	s3 =	sld [smem:$0x3FB0]  }
0x31: {  	[smem:$0x3FB9] =	sst s10  }
0x32: {  	s10 =	sld [smem:$0x3FB7];
	_ =	sdelay $0x3  }
0x33: {  	p0 =	seq.s32 s10, $0x1;
	s10 =	sld [smem:$0x3FB9];
	_ =	sdelay $0x3  }
0x34: {  	[smem:$0x3FB9] =	sst s10  }
0x35: {  	s10 =	sld [smem:$0x3FB8];
	_ =	sdelay $0x3  }
0x36: {  	p1 =	seq.s32 s10, $0x1;
	s10 =	sld [smem:$0x3FB9];
	_ =	sdelay $0x3  }
0x37: {  	[smem:$0x3FB9] =	sst s10  }
0x38: {  	s10 =	sld [smem:$0x3FBA]  }
0x39: {  	_ = 	snop;
	(pc) =	sbr.ind lr, $3  }
0x3a: {  	_ = 	snop  }
0x3b: {  	_ = 	snop  }
0x3c: {  	p2 =	seq.s32 s10, $0x1;
	s10 =	sld [smem:$0x3FB9]  }
0x3d: {  	_ =	shalt  }
0x3e: {  	_ =	shalt  }
0x3f: {  	_ =	shalt  }
0x40: {  	_ =	shalt  }
0x41: {  	_ =	shalt  }
0x42: {  	_ =	shalt  }
0x43: {  	_ =	shalt  }
0x44: {  	_ =	shalt  }
0x45: {  	_ =	shalt  }
0x46: {  	_ =	shalt  }
0x47: {  	_ =	shalt  }
0x48: {  	_ =	shalt  }
0x49: {  	_ =	shalt  }
0x4a: {  	_ =	shalt  }
0x4b: {  	_ =	shalt  }
0x4c: {  	_ =	shalt  }
0x4d: {  	_ =	shalt  }
0x4e: {  	_ =	shalt  }
0x4f: {  	_ =	shalt  }
0x50: {  	_ =	shalt  }
0x51: {  	_ =	shalt  }
0x52: {  	_ =	shalt  }
0x53: {  	_ =	shalt  }
0x54: {  	_ =	shalt  }
0x55: {  	_ =	shalt  }
0x56: {  	_ =	shalt  }
0x57: {  	_ =	shalt  }
0x58: {  	_ =	shalt  }
0x59: {  	_ =	shalt  }
0x5a: {  	_ =	shalt  }
0x5b: {  	_ =	shalt  }
0x5c: {  	_ =	shalt  }
0x5d: {  	_ =	shalt  }
0x5e: {  	_ =	shalt  }
0x5f: {  	_ =	shalt  }
0x60: {  	_ =	shalt  }
0x61: {  	_ =	shalt  }
0x62: {  	_ =	shalt  }
0x63: {  	_ =	shalt  }
0x64: {  	_ =	shalt  }
0x65: {  	_ =	shalt  }
0x66: {  	_ =	shalt  }
0x67: {  	_ =	shalt  }
0x68: {  	_ =	shalt  }
0x69: {  	_ =	shalt  }
0x6a: {  	_ =	shalt  }
0x6b: {  	_ =	shalt  }
0x6c: {  	_ =	shalt  }
0x6d: {  	_ =	shalt  }
0x6e: {  	_ =	shalt  }
0x6f: {  	_ =	shalt  }
0x70: {  	_ =	shalt  }
0x71: {  	_ =	shalt  }
0x72: {  	_ =	shalt  }
0x73: {  	_ =	shalt  }
0x74: {  	_ =	shalt  }
0x75: {  	_ =	shalt  }
0x76: {  	_ =	shalt  }
0x77: {  	_ =	shalt  }
0x78: {  	_ =	shalt  }
0x79: {  	_ =	shalt  }
0x7a: {  	_ =	shalt  }
0x7b: {  	_ =	shalt  }
0x7c: {  	_ =	shalt  }
0x7d: {  	_ =	shalt  }
0x7e: {  	_ =	shalt  }
0x7f: {  	_ =	shalt  }
0x80: {  	_ =	shalt  }
0x81: {  	_ =	shalt  }
0x82: {  	_ =	shalt  }
0x83: {  	_ =	shalt  }
0x84: {  	_ =	shalt  }
0x85: {  	_ =	shalt  }
0x86: {  	_ =	shalt  }
0x87: {  	_ =	shalt  }
.Lfunc_end0:
.L_simem_size_0:
called_computation.2_lowered:
.L_overlay_start_0:
0x88: {  	s2 =	sld [smem:$0x3FD9]  }
0x89: {  	s3 =	sld [smem:$0x3FFE];
	_ =	sdelay $0x1  }
0x8a: {  	s1 =	srdreg.scid  }
0x8b: {  	s0 =	sand.u32 $0x1, s1  }
0x8c: {  	s16 =	sshll.u32 s0, $0xA;
	s2 =	sadd.s32 s3, s2  }
0x8d: {  	s2 =	sadd.s32 s2, s16  }
0x8e: {  	[smem:$0x3FC5] =	sst s2  }
0x8f: {  	_ = 	snop  }
0x90: {  	(tm) =	ssettm $0x1  }
0x91: {  	s17 =	sld [smem:$0x3FFB];
	_ =	sdelay $0x3  }
0x92: {  	_ =	strace s17  }
0x93: {  	s2 =	sld [smem:$0x3FFC];
	_ =	sdelay $0x3  }
0x94: {  	_ =	strace s2  }
0x95: {  	s2 =	sld [smem:$0x3FFD];
	_ =	sdelay $0x3  }
0x96: {  	_ =	strace s2  }
0x97: {  	_ =	strace $0x8FFFFFFF  }
0x98: {  	s18 =	sld [smem:$0x3FDB];
	_ =	sdelay $0x1  }
0x99: {  	s19 =	simm.s32 $_scs_section_size  }
0x9a: {  	s4 =	simm.s32 $_size__tile_overlayer_lowered;
	s5 =	simm.s32 $_tile_overlayer_lowered  }
0x9b: {  	s22 =	simm.s32 $0x1BFF;
	s21 =	sshll.u32 s5, $0x1;
	s2 =	sadd.s32 s19, s18  }
0x9c: {  	s6 =	simm.s32 $0x0;
	s20 =	sshll.u32 s4, $0x1;
	s4 =	sadd.s32 s21, s2  }
0x9d: {  	[timem:s6], [sflag:s22] =	dma.local [hbm:s4], s20  }
0x9e: {  	_ =	swait.ge [sflag:s22], s20  }
0x9f: {  	s3 =	ssub.s32 $0x0, s20;
	[sflag:s22] =	ssyncset.done $0x0  }
0xa0: {  	[sflag:s22] =	ssyncadd.s32 s3;
	_ =	sdelay $0x1  }
0xa1: {  	s23 =	simm.s32 $0x1B8B  }
0xa2: {  	_ =	swait.ge [sflag:s23], $0x1  }
0xa3: {  	[sflag:s23] =	ssyncset.done $0x0  }
0xa4: {  	s25 =	simm.s32 $0x1B8E;
	s24 =	sld [smem:$0x3FFE];
	[sflag:s23] =	ssyncadd.s32 $0xFFFFFFFF  }
0xa5: {  	s26 =	simm.s32 $execute0_lowered;
	[smem:$0x3FD2] =	sst s25  }
0xa6: {  	s4 =	sshll.u32 s26, $0x1;
	_ =	strace $0x8000004C;
	[dreg:$0x1] =	wrdreg $0xFFFFFFFF  }
0xa7: {  	s28 =	simm.s32 $_size_execute0_lowered;
	s2 =	sadd.s32 s2, s4;
	[dreg:$0x0] =	wrdreg $0x0  }
0xa8: {  	s4 =	sshll.u32 s28, $0x1;
	[dreg:$0x2] =	wrdreg s2  }
0xa9: {  	[dreg:$0x3] =	wrdreg s4  }
0xaa: {  	[dreg:$0x4] =	wrdreg $0xC0  }
0xab: {  	_ =	task [dreg:s6], $0x5FFFF  }
0xac: {  	[dreg:$0x1] =	wrdreg $0xFFFFFFFF  }
0xad: {  	[dreg:$0x0] =	wrdreg $0x60  }
0xae: {  	[dreg:$0x2] =	wrdreg s24  }
0xaf: {  	[dreg:$0x3] =	wrdreg $0x9  }
0xb0: {  	_ =	task.clear_ibuf [dreg:s6], $0x4FFFF;
	_ =	strace $0x9000004C  }
0xb1: {  	s29 =	simm.s32 $0x9;
	_ =	strace $0x8000004E  }
0xb2: {  	_ =	swait.ge [sflag:s29], $0x1  }
0xb3: {  	[sflag:s29] =	ssyncadd.s32 $0xFFFFFFFF  }
0xb4: {  	_ =	strace $0x9000004E  }
0xb5: {  	_ =	sfence  }
0xb6: {  	s30 =	sld [smem:$0x0];
	_ =	sdelay $0x2  }
0xb7: {  	s31 =	sshll.u32 s1, $0xD;
	s1 =	sshrl.u32 s1, $0x2  }
0xb8: {  	s3 =	sand.u32 $0x4000, s31;
	s1 =	sadd.s32 s1, s30  }
0xb9: {  	s0 =	sor.u32 s3, s0;
	s1 =	sshll.u32 s1, $0x11  }
0xba: {  	s0 =	sor.u32 s1, s0  }
0xbb: {  	s0 =	sadd.s32 $0x8F2B, s0  }
0xbc: {  	[sflag:s0] =	ssyncadd.remote.s32 $0x1  }
0xbd: {  	_ =	sfence.sel $0xFFFF  }
0xbe: {  	[dreg:$0x0] =	wrdreg $0xFFFFFFFF;
	(pc) =	sbr.abs _section_cstart, $3  }
0xbf: {  	[dreg:$0x1] =	wrdreg $0xFFFFFFFF  }
0xc0: {  	_ =	task.clear_ibuf [dreg:s6], $0x2FFFF;
	_ =	strace $0x9FFFFFFF  }
0xc1: {  	(tm) =	ssettm $0x7FFFFFFF  }
tec
execute0_lowered:
.L_overlay_start_1:
0x0: {  	(tag) =	ssettag $0x1  }
0x1: {  	s4 =	rddreg [dreg:$0x0]  }
0x2: {  	s0 =	rddreg [dreg:$0x1];
	s2 =	simm.s32 $0x0;
	s3 =	srdreg.scid  }
0x3: {  	s1 =	stileid.u32;
	s13 =	simm.s32 $0x4800;
	s14 =	simm.s32 $0x5000  }
0x4: {  	s16 =	simm.s32 $0x6000;
	s17 =	simm.s32 $0x0;
	[smem:$0x7FF] =	sst s2  }
0x5: {  	s5 =	sand.u32 $0x1, s3;
	s29 =	sshll.u32 s1, $0x1;
	s7 =	sadd.s32 $0x14000, s4  }
0x6: {  	s8 =	sadd.s32 $0x13800, s4;
	s3 =	sadd.s32 $0x14800, s4;
	s10 =	sshll.u32 s1, $0x2  }
0x7: {  	_ =	strace $0x8000004D;
	s6 =	sor.u32 s5, s29;
	s5 =	ssub.s32 $0x2, s5  }
0x8: {  	s10 =	sand.u32 $0x30, s10;
	s9 =	smul.u32 $0x900, s6;
	s30 =	sshrl.u32 s5, $0x1  }
0x9: {  	s31 =	sand.u32 $0x7, s6;
	s12 =	sor.u32 $0x40, s10;
	s6 =	sadd.s32 s8, s10  }
0xa: {  	s11 =	ssub.s32 s5, s30;
	s15 =	smul.u32 $0x4800, s31;
	s5 =	sadd.s32 s7, s12  }
0xb: {  	s9 =	sadd.s32 s9, s4;
	s4 =	sadd.s32 s7, s10;
	s7 =	sadd.s32 s8, s12  }
0xc: {  	s10 =	simm.s32 $0x1;
	s12 =	simm.s32 $0x400;
	s8 =	sadd.s32 $0x15200, s9  }
0xd: {  	s9 =	smax.u32 s11, $0x1;
	s11 =	simm.s32 $0x80;
	v0 =	vmov s15;
	s15 =	simm.s32 $0x5800  }
.LBB2_1:
0xe: {  	[tilespmem:s2], [sflag:$0x1] =	stream.linear.gather [hbm4b:s3+s2], $0x4800, $0x38;
	[tilespmem:$0x6800] =	vst v63  }
0xf: {  	_ =	swait.ge [sflag:s10], $0x4800  }
0x10: {  	[sflag:s10] =	ssyncset.done $0x0  }
0x11: {  	[sflag:s10] =	ssyncadd.s32 $0xFFFFB800  }
0x12: {  	[tilespmem:s13], [sflag:$0x1] =	stream.strided.gather [hbm4b:s4+s11], $0x800, s12, s11, $0x38;
	[tilespmem:$0x6800] =	vst v63  }
0x13: {  	_ =	swait.ge [sflag:s10], $0x800  }
0x14: {  	[sflag:s10] =	ssyncset.done $0x0  }
0x15: {  	[sflag:s10] =	ssyncadd.s32 $0xFFFFF800  }
0x16: {  	[tilespmem:s14], [sflag:$0x1] =	stream.strided.gather [hbm4b:s5+s11], $0x800, s12, s11, $0x38;
	[tilespmem:$0x6800] =	vst v63  }
0x17: {  	_ =	swait.ge [sflag:s10], $0x800  }
0x18: {  	[sflag:s10] =	ssyncset.done $0x0  }
0x19: {  	[sflag:s10] =	ssyncadd.s32 $0xFFFFF800  }
0x1a: {  	[tilespmem:s15], [sflag:$0x1] =	stream.strided.gather [hbm4b:s6+s11], $0x800, s12, s11, $0x38;
	[tilespmem:$0x6800] =	vst v63  }
0x1b: {  	_ =	swait.ge [sflag:s10], $0x800  }
0x1c: {  	[sflag:s10] =	ssyncset.done $0x0  }
0x1d: {  	[sflag:s10] =	ssyncadd.s32 $0xFFFFF800  }
0x1e: {  	[tilespmem:s16], [sflag:$0x1] =	stream.strided.gather [hbm4b:s7+s11], $0x800, s12, s11, $0x38;
	[tilespmem:$0x6800] =	vst v63  }
0x1f: {  	_ =	swait.ge [sflag:s10], $0x800  }
0x20: {  	[sflag:s10] =	ssyncset.done $0x0  }
0x21: {  	s18 =	simm.s32 $0x0;
	[sflag:s10] =	ssyncadd.s32 $0xFFFFF800  }
.LBB2_2:
0x22: {  	s19 =	sshra.s32 s18, $0x2  }
0x23: {  	v1 =	vld [tilespmem:s19+$0x5800];
	_ =	sdelay $0x4  }
0x24: {  	v1 =	vsub.s32 v1, v0  }
0x25: {  	vm0 =	vgt.s32 v1, $0x0  }
0x26: {  	vm1 =	vlt.u32 v1, $0x4800;
	v1 =	vnsel vm0, $0x0, v1  }
0x27: {  	v2 =	vld [tilespmem:s19+$0x4800];
	v1 =	vmin.u32 v1, $0x47FF;
	_ =	sdelay $0x4  }
0x28: {  	[tilespmem:v1+s2+$0x0] =	vst.idx.add.f32.msk vm1, v2  }
0x29: {  	v1 =	vld [tilespmem:s19+$0x6000];
	_ =	sdelay $0x4  }
0x2a: {  	v1 =	vsub.s32 v1, v0  }
0x2b: {  	vm14 =	vgt.s32 v1, $0x0  }
0x2c: {  	vm15 =	vlt.u32 v1, $0x4800;
	v1 =	vnsel vm14, $0x0, v1  }
0x2d: {  	p0 =	sne.s32 s18, $0x1FC0;
	v2 =	vld [tilespmem:s19+$0x5000];
	v1 =	vmin.u32 v1, $0x47FF  }
.Ltmp0:
0x2e: {  	_ = 	snop;
	(pc) =	sbr.rel @p0 .LBB2_2-.Ltmp0, $2  }
0x2f: {  	_ =	sdelay $0x2  }
0x30: {  	s18 =	sadd.s32 $0x40, s18;
	[tilespmem:v1+s2+$0x0] =	vst.idx.add.f32.msk vm15, v2  }
0x31: {  	s17 =	sadd.s32 $0x1, s17  }
0x32: {  	p0 =	sne.s32 s17, s9  }
.Ltmp1:
0x33: {  	_ = 	snop;
	(pc) =	sbr.rel @p0 .LBB2_1-.Ltmp1, $4  }
0x34: {  	[hbm4b:s8+s2] =	stream.linear.scatter [tilespmem:s2], [sflag:$0x1], $0x4800, $0x38;
	[tilespmem:$0x6800] =	vst v63  }
0x35: {  	_ =	swait.ge [sflag:s10], $0x4800  }
0x36: {  	[sflag:s10] =	ssyncset.done $0x0  }
0x37: {  	[sflag:s10] =	ssyncadd.s32 $0xFFFFB800  }
0x38: {  	_ =	sfence.sel $0x180000  }
0x39: {  	[bflag:$0x0] =	sbarrier.arrive $0xFFFF  }
0x3a: {  	p0 =	sne.s32 s1, $0x0;
	_ =	strace $0x9000004D  }
0x3b: {  	s0 =	sadd.s32 @!p0 $0x100000, s0;
	[bflag:$0x2] =	sbarrier.arrive $0xFFFF  }
0x3c: {  	[sflag:s0] =	ssyncadd.tile.s32 @!p0 $0x1;
	_ =	shalt  }
.Lfunc_end2:
_tile_overlayer_lowered:
.L_overlay_start_2:
0x3d: {  	(tag) =	ssettag $0x2  }
0x3e: {  	s0 =	rddreg [dreg:$0x0];
	s2 =	stileid.u32  }
0x3f: {  	s1 =	rddreg [dreg:$0x1];
	p0 =	sne.s32 s2, $0x0  }
0x40: {  	s3 =	rddreg [dreg:$0x2];
	[bflag:$0x3] =	sbarrier.arrive $0xFFFF;
	s2 =	simm.s32 @!p0 $0x1C01  }
0x41: {  	[timem:s3], [sflag:s2] =	dma.local @!p0 [hbm:s0], s1  }
0x42: {  	s0 =	simm.s32 @!p0 $0x1  }
0x43: {  	_ =	swait.ge @!p0 [sflag:s0], s1  }
0x44: {  	s1 =	ssub.s32 @!p0 $0x0, s1;
	[sflag:s0] =	ssyncset.done @!p0 $0x0  }
0x45: {  	[sflag:s0] =	ssyncadd.s32 @!p0 s1  }
0x46: {  	[bflag:$0x3] =	sbarrier.arrive $0xFFFF  }
0x47: {  	_ =	shalt  }

// kernel: kernel.9.cloned.1.call-start
scs
__scs_entry_jumppad:
0x0: {  	(pc) =	sbr.rel $0x88, $3  }
0x1: {  	(tag) =	ssettag $0x0;
	lr =	simm.s32 $0x1  }
0x2: {  	[smem:$0x3F9E] =	sst lr;
	_ =	strace $0xD0000000  }
0x3: {  	_ = 	snop  }
0x4: {  	_ = 	snop  }
0x5: {  	_ = 	snop  }
0x6: {  	_ = 	snop  }
0x7: {  	_ = 	snop  }
__scs_overlays_trampoline_lowered:
0x8: {  	[smem:$0x3FAD] =	sst s0  }
0x9: {  	[smem:$0x3FAE] =	sst s1  }
0xa: {  	[smem:$0x3FAF] =	sst s2  }
0xb: {  	[smem:$0x3FB0] =	sst s3  }
0xc: {  	[smem:$0x3FB1] =	sst s4  }
0xd: {  	[smem:$0x3FB2] =	sst s5  }
0xe: {  	[smem:$0x3FB3] =	sst s6  }
0xf: {  	[smem:$0x3FB4] =	sst s7  }
0x10: {  	[smem:$0x3FB5] =	sst s8  }
0x11: {  	[smem:$0x3FB6] =	sst s9;
	s0 =	simm.s32 @!p0 $0x0  }
0x12: {  	s1 =	sld [smem:$0x3F9C];
	s0 =	simm.s32 @p0 $0x1  }
0x13: {  	[smem:$0x3FB7] =	sst s0;
	s0 =	simm.s32 @!p1 $0x0  }
0x14: {  	s2 =	sld [smem:$0x3F9B];
	s0 =	simm.s32 @p1 $0x1  }
0x15: {  	[smem:$0x3FB8] =	sst s0;
	s0 =	simm.s32 @!p2 $0x0  }
0x16: {  	s3 =	sld [smem:$0x3FDB];
	s0 =	simm.s32 @p2 $0x1  }
0x17: {  	s4 =	simm.s32 $0x1BF5;
	[smem:$0x3FBA] =	sst s0  }
0x18: {  	s0 =	sld [smem:$0x3F9D];
	_ =	swait.ge [sflag:s4], $0x0  }
0x19: {  	s7 =	sld [smem:$0x3F9E]  }
0x1a: {  	s8 =	sadd.s32 $0xFFFFE003, lr  }
0x1b: {  	s9 =	sadd.s32 $0xFFFFFEF7, lr;
	s5 =	simm.s32 $0xFFFFFFFF;
	p2 =	slt.u32 s8, $0xFFFFF086  }
0x1c: {  	p1 =	slt.u32 s9, $0xF7A;
	s5 =	simm.s32 @!p2 $0x0  }
0x1d: {  	s5 =	simm.s32 @p1 $0x1;
	p0 =	seq.s32 s7, s2  }
0x1e: {  	s7 =	smul.u32 @!p0 $0xF7A, s2;
	p2 =	seq.s32 @!p0 s5, $0x0  }
0x1f: {  	s9 =	smul.u32 $0xF7A, s1;
	s8 =	simm.s32 @!p0 $0x1BF5;
	p2 =	por !p2, p0  }
0x20: {  	[sflag:s8] =	ssyncset.s32 @!p0 $0xFFFFF086;
	s6 =	sadd.s32 @!p0 s3, s7;
	s7 =	simm.s32 @!p0 $0x108  }
0x21: {  	s3 =	sadd.s32 s3, s9;
	s6 =	sadd.s32 @!p0 $0x88, s6;
	s7 =	simm.s32 @p2 $0x1082  }
0x22: {  	[simem:s7], [sflag:s8] =	dma.local @!p0 [hbm:s6], $0xF7A  }
0x23: {  	s9 =	sor.u32 $0xD0000000, s2;
	s6 =	simm.s32 $0x108;
	_ =	swait.ge @!p0 [sflag:s8], $0x0  }
0x24: {  	s3 =	sadd.s32 $0x88, s3;
	s6 =	simm.s32 @!p1 $0x1082;
	[sflag:s4] =	ssyncset.s32 $0xFFFFF086  }
0x25: {  	[simem:s6], [sflag:s4] =	dma.local [hbm:s3], $0xF7A  }
0x26: {  	[smem:$0x3F9E] =	sst s1;
	(tag) =	ssettag s2;
	_ =	strace s9  }
0x27: {  	s1 =	sld [smem:$0x3FAE]  }
0x28: {  	s2 =	sld [smem:$0x3FAF]  }
0x29: {  	s4 =	sld [smem:$0x3FB1]  }
0x2a: {  	p0 =	seq.s32 s5, $0x0;
	s5 =	sld [smem:$0x3FB2]  }
0x2b: {  	s6 =	sld [smem:$0x3FB3]  }
0x2c: {  	s7 =	sld [smem:$0x3FB4]  }
0x2d: {  	s3 =	simm.s32 $0x108;
	s8 =	sld [smem:$0x3FB5]  }
0x2e: {  	s3 =	simm.s32 @!p0 $0x1082;
	s9 =	sld [smem:$0x3FB6]  }
0x2f: {  	lr =	sadd.s32 s0, s3;
	s0 =	sld [smem:$0x3FAD]  }
0x30: {  	s3 =	sld [smem:$0x3FB0]  }
0x31: {  	[smem:$0x3FB9] =	sst s10  }
0x32: {  	s10 =	sld [smem:$0x3FB7];
	_ =	sdelay $0x3  }
0x33: {  	p0 =	seq.s32 s10, $0x1;
	s10 =	sld [smem:$0x3FB9];
	_ =	sdelay $0x3  }
0x34: {  	[smem:$0x3FB9] =	sst s10  }
0x35: {  	s10 =	sld [smem:$0x3FB8];
	_ =	sdelay $0x3  }
0x36: {  	p1 =	seq.s32 s10, $0x1;
	s10 =	sld [smem:$0x3FB9];
	_ =	sdelay $0x3  }
0x37: {  	[smem:$0x3FB9] =	sst s10  }
0x38: {  	s10 =	sld [smem:$0x3FBA]  }
0x39: {  	_ = 	snop;
	(pc) =	sbr.ind lr, $3  }
0x3a: {  	_ = 	snop  }
0x3b: {  	_ = 	snop  }
0x3c: {  	p2 =	seq.s32 s10, $0x1;
	s10 =	sld [smem:$0x3FB9]  }
0x3d: {  	_ =	shalt  }
0x3e: {  	_ =	shalt  }
0x3f: {  	_ =	shalt  }
0x40: {  	_ =	shalt  }
0x41: {  	_ =	shalt  }
0x42: {  	_ =	shalt  }
0x43: {  	_ =	shalt  }
0x44: {  	_ =	shalt  }
0x45: {  	_ =	shalt  }
0x46: {  	_ =	shalt  }
0x47: {  	_ =	shalt  }
0x48: {  	_ =	shalt  }
0x49: {  	_ =	shalt  }
0x4a: {  	_ =	shalt  }
0x4b: {  	_ =	shalt  }
0x4c: {  	_ =	shalt  }
0x4d: {  	_ =	shalt  }
0x4e: {  	_ =	shalt  }
0x4f: {  	_ =	shalt  }
0x50: {  	_ =	shalt  }
0x51: {  	_ =	shalt  }
0x52: {  	_ =	shalt  }
0x53: {  	_ =	shalt  }
0x54: {  	_ =	shalt  }
0x55: {  	_ =	shalt  }
0x56: {  	_ =	shalt  }
0x57: {  	_ =	shalt  }
0x58: {  	_ =	shalt  }
0x59: {  	_ =	shalt  }
0x5a: {  	_ =	shalt  }
0x5b: {  	_ =	shalt  }
0x5c: {  	_ =	shalt  }
0x5d: {  	_ =	shalt  }
0x5e: {  	_ =	shalt  }
0x5f: {  	_ =	shalt  }
0x60: {  	_ =	shalt  }
0x61: {  	_ =	shalt  }
0x62: {  	_ =	shalt  }
0x63: {  	_ =	shalt  }
0x64: {  	_ =	shalt  }
0x65: {  	_ =	shalt  }
0x66: {  	_ =	shalt  }
0x67: {  	_ =	shalt  }
0x68: {  	_ =	shalt  }
0x69: {  	_ =	shalt  }
0x6a: {  	_ =	shalt  }
0x6b: {  	_ =	shalt  }
0x6c: {  	_ =	shalt  }
0x6d: {  	_ =	shalt  }
0x6e: {  	_ =	shalt  }
0x6f: {  	_ =	shalt  }
0x70: {  	_ =	shalt  }
0x71: {  	_ =	shalt  }
0x72: {  	_ =	shalt  }
0x73: {  	_ =	shalt  }
0x74: {  	_ =	shalt  }
0x75: {  	_ =	shalt  }
0x76: {  	_ =	shalt  }
0x77: {  	_ =	shalt  }
0x78: {  	_ =	shalt  }
0x79: {  	_ =	shalt  }
0x7a: {  	_ =	shalt  }
0x7b: {  	_ =	shalt  }
0x7c: {  	_ =	shalt  }
0x7d: {  	_ =	shalt  }
0x7e: {  	_ =	shalt  }
0x7f: {  	_ =	shalt  }
0x80: {  	_ =	shalt  }
0x81: {  	_ =	shalt  }
0x82: {  	_ =	shalt  }
0x83: {  	_ =	shalt  }
0x84: {  	_ =	shalt  }
0x85: {  	_ =	shalt  }
0x86: {  	_ =	shalt  }
0x87: {  	_ =	shalt  }
.Lfunc_end0:
.L_simem_size_0:
called_computation_lowered:
.L_overlay_start_0:
0x88: {  	s2 =	sld [smem:$0x3FD9]  }
0x89: {  	s3 =	sld [smem:$0x3FFE];
	_ =	sdelay $0x1  }
0x8a: {  	s1 =	srdreg.scid  }
0x8b: {  	s0 =	sand.u32 $0x1, s1  }
0x8c: {  	s16 =	sshll.u32 s0, $0xA;
	s2 =	sadd.s32 s3, s2  }
0x8d: {  	s2 =	sadd.s32 s2, s16  }
0x8e: {  	[smem:$0x3FC5] =	sst s2  }
0x8f: {  	_ = 	snop  }
0x90: {  	(tm) =	ssettm $0x1  }
0x91: {  	s17 =	sld [smem:$0x3FFB];
	_ =	sdelay $0x3  }
0x92: {  	_ =	strace s17  }
0x93: {  	s2 =	sld [smem:$0x3FFC];
	_ =	sdelay $0x3  }
0x94: {  	_ =	strace s2  }
0x95: {  	s2 =	sld [smem:$0x3FFD];
	_ =	sdelay $0x3  }
0x96: {  	_ =	strace s2  }
0x97: {  	_ =	strace $0x8FFFFFFF  }
0x98: {  	s18 =	sld [smem:$0x3FDB];
	_ =	sdelay $0x1  }
0x99: {  	s19 =	simm.s32 $_scs_section_size  }
0x9a: {  	s4 =	simm.s32 $_size__tile_overlayer_lowered;
	s5 =	simm.s32 $_tile_overlayer_lowered  }
0x9b: {  	s22 =	simm.s32 $0x1BFF;
	s21 =	sshll.u32 s5, $0x1;
	s2 =	sadd.s32 s19, s18  }
0x9c: {  	s6 =	simm.s32 $0x0;
	s20 =	sshll.u32 s4, $0x1;
	s4 =	sadd.s32 s21, s2  }
0x9d: {  	[timem:s6], [sflag:s22] =	dma.local [hbm:s4], s20  }
0x9e: {  	_ =	swait.ge [sflag:s22], s20  }
0x9f: {  	s3 =	ssub.s32 $0x0, s20;
	[sflag:s22] =	ssyncset.done $0x0  }
0xa0: {  	[sflag:s22] =	ssyncadd.s32 s3;
	_ =	sdelay $0x1  }
0xa1: {  	s23 =	simm.s32 $0x1B8B  }
0xa2: {  	_ =	swait.ge [sflag:s23], $0x1  }
0xa3: {  	[sflag:s23] =	ssyncset.done $0x0  }
0xa4: {  	s25 =	simm.s32 $0x1B8E;
	s24 =	sld [smem:$0x3FFE];
	[sflag:s23] =	ssyncadd.s32 $0xFFFFFFFF  }
0xa5: {  	s26 =	simm.s32 $execute0_lowered;
	[smem:$0x3FD2] =	sst s25  }
0xa6: {  	s4 =	sshll.u32 s26, $0x1;
	_ =	strace $0x80000046;
	[dreg:$0x1] =	wrdreg $0xFFFFFFFF  }
0xa7: {  	s28 =	simm.s32 $_size_execute0_lowered;
	s2 =	sadd.s32 s2, s4;
	[dreg:$0x0] =	wrdreg $0x0  }
0xa8: {  	s4 =	sshll.u32 s28, $0x1;
	[dreg:$0x2] =	wrdreg s2  }
0xa9: {  	[dreg:$0x3] =	wrdreg s4  }
0xaa: {  	[dreg:$0x4] =	wrdreg $0xC0  }
0xab: {  	_ =	task [dreg:s6], $0x5FFFF  }
0xac: {  	[dreg:$0x1] =	wrdreg $0xFFFFFFFF  }
0xad: {  	[dreg:$0x0] =	wrdreg $0x60  }
0xae: {  	[dreg:$0x2] =	wrdreg s24  }
0xaf: {  	[dreg:$0x3] =	wrdreg $0x9  }
0xb0: {  	_ =	task.clear_ibuf [dreg:s6], $0x4FFFF;
	_ =	strace $0x90000046  }
0xb1: {  	s29 =	simm.s32 $0x9;
	_ =	strace $0x80000048  }
0xb2: {  	_ =	swait.ge [sflag:s29], $0x1  }
0xb3: {  	[sflag:s29] =	ssyncadd.s32 $0xFFFFFFFF  }
0xb4: {  	_ =	strace $0x90000048  }
0xb5: {  	_ =	sfence  }
0xb6: {  	s30 =	sld [smem:$0x0];
	_ =	sdelay $0x2  }
0xb7: {  	s31 =	sshll.u32 s1, $0xD;
	s1 =	sshrl.u32 s1, $0x2  }
0xb8: {  	s3 =	sand.u32 $0x4000, s31;
	s1 =	sadd.s32 s1, s30  }
0xb9: {  	s0 =	sor.u32 s3, s0;
	s1 =	sshll.u32 s1, $0x11  }
0xba: {  	s0 =	sor.u32 s1, s0  }
0xbb: {  	s0 =	sadd.s32 $0x8F2B, s0  }
0xbc: {  	[sflag:s0] =	ssyncadd.remote.s32 $0x1  }
0xbd: {  	_ =	sfence.sel $0xFFFF  }
0xbe: {  	[dreg:$0x0] =	wrdreg $0xFFFFFFFF;
	(pc) =	sbr.abs _section_cstart, $3  }
0xbf: {  	[dreg:$0x1] =	wrdreg $0xFFFFFFFF  }
0xc0: {  	_ =	task.clear_ibuf [dreg:s6], $0x2FFFF;
	_ =	strace $0x9FFFFFFF  }
0xc1: {  	(tm) =	ssettm $0x7FFFFFFF  }
tec
execute0_lowered:
.L_overlay_start_1:
0x0: {  	(tag) =	ssettag $0x1  }
0x1: {  	s0 =	srdreg.scid;
	s3 =	stileid.u32  }
0x2: {  	s0 =	sand.u32 $0x1, s0;
	s3 =	sshll.u32 s3, $0x1  }
0x3: {  	s3 =	sor.u32 s0, s3  }
0x4: {  	s3 =	smul.u32 $0x4800, s3  }
0x5: {  	s8 =	rddreg [dreg:$0x0]  }
0x6: {  	s1 =	simm.s32 $0x0;
	s2 =	sadd.s32 $0x13800, s8;
	s3 =	sshrl.u32 s3, $0x3  }
0x7: {  	[smem:$0x7FF] =	sst s1;
	s4 =	sadd.s32 $0x25800, s8;
	s17 =	sadd.s32 s2, s3  }
0x8: {  	s5 =	sadd.s32 $0x37800, s8;
	s18 =	sadd.s32 s4, s3;
	[dreg:$0x2] =	wrdreg s17  }
0x9: {  	s6 =	sadd.s32 $0x49800, s8;
	s19 =	sadd.s32 s5, s3;
	[dreg:$0x3] =	wrdreg s18  }
0xa: {  	s9 =	sadd.s32 $0x6D800, s8;
	s29 =	sadd.s32 s6, s3;
	[dreg:$0x4] =	wrdreg s19  }
0xb: {  	s10 =	sadd.s32 $0x7F800, s8;
	s15 =	sadd.s32 s9, s3;
	[dreg:$0xe] =	wrdreg s29  }
0xc: {  	s20 =	sadd.s32 $0x240, s3;
	s16 =	sadd.s32 s10, s3;
	[dreg:$0x10] =	wrdreg s15  }
0xd: {  	s7 =	sadd.s32 $0x5B800, s8;
	s14 =	sadd.s32 s2, s20;
	[dreg:$0x11] =	wrdreg s16  }
0xe: {  	s11 =	sadd.s32 $0x91800, s8;
	s21 =	sadd.s32 s4, s20;
	[dreg:$0x5] =	wrdreg s14  }
0xf: {  	s13 =	sadd.s32 $0xB5800, s8;
	s22 =	sadd.s32 s5, s20;
	[dreg:$0x6] =	wrdreg s21  }
0x10: {  	s8 =	sadd.s32 $0xA3800, s8;
	s23 =	sadd.s32 s6, s20;
	[dreg:$0x7] =	wrdreg s22  }
0x11: {  	s0 =	ssub.s32 $0x2, s0;
	s24 =	sadd.s32 s7, s20;
	[dreg:$0x8] =	wrdreg s23  }
0x12: {  	s12 =	sshrl.u32 s0, $0x1;
	s25 =	sadd.s32 s9, s20;
	[dreg:$0x9] =	wrdreg s24  }
0x13: {  	s12 =	ssub.s32 s0, s12;
	s26 =	sadd.s32 s10, s20;
	[dreg:$0xa] =	wrdreg s25  }
0x14: {  	s28 =	sadd.s32 s11, s20;
	s0 =	sadd.s32 s13, s20;
	[dreg:$0xb] =	wrdreg s26  }
0x15: {  	s17 =	sadd.s32 s11, s3;
	s18 =	sadd.s32 $0x480, s3;
	[dreg:$0xc] =	wrdreg s28  }
0x16: {  	s19 =	sadd.s32 s13, s3;
	s20 =	sadd.s32 $0x6C0, s3;
	[dreg:$0xd] =	wrdreg s0  }
0x17: {  	s15 =	simm.s32 $0xA200;
	s16 =	simm.s32 $0xB400;
	[dreg:$0x12] =	wrdreg s17  }
0x18: {  	s14 =	sadd.s32 s7, s3;
	[dreg:$0x13] =	wrdreg s19;
	s21 =	sadd.s32 s2, s18  }
0x19: {  	s22 =	sadd.s32 s4, s18;
	s23 =	sadd.s32 s5, s18;
	s24 =	sadd.s32 s6, s18  }
0x1a: {  	s25 =	sadd.s32 s7, s18;
	s26 =	sadd.s32 s9, s18;
	[dreg:$0xf] =	wrdreg s14  }
0x1b: {  	s28 =	sadd.s32 s10, s18;
	s29 =	sadd.s32 s11, s18;
	[dreg:$0x14] =	wrdreg s21  }
0x1c: {  	s0 =	sadd.s32 s13, s18;
	s30 =	sadd.s32 s2, s20;
	[dreg:$0x15] =	wrdreg s22  }
0x1d: {  	s31 =	sadd.s32 s4, s20;
	s2 =	sadd.s32 s6, s20;
	[dreg:$0x16] =	wrdreg s23  }
0x1e: {  	s3 =	sadd.s32 s7, s20;
	s4 =	sadd.s32 s9, s20;
	[dreg:$0x17] =	wrdreg s24  }
0x1f: {  	s6 =	sadd.s32 s11, s20;
	s7 =	sadd.s32 s13, s20;
	[dreg:$0x18] =	wrdreg s25  }
0x20: {  	s9 =	smax.u32 s12, $0x1;
	s11 =	simm.s32 $0x1200;
	[dreg:$0x19] =	wrdreg s26  }
0x21: {  	s12 =	simm.s32 $0x2400;
	s13 =	simm.s32 $0x3600;
	[dreg:$0x1a] =	wrdreg s28  }
0x22: {  	s17 =	simm.s32 $0xC600;
	s18 =	simm.s32 $0x4800;
	[dreg:$0x1b] =	wrdreg s29  }
0x23: {  	s19 =	simm.s32 $0x5A00;
	[dreg:$0x1c] =	wrdreg s0;
	s0 =	sadd.s32 s5, s20  }
0x24: {  	s5 =	sadd.s32 s10, s20;
	s10 =	simm.s32 $0x2;
	s14 =	simm.s32 $0x9000  }
0x25: {  	s20 =	simm.s32 $0x6C00;
	s21 =	simm.s32 $0x7E00;
	s22 =	simm.s32 $0x1  }
0x26: {  	s23 =	simm.s32 $0xD800;
	s24 =	simm.s32 $0x0;
	_ =	strace $0x80000047  }
.LBB2_1:
0x27: {  	s25 =	rddreg [dreg:$0x2]  }
0x28: {  	[tilespmem:s1], [sflag:$0x2] =	stream.linear.gather [hbm4b:s25+s1], $0x1200, $0x38;
	[tilespmem:$0xEA00] =	vst v63  }
0x29: {  	_ =	swait.ge [sflag:s10], $0x1200  }
0x2a: {  	[sflag:s10] =	ssyncset.done $0x0  }
0x2b: {  	s29 =	rddreg [dreg:$0x3];
	[sflag:s10] =	ssyncadd.s32 $0xFFFFEE00  }
0x2c: {  	[tilespmem:s11], [sflag:$0x2] =	stream.linear.gather [hbm4b:s29+s1], $0x1200, $0x38;
	[tilespmem:$0xEA00] =	vst v63  }
0x2d: {  	_ =	swait.ge [sflag:s10], $0x1200  }
0x2e: {  	[sflag:s10] =	ssyncset.done $0x0  }
0x2f: {  	s26 =	rddreg [dreg:$0x4];
	[sflag:s10] =	ssyncadd.s32 $0xFFFFEE00  }
0x30: {  	[tilespmem:s12], [sflag:$0x2] =	stream.linear.gather [hbm4b:s26+s1], $0x1200, $0x38;
	[tilespmem:$0xEA00] =	vst v63  }
0x31: {  	_ =	swait.ge [sflag:s10], $0x1200  }
0x32: {  	[sflag:s10] =	ssyncset.done $0x0  }
0x33: {  	s29 =	rddreg [dreg:$0xe];
	[sflag:s10] =	ssyncadd.s32 $0xFFFFEE00  }
0x34: {  	[tilespmem:s13], [sflag:$0x2] =	stream.linear.gather [hbm4b:s29+s1], $0x1200, $0x38;
	[tilespmem:$0xEA00] =	vst v63  }
0x35: {  	_ =	swait.ge [sflag:s10], $0x1200  }
0x36: {  	[sflag:s10] =	ssyncset.done $0x0  }
0x37: {  	[sflag:s10] =	ssyncadd.s32 $0xFFFFEE00  }
0x38: {  	[tilespmem:s14], [sflag:$0x1] =	stream.indirect.gather [hbm4b:s8+s11], $0x1, s1, s11, $0xb8;
	[tilespmem:$0xEA00] =	vst v63  }
0x39: {  	_ = 	snop  }
0x3a: {  	[tilespmem:s15], [sflag:$0x1] =	stream.indirect.gather [hbm4b:s8+s11], $0x1, s11, s11, $0xb8;
	[tilespmem:$0xEA00] =	vst v63  }
0x3b: {  	_ = 	snop  }
0x3c: {  	[tilespmem:s16], [sflag:$0x1] =	stream.indirect.gather [hbm4b:s8+s11], $0x1, s12, s11, $0xb8;
	[tilespmem:$0xEA00] =	vst v63  }
0x3d: {  	_ = 	snop  }
0x3e: {  	[tilespmem:s17], [sflag:$0x1] =	stream.indirect.gather [hbm4b:s8+s11], $0x1, s13, s11, $0xb8;
	[tilespmem:$0xEA00] =	vst v63  }
0x3f: {  	s26 =	rddreg [dreg:$0xf]  }
0x40: {  	[tilespmem:s18], [sflag:$0x2] =	stream.linear.gather [hbm4b:s26+s1], $0x1200, $0x38;
	[tilespmem:$0xEA00] =	vst v63  }
0x41: {  	_ =	swait.ge [sflag:s10], $0x1200  }
0x42: {  	[sflag:s10] =	ssyncset.done $0x0  }
0x43: {  	s29 =	rddreg [dreg:$0x10];
	[sflag:s10] =	ssyncadd.s32 $0xFFFFEE00  }
0x44: {  	[tilespmem:s19], [sflag:$0x2] =	stream.linear.gather [hbm4b:s29+s1], $0x1200, $0x38;
	[tilespmem:$0xEA00] =	vst v63  }
0x45: {  	_ =	swait.ge [sflag:s10], $0x1200  }
0x46: {  	[sflag:s10] =	ssyncset.done $0x0  }
0x47: {  	s26 =	rddreg [dreg:$0x11];
	[sflag:s10] =	ssyncadd.s32 $0xFFFFEE00  }
0x48: {  	[tilespmem:s20], [sflag:$0x2] =	stream.linear.gather [hbm4b:s26+s1], $0x1200, $0x38;
	[tilespmem:$0xEA00] =	vst v63  }
0x49: {  	_ =	swait.ge [sflag:s10], $0x1200  }
0x4a: {  	[sflag:s10] =	ssyncset.done $0x0  }
0x4b: {  	s29 =	rddreg [dreg:$0x12];
	[sflag:s10] =	ssyncadd.s32 $0xFFFFEE00  }
0x4c: {  	[tilespmem:s21], [sflag:$0x2] =	stream.linear.gather [hbm4b:s29+s1], $0x1200, $0x38;
	[tilespmem:$0xEA00] =	vst v63  }
0x4d: {  	_ =	swait.ge [sflag:s10], $0x1200  }
0x4e: {  	[sflag:s10] =	ssyncset.done $0x0  }
0x4f: {  	[sflag:s10] =	ssyncadd.s32 $0xFFFFEE00  }
0x50: {  	_ =	swait.ge [sflag:s22], $0x1200  }
0x51: {  	[sflag:s22] =	ssyncset.done $0x0  }
0x52: {  	[sflag:s22] =	ssyncadd.s32 $0xFFFFEE00  }
0x53: {  	_ =	swait.ge [sflag:s22], $0x1200  }
0x54: {  	[sflag:s22] =	ssyncset.done $0x0  }
0x55: {  	[sflag:s22] =	ssyncadd.s32 $0xFFFFEE00  }
0x56: {  	_ =	swait.ge [sflag:s22], $0x1200  }
0x57: {  	[sflag:s22] =	ssyncset.done $0x0  }
0x58: {  	[sflag:s22] =	ssyncadd.s32 $0xFFFFEE00  }
0x59: {  	_ =	swait.ge [sflag:s22], $0x1200  }
0x5a: {  	[sflag:s22] =	ssyncset.done $0x0  }
0x5b: {  	s25 =	simm.s32 $0x0;
	[sflag:s22] =	ssyncadd.s32 $0xFFFFEE00  }
0x5c: {  	v3 =	vld [tilespmem:s25+$0x9000]  }
0x5d: {  	v4 =	vld [tilespmem:s25+$0x4800]  }
0x5e: {  	v5 =	vld [tilespmem:s25+$0xA200]  }
0x5f: {  	v6 =	vld [tilespmem:s25+$0x5A00]  }
0x60: {  	v7 =	vld [tilespmem:s25+$0xB400]  }
0x61: {  	v8 =	vld [tilespmem:s25+$0x6C00]  }
0x62: {  	v0 =	vld [tilespmem:s25+$0xC600]  }
0x63: {  	s26 =	simm.s32 $0x10;
	v2 =	vld [tilespmem:s25+$0x7E00]  }
0x64: {  	v1 =	vld [tilespmem:s26+$0x9000];
	v9 =	vmul.f32 v4, v3;
	v5 =	vmul.f32 v6, v5  }
0x65: {  	v3 =	vld [tilespmem:s26+$0x4800]  }
0x66: {  	s28 =	simm.s32 $0x80;
	v4 =	vld [tilespmem:s26+$0xA200];
	v6 =	vmul.f32 v8, v7;
	v5 =	vadd.f32 v5, v9  }
.LBB2_2:
0x67: {  	p0 =	sne.s32 s28, $0x47C0;
	v7 =	vld [tilespmem:s26+$0x5A00]  }
0x68: {  	v8 =	vld [tilespmem:s26+$0xB400];
	v5 =	vadd.f32 v6, v5;
	v2 =	vmul.f32 v2, v0  }
0x69: {  	v6 =	vld [tilespmem:s26+$0x6C00]  }
.Ltmp0:
0x6a: {  	v0 =	vld [tilespmem:s26+$0xC600];
	v5 =	vadd.f32 v2, v5;
	(pc) =	sbr.rel @p0 .LBB2_2-.Ltmp0, $4  }
0x6b: {  	s29 =	sshra.s32 s28, $0x2;
	v2 =	vld [tilespmem:s26+$0x7E00]  }
0x6c: {  	v9 =	vmul.f32 v3, v1;
	v1 =	vld [tilespmem:s29+$0x9000];
	v7 =	vmul.f32 v7, v4;
	[tilespmem:s25+$0xD800] =	vst v5;
	s25 =	smov.u32 s26;
	s26 =	smov.u32 s29  }
0x6d: {  	v3 =	vld [tilespmem:s26+$0x4800]  }
0x6e: {  	s28 =	sadd.s32 $0x40, s28;
	v4 =	vld [tilespmem:s26+$0xA200];
	v5 =	vadd.f32 v7, v9;
	v6 =	vmul.f32 v6, v8  }
0x6f: {  	v7 =	vld [tilespmem:s26+$0x5A00]  }
0x70: {  	v8 =	vld [tilespmem:s26+$0xB400]  }
0x71: {  	v9 =	vld [tilespmem:s26+$0x6C00]  }
0x72: {  	v10 =	vld [tilespmem:s26+$0xC600]  }
0x73: {  	v11 =	vld [tilespmem:s26+$0x7E00]  }
0x74: {  	v1 =	vmul.f32 v3, v1;
	v3 =	vmul.f32 v7, v4;
	_ =	sdelay $0x1  }
0x75: {  	v1 =	vadd.f32 v3, v1;
	v3 =	vmul.f32 v9, v8  }
0x76: {  	v0 =	vmul.f32 v2, v0;
	v4 =	vadd.f32 v6, v5  }
0x77: {  	v2 =	vmul.f32 v11, v10;
	v1 =	vadd.f32 v3, v1  }
0x78: {  	v0 =	vadd.f32 v0, v4  }
0x79: {  	v1 =	vadd.f32 v2, v1  }
0x7a: {  	[tilespmem:s25+$0xD800] =	vst v0  }
0x7b: {  	s29 =	rddreg [dreg:$0x13];
	s25 =	simm.s32 $0x0;
	[tilespmem:s26+$0xD800] =	vst v1  }
0x7c: {  	[hbm4b:s29+s25] =	stream.linear.scatter [tilespmem:s23], [sflag:$0x2], $0x1200, $0x38;
	[tilespmem:$0xEA00] =	vst v63  }
0x7d: {  	_ =	swait.ge [sflag:s10], $0x1200  }
0x7e: {  	[sflag:s10] =	ssyncset.done $0x0  }
0x7f: {  	s29 =	rddreg [dreg:$0x5];
	[sflag:s10] =	ssyncadd.s32 $0xFFFFEE00  }
0x80: {  	[tilespmem:s25], [sflag:$0x2] =	stream.linear.gather [hbm4b:s29+s25], $0x1200, $0x38;
	[tilespmem:$0xEA00] =	vst v63  }
0x81: {  	_ =	swait.ge [sflag:s10], $0x1200  }
0x82: {  	[sflag:s10] =	ssyncset.done $0x0  }
0x83: {  	s29 =	rddreg [dreg:$0x6];
	[sflag:s10] =	ssyncadd.s32 $0xFFFFEE00  }
0x84: {  	[tilespmem:s11], [sflag:$0x2] =	stream.linear.gather [hbm4b:s29+s25], $0x1200, $0x38;
	[tilespmem:$0xEA00] =	vst v63  }
0x85: {  	_ =	swait.ge [sflag:s10], $0x1200  }
0x86: {  	[sflag:s10] =	ssyncset.done $0x0  }
0x87: {  	s29 =	rddreg [dreg:$0x7];
	[sflag:s10] =	ssyncadd.s32 $0xFFFFEE00  }
0x88: {  	[tilespmem:s12], [sflag:$0x2] =	stream.linear.gather [hbm4b:s29+s25], $0x1200, $0x38;
	[tilespmem:$0xEA00] =	vst v63  }
0x89: {  	_ =	swait.ge [sflag:s10], $0x1200  }
0x8a: {  	[sflag:s10] =	ssyncset.done $0x0  }
0x8b: {  	s29 =	rddreg [dreg:$0x8];
	[sflag:s10] =	ssyncadd.s32 $0xFFFFEE00  }
0x8c: {  	[tilespmem:s13], [sflag:$0x2] =	stream.linear.gather [hbm4b:s29+s25], $0x1200, $0x38;
	[tilespmem:$0xEA00] =	vst v63  }
0x8d: {  	_ =	swait.ge [sflag:s10], $0x1200  }
0x8e: {  	[sflag:s10] =	ssyncset.done $0x0  }
0x8f: {  	[sflag:s10] =	ssyncadd.s32 $0xFFFFEE00  }
0x90: {  	[tilespmem:s14], [sflag:$0x1] =	stream.indirect.gather [hbm4b:s8+s11], $0x1, s25, s11, $0xb8;
	[tilespmem:$0xEA00] =	vst v63  }
0x91: {  	_ = 	snop  }
0x92: {  	[tilespmem:s15], [sflag:$0x1] =	stream.indirect.gather [hbm4b:s8+s11], $0x1, s11, s11, $0xb8;
	[tilespmem:$0xEA00] =	vst v63  }
0x93: {  	_ = 	snop  }
0x94: {  	[tilespmem:s16], [sflag:$0x1] =	stream.indirect.gather [hbm4b:s8+s11], $0x1, s12, s11, $0xb8;
	[tilespmem:$0xEA00] =	vst v63  }
0x95: {  	_ = 	snop  }
0x96: {  	[tilespmem:s17], [sflag:$0x1] =	stream.indirect.gather [hbm4b:s8+s11], $0x1, s13, s11, $0xb8;
	[tilespmem:$0xEA00] =	vst v63  }
0x97: {  	s29 =	rddreg [dreg:$0x9]  }
0x98: {  	[tilespmem:s18], [sflag:$0x2] =	stream.linear.gather [hbm4b:s29+s25], $0x1200, $0x38;
	[tilespmem:$0xEA00] =	vst v63  }
0x99: {  	_ =	swait.ge [sflag:s10], $0x1200  }
0x9a: {  	[sflag:s10] =	ssyncset.done $0x0  }
0x9b: {  	s29 =	rddreg [dreg:$0xa];
	[sflag:s10] =	ssyncadd.s32 $0xFFFFEE00  }
0x9c: {  	[tilespmem:s19], [sflag:$0x2] =	stream.linear.gather [hbm4b:s29+s25], $0x1200, $0x38;
	[tilespmem:$0xEA00] =	vst v63  }
0x9d: {  	_ =	swait.ge [sflag:s10], $0x1200  }
0x9e: {  	[sflag:s10] =	ssyncset.done $0x0  }
0x9f: {  	s29 =	rddreg [dreg:$0xb];
	[sflag:s10] =	ssyncadd.s32 $0xFFFFEE00  }
0xa0: {  	[tilespmem:s20], [sflag:$0x2] =	stream.linear.gather [hbm4b:s29+s25], $0x1200, $0x38;
	[tilespmem:$0xEA00] =	vst v63  }
0xa1: {  	_ =	swait.ge [sflag:s10], $0x1200  }
0xa2: {  	[sflag:s10] =	ssyncset.done $0x0  }
0xa3: {  	s29 =	rddreg [dreg:$0xc];
	[sflag:s10] =	ssyncadd.s32 $0xFFFFEE00  }
0xa4: {  	[tilespmem:s21], [sflag:$0x2] =	stream.linear.gather [hbm4b:s29+s25], $0x1200, $0x38;
	[tilespmem:$0xEA00] =	vst v63  }
0xa5: {  	_ =	swait.ge [sflag:s10], $0x1200  }
0xa6: {  	[sflag:s10] =	ssyncset.done $0x0  }
0xa7: {  	[sflag:s10] =	ssyncadd.s32 $0xFFFFEE00  }
0xa8: {  	_ =	swait.ge [sflag:s22], $0x1200  }
0xa9: {  	[sflag:s22] =	ssyncset.done $0x0  }
0xaa: {  	[sflag:s22] =	ssyncadd.s32 $0xFFFFEE00  }
0xab: {  	_ =	swait.ge [sflag:s22], $0x1200  }
0xac: {  	[sflag:s22] =	ssyncset.done $0x0  }
0xad: {  	[sflag:s22] =	ssyncadd.s32 $0xFFFFEE00  }
0xae: {  	_ =	swait.ge [sflag:s22], $0x1200  }
0xaf: {  	[sflag:s22] =	ssyncset.done $0x0  }
0xb0: {  	[sflag:s22] =	ssyncadd.s32 $0xFFFFEE00  }
0xb1: {  	_ =	swait.ge [sflag:s22], $0x1200  }
0xb2: {  	[sflag:s22] =	ssyncset.done $0x0  }
0xb3: {  	s25 =	simm.s32 $0x0;
	[sflag:s22] =	ssyncadd.s32 $0xFFFFEE00  }
0xb4: {  	v3 =	vld [tilespmem:s25+$0x9000]  }
0xb5: {  	v4 =	vld [tilespmem:s25+$0x4800]  }
0xb6: {  	v5 =	vld [tilespmem:s25+$0xA200]  }
0xb7: {  	v6 =	vld [tilespmem:s25+$0x5A00]  }
0xb8: {  	v7 =	vld [tilespmem:s25+$0xB400]  }
0xb9: {  	v8 =	vld [tilespmem:s25+$0x6C00]  }
0xba: {  	v0 =	vld [tilespmem:s25+$0xC600]  }
0xbb: {  	s26 =	simm.s32 $0x10;
	v2 =	vld [tilespmem:s25+$0x7E00]  }
0xbc: {  	v1 =	vld [tilespmem:s26+$0x9000];
	v63 =	vmul.f32 v4, v3;
	v5 =	vmul.f32 v6, v5  }
0xbd: {  	v3 =	vld [tilespmem:s26+$0x4800]  }
0xbe: {  	s28 =	simm.s32 $0x80;
	v4 =	vld [tilespmem:s26+$0xA200];
	v6 =	vmul.f32 v8, v7;
	v5 =	vadd.f32 v5, v63  }
.LBB2_4:
0xbf: {  	p0 =	sne.s32 s28, $0x47C0;
	v7 =	vld [tilespmem:s26+$0x5A00]  }
0xc0: {  	v8 =	vld [tilespmem:s26+$0xB400];
	v5 =	vadd.f32 v6, v5;
	v2 =	vmul.f32 v2, v0  }
0xc1: {  	v6 =	vld [tilespmem:s26+$0x6C00]  }
.Ltmp1:
0xc2: {  	v0 =	vld [tilespmem:s26+$0xC600];
	v5 =	vadd.f32 v2, v5;
	(pc) =	sbr.rel @p0 .LBB2_4-.Ltmp1, $4  }
0xc3: {  	s29 =	sshra.s32 s28, $0x2;
	v2 =	vld [tilespmem:s26+$0x7E00]  }
0xc4: {  	v9 =	vmul.f32 v3, v1;
	v1 =	vld [tilespmem:s29+$0x9000];
	v7 =	vmul.f32 v7, v4;
	[tilespmem:s25+$0xD800] =	vst v5;
	s25 =	smov.u32 s26;
	s26 =	smov.u32 s29  }
0xc5: {  	v3 =	vld [tilespmem:s26+$0x4800]  }
0xc6: {  	s28 =	sadd.s32 $0x40, s28;
	v4 =	vld [tilespmem:s26+$0xA200];
	v5 =	vadd.f32 v7, v9;
	v6 =	vmul.f32 v6, v8  }
0xc7: {  	v7 =	vld [tilespmem:s26+$0x5A00]  }
0xc8: {  	v8 =	vld [tilespmem:s26+$0xB400]  }
0xc9: {  	v9 =	vld [tilespmem:s26+$0x6C00]  }
0xca: {  	v10 =	vld [tilespmem:s26+$0xC600]  }
0xcb: {  	v11 =	vld [tilespmem:s26+$0x7E00]  }
0xcc: {  	v1 =	vmul.f32 v3, v1;
	v3 =	vmul.f32 v7, v4;
	_ =	sdelay $0x1  }
0xcd: {  	v1 =	vadd.f32 v3, v1;
	v3 =	vmul.f32 v9, v8  }
0xce: {  	v0 =	vmul.f32 v2, v0;
	v4 =	vadd.f32 v6, v5  }
0xcf: {  	v2 =	vmul.f32 v11, v10;
	v1 =	vadd.f32 v3, v1  }
0xd0: {  	v0 =	vadd.f32 v0, v4  }
0xd1: {  	v1 =	vadd.f32 v2, v1  }
0xd2: {  	[tilespmem:s25+$0xD800] =	vst v0  }
0xd3: {  	s29 =	rddreg [dreg:$0xd];
	s25 =	simm.s32 $0x0;
	[tilespmem:s26+$0xD800] =	vst v1  }
0xd4: {  	[hbm4b:s29+s25] =	stream.linear.scatter [tilespmem:s23], [sflag:$0x2], $0x1200, $0x38;
	[tilespmem:$0xEA00] =	vst v63  }
0xd5: {  	_ =	swait.ge [sflag:s10], $0x1200  }
0xd6: {  	[sflag:s10] =	ssyncset.done $0x0  }
0xd7: {  	s29 =	rddreg [dreg:$0x14];
	[sflag:s10] =	ssyncadd.s32 $0xFFFFEE00  }
0xd8: {  	[tilespmem:s25], [sflag:$0x2] =	stream.linear.gather [hbm4b:s29+s25], $0x1200, $0x38;
	[tilespmem:$0xEA00] =	vst v63  }
0xd9: {  	_ =	swait.ge [sflag:s10], $0x1200  }
0xda: {  	[sflag:s10] =	ssyncset.done $0x0  }
0xdb: {  	s29 =	rddreg [dreg:$0x15];
	[sflag:s10] =	ssyncadd.s32 $0xFFFFEE00  }
0xdc: {  	[tilespmem:s11], [sflag:$0x2] =	stream.linear.gather [hbm4b:s29+s25], $0x1200, $0x38;
	[tilespmem:$0xEA00] =	vst v63  }
0xdd: {  	_ =	swait.ge [sflag:s10], $0x1200  }
0xde: {  	[sflag:s10] =	ssyncset.done $0x0  }
0xdf: {  	s29 =	rddreg [dreg:$0x16];
	[sflag:s10] =	ssyncadd.s32 $0xFFFFEE00  }
0xe0: {  	[tilespmem:s12], [sflag:$0x2] =	stream.linear.gather [hbm4b:s29+s25], $0x1200, $0x38;
	[tilespmem:$0xEA00] =	vst v63  }
0xe1: {  	_ =	swait.ge [sflag:s10], $0x1200  }
0xe2: {  	[sflag:s10] =	ssyncset.done $0x0  }
0xe3: {  	s29 =	rddreg [dreg:$0x17];
	[sflag:s10] =	ssyncadd.s32 $0xFFFFEE00  }
0xe4: {  	[tilespmem:s13], [sflag:$0x2] =	stream.linear.gather [hbm4b:s29+s25], $0x1200, $0x38;
	[tilespmem:$0xEA00] =	vst v63  }
0xe5: {  	_ =	swait.ge [sflag:s10], $0x1200  }
0xe6: {  	[sflag:s10] =	ssyncset.done $0x0  }
0xe7: {  	[sflag:s10] =	ssyncadd.s32 $0xFFFFEE00  }
0xe8: {  	[tilespmem:s14], [sflag:$0x1] =	stream.indirect.gather [hbm4b:s8+s11], $0x1, s25, s11, $0xb8;
	[tilespmem:$0xEA00] =	vst v63  }
0xe9: {  	_ = 	snop  }
0xea: {  	[tilespmem:s15], [sflag:$0x1] =	stream.indirect.gather [hbm4b:s8+s11], $0x1, s11, s11, $0xb8;
	[tilespmem:$0xEA00] =	vst v63  }
0xeb: {  	_ = 	snop  }
0xec: {  	[tilespmem:s16], [sflag:$0x1] =	stream.indirect.gather [hbm4b:s8+s11], $0x1, s12, s11, $0xb8;
	[tilespmem:$0xEA00] =	vst v63  }
0xed: {  	_ = 	snop  }
0xee: {  	[tilespmem:s17], [sflag:$0x1] =	stream.indirect.gather [hbm4b:s8+s11], $0x1, s13, s11, $0xb8;
	[tilespmem:$0xEA00] =	vst v63  }
0xef: {  	s29 =	rddreg [dreg:$0x18]  }
0xf0: {  	[tilespmem:s18], [sflag:$0x2] =	stream.linear.gather [hbm4b:s29+s25], $0x1200, $0x38;
	[tilespmem:$0xEA00] =	vst v63  }
0xf1: {  	_ =	swait.ge [sflag:s10], $0x1200  }
0xf2: {  	[sflag:s10] =	ssyncset.done $0x0  }
0xf3: {  	s29 =	rddreg [dreg:$0x19];
	[sflag:s10] =	ssyncadd.s32 $0xFFFFEE00  }
0xf4: {  	[tilespmem:s19], [sflag:$0x2] =	stream.linear.gather [hbm4b:s29+s25], $0x1200, $0x38;
	[tilespmem:$0xEA00] =	vst v63  }
0xf5: {  	_ =	swait.ge [sflag:s10], $0x1200  }
0xf6: {  	[sflag:s10] =	ssyncset.done $0x0  }
0xf7: {  	s29 =	rddreg [dreg:$0x1a];
	[sflag:s10] =	ssyncadd.s32 $0xFFFFEE00  }
0xf8: {  	[tilespmem:s20], [sflag:$0x2] =	stream.linear.gather [hbm4b:s29+s25], $0x1200, $0x38;
	[tilespmem:$0xEA00] =	vst v63  }
0xf9: {  	_ =	swait.ge [sflag:s10], $0x1200  }
0xfa: {  	[sflag:s10] =	ssyncset.done $0x0  }
0xfb: {  	s29 =	rddreg [dreg:$0x1b];
	[sflag:s10] =	ssyncadd.s32 $0xFFFFEE00  }
0xfc: {  	[tilespmem:s21], [sflag:$0x2] =	stream.linear.gather [hbm4b:s29+s25], $0x1200, $0x38;
	[tilespmem:$0xEA00] =	vst v63  }
0xfd: {  	_ =	swait.ge [sflag:s10], $0x1200  }
0xfe: {  	[sflag:s10] =	ssyncset.done $0x0  }
0xff: {  	[sflag:s10] =	ssyncadd.s32 $0xFFFFEE00  }
0x100: {  	_ =	swait.ge [sflag:s22], $0x1200  }
0x101: {  	[sflag:s22] =	ssyncset.done $0x0  }
0x102: {  	[sflag:s22] =	ssyncadd.s32 $0xFFFFEE00  }
0x103: {  	_ =	swait.ge [sflag:s22], $0x1200  }
0x104: {  	[sflag:s22] =	ssyncset.done $0x0  }
0x105: {  	[sflag:s22] =	ssyncadd.s32 $0xFFFFEE00  }
0x106: {  	_ =	swait.ge [sflag:s22], $0x1200  }
0x107: {  	[sflag:s22] =	ssyncset.done $0x0  }
0x108: {  	[sflag:s22] =	ssyncadd.s32 $0xFFFFEE00  }
0x109: {  	_ =	swait.ge [sflag:s22], $0x1200  }
0x10a: {  	[sflag:s22] =	ssyncset.done $0x0  }
0x10b: {  	s25 =	simm.s32 $0x0;
	[sflag:s22] =	ssyncadd.s32 $0xFFFFEE00  }
0x10c: {  	v3 =	vld [tilespmem:s25+$0x9000]  }
0x10d: {  	v4 =	vld [tilespmem:s25+$0x4800]  }
0x10e: {  	v5 =	vld [tilespmem:s25+$0xA200]  }
0x10f: {  	v6 =	vld [tilespmem:s25+$0x5A00]  }
0x110: {  	v7 =	vld [tilespmem:s25+$0xB400]  }
0x111: {  	v8 =	vld [tilespmem:s25+$0x6C00]  }
0x112: {  	v0 =	vld [tilespmem:s25+$0xC600]  }
0x113: {  	s26 =	simm.s32 $0x10;
	v2 =	vld [tilespmem:s25+$0x7E00]  }
0x114: {  	v1 =	vld [tilespmem:s26+$0x9000];
	v63 =	vmul.f32 v4, v3;
	v5 =	vmul.f32 v6, v5  }
0x115: {  	v3 =	vld [tilespmem:s26+$0x4800]  }
0x116: {  	s28 =	simm.s32 $0x80;
	v4 =	vld [tilespmem:s26+$0xA200];
	v6 =	vmul.f32 v8, v7;
	v5 =	vadd.f32 v5, v63  }
.LBB2_6:
0x117: {  	p0 =	sne.s32 s28, $0x47C0;
	v7 =	vld [tilespmem:s26+$0x5A00]  }
0x118: {  	v8 =	vld [tilespmem:s26+$0xB400];
	v5 =	vadd.f32 v6, v5;
	v2 =	vmul.f32 v2, v0  }
0x119: {  	v6 =	vld [tilespmem:s26+$0x6C00]  }
.Ltmp2:
0x11a: {  	v0 =	vld [tilespmem:s26+$0xC600];
	v5 =	vadd.f32 v2, v5;
	(pc) =	sbr.rel @p0 .LBB2_6-.Ltmp2, $4  }
0x11b: {  	s29 =	sshra.s32 s28, $0x2;
	v2 =	vld [tilespmem:s26+$0x7E00]  }
0x11c: {  	v9 =	vmul.f32 v3, v1;
	v1 =	vld [tilespmem:s29+$0x9000];
	v7 =	vmul.f32 v7, v4;
	[tilespmem:s25+$0xD800] =	vst v5;
	s25 =	smov.u32 s26;
	s26 =	smov.u32 s29  }
0x11d: {  	v3 =	vld [tilespmem:s26+$0x4800]  }
0x11e: {  	s28 =	sadd.s32 $0x40, s28;
	v4 =	vld [tilespmem:s26+$0xA200];
	v5 =	vadd.f32 v7, v9;
	v6 =	vmul.f32 v6, v8  }
0x11f: {  	v7 =	vld [tilespmem:s26+$0x5A00]  }
0x120: {  	v8 =	vld [tilespmem:s26+$0xB400]  }
0x121: {  	v9 =	vld [tilespmem:s26+$0x6C00]  }
0x122: {  	v10 =	vld [tilespmem:s26+$0xC600]  }
0x123: {  	v11 =	vld [tilespmem:s26+$0x7E00]  }
0x124: {  	v1 =	vmul.f32 v3, v1;
	v3 =	vmul.f32 v7, v4;
	_ =	sdelay $0x1  }
0x125: {  	v1 =	vadd.f32 v3, v1;
	v3 =	vmul.f32 v9, v8  }
0x126: {  	v0 =	vmul.f32 v2, v0;
	v4 =	vadd.f32 v6, v5  }
0x127: {  	v2 =	vmul.f32 v11, v10;
	v1 =	vadd.f32 v3, v1  }
0x128: {  	v0 =	vadd.f32 v0, v4  }
0x129: {  	v1 =	vadd.f32 v2, v1  }
0x12a: {  	[tilespmem:s25+$0xD800] =	vst v0  }
0x12b: {  	s29 =	rddreg [dreg:$0x1c];
	s25 =	simm.s32 $0x0;
	[tilespmem:s26+$0xD800] =	vst v1  }
0x12c: {  	[hbm4b:s29+s25] =	stream.linear.scatter [tilespmem:s23], [sflag:$0x2], $0x1200, $0x38;
	[tilespmem:$0xEA00] =	vst v63  }
0x12d: {  	_ =	swait.ge [sflag:s10], $0x1200  }
0x12e: {  	[sflag:s10] =	ssyncset.done $0x0  }
0x12f: {  	[sflag:s10] =	ssyncadd.s32 $0xFFFFEE00  }
0x130: {  	[tilespmem:s25], [sflag:$0x2] =	stream.linear.gather [hbm4b:s30+s25], $0x1200, $0x38;
	[tilespmem:$0xEA00] =	vst v63  }
0x131: {  	_ =	swait.ge [sflag:s10], $0x1200  }
0x132: {  	[sflag:s10] =	ssyncset.done $0x0  }
0x133: {  	[sflag:s10] =	ssyncadd.s32 $0xFFFFEE00  }
0x134: {  	[tilespmem:s11], [sflag:$0x2] =	stream.linear.gather [hbm4b:s31+s25], $0x1200, $0x38;
	[tilespmem:$0xEA00] =	vst v63  }
0x135: {  	_ =	swait.ge [sflag:s10], $0x1200  }
0x136: {  	[sflag:s10] =	ssyncset.done $0x0  }
0x137: {  	[sflag:s10] =	ssyncadd.s32 $0xFFFFEE00  }
0x138: {  	[tilespmem:s12], [sflag:$0x2] =	stream.linear.gather [hbm4b:s0+s25], $0x1200, $0x38;
	[tilespmem:$0xEA00] =	vst v63  }
0x139: {  	_ =	swait.ge [sflag:s10], $0x1200  }
0x13a: {  	[sflag:s10] =	ssyncset.done $0x0  }
0x13b: {  	[sflag:s10] =	ssyncadd.s32 $0xFFFFEE00  }
0x13c: {  	[tilespmem:s13], [sflag:$0x2] =	stream.linear.gather [hbm4b:s2+s25], $0x1200, $0x38;
	[tilespmem:$0xEA00] =	vst v63  }
0x13d: {  	_ =	swait.ge [sflag:s10], $0x1200  }
0x13e: {  	[sflag:s10] =	ssyncset.done $0x0  }
0x13f: {  	[sflag:s10] =	ssyncadd.s32 $0xFFFFEE00  }
0x140: {  	[tilespmem:s14], [sflag:$0x1] =	stream.indirect.gather [hbm4b:s8+s11], $0x1, s25, s11, $0xb8;
	[tilespmem:$0xEA00] =	vst v63  }
0x141: {  	_ = 	snop  }
0x142: {  	[tilespmem:s15], [sflag:$0x1] =	stream.indirect.gather [hbm4b:s8+s11], $0x1, s11, s11, $0xb8;
	[tilespmem:$0xEA00] =	vst v63  }
0x143: {  	_ = 	snop  }
0x144: {  	[tilespmem:s16], [sflag:$0x1] =	stream.indirect.gather [hbm4b:s8+s11], $0x1, s12, s11, $0xb8;
	[tilespmem:$0xEA00] =	vst v63  }
0x145: {  	_ = 	snop  }
0x146: {  	[tilespmem:s17], [sflag:$0x1] =	stream.indirect.gather [hbm4b:s8+s11], $0x1, s13, s11, $0xb8;
	[tilespmem:$0xEA00] =	vst v63  }
0x147: {  	_ = 	snop  }
0x148: {  	[tilespmem:s18], [sflag:$0x2] =	stream.linear.gather [hbm4b:s3+s25], $0x1200, $0x38;
	[tilespmem:$0xEA00] =	vst v63  }
0x149: {  	_ =	swait.ge [sflag:s10], $0x1200  }
0x14a: {  	[sflag:s10] =	ssyncset.done $0x0  }
0x14b: {  	[sflag:s10] =	ssyncadd.s32 $0xFFFFEE00  }
0x14c: {  	[tilespmem:s19], [sflag:$0x2] =	stream.linear.gather [hbm4b:s4+s25], $0x1200, $0x38;
	[tilespmem:$0xEA00] =	vst v63  }
0x14d: {  	_ =	swait.ge [sflag:s10], $0x1200  }
0x14e: {  	[sflag:s10] =	ssyncset.done $0x0  }
0x14f: {  	[sflag:s10] =	ssyncadd.s32 $0xFFFFEE00  }
0x150: {  	[tilespmem:s20], [sflag:$0x2] =	stream.linear.gather [hbm4b:s5+s25], $0x1200, $0x38;
	[tilespmem:$0xEA00] =	vst v63  }
0x151: {  	_ =	swait.ge [sflag:s10], $0x1200  }
0x152: {  	[sflag:s10] =	ssyncset.done $0x0  }
0x153: {  	[sflag:s10] =	ssyncadd.s32 $0xFFFFEE00  }
0x154: {  	[tilespmem:s21], [sflag:$0x2] =	stream.linear.gather [hbm4b:s6+s25], $0x1200, $0x38;
	[tilespmem:$0xEA00] =	vst v63  }
0x155: {  	_ =	swait.ge [sflag:s10], $0x1200  }
0x156: {  	[sflag:s10] =	ssyncset.done $0x0  }
0x157: {  	[sflag:s10] =	ssyncadd.s32 $0xFFFFEE00  }
0x158: {  	_ =	swait.ge [sflag:s22], $0x1200  }
0x159: {  	[sflag:s22] =	ssyncset.done $0x0  }
0x15a: {  	[sflag:s22] =	ssyncadd.s32 $0xFFFFEE00  }
0x15b: {  	_ =	swait.ge [sflag:s22], $0x1200  }
0x15c: {  	[sflag:s22] =	ssyncset.done $0x0  }
0x15d: {  	[sflag:s22] =	ssyncadd.s32 $0xFFFFEE00  }
0x15e: {  	_ =	swait.ge [sflag:s22], $0x1200  }
0x15f: {  	[sflag:s22] =	ssyncset.done $0x0  }
0x160: {  	[sflag:s22] =	ssyncadd.s32 $0xFFFFEE00  }
0x161: {  	_ =	swait.ge [sflag:s22], $0x1200  }
0x162: {  	[sflag:s22] =	ssyncset.done $0x0  }
0x163: {  	s25 =	simm.s32 $0x0;
	[sflag:s22] =	ssyncadd.s32 $0xFFFFEE00  }
0x164: {  	v3 =	vld [tilespmem:s25+$0x9000]  }
0x165: {  	v4 =	vld [tilespmem:s25+$0x4800]  }
0x166: {  	v5 =	vld [tilespmem:s25+$0xA200]  }
0x167: {  	v6 =	vld [tilespmem:s25+$0x5A00]  }
0x168: {  	v7 =	vld [tilespmem:s25+$0xB400]  }
0x169: {  	v8 =	vld [tilespmem:s25+$0x6C00]  }
0x16a: {  	v0 =	vld [tilespmem:s25+$0xC600]  }
0x16b: {  	s26 =	simm.s32 $0x10;
	v2 =	vld [tilespmem:s25+$0x7E00]  }
0x16c: {  	v1 =	vld [tilespmem:s26+$0x9000];
	v63 =	vmul.f32 v4, v3;
	v5 =	vmul.f32 v6, v5  }
0x16d: {  	v3 =	vld [tilespmem:s26+$0x4800]  }
0x16e: {  	s28 =	simm.s32 $0x80;
	v4 =	vld [tilespmem:s26+$0xA200];
	v6 =	vmul.f32 v8, v7;
	v5 =	vadd.f32 v5, v63  }
.LBB2_8:
0x16f: {  	p0 =	sne.s32 s28, $0x47C0;
	v7 =	vld [tilespmem:s26+$0x5A00]  }
0x170: {  	v8 =	vld [tilespmem:s26+$0xB400];
	v5 =	vadd.f32 v6, v5;
	v2 =	vmul.f32 v2, v0  }
0x171: {  	v6 =	vld [tilespmem:s26+$0x6C00]  }
.Ltmp3:
0x172: {  	v0 =	vld [tilespmem:s26+$0xC600];
	v5 =	vadd.f32 v2, v5;
	(pc) =	sbr.rel @p0 .LBB2_8-.Ltmp3, $4  }
0x173: {  	s29 =	sshra.s32 s28, $0x2;
	v2 =	vld [tilespmem:s26+$0x7E00]  }
0x174: {  	v9 =	vmul.f32 v3, v1;
	v1 =	vld [tilespmem:s29+$0x9000];
	v7 =	vmul.f32 v7, v4;
	[tilespmem:s25+$0xD800] =	vst v5;
	s25 =	smov.u32 s26;
	s26 =	smov.u32 s29  }
0x175: {  	v3 =	vld [tilespmem:s26+$0x4800]  }
0x176: {  	s28 =	sadd.s32 $0x40, s28;
	v4 =	vld [tilespmem:s26+$0xA200];
	v5 =	vadd.f32 v7, v9;
	v6 =	vmul.f32 v6, v8  }
0x177: {  	v7 =	vld [tilespmem:s26+$0x5A00]  }
0x178: {  	v8 =	vld [tilespmem:s26+$0xB400]  }
0x179: {  	v9 =	vld [tilespmem:s26+$0x6C00]  }
0x17a: {  	v10 =	vld [tilespmem:s26+$0xC600]  }
0x17b: {  	v11 =	vld [tilespmem:s26+$0x7E00]  }
0x17c: {  	v1 =	vmul.f32 v3, v1;
	v60 =	vmul.f32 v7, v4;
	_ =	sdelay $0x1  }
0x17d: {  	v61 =	vmul.f32 v9, v8;
	v1 =	vadd.f32 v60, v1  }
0x17e: {  	v62 =	vadd.f32 v6, v5;
	v0 =	vmul.f32 v2, v0  }
0x17f: {  	v63 =	vmul.f32 v11, v10;
	v1 =	vadd.f32 v61, v1  }
0x180: {  	v0 =	vadd.f32 v0, v62  }
0x181: {  	s24 =	sadd.s32 $0x1, s24;
	v1 =	vadd.f32 v63, v1  }
0x182: {  	p0 =	sne.s32 s24, s9;
	[tilespmem:s25+$0xD800] =	vst v0  }
.Ltmp4:
0x183: {  	[tilespmem:s26+$0xD800] =	vst v1;
	(pc) =	sbr.rel @p0 .LBB2_1-.Ltmp4, $4  }
0x184: {  	[hbm4b:s7+s1] =	stream.linear.scatter [tilespmem:s23], [sflag:$0x2], $0x1200, $0x38;
	[tilespmem:$0xEA00] =	vst v63  }
0x185: {  	_ =	swait.ge [sflag:s10], $0x1200  }
0x186: {  	[sflag:s10] =	ssyncset.done $0x0  }
0x187: {  	[sflag:s10] =	ssyncadd.s32 $0xFFFFEE00  }
0x188: {  	_ =	sfence.sel $0x180000  }
0x189: {  	[bflag:$0x0] =	sbarrier.arrive $0xFFFF  }
0x18a: {  	_ =	strace $0x90000047  }
0x18b: {  	s0 =	stileid.u32;
	[bflag:$0x2] =	sbarrier.arrive $0xFFFF  }
0x18c: {  	p0 =	sne.s32 s0, $0x0;
	s0 =	rddreg [dreg:$0x1]  }
0x18d: {  	s0 =	sadd.s32 @!p0 $0x100000, s0  }
0x18e: {  	[sflag:s0] =	ssyncadd.tile.s32 @!p0 $0x1;
	_ =	shalt  }
.Lfunc_end2:
_tile_overlayer_lowered:
.L_overlay_start_2:
0x18f: {  	(tag) =	ssettag $0x2  }
0x190: {  	s0 =	rddreg [dreg:$0x0];
	s2 =	stileid.u32  }
0x191: {  	s1 =	rddreg [dreg:$0x1];
	p0 =	sne.s32 s2, $0x0  }
0x192: {  	s3 =	rddreg [dreg:$0x2];
	[bflag:$0x3] =	sbarrier.arrive $0xFFFF;
	s2 =	simm.s32 @!p0 $0x1C02  }
0x193: {  	[timem:s3], [sflag:s2] =	dma.local @!p0 [hbm:s0], s1  }
0x194: {  	s0 =	simm.s32 @!p0 $0x2  }
0x195: {  	_ =	swait.ge @!p0 [sflag:s0], s1  }
0x196: {  	s1 =	ssub.s32 @!p0 $0x0, s1;
	[sflag:s0] =	ssyncset.done @!p0 $0x0  }
0x197: {  	[sflag:s0] =	ssyncadd.s32 @!p0 s1  }
0x198: {  	[bflag:$0x3] =	sbarrier.arrive $0xFFFF  }
0x199: {  	_ =	shalt  }

</sc_bundles>
